<compile_context>
chip_gen: v7x
topology: tpu7x:2x2x1
jax: 0.10.2.dev20260603
libtpu: 0.0.44.dev20260713+nightly
codegen_flags: <defaults>
</compile_context>

<pallas_src>
import functools

import jax
import jax.numpy as jnp
from jax import lax
from jax.experimental import pallas as pl
from jax.experimental.pallas import tpu as pltpu
from jax.experimental.pallas import tpu_sc as plsc

NUM_CORES = 2
NUM_SUBCORES = 16
LANES = 16
NUM_WORKERS = NUM_CORES * NUM_SUBCORES


@functools.cache
def _build(b_sz: int, l_sz: int, h_sz: int, d: int):
    bw = b_sz // NUM_WORKERS
    sub = 8
    dt = d // sub
    ck = h_sz * bw
    n_ch = l_sz
    assert n_ch % 2 == 0
    mesh = plsc.VectorSubcoreMesh(
        core_axis_name="c", subcore_axis_name="s")

    def body(ids_hbm, off_hbm, table_hbm, out_hbm,
             ids_v, off_v, idx0, idx1, rows0, rows1, t0, t1,
             isem, gsem, wsem0, wsem1):
        idx = (idx0, idx1)
        rows = (rows0, rows1)
        tbuf = (t0, t1)
        wsem = (wsem0, wsem1)
        wid = lax.axis_index("s") * NUM_CORES + lax.axis_index("c")

        pltpu.sync_copy(off_hbm, off_v)
        pltpu.async_copy(ids_hbm.at[:, wid, :, :], ids_v, isem).wait()

        iota = lax.iota(jnp.int32, LANES)
        bidx = [iota + (g * LANES) for g in range(bw // LANES)]

        def build_idx(p, l):
            for h in range(h_sz):
                off16 = off_v[h]
                for g in range(bw // LANES):
                    v = ids_v[l, h, pl.ds(g * LANES, LANES)]
                    sl = pl.ds(h * bw + g * LANES, LANES)
                    idx[p][sl] = v + off16

        def transpose(p):
            @plsc.parallel_loop(0, d, unroll=4)
            def _(c):
                csp = jnp.broadcast_to(c.astype(jnp.int32), (LANES,))
                ct = c // sub
                s = c % sub
                for h in range(h_sz):
                    for g in range(bw // LANES):
                        v = plsc.load_gather(
                            rows[p], [bidx[g] + h * bw, csp])
                        tbuf[p][h, ct, s, pl.ds(g * LANES, LANES)] = v

        def gather(p):
            pltpu.async_copy(table_hbm.at[idx[p]], rows[p], gsem)

        def out_slice(l):
            return out_hbm.at[pl.ds(l * h_sz, h_sz), :, wid, :, :]

        build_idx(0, jnp.int32(0))
        gather(0)

        def pair_body(cp, _):
            for par in (0, 1):
                j = cp * 2 + par
                p, q = par, 1 - par

                @pl.when((cp < n_ch // 2 - 1) | (par == 0))
                def _():
                    build_idx(q, j + 1)

                @pl.when((cp < n_ch // 2 - 1) | (par == 0))
                def _():
                    gather(q)

                pltpu.make_async_copy(
                    table_hbm.at[idx[p]], rows[p], gsem).wait()

                @pl.when(cp > 0)
                def _():
                    pltpu.make_async_copy(
                        tbuf[p], out_slice(j - 2), wsem[p]).wait()

                transpose(p)
                pltpu.async_copy(tbuf[p], out_slice(j), wsem[p])
            return ()

        lax.fori_loop(0, n_ch // 2, pair_body, ())

        pltpu.make_async_copy(
            tbuf[0], out_slice(jnp.int32(n_ch - 2)), wsem[0]).wait()
        pltpu.make_async_copy(
            tbuf[1], out_slice(jnp.int32(n_ch - 1)), wsem[1]).wait()

    return pl.kernel(
        body,
        out_type=jax.ShapeDtypeStruct(
            (l_sz * h_sz, dt, NUM_WORKERS, sub, bw), jnp.float32),
        mesh=mesh,
        scratch_types=[
            pltpu.VMEM((l_sz, h_sz, bw), jnp.int32),
            pltpu.VMEM((h_sz, LANES), jnp.int32),
            pltpu.VMEM((ck,), jnp.int32),
            pltpu.VMEM((ck,), jnp.int32),
            pltpu.VMEM((ck, d), jnp.float32),
            pltpu.VMEM((ck, d), jnp.float32),
            pltpu.VMEM((h_sz, dt, sub, bw), jnp.float32),
            pltpu.VMEM((h_sz, dt, sub, bw), jnp.float32),
            pltpu.SemaphoreType.DMA,
            pltpu.SemaphoreType.DMA,
            pltpu.SemaphoreType.DMA,
            pltpu.SemaphoreType.DMA,
        ],
        compiler_params=pltpu.CompilerParams(
            use_tc_tiling_on_sc=False, needs_layout_passes=False),
    )


def kernel(input_ids, table, offsets):
    b, l, h = input_ids.shape
    d = table.shape[1]
    ids32 = input_ids.astype(jnp.int32)
    ids_t = lax.transpose(ids32, (1, 0, 2))
    ids_r = lax.reshape(ids_t, (l, b // 128, 128, h))
    ids6 = lax.transpose(ids_r, (0, 1, 3, 2))
    off_splat = jnp.repeat(
        offsets.astype(jnp.int32)[:, None], LANES, axis=1)
    out5 = _build(b, l, h, d)(ids6, off_splat, table)
    out6 = lax.reshape(out5, (l, h, d // 8, b // 128, 8, 128))
    out = lax.reshape(out6, (b, l, h, d), dimensions=(3, 5, 0, 1, 2, 4))
    return out

# --- scband reference (transcript-rebuilt; emitter-appended) ---
"""Pipeline reference for scband-multi-head-embedding-70686571757709 (READ-ONLY COPY).

The authoritative reference and input builder live on the scoring server;
editing this copy changes nothing except your own understanding.
"""

import jax, jax.numpy as jnp
import numpy as np

LIST_OF_N = [100003, 100019, 100043, 100057]
D = 32
B, L = 4096, 50
H = len(LIST_OF_N)


def setup_inputs(seed: int = 0) -> dict:
    key = jax.random.key(seed)
    k1, k2 = jax.random.split(key)
    total_rows = int(sum(LIST_OF_N))
    # learned embedding table (Embed module param), truncated-normal-ish init
    table = jax.random.normal(k1, (total_rows, D), dtype=jnp.float32) * 0.02
    # indices from MultiHeadHashing: each head's id must be < that head's prime;
    # use min prime as a safe upper bound for all heads
    input_ids = jax.random.randint(k2, (B, L, H), 0, min(LIST_OF_N), dtype=jnp.int64)
    offsets = jnp.array(np.cumsum([0] + LIST_OF_N[:-1]), dtype=jnp.int32)
    return {"input_ids": input_ids, "table": table, "offsets": offsets}


def reference(input_ids, table, offsets):
    # shift each head's ids into its slice of the concatenated table
    shifted_ids = input_ids + offsets  # (B, L, H)
    # embedding lookup -> (B, L, H, D)
    return jnp.take(table, shifted_ids, axis=0)

if __name__ == "__main__":
    import jax
    _d = setup_inputs()
    print(jax.jit(kernel)(*tuple(_d.values())))

</pallas_src>

<mosaic_0001>
#map = affine_map<(d0, d1) -> (0, 0, 0, 0)>
#map1 = affine_map<(d0, d1) -> (0, 0)>
#map2 = affine_map<(d0, d1) -> (0, 0, 0, 0, 0)>
module attributes {stable_mosaic.version = 14 : i64} {
  func.func @body(%arg0: i32, %arg1: i32, %arg2: memref<50x32x4x128xi32, #tpu.memory_space<hbm>>, %arg3: memref<4x16xi32, #tpu.memory_space<hbm>>, %arg4: memref<400122x32xf32, #tpu.memory_space<hbm>>, %arg5: memref<200x4x32x8x128xf32, #tpu.memory_space<hbm>>, %arg6: memref<50x4x128xi32, #tpu.memory_space<vmem>>, %arg7: memref<4x16xi32, #tpu.memory_space<vmem>>, %arg8: memref<512xi32, #tpu.memory_space<vmem>>, %arg9: memref<512xi32, #tpu.memory_space<vmem>>, %arg10: memref<512x32xf32, #tpu.memory_space<vmem>>, %arg11: memref<512x32xf32, #tpu.memory_space<vmem>>, %arg12: memref<4x4x8x128xf32, #tpu.memory_space<vmem>>, %arg13: memref<4x4x8x128xf32, #tpu.memory_space<vmem>>, %arg14: memref<!tpu.dma_semaphore, #tpu.memory_space<semaphore_mem>>, %arg15: memref<!tpu.dma_semaphore, #tpu.memory_space<semaphore_mem>>, %arg16: memref<!tpu.dma_semaphore, #tpu.memory_space<semaphore_mem>>, %arg17: memref<!tpu.dma_semaphore, #tpu.memory_space<semaphore_mem>>) attributes {dimension_semantics = [#tpu.dimension_semantics<core_parallel>, #tpu.dimension_semantics<subcore_parallel>], iteration_bounds = array<i64: 2, 16>, scalar_prefetch = 0 : i64, scratch_operands = 12 : i64, tpu.core_type = #tpu.core_type<sc_vector_subcore>, window_params = [{transform_indices = #map}, {transform_indices = #map1}, {transform_indices = #map1}, {transform_indices = #map2}]} {
    %mul3A = arith.constant 2 : i32
    %mul3A_0 = arith.muli %arg1, %mul3A : i32
    %add3A = arith.addi %mul3A_0, %arg0 : i32
    "tpu.region"() ({
      %run_scoped3A = tpu.sem_alloc : memref<!tpu.dma_semaphore, #tpu.memory_space<semaphore_mem>>
      tpu.enqueue_dma source(%arg3 : memref<4x16xi32, #tpu.memory_space<hbm>>) target(%arg7 : memref<4x16xi32, #tpu.memory_space<vmem>>) target_semaphore(%run_scoped3A : memref<!tpu.dma_semaphore, #tpu.memory_space<semaphore_mem>>)
      tpu.wait_dma2 semaphore(%run_scoped3A : memref<!tpu.dma_semaphore, #tpu.memory_space<semaphore_mem>>) src(%arg3 : memref<4x16xi32, #tpu.memory_space<hbm>>) dst(%arg7 : memref<4x16xi32, #tpu.memory_space<vmem>>)
      tpu.yield
    }) : () -> ()
    %dma_start3A = arith.constant 0 : i32
    %dma_start3A_1 = arith.constant 0 : i32
    %dma_start3A_2 = arith.constant 0 : i32
    %dma_start3A_3 = tpu.memref_slice %arg2[%dma_start3A, %add3A, %dma_start3A_1, %dma_start3A_2] : memref<50x32x4x128xi32, #tpu.memory_space<hbm>> -> memref<50x1x4x128xi32, #tpu.memory_space<hbm>>
    %dma_start3A_4 = tpu.memref_squeeze %dma_start3A_3 : memref<50x1x4x128xi32, #tpu.memory_space<hbm>> -> memref<50x4x128xi32, #tpu.memory_space<hbm>>
    %dma_start3A_5 = arith.constant 0 : i32
    %dma_start3A_6 = arith.constant 0 : i32
    %dma_start3A_7 = arith.constant 0 : i32
    %dma_start3A_8 = tpu.memref_slice %arg2[%dma_start3A_5, %add3A, %dma_start3A_6, %dma_start3A_7] : memref<50x32x4x128xi32, #tpu.memory_space<hbm>> -> memref<50x1x4x128xi32, #tpu.memory_space<hbm>>
    %dma_start3A_9 = tpu.memref_squeeze %dma_start3A_8 : memref<50x1x4x128xi32, #tpu.memory_space<hbm>> -> memref<50x4x128xi32, #tpu.memory_space<hbm>>
    tpu.enqueue_dma source(%dma_start3A_9 : memref<50x4x128xi32, #tpu.memory_space<hbm>>) target(%arg6 : memref<50x4x128xi32, #tpu.memory_space<vmem>>) target_semaphore(%arg14 : memref<!tpu.dma_semaphore, #tpu.memory_space<semaphore_mem>>)
    %dma_wait3A = arith.constant 0 : i32
    %dma_wait3A_10 = arith.constant 0 : i32
    %dma_wait3A_11 = arith.constant 0 : i32
    %dma_wait3A_12 = tpu.memref_slice %arg2[%dma_wait3A, %add3A, %dma_wait3A_10, %dma_wait3A_11] : memref<50x32x4x128xi32, #tpu.memory_space<hbm>> -> memref<50x1x4x128xi32, #tpu.memory_space<hbm>>
    %dma_wait3A_13 = tpu.memref_squeeze %dma_wait3A_12 : memref<50x1x4x128xi32, #tpu.memory_space<hbm>> -> memref<50x4x128xi32, #tpu.memory_space<hbm>>
    %dma_wait3A_14 = arith.constant 0 : i32
    %dma_wait3A_15 = arith.constant 0 : i32
    %dma_wait3A_16 = arith.constant 0 : i32
    %dma_wait3A_17 = tpu.memref_slice %arg2[%dma_wait3A_14, %add3A, %dma_wait3A_15, %dma_wait3A_16] : memref<50x32x4x128xi32, #tpu.memory_space<hbm>> -> memref<50x1x4x128xi32, #tpu.memory_space<hbm>>
    %dma_wait3A_18 = tpu.memref_squeeze %dma_wait3A_17 : memref<50x1x4x128xi32, #tpu.memory_space<hbm>> -> memref<50x4x128xi32, #tpu.memory_space<hbm>>
    tpu.wait_dma2 semaphore(%arg14 : memref<!tpu.dma_semaphore, #tpu.memory_space<semaphore_mem>>) src(%dma_wait3A_18 : memref<50x4x128xi32, #tpu.memory_space<hbm>>) dst(%arg6 : memref<50x4x128xi32, #tpu.memory_space<vmem>>)
    %iota3A = tpu.iota {dimensions = array<i32: 0>} : vector<16xi32>
    %add3A_19 = arith.constant 0 : i32
    %add3A_20 = vector.broadcast %add3A_19 : i32 to vector<16xi32>
    %add3A_21 = arith.addi %iota3A, %add3A_20 : vector<16xi32>
    %add3A_22 = arith.constant 16 : i32
    %add3A_23 = vector.broadcast %add3A_22 : i32 to vector<16xi32>
    %add3A_24 = arith.addi %iota3A, %add3A_23 : vector<16xi32>
    %add3A_25 = arith.constant 32 : i32
    %add3A_26 = vector.broadcast %add3A_25 : i32 to vector<16xi32>
    %add3A_27 = arith.addi %iota3A, %add3A_26 : vector<16xi32>
    %add3A_28 = arith.constant 48 : i32
    %add3A_29 = vector.broadcast %add3A_28 : i32 to vector<16xi32>
    %add3A_30 = arith.addi %iota3A, %add3A_29 : vector<16xi32>
    %add3A_31 = arith.constant 64 : i32
    %add3A_32 = vector.broadcast %add3A_31 : i32 to vector<16xi32>
    %add3A_33 = arith.addi %iota3A, %add3A_32 : vector<16xi32>
    %add3A_34 = arith.constant 80 : i32
    %add3A_35 = vector.broadcast %add3A_34 : i32 to vector<16xi32>
    %add3A_36 = arith.addi %iota3A, %add3A_35 : vector<16xi32>
    %add3A_37 = arith.constant 96 : i32
    %add3A_38 = vector.broadcast %add3A_37 : i32 to vector<16xi32>
    %add3A_39 = arith.addi %iota3A, %add3A_38 : vector<16xi32>
    %add3A_40 = arith.constant 112 : i32
    %add3A_41 = vector.broadcast %add3A_40 : i32 to vector<16xi32>
    %add3A_42 = arith.addi %iota3A, %add3A_41 : vector<16xi32>
    %get3A = arith.constant 0 : i32
    %get3A_43 = arith.index_cast %get3A : i32 to index
    %get3A_44 = arith.constant 0 : index
    %get3A_45 = tpu.vector_load %arg7[%get3A_43, %get3A_44] {strides = array<i32>} : memref<4x16xi32, #tpu.memory_space<vmem>>, vector<16xi32>,
    %get3A_46 = arith.constant 0 : i32
    %get3A_47 = arith.constant 0 : i32
    %get3A_48 = arith.index_cast %get3A_46 : i32 to index
    %get3A_49 = arith.index_cast %get3A_47 : i32 to index
    %get3A_50 = arith.constant 0 : index
    %get3A_51 = tpu.vector_load %arg6[%get3A_48, %get3A_49, %get3A_50] {strides = array<i32>} : memref<50x4x128xi32, #tpu.memory_space<vmem>>, vector<16xi32>,
    %add3A_52 = arith.addi %get3A_51, %get3A_45 : vector<16xi32>
    %swap3A = arith.constant 0 : index
    %swap3A_53 = tpu.vector_load %arg8[%swap3A] {strides = array<i32>} : memref<512xi32, #tpu.memory_space<vmem>>, vector<16xi32>,
    tpu.vector_store %arg8[%swap3A], %add3A_52 {strides = array<i32>} : memref<512xi32, #tpu.memory_space<vmem>>, vector<16xi32>,
    %get3A_54 = arith.constant 0 : i32
    %get3A_55 = arith.constant 0 : i32
    %get3A_56 = arith.index_cast %get3A_54 : i32 to index
    %get3A_57 = arith.index_cast %get3A_55 : i32 to index
    %get3A_58 = arith.constant 16 : index
    %get3A_59 = tpu.vector_load %arg6[%get3A_56, %get3A_57, %get3A_58] {strides = array<i32>} : memref<50x4x128xi32, #tpu.memory_space<vmem>>, vector<16xi32>,
    %add3A_60 = arith.addi %get3A_59, %get3A_45 : vector<16xi32>
    %swap3A_61 = arith.constant 16 : index
    %swap3A_62 = tpu.vector_load %arg8[%swap3A_61] {strides = array<i32>} : memref<512xi32, #tpu.memory_space<vmem>>, vector<16xi32>,
    tpu.vector_store %arg8[%swap3A_61], %add3A_60 {strides = array<i32>} : memref<512xi32, #tpu.memory_space<vmem>>, vector<16xi32>,
    %get3A_63 = arith.constant 0 : i32
    %get3A_64 = arith.constant 0 : i32
    %get3A_65 = arith.index_cast %get3A_63 : i32 to index
    %get3A_66 = arith.index_cast %get3A_64 : i32 to index
    %get3A_67 = arith.constant 32 : index
    %get3A_68 = tpu.vector_load %arg6[%get3A_65, %get3A_66, %get3A_67] {strides = array<i32>} : memref<50x4x128xi32, #tpu.memory_space<vmem>>, vector<16xi32>,
    %add3A_69 = arith.addi %get3A_68, %get3A_45 : vector<16xi32>
    %swap3A_70 = arith.constant 32 : index
    %swap3A_71 = tpu.vector_load %arg8[%swap3A_70] {strides = array<i32>} : memref<512xi32, #tpu.memory_space<vmem>>, vector<16xi32>,
    tpu.vector_store %arg8[%swap3A_70], %add3A_69 {strides = array<i32>} : memref<512xi32, #tpu.memory_space<vmem>>, vector<16xi32>,
    %get3A_72 = arith.constant 0 : i32
    %get3A_73 = arith.constant 0 : i32
    %get3A_74 = arith.index_cast %get3A_72 : i32 to index
    %get3A_75 = arith.index_cast %get3A_73 : i32 to index
    %get3A_76 = arith.constant 48 : index
    %get3A_77 = tpu.vector_load %arg6[%get3A_74, %get3A_75, %get3A_76] {strides = array<i32>} : memref<50x4x128xi32, #tpu.memory_space<vmem>>, vector<16xi32>,
    %add3A_78 = arith.addi %get3A_77, %get3A_45 : vector<16xi32>
    %swap3A_79 = arith.constant 48 : index
    %swap3A_80 = tpu.vector_load %arg8[%swap3A_79] {strides = array<i32>} : memref<512xi32, #tpu.memory_space<vmem>>, vector<16xi32>,
    tpu.vector_store %arg8[%swap3A_79], %add3A_78 {strides = array<i32>} : memref<512xi32, #tpu.memory_space<vmem>>, vector<16xi32>,
    %get3A_81 = arith.constant 0 : i32
    %get3A_82 = arith.constant 0 : i32
    %get3A_83 = arith.index_cast %get3A_81 : i32 to index
    %get3A_84 = arith.index_cast %get3A_82 : i32 to index
    %get3A_85 = arith.constant 64 : index
    %get3A_86 = tpu.vector_load %arg6[%get3A_83, %get3A_84, %get3A_85] {strides = array<i32>} : memref<50x4x128xi32, #tpu.memory_space<vmem>>, vector<16xi32>,
    %add3A_87 = arith.addi %get3A_86, %get3A_45 : vector<16xi32>
    %swap3A_88 = arith.constant 64 : index
    %swap3A_89 = tpu.vector_load %arg8[%swap3A_88] {strides = array<i32>} : memref<512xi32, #tpu.memory_space<vmem>>, vector<16xi32>,
    tpu.vector_store %arg8[%swap3A_88], %add3A_87 {strides = array<i32>} : memref<512xi32, #tpu.memory_space<vmem>>, vector<16xi32>,
    %get3A_90 = arith.constant 0 : i32
    %get3A_91 = arith.constant 0 : i32
    %get3A_92 = arith.index_cast %get3A_90 : i32 to index
    %get3A_93 = arith.index_cast %get3A_91 : i32 to index
    %get3A_94 = arith.constant 80 : index
    %get3A_95 = tpu.vector_load %arg6[%get3A_92, %get3A_93, %get3A_94] {strides = array<i32>} : memref<50x4x128xi32, #tpu.memory_space<vmem>>, vector<16xi32>,
    %add3A_96 = arith.addi %get3A_95, %get3A_45 : vector<16xi32>
    %swap3A_97 = arith.constant 80 : index
    %swap3A_98 = tpu.vector_load %arg8[%swap3A_97] {strides = array<i32>} : memref<512xi32, #tpu.memory_space<vmem>>, vector<16xi32>,
    tpu.vector_store %arg8[%swap3A_97], %add3A_96 {strides = array<i32>} : memref<512xi32, #tpu.memory_space<vmem>>, vector<16xi32>,
    %get3A_99 = arith.constant 0 : i32
    %get3A_100 = arith.constant 0 : i32
    %get3A_101 = arith.index_cast %get3A_99 : i32 to index
    %get3A_102 = arith.index_cast %get3A_100 : i32 to index
    %get3A_103 = arith.constant 96 : index
    %get3A_104 = tpu.vector_load %arg6[%get3A_101, %get3A_102, %get3A_103] {strides = array<i32>} : memref<50x4x128xi32, #tpu.memory_space<vmem>>, vector<16xi32>,
    %add3A_105 = arith.addi %get3A_104, %get3A_45 : vector<16xi32>
    %swap3A_106 = arith.constant 96 : index
    %swap3A_107 = tpu.vector_load %arg8[%swap3A_106] {strides = array<i32>} : memref<512xi32, #tpu.memory_space<vmem>>, vector<16xi32>,
    tpu.vector_store %arg8[%swap3A_106], %add3A_105 {strides = array<i32>} : memref<512xi32, #tpu.memory_space<vmem>>, vector<16xi32>,
    %get3A_108 = arith.constant 0 : i32
    %get3A_109 = arith.constant 0 : i32
    %get3A_110 = arith.index_cast %get3A_108 : i32 to index
    %get3A_111 = arith.index_cast %get3A_109 : i32 to index
    %get3A_112 = arith.constant 112 : index
    %get3A_113 = tpu.vector_load %arg6[%get3A_110, %get3A_111, %get3A_112] {strides = array<i32>} : memref<50x4x128xi32, #tpu.memory_space<vmem>>, vector<16xi32>,
    %add3A_114 = arith.addi %get3A_113, %get3A_45 : vector<16xi32>
    %swap3A_115 = arith.constant 112 : index
    %swap3A_116 = tpu.vector_load %arg8[%swap3A_115] {strides = array<i32>} : memref<512xi32, #tpu.memory_space<vmem>>, vector<16xi32>,
    tpu.vector_store %arg8[%swap3A_115], %add3A_114 {strides = array<i32>} : memref<512xi32, #tpu.memory_space<vmem>>, vector<16xi32>,
    %get3A_117 = arith.constant 1 : i32
    %get3A_118 = arith.index_cast %get3A_117 : i32 to index
    %get3A_119 = arith.constant 0 : index
    %get3A_120 = tpu.vector_load %arg7[%get3A_118, %get3A_119] {strides = array<i32>} : memref<4x16xi32, #tpu.memory_space<vmem>>, vector<16xi32>,
    %get3A_121 = arith.constant 0 : i32
    %get3A_122 = arith.constant 1 : i32
    %get3A_123 = arith.index_cast %get3A_121 : i32 to index
    %get3A_124 = arith.index_cast %get3A_122 : i32 to index
    %get3A_125 = arith.constant 0 : index
    %get3A_126 = tpu.vector_load %arg6[%get3A_123, %get3A_124, %get3A_125] {strides = array<i32>} : memref<50x4x128xi32, #tpu.memory_space<vmem>>, vector<16xi32>,
    %add3A_127 = arith.addi %get3A_126, %get3A_120 : vector<16xi32>
    %swap3A_128 = arith.constant 128 : index
    %swap3A_129 = tpu.vector_load %arg8[%swap3A_128] {strides = array<i32>} : memref<512xi32, #tpu.memory_space<vmem>>, vector<16xi32>,
    tpu.vector_store %arg8[%swap3A_128], %add3A_127 {strides = array<i32>} : memref<512xi32, #tpu.memory_space<vmem>>, vector<16xi32>,
    %get3A_130 = arith.constant 0 : i32
    %get3A_131 = arith.constant 1 : i32
    %get3A_132 = arith.index_cast %get3A_130 : i32 to index
    %get3A_133 = arith.index_cast %get3A_131 : i32 to index
    %get3A_134 = arith.constant 16 : index
    %get3A_135 = tpu.vector_load %arg6[%get3A_132, %get3A_133, %get3A_134] {strides = array<i32>} : memref<50x4x128xi32, #tpu.memory_space<vmem>>, vector<16xi32>,
    %add3A_136 = arith.addi %get3A_135, %get3A_120 : vector<16xi32>
    %swap3A_137 = arith.constant 144 : index
    %swap3A_138 = tpu.vector_load %arg8[%swap3A_137] {strides = array<i32>} : memref<512xi32, #tpu.memory_space<vmem>>, vector<16xi32>,
    tpu.vector_store %arg8[%swap3A_137], %add3A_136 {strides = array<i32>} : memref<512xi32, #tpu.memory_space<vmem>>, vector<16xi32>,
    %get3A_139 = arith.constant 0 : i32
    %get3A_140 = arith.constant 1 : i32
    %get3A_141 = arith.index_cast %get3A_139 : i32 to index
    %get3A_142 = arith.index_cast %get3A_140 : i32 to index
    %get3A_143 = arith.constant 32 : index
    %get3A_144 = tpu.vector_load %arg6[%get3A_141, %get3A_142, %get3A_143] {strides = array<i32>} : memref<50x4x128xi32, #tpu.memory_space<vmem>>, vector<16xi32>,
    %add3A_145 = arith.addi %get3A_144, %get3A_120 : vector<16xi32>
    %swap3A_146 = arith.constant 160 : index
    %swap3A_147 = tpu.vector_load %arg8[%swap3A_146] {strides = array<i32>} : memref<512xi32, #tpu.memory_space<vmem>>, vector<16xi32>,
    tpu.vector_store %arg8[%swap3A_146], %add3A_145 {strides = array<i32>} : memref<512xi32, #tpu.memory_space<vmem>>, vector<16xi32>,
    %get3A_148 = arith.constant 0 : i32
    %get3A_149 = arith.constant 1 : i32
    %get3A_150 = arith.index_cast %get3A_148 : i32 to index
    %get3A_151 = arith.index_cast %get3A_149 : i32 to index
    %get3A_152 = arith.constant 48 : index
    %get3A_153 = tpu.vector_load %arg6[%get3A_150, %get3A_151, %get3A_152] {strides = array<i32>} : memref<50x4x128xi32, #tpu.memory_space<vmem>>, vector<16xi32>,
    %add3A_154 = arith.addi %get3A_153, %get3A_120 : vector<16xi32>
    %swap3A_155 = arith.constant 176 : index
    %swap3A_156 = tpu.vector_load %arg8[%swap3A_155] {strides = array<i32>} : memref<512xi32, #tpu.memory_space<vmem>>, vector<16xi32>,
    tpu.vector_store %arg8[%swap3A_155], %add3A_154 {strides = array<i32>} : memref<512xi32, #tpu.memory_space<vmem>>, vector<16xi32>,
    %get3A_157 = arith.constant 0 : i32
    %get3A_158 = arith.constant 1 : i32
    %get3A_159 = arith.index_cast %get3A_157 : i32 to index
    %get3A_160 = arith.index_cast %get3A_158 : i32 to index
    %get3A_161 = arith.constant 64 : index
    %get3A_162 = tpu.vector_load %arg6[%get3A_159, %get3A_160, %get3A_161] {strides = array<i32>} : memref<50x4x128xi32, #tpu.memory_space<vmem>>, vector<16xi32>,
    %add3A_163 = arith.addi %get3A_162, %get3A_120 : vector<16xi32>
    %swap3A_164 = arith.constant 192 : index
    %swap3A_165 = tpu.vector_load %arg8[%swap3A_164] {strides = array<i32>} : memref<512xi32, #tpu.memory_space<vmem>>, vector<16xi32>,
    tpu.vector_store %arg8[%swap3A_164], %add3A_163 {strides = array<i32>} : memref<512xi32, #tpu.memory_space<vmem>>, vector<16xi32>,
    %get3A_166 = arith.constant 0 : i32
    %get3A_167 = arith.constant 1 : i32
    %get3A_168 = arith.index_cast %get3A_166 : i32 to index
    %get3A_169 = arith.index_cast %get3A_167 : i32 to index
    %get3A_170 = arith.constant 80 : index
    %get3A_171 = tpu.vector_load %arg6[%get3A_168, %get3A_169, %get3A_170] {strides = array<i32>} : memref<50x4x128xi32, #tpu.memory_space<vmem>>, vector<16xi32>,
    %add3A_172 = arith.addi %get3A_171, %get3A_120 : vector<16xi32>
    %swap3A_173 = arith.constant 208 : index
    %swap3A_174 = tpu.vector_load %arg8[%swap3A_173] {strides = array<i32>} : memref<512xi32, #tpu.memory_space<vmem>>, vector<16xi32>,
    tpu.vector_store %arg8[%swap3A_173], %add3A_172 {strides = array<i32>} : memref<512xi32, #tpu.memory_space<vmem>>, vector<16xi32>,
    %get3A_175 = arith.constant 0 : i32
    %get3A_176 = arith.constant 1 : i32
    %get3A_177 = arith.index_cast %get3A_175 : i32 to index
    %get3A_178 = arith.index_cast %get3A_176 : i32 to index
    %get3A_179 = arith.constant 96 : index
    %get3A_180 = tpu.vector_load %arg6[%get3A_177, %get3A_178, %get3A_179] {strides = array<i32>} : memref<50x4x128xi32, #tpu.memory_space<vmem>>, vector<16xi32>,
    %add3A_181 = arith.addi %get3A_180, %get3A_120 : vector<16xi32>
    %swap3A_182 = arith.constant 224 : index
    %swap3A_183 = tpu.vector_load %arg8[%swap3A_182] {strides = array<i32>} : memref<512xi32, #tpu.memory_space<vmem>>, vector<16xi32>,
    tpu.vector_store %arg8[%swap3A_182], %add3A_181 {strides = array<i32>} : memref<512xi32, #tpu.memory_space<vmem>>, vector<16xi32>,
    %get3A_184 = arith.constant 0 : i32
    %get3A_185 = arith.constant 1 : i32
    %get3A_186 = arith.index_cast %get3A_184 : i32 to index
    %get3A_187 = arith.index_cast %get3A_185 : i32 to index
    %get3A_188 = arith.constant 112 : index
    %get3A_189 = tpu.vector_load %arg6[%get3A_186, %get3A_187, %get3A_188] {strides = array<i32>} : memref<50x4x128xi32, #tpu.memory_space<vmem>>, vector<16xi32>,
    %add3A_190 = arith.addi %get3A_189, %get3A_120 : vector<16xi32>
    %swap3A_191 = arith.constant 240 : index
    %swap3A_192 = tpu.vector_load %arg8[%swap3A_191] {strides = array<i32>} : memref<512xi32, #tpu.memory_space<vmem>>, vector<16xi32>,
    tpu.vector_store %arg8[%swap3A_191], %add3A_190 {strides = array<i32>} : memref<512xi32, #tpu.memory_space<vmem>>, vector<16xi32>,
    %get3A_193 = arith.constant 2 : i32
    %get3A_194 = arith.index_cast %get3A_193 : i32 to index
    %get3A_195 = arith.constant 0 : index
    %get3A_196 = tpu.vector_load %arg7[%get3A_194, %get3A_195] {strides = array<i32>} : memref<4x16xi32, #tpu.memory_space<vmem>>, vector<16xi32>,
    %get3A_197 = arith.constant 0 : i32
    %get3A_198 = arith.constant 2 : i32
    %get3A_199 = arith.index_cast %get3A_197 : i32 to index
    %get3A_200 = arith.index_cast %get3A_198 : i32 to index
    %get3A_201 = arith.constant 0 : index
    %get3A_202 = tpu.vector_load %arg6[%get3A_199, %get3A_200, %get3A_201] {strides = array<i32>} : memref<50x4x128xi32, #tpu.memory_space<vmem>>, vector<16xi32>,
    %add3A_203 = arith.addi %get3A_202, %get3A_196 : vector<16xi32>
    %swap3A_204 = arith.constant 256 : index
    %swap3A_205 = tpu.vector_load %arg8[%swap3A_204] {strides = array<i32>} : memref<512xi32, #tpu.memory_space<vmem>>, vector<16xi32>,
    tpu.vector_store %arg8[%swap3A_204], %add3A_203 {strides = array<i32>} : memref<512xi32, #tpu.memory_space<vmem>>, vector<16xi32>,
    %get3A_206 = arith.constant 0 : i32
    %get3A_207 = arith.constant 2 : i32
    %get3A_208 = arith.index_cast %get3A_206 : i32 to index
    %get3A_209 = arith.index_cast %get3A_207 : i32 to index
    %get3A_210 = arith.constant 16 : index
    %get3A_211 = tpu.vector_load %arg6[%get3A_208, %get3A_209, %get3A_210] {strides = array<i32>} : memref<50x4x128xi32, #tpu.memory_space<vmem>>, vector<16xi32>,
    %add3A_212 = arith.addi %get3A_211, %get3A_196 : vector<16xi32>
    %swap3A_213 = arith.constant 272 : index
    %swap3A_214 = tpu.vector_load %arg8[%swap3A_213] {strides = array<i32>} : memref<512xi32, #tpu.memory_space<vmem>>, vector<16xi32>,
    tpu.vector_store %arg8[%swap3A_213], %add3A_212 {strides = array<i32>} : memref<512xi32, #tpu.memory_space<vmem>>, vector<16xi32>,
    %get3A_215 = arith.constant 0 : i32
    %get3A_216 = arith.constant 2 : i32
    %get3A_217 = arith.index_cast %get3A_215 : i32 to index
    %get3A_218 = arith.index_cast %get3A_216 : i32 to index
    %get3A_219 = arith.constant 32 : index
    %get3A_220 = tpu.vector_load %arg6[%get3A_217, %get3A_218, %get3A_219] {strides = array<i32>} : memref<50x4x128xi32, #tpu.memory_space<vmem>>, vector<16xi32>,
    %add3A_221 = arith.addi %get3A_220, %get3A_196 : vector<16xi32>
    %swap3A_222 = arith.constant 288 : index
    %swap3A_223 = tpu.vector_load %arg8[%swap3A_222] {strides = array<i32>} : memref<512xi32, #tpu.memory_space<vmem>>, vector<16xi32>,
    tpu.vector_store %arg8[%swap3A_222], %add3A_221 {strides = array<i32>} : memref<512xi32, #tpu.memory_space<vmem>>, vector<16xi32>,
    %get3A_224 = arith.constant 0 : i32
    %get3A_225 = arith.constant 2 : i32
    %get3A_226 = arith.index_cast %get3A_224 : i32 to index
    %get3A_227 = arith.index_cast %get3A_225 : i32 to index
    %get3A_228 = arith.constant 48 : index
    %get3A_229 = tpu.vector_load %arg6[%get3A_226, %get3A_227, %get3A_228] {strides = array<i32>} : memref<50x4x128xi32, #tpu.memory_space<vmem>>, vector<16xi32>,
    %add3A_230 = arith.addi %get3A_229, %get3A_196 : vector<16xi32>
    %swap3A_231 = arith.constant 304 : index
    %swap3A_232 = tpu.vector_load %arg8[%swap3A_231] {strides = array<i32>} : memref<512xi32, #tpu.memory_space<vmem>>, vector<16xi32>,
    tpu.vector_store %arg8[%swap3A_231], %add3A_230 {strides = array<i32>} : memref<512xi32, #tpu.memory_space<vmem>>, vector<16xi32>,
    %get3A_233 = arith.constant 0 : i32
    %get3A_234 = arith.constant 2 : i32
    %get3A_235 = arith.index_cast %get3A_233 : i32 to index
    %get3A_236 = arith.index_cast %get3A_234 : i32 to index
    %get3A_237 = arith.constant 64 : index
    %get3A_238 = tpu.vector_load %arg6[%get3A_235, %get3A_236, %get3A_237] {strides = array<i32>} : memref<50x4x128xi32, #tpu.memory_space<vmem>>, vector<16xi32>,
    %add3A_239 = arith.addi %get3A_238, %get3A_196 : vector<16xi32>
    %swap3A_240 = arith.constant 320 : index
    %swap3A_241 = tpu.vector_load %arg8[%swap3A_240] {strides = array<i32>} : memref<512xi32, #tpu.memory_space<vmem>>, vector<16xi32>,
    tpu.vector_store %arg8[%swap3A_240], %add3A_239 {strides = array<i32>} : memref<512xi32, #tpu.memory_space<vmem>>, vector<16xi32>,
    %get3A_242 = arith.constant 0 : i32
    %get3A_243 = arith.constant 2 : i32
    %get3A_244 = arith.index_cast %get3A_242 : i32 to index
    %get3A_245 = arith.index_cast %get3A_243 : i32 to index
    %get3A_246 = arith.constant 80 : index
    %get3A_247 = tpu.vector_load %arg6[%get3A_244, %get3A_245, %get3A_246] {strides = array<i32>} : memref<50x4x128xi32, #tpu.memory_space<vmem>>, vector<16xi32>,
    %add3A_248 = arith.addi %get3A_247, %get3A_196 : vector<16xi32>
    %swap3A_249 = arith.constant 336 : index
    %swap3A_250 = tpu.vector_load %arg8[%swap3A_249] {strides = array<i32>} : memref<512xi32, #tpu.memory_space<vmem>>, vector<16xi32>,
    tpu.vector_store %arg8[%swap3A_249], %add3A_248 {strides = array<i32>} : memref<512xi32, #tpu.memory_space<vmem>>, vector<16xi32>,
    %get3A_251 = arith.constant 0 : i32
    %get3A_252 = arith.constant 2 : i32
    %get3A_253 = arith.index_cast %get3A_251 : i32 to index
    %get3A_254 = arith.index_cast %get3A_252 : i32 to index
    %get3A_255 = arith.constant 96 : index
    %get3A_256 = tpu.vector_load %arg6[%get3A_253, %get3A_254, %get3A_255] {strides = array<i32>} : memref<50x4x128xi32, #tpu.memory_space<vmem>>, vector<16xi32>,
    %add3A_257 = arith.addi %get3A_256, %get3A_196 : vector<16xi32>
    %swap3A_258 = arith.constant 352 : index
    %swap3A_259 = tpu.vector_load %arg8[%swap3A_258] {strides = array<i32>} : memref<512xi32, #tpu.memory_space<vmem>>, vector<16xi32>,
    tpu.vector_store %arg8[%swap3A_258], %add3A_257 {strides = array<i32>} : memref<512xi32, #tpu.memory_space<vmem>>, vector<16xi32>,
    %get3A_260 = arith.constant 0 : i32
    %get3A_261 = arith.constant 2 : i32
    %get3A_262 = arith.index_cast %get3A_260 : i32 to index
    %get3A_263 = arith.index_cast %get3A_261 : i32 to index
    %get3A_264 = arith.constant 112 : index
    %get3A_265 = tpu.vector_load %arg6[%get3A_262, %get3A_263, %get3A_264] {strides = array<i32>} : memref<50x4x128xi32, #tpu.memory_space<vmem>>, vector<16xi32>,
    %add3A_266 = arith.addi %get3A_265, %get3A_196 : vector<16xi32>
    %swap3A_267 = arith.constant 368 : index
    %swap3A_268 = tpu.vector_load %arg8[%swap3A_267] {strides = array<i32>} : memref<512xi32, #tpu.memory_space<vmem>>, vector<16xi32>,
    tpu.vector_store %arg8[%swap3A_267], %add3A_266 {strides = array<i32>} : memref<512xi32, #tpu.memory_space<vmem>>, vector<16xi32>,
    %get3A_269 = arith.constant 3 : i32
    %get3A_270 = arith.index_cast %get3A_269 : i32 to index
    %get3A_271 = arith.constant 0 : index
    %get3A_272 = tpu.vector_load %arg7[%get3A_270, %get3A_271] {strides = array<i32>} : memref<4x16xi32, #tpu.memory_space<vmem>>, vector<16xi32>,
    %get3A_273 = arith.constant 0 : i32
    %get3A_274 = arith.constant 3 : i32
    %get3A_275 = arith.index_cast %get3A_273 : i32 to index
    %get3A_276 = arith.index_cast %get3A_274 : i32 to index
    %get3A_277 = arith.constant 0 : index
    %get3A_278 = tpu.vector_load %arg6[%get3A_275, %get3A_276, %get3A_277] {strides = array<i32>} : memref<50x4x128xi32, #tpu.memory_space<vmem>>, vector<16xi32>,
    %add3A_279 = arith.addi %get3A_278, %get3A_272 : vector<16xi32>
    %swap3A_280 = arith.constant 384 : index
    %swap3A_281 = tpu.vector_load %arg8[%swap3A_280] {strides = array<i32>} : memref<512xi32, #tpu.memory_space<vmem>>, vector<16xi32>,
    tpu.vector_store %arg8[%swap3A_280], %add3A_279 {strides = array<i32>} : memref<512xi32, #tpu.memory_space<vmem>>, vector<16xi32>,
    %get3A_282 = arith.constant 0 : i32
    %get3A_283 = arith.constant 3 : i32
    %get3A_284 = arith.index_cast %get3A_282 : i32 to index
    %get3A_285 = arith.index_cast %get3A_283 : i32 to index
    %get3A_286 = arith.constant 16 : index
    %get3A_287 = tpu.vector_load %arg6[%get3A_284, %get3A_285, %get3A_286] {strides = array<i32>} : memref<50x4x128xi32, #tpu.memory_space<vmem>>, vector<16xi32>,
    %add3A_288 = arith.addi %get3A_287, %get3A_272 : vector<16xi32>
    %swap3A_289 = arith.constant 400 : index
    %swap3A_290 = tpu.vector_load %arg8[%swap3A_289] {strides = array<i32>} : memref<512xi32, #tpu.memory_space<vmem>>, vector<16xi32>,
    tpu.vector_store %arg8[%swap3A_289], %add3A_288 {strides = array<i32>} : memref<512xi32, #tpu.memory_space<vmem>>, vector<16xi32>,
    %get3A_291 = arith.constant 0 : i32
    %get3A_292 = arith.constant 3 : i32
    %get3A_293 = arith.index_cast %get3A_291 : i32 to index
    %get3A_294 = arith.index_cast %get3A_292 : i32 to index
    %get3A_295 = arith.constant 32 : index
    %get3A_296 = tpu.vector_load %arg6[%get3A_293, %get3A_294, %get3A_295] {strides = array<i32>} : memref<50x4x128xi32, #tpu.memory_space<vmem>>, vector<16xi32>,
    %add3A_297 = arith.addi %get3A_296, %get3A_272 : vector<16xi32>
    %swap3A_298 = arith.constant 416 : index
    %swap3A_299 = tpu.vector_load %arg8[%swap3A_298] {strides = array<i32>} : memref<512xi32, #tpu.memory_space<vmem>>, vector<16xi32>,
    tpu.vector_store %arg8[%swap3A_298], %add3A_297 {strides = array<i32>} : memref<512xi32, #tpu.memory_space<vmem>>, vector<16xi32>,
    %get3A_300 = arith.constant 0 : i32
    %get3A_301 = arith.constant 3 : i32
    %get3A_302 = arith.index_cast %get3A_300 : i32 to index
    %get3A_303 = arith.index_cast %get3A_301 : i32 to index
    %get3A_304 = arith.constant 48 : index
    %get3A_305 = tpu.vector_load %arg6[%get3A_302, %get3A_303, %get3A_304] {strides = array<i32>} : memref<50x4x128xi32, #tpu.memory_space<vmem>>, vector<16xi32>,
    %add3A_306 = arith.addi %get3A_305, %get3A_272 : vector<16xi32>
    %swap3A_307 = arith.constant 432 : index
    %swap3A_308 = tpu.vector_load %arg8[%swap3A_307] {strides = array<i32>} : memref<512xi32, #tpu.memory_space<vmem>>, vector<16xi32>,
    tpu.vector_store %arg8[%swap3A_307], %add3A_306 {strides = array<i32>} : memref<512xi32, #tpu.memory_space<vmem>>, vector<16xi32>,
    %get3A_309 = arith.constant 0 : i32
    %get3A_310 = arith.constant 3 : i32
    %get3A_311 = arith.index_cast %get3A_309 : i32 to index
    %get3A_312 = arith.index_cast %get3A_310 : i32 to index
    %get3A_313 = arith.constant 64 : index
    %get3A_314 = tpu.vector_load %arg6[%get3A_311, %get3A_312, %get3A_313] {strides = array<i32>} : memref<50x4x128xi32, #tpu.memory_space<vmem>>, vector<16xi32>,
    %add3A_315 = arith.addi %get3A_314, %get3A_272 : vector<16xi32>
    %swap3A_316 = arith.constant 448 : index
    %swap3A_317 = tpu.vector_load %arg8[%swap3A_316] {strides = array<i32>} : memref<512xi32, #tpu.memory_space<vmem>>, vector<16xi32>,
    tpu.vector_store %arg8[%swap3A_316], %add3A_315 {strides = array<i32>} : memref<512xi32, #tpu.memory_space<vmem>>, vector<16xi32>,
    %get3A_318 = arith.constant 0 : i32
    %get3A_319 = arith.constant 3 : i32
    %get3A_320 = arith.index_cast %get3A_318 : i32 to index
    %get3A_321 = arith.index_cast %get3A_319 : i32 to index
    %get3A_322 = arith.constant 80 : index
    %get3A_323 = tpu.vector_load %arg6[%get3A_320, %get3A_321, %get3A_322] {strides = array<i32>} : memref<50x4x128xi32, #tpu.memory_space<vmem>>, vector<16xi32>,
    %add3A_324 = arith.addi %get3A_323, %get3A_272 : vector<16xi32>
    %swap3A_325 = arith.constant 464 : index
    %swap3A_326 = tpu.vector_load %arg8[%swap3A_325] {strides = array<i32>} : memref<512xi32, #tpu.memory_space<vmem>>, vector<16xi32>,
    tpu.vector_store %arg8[%swap3A_325], %add3A_324 {strides = array<i32>} : memref<512xi32, #tpu.memory_space<vmem>>, vector<16xi32>,
    %get3A_327 = arith.constant 0 : i32
    %get3A_328 = arith.constant 3 : i32
    %get3A_329 = arith.index_cast %get3A_327 : i32 to index
    %get3A_330 = arith.index_cast %get3A_328 : i32 to index
    %get3A_331 = arith.constant 96 : index
    %get3A_332 = tpu.vector_load %arg6[%get3A_329, %get3A_330, %get3A_331] {strides = array<i32>} : memref<50x4x128xi32, #tpu.memory_space<vmem>>, vector<16xi32>,
    %add3A_333 = arith.addi %get3A_332, %get3A_272 : vector<16xi32>
    %swap3A_334 = arith.constant 480 : index
    %swap3A_335 = tpu.vector_load %arg8[%swap3A_334] {strides = array<i32>} : memref<512xi32, #tpu.memory_space<vmem>>, vector<16xi32>,
    tpu.vector_store %arg8[%swap3A_334], %add3A_333 {strides = array<i32>} : memref<512xi32, #tpu.memory_space<vmem>>, vector<16xi32>,
    %get3A_336 = arith.constant 0 : i32
    %get3A_337 = arith.constant 3 : i32
    %get3A_338 = arith.index_cast %get3A_336 : i32 to index
    %get3A_339 = arith.index_cast %get3A_337 : i32 to index
    %get3A_340 = arith.constant 112 : index
    %get3A_341 = tpu.vector_load %arg6[%get3A_338, %get3A_339, %get3A_340] {strides = array<i32>} : memref<50x4x128xi32, #tpu.memory_space<vmem>>, vector<16xi32>,
    %add3A_342 = arith.addi %get3A_341, %get3A_272 : vector<16xi32>
    %swap3A_343 = arith.constant 496 : index
    %swap3A_344 = tpu.vector_load %arg8[%swap3A_343] {strides = array<i32>} : memref<512xi32, #tpu.memory_space<vmem>>, vector<16xi32>,
    tpu.vector_store %arg8[%swap3A_343], %add3A_342 {strides = array<i32>} : memref<512xi32, #tpu.memory_space<vmem>>, vector<16xi32>,
    %dma_start3A_345 = arith.constant 0 : i32
    %dma_start3A_346 = arith.constant 0 : i32
    %dma_start3A_347 = tpu.memref_slice %arg4[%dma_start3A_345, %dma_start3A_346] : memref<400122x32xf32, #tpu.memory_space<hbm>> -> memref<400122x32xf32, #tpu.memory_space<hbm>>
    tpu.enqueue_indirect_dma source(%dma_start3A_347 : memref<400122x32xf32, #tpu.memory_space<hbm>>) target(%arg10 : memref<512x32xf32, #tpu.memory_space<vmem>>) offsets(%arg8 : memref<512xi32, #tpu.memory_space<vmem>>) semaphore(%arg15 : memref<!tpu.dma_semaphore, #tpu.memory_space<semaphore_mem>>)
    %scan3A = arith.constant 0 : i32
    %scan3A_348 = arith.constant 25 : i32
    %scan3A_349 = arith.addi %scan3A, %scan3A_348 : i32
    %scan3A_350 = arith.constant 1 : i32
    scf.for %scan3A_378 = %scan3A to %scan3A_349 step %scan3A_350  : i32 {
      %mul3A_379 = arith.constant 2 : i32
      %mul3A_380 = arith.muli %scan3A_378, %mul3A_379 : i32
      %add3A_381 = arith.constant 0 : i32
      %add3A_382 = arith.addi %mul3A_380, %add3A_381 : i32
      %lt3A = arith.constant 24 : i32
      %lt3A_383 = arith.cmpi slt, %scan3A_378, %lt3A : i32
      %or3A = arith.constant true
      %or3A_384 = arith.ori %lt3A_383, %or3A : i1
      %convert_element_type3A = arith.extui %or3A_384 : i1 to i32
      %cond3A = arith.constant 0 : i32
      %cond3A_385 = arith.cmpi ne, %convert_element_type3A, %cond3A : i32
      scf.if %cond3A_385 {
        %add3A_455 = arith.constant 1 : i32
        %add3A_456 = arith.addi %add3A_382, %add3A_455 : i32
        %get3A_457 = arith.constant 0 : i32
        %get3A_458 = arith.index_cast %get3A_457 : i32 to index
        %get3A_459 = arith.constant 0 : index
        %get3A_460 = tpu.vector_load %arg7[%get3A_458, %get3A_459] {strides = array<i32>} : memref<4x16xi32, #tpu.memory_space<vmem>>, vector<16xi32>,
        %get3A_461 = arith.constant 0 : i32
        %get3A_462 = arith.index_cast %add3A_456 : i32 to index
        %get3A_463 = arith.index_cast %get3A_461 : i32 to index
        %get3A_464 = arith.constant 0 : index
        %get3A_465 = tpu.vector_load %arg6[%get3A_462, %get3A_463, %get3A_464] {strides = array<i32>} : memref<50x4x128xi32, #tpu.memory_space<vmem>>, vector<16xi32>,
        %add3A_466 = arith.addi %get3A_465, %get3A_460 : vector<16xi32>
        %swap3A_467 = arith.constant 0 : index
        %swap3A_468 = tpu.vector_load %arg9[%swap3A_467] {strides = array<i32>} : memref<512xi32, #tpu.memory_space<vmem>>, vector<16xi32>,
        tpu.vector_store %arg9[%swap3A_467], %add3A_466 {strides = array<i32>} : memref<512xi32, #tpu.memory_space<vmem>>, vector<16xi32>,
        %get3A_469 = arith.constant 0 : i32
        %get3A_470 = arith.index_cast %add3A_456 : i32 to index
        %get3A_471 = arith.index_cast %get3A_469 : i32 to index
        %get3A_472 = arith.constant 16 : index
        %get3A_473 = tpu.vector_load %arg6[%get3A_470, %get3A_471, %get3A_472] {strides = array<i32>} : memref<50x4x128xi32, #tpu.memory_space<vmem>>, vector<16xi32>,
        %add3A_474 = arith.addi %get3A_473, %get3A_460 : vector<16xi32>
        %swap3A_475 = arith.constant 16 : index
        %swap3A_476 = tpu.vector_load %arg9[%swap3A_475] {strides = array<i32>} : memref<512xi32, #tpu.memory_space<vmem>>, vector<16xi32>,
        tpu.vector_store %arg9[%swap3A_475], %add3A_474 {strides = array<i32>} : memref<512xi32, #tpu.memory_space<vmem>>, vector<16xi32>,
        %get3A_477 = arith.constant 0 : i32
        %get3A_478 = arith.index_cast %add3A_456 : i32 to index
        %get3A_479 = arith.index_cast %get3A_477 : i32 to index
        %get3A_480 = arith.constant 32 : index
        %get3A_481 = tpu.vector_load %arg6[%get3A_478, %get3A_479, %get3A_480] {strides = array<i32>} : memref<50x4x128xi32, #tpu.memory_space<vmem>>, vector<16xi32>,
        %add3A_482 = arith.addi %get3A_481, %get3A_460 : vector<16xi32>
        %swap3A_483 = arith.constant 32 : index
        %swap3A_484 = tpu.vector_load %arg9[%swap3A_483] {strides = array<i32>} : memref<512xi32, #tpu.memory_space<vmem>>, vector<16xi32>,
        tpu.vector_store %arg9[%swap3A_483], %add3A_482 {strides = array<i32>} : memref<512xi32, #tpu.memory_space<vmem>>, vector<16xi32>,
        %get3A_485 = arith.constant 0 : i32
        %get3A_486 = arith.index_cast %add3A_456 : i32 to index
        %get3A_487 = arith.index_cast %get3A_485 : i32 to index
        %get3A_488 = arith.constant 48 : index
        %get3A_489 = tpu.vector_load %arg6[%get3A_486, %get3A_487, %get3A_488] {strides = array<i32>} : memref<50x4x128xi32, #tpu.memory_space<vmem>>, vector<16xi32>,
        %add3A_490 = arith.addi %get3A_489, %get3A_460 : vector<16xi32>
        %swap3A_491 = arith.constant 48 : index
        %swap3A_492 = tpu.vector_load %arg9[%swap3A_491] {strides = array<i32>} : memref<512xi32, #tpu.memory_space<vmem>>, vector<16xi32>,
        tpu.vector_store %arg9[%swap3A_491], %add3A_490 {strides = array<i32>} : memref<512xi32, #tpu.memory_space<vmem>>, vector<16xi32>,
        %get3A_493 = arith.constant 0 : i32
        %get3A_494 = arith.index_cast %add3A_456 : i32 to index
        %get3A_495 = arith.index_cast %get3A_493 : i32 to index
        %get3A_496 = arith.constant 64 : index
        %get3A_497 = tpu.vector_load %arg6[%get3A_494, %get3A_495, %get3A_496] {strides = array<i32>} : memref<50x4x128xi32, #tpu.memory_space<vmem>>, vector<16xi32>,
        %add3A_498 = arith.addi %get3A_497, %get3A_460 : vector<16xi32>
        %swap3A_499 = arith.constant 64 : index
        %swap3A_500 = tpu.vector_load %arg9[%swap3A_499] {strides = array<i32>} : memref<512xi32, #tpu.memory_space<vmem>>, vector<16xi32>,
        tpu.vector_store %arg9[%swap3A_499], %add3A_498 {strides = array<i32>} : memref<512xi32, #tpu.memory_space<vmem>>, vector<16xi32>,
        %get3A_501 = arith.constant 0 : i32
        %get3A_502 = arith.index_cast %add3A_456 : i32 to index
        %get3A_503 = arith.index_cast %get3A_501 : i32 to index
        %get3A_504 = arith.constant 80 : index
        %get3A_505 = tpu.vector_load %arg6[%get3A_502, %get3A_503, %get3A_504] {strides = array<i32>} : memref<50x4x128xi32, #tpu.memory_space<vmem>>, vector<16xi32>,
        %add3A_506 = arith.addi %get3A_505, %get3A_460 : vector<16xi32>
        %swap3A_507 = arith.constant 80 : index
        %swap3A_508 = tpu.vector_load %arg9[%swap3A_507] {strides = array<i32>} : memref<512xi32, #tpu.memory_space<vmem>>, vector<16xi32>,
        tpu.vector_store %arg9[%swap3A_507], %add3A_506 {strides = array<i32>} : memref<512xi32, #tpu.memory_space<vmem>>, vector<16xi32>,
        %get3A_509 = arith.constant 0 : i32
        %get3A_510 = arith.index_cast %add3A_456 : i32 to index
        %get3A_511 = arith.index_cast %get3A_509 : i32 to index
        %get3A_512 = arith.constant 96 : index
        %get3A_513 = tpu.vector_load %arg6[%get3A_510, %get3A_511, %get3A_512] {strides = array<i32>} : memref<50x4x128xi32, #tpu.memory_space<vmem>>, vector<16xi32>,
        %add3A_514 = arith.addi %get3A_513, %get3A_460 : vector<16xi32>
        %swap3A_515 = arith.constant 96 : index
        %swap3A_516 = tpu.vector_load %arg9[%swap3A_515] {strides = array<i32>} : memref<512xi32, #tpu.memory_space<vmem>>, vector<16xi32>,
        tpu.vector_store %arg9[%swap3A_515], %add3A_514 {strides = array<i32>} : memref<512xi32, #tpu.memory_space<vmem>>, vector<16xi32>,
        %get3A_517 = arith.constant 0 : i32
        %get3A_518 = arith.index_cast %add3A_456 : i32 to index
        %get3A_519 = arith.index_cast %get3A_517 : i32 to index
        %get3A_520 = arith.constant 112 : index
        %get3A_521 = tpu.vector_load %arg6[%get3A_518, %get3A_519, %get3A_520] {strides = array<i32>} : memref<50x4x128xi32, #tpu.memory_space<vmem>>, vector<16xi32>,
        %add3A_522 = arith.addi %get3A_521, %get3A_460 : vector<16xi32>
        %swap3A_523 = arith.constant 112 : index
        %swap3A_524 = tpu.vector_load %arg9[%swap3A_523] {strides = array<i32>} : memref<512xi32, #tpu.memory_space<vmem>>, vector<16xi32>,
        tpu.vector_store %arg9[%swap3A_523], %add3A_522 {strides = array<i32>} : memref<512xi32, #tpu.memory_space<vmem>>, vector<16xi32>,
        %get3A_525 = arith.constant 1 : i32
        %get3A_526 = arith.index_cast %get3A_525 : i32 to index
        %get3A_527 = arith.constant 0 : index
        %get3A_528 = tpu.vector_load %arg7[%get3A_526, %get3A_527] {strides = array<i32>} : memref<4x16xi32, #tpu.memory_space<vmem>>, vector<16xi32>,
        %get3A_529 = arith.constant 1 : i32
        %get3A_530 = arith.index_cast %add3A_456 : i32 to index
        %get3A_531 = arith.index_cast %get3A_529 : i32 to index
        %get3A_532 = arith.constant 0 : index
        %get3A_533 = tpu.vector_load %arg6[%get3A_530, %get3A_531, %get3A_532] {strides = array<i32>} : memref<50x4x128xi32, #tpu.memory_space<vmem>>, vector<16xi32>,
        %add3A_534 = arith.addi %get3A_533, %get3A_528 : vector<16xi32>
        %swap3A_535 = arith.constant 128 : index
        %swap3A_536 = tpu.vector_load %arg9[%swap3A_535] {strides = array<i32>} : memref<512xi32, #tpu.memory_space<vmem>>, vector<16xi32>,
        tpu.vector_store %arg9[%swap3A_535], %add3A_534 {strides = array<i32>} : memref<512xi32, #tpu.memory_space<vmem>>, vector<16xi32>,
        %get3A_537 = arith.constant 1 : i32
        %get3A_538 = arith.index_cast %add3A_456 : i32 to index
        %get3A_539 = arith.index_cast %get3A_537 : i32 to index
        %get3A_540 = arith.constant 16 : index
        %get3A_541 = tpu.vector_load %arg6[%get3A_538, %get3A_539, %get3A_540] {strides = array<i32>} : memref<50x4x128xi32, #tpu.memory_space<vmem>>, vector<16xi32>,
        %add3A_542 = arith.addi %get3A_541, %get3A_528 : vector<16xi32>
        %swap3A_543 = arith.constant 144 : index
        %swap3A_544 = tpu.vector_load %arg9[%swap3A_543] {strides = array<i32>} : memref<512xi32, #tpu.memory_space<vmem>>, vector<16xi32>,
        tpu.vector_store %arg9[%swap3A_543], %add3A_542 {strides = array<i32>} : memref<512xi32, #tpu.memory_space<vmem>>, vector<16xi32>,
        %get3A_545 = arith.constant 1 : i32
        %get3A_546 = arith.index_cast %add3A_456 : i32 to index
        %get3A_547 = arith.index_cast %get3A_545 : i32 to index
        %get3A_548 = arith.constant 32 : index
        %get3A_549 = tpu.vector_load %arg6[%get3A_546, %get3A_547, %get3A_548] {strides = array<i32>} : memref<50x4x128xi32, #tpu.memory_space<vmem>>, vector<16xi32>,
        %add3A_550 = arith.addi %get3A_549, %get3A_528 : vector<16xi32>
        %swap3A_551 = arith.constant 160 : index
        %swap3A_552 = tpu.vector_load %arg9[%swap3A_551] {strides = array<i32>} : memref<512xi32, #tpu.memory_space<vmem>>, vector<16xi32>,
        tpu.vector_store %arg9[%swap3A_551], %add3A_550 {strides = array<i32>} : memref<512xi32, #tpu.memory_space<vmem>>, vector<16xi32>,
        %get3A_553 = arith.constant 1 : i32
        %get3A_554 = arith.index_cast %add3A_456 : i32 to index
        %get3A_555 = arith.index_cast %get3A_553 : i32 to index
        %get3A_556 = arith.constant 48 : index
        %get3A_557 = tpu.vector_load %arg6[%get3A_554, %get3A_555, %get3A_556] {strides = array<i32>} : memref<50x4x128xi32, #tpu.memory_space<vmem>>, vector<16xi32>,
        %add3A_558 = arith.addi %get3A_557, %get3A_528 : vector<16xi32>
        %swap3A_559 = arith.constant 176 : index
        %swap3A_560 = tpu.vector_load %arg9[%swap3A_559] {strides = array<i32>} : memref<512xi32, #tpu.memory_space<vmem>>, vector<16xi32>,
        tpu.vector_store %arg9[%swap3A_559], %add3A_558 {strides = array<i32>} : memref<512xi32, #tpu.memory_space<vmem>>, vector<16xi32>,
        %get3A_561 = arith.constant 1 : i32
        %get3A_562 = arith.index_cast %add3A_456 : i32 to index
        %get3A_563 = arith.index_cast %get3A_561 : i32 to index
        %get3A_564 = arith.constant 64 : index
        %get3A_565 = tpu.vector_load %arg6[%get3A_562, %get3A_563, %get3A_564] {strides = array<i32>} : memref<50x4x128xi32, #tpu.memory_space<vmem>>, vector<16xi32>,
        %add3A_566 = arith.addi %get3A_565, %get3A_528 : vector<16xi32>
        %swap3A_567 = arith.constant 192 : index
        %swap3A_568 = tpu.vector_load %arg9[%swap3A_567] {strides = array<i32>} : memref<512xi32, #tpu.memory_space<vmem>>, vector<16xi32>,
        tpu.vector_store %arg9[%swap3A_567], %add3A_566 {strides = array<i32>} : memref<512xi32, #tpu.memory_space<vmem>>, vector<16xi32>,
        %get3A_569 = arith.constant 1 : i32
        %get3A_570 = arith.index_cast %add3A_456 : i32 to index
        %get3A_571 = arith.index_cast %get3A_569 : i32 to index
        %get3A_572 = arith.constant 80 : index
        %get3A_573 = tpu.vector_load %arg6[%get3A_570, %get3A_571, %get3A_572] {strides = array<i32>} : memref<50x4x128xi32, #tpu.memory_space<vmem>>, vector<16xi32>,
        %add3A_574 = arith.addi %get3A_573, %get3A_528 : vector<16xi32>
        %swap3A_575 = arith.constant 208 : index
        %swap3A_576 = tpu.vector_load %arg9[%swap3A_575] {strides = array<i32>} : memref<512xi32, #tpu.memory_space<vmem>>, vector<16xi32>,
        tpu.vector_store %arg9[%swap3A_575], %add3A_574 {strides = array<i32>} : memref<512xi32, #tpu.memory_space<vmem>>, vector<16xi32>,
        %get3A_577 = arith.constant 1 : i32
        %get3A_578 = arith.index_cast %add3A_456 : i32 to index
        %get3A_579 = arith.index_cast %get3A_577 : i32 to index
        %get3A_580 = arith.constant 96 : index
        %get3A_581 = tpu.vector_load %arg6[%get3A_578, %get3A_579, %get3A_580] {strides = array<i32>} : memref<50x4x128xi32, #tpu.memory_space<vmem>>, vector<16xi32>,
        %add3A_582 = arith.addi %get3A_581, %get3A_528 : vector<16xi32>
        %swap3A_583 = arith.constant 224 : index
        %swap3A_584 = tpu.vector_load %arg9[%swap3A_583] {strides = array<i32>} : memref<512xi32, #tpu.memory_space<vmem>>, vector<16xi32>,
        tpu.vector_store %arg9[%swap3A_583], %add3A_582 {strides = array<i32>} : memref<512xi32, #tpu.memory_space<vmem>>, vector<16xi32>,
        %get3A_585 = arith.constant 1 : i32
        %get3A_586 = arith.index_cast %add3A_456 : i32 to index
        %get3A_587 = arith.index_cast %get3A_585 : i32 to index
        %get3A_588 = arith.constant 112 : index
        %get3A_589 = tpu.vector_load %arg6[%get3A_586, %get3A_587, %get3A_588] {strides = array<i32>} : memref<50x4x128xi32, #tpu.memory_space<vmem>>, vector<16xi32>,
        %add3A_590 = arith.addi %get3A_589, %get3A_528 : vector<16xi32>
        %swap3A_591 = arith.constant 240 : index
        %swap3A_592 = tpu.vector_load %arg9[%swap3A_591] {strides = array<i32>} : memref<512xi32, #tpu.memory_space<vmem>>, vector<16xi32>,
        tpu.vector_store %arg9[%swap3A_591], %add3A_590 {strides = array<i32>} : memref<512xi32, #tpu.memory_space<vmem>>, vector<16xi32>,
        %get3A_593 = arith.constant 2 : i32
        %get3A_594 = arith.index_cast %get3A_593 : i32 to index
        %get3A_595 = arith.constant 0 : index
        %get3A_596 = tpu.vector_load %arg7[%get3A_594, %get3A_595] {strides = array<i32>} : memref<4x16xi32, #tpu.memory_space<vmem>>, vector<16xi32>,
        %get3A_597 = arith.constant 2 : i32
        %get3A_598 = arith.index_cast %add3A_456 : i32 to index
        %get3A_599 = arith.index_cast %get3A_597 : i32 to index
        %get3A_600 = arith.constant 0 : index
        %get3A_601 = tpu.vector_load %arg6[%get3A_598, %get3A_599, %get3A_600] {strides = array<i32>} : memref<50x4x128xi32, #tpu.memory_space<vmem>>, vector<16xi32>,
        %add3A_602 = arith.addi %get3A_601, %get3A_596 : vector<16xi32>
        %swap3A_603 = arith.constant 256 : index
        %swap3A_604 = tpu.vector_load %arg9[%swap3A_603] {strides = array<i32>} : memref<512xi32, #tpu.memory_space<vmem>>, vector<16xi32>,
        tpu.vector_store %arg9[%swap3A_603], %add3A_602 {strides = array<i32>} : memref<512xi32, #tpu.memory_space<vmem>>, vector<16xi32>,
        %get3A_605 = arith.constant 2 : i32
        %get3A_606 = arith.index_cast %add3A_456 : i32 to index
        %get3A_607 = arith.index_cast %get3A_605 : i32 to index
        %get3A_608 = arith.constant 16 : index
        %get3A_609 = tpu.vector_load %arg6[%get3A_606, %get3A_607, %get3A_608] {strides = array<i32>} : memref<50x4x128xi32, #tpu.memory_space<vmem>>, vector<16xi32>,
        %add3A_610 = arith.addi %get3A_609, %get3A_596 : vector<16xi32>
        %swap3A_611 = arith.constant 272 : index
        %swap3A_612 = tpu.vector_load %arg9[%swap3A_611] {strides = array<i32>} : memref<512xi32, #tpu.memory_space<vmem>>, vector<16xi32>,
        tpu.vector_store %arg9[%swap3A_611], %add3A_610 {strides = array<i32>} : memref<512xi32, #tpu.memory_space<vmem>>, vector<16xi32>,
        %get3A_613 = arith.constant 2 : i32
        %get3A_614 = arith.index_cast %add3A_456 : i32 to index
        %get3A_615 = arith.index_cast %get3A_613 : i32 to index
        %get3A_616 = arith.constant 32 : index
        %get3A_617 = tpu.vector_load %arg6[%get3A_614, %get3A_615, %get3A_616] {strides = array<i32>} : memref<50x4x128xi32, #tpu.memory_space<vmem>>, vector<16xi32>,
        %add3A_618 = arith.addi %get3A_617, %get3A_596 : vector<16xi32>
        %swap3A_619 = arith.constant 288 : index
        %swap3A_620 = tpu.vector_load %arg9[%swap3A_619] {strides = array<i32>} : memref<512xi32, #tpu.memory_space<vmem>>, vector<16xi32>,
        tpu.vector_store %arg9[%swap3A_619], %add3A_618 {strides = array<i32>} : memref<512xi32, #tpu.memory_space<vmem>>, vector<16xi32>,
        %get3A_621 = arith.constant 2 : i32
        %get3A_622 = arith.index_cast %add3A_456 : i32 to index
        %get3A_623 = arith.index_cast %get3A_621 : i32 to index
        %get3A_624 = arith.constant 48 : index
        %get3A_625 = tpu.vector_load %arg6[%get3A_622, %get3A_623, %get3A_624] {strides = array<i32>} : memref<50x4x128xi32, #tpu.memory_space<vmem>>, vector<16xi32>,
        %add3A_626 = arith.addi %get3A_625, %get3A_596 : vector<16xi32>
        %swap3A_627 = arith.constant 304 : index
        %swap3A_628 = tpu.vector_load %arg9[%swap3A_627] {strides = array<i32>} : memref<512xi32, #tpu.memory_space<vmem>>, vector<16xi32>,
        tpu.vector_store %arg9[%swap3A_627], %add3A_626 {strides = array<i32>} : memref<512xi32, #tpu.memory_space<vmem>>, vector<16xi32>,
        %get3A_629 = arith.constant 2 : i32
        %get3A_630 = arith.index_cast %add3A_456 : i32 to index
        %get3A_631 = arith.index_cast %get3A_629 : i32 to index
        %get3A_632 = arith.constant 64 : index
        %get3A_633 = tpu.vector_load %arg6[%get3A_630, %get3A_631, %get3A_632] {strides = array<i32>} : memref<50x4x128xi32, #tpu.memory_space<vmem>>, vector<16xi32>,
        %add3A_634 = arith.addi %get3A_633, %get3A_596 : vector<16xi32>
        %swap3A_635 = arith.constant 320 : index
        %swap3A_636 = tpu.vector_load %arg9[%swap3A_635] {strides = array<i32>} : memref<512xi32, #tpu.memory_space<vmem>>, vector<16xi32>,
        tpu.vector_store %arg9[%swap3A_635], %add3A_634 {strides = array<i32>} : memref<512xi32, #tpu.memory_space<vmem>>, vector<16xi32>,
        %get3A_637 = arith.constant 2 : i32
        %get3A_638 = arith.index_cast %add3A_456 : i32 to index
        %get3A_639 = arith.index_cast %get3A_637 : i32 to index
        %get3A_640 = arith.constant 80 : index
        %get3A_641 = tpu.vector_load %arg6[%get3A_638, %get3A_639, %get3A_640] {strides = array<i32>} : memref<50x4x128xi32, #tpu.memory_space<vmem>>, vector<16xi32>,
        %add3A_642 = arith.addi %get3A_641, %get3A_596 : vector<16xi32>
        %swap3A_643 = arith.constant 336 : index
        %swap3A_644 = tpu.vector_load %arg9[%swap3A_643] {strides = array<i32>} : memref<512xi32, #tpu.memory_space<vmem>>, vector<16xi32>,
        tpu.vector_store %arg9[%swap3A_643], %add3A_642 {strides = array<i32>} : memref<512xi32, #tpu.memory_space<vmem>>, vector<16xi32>,
        %get3A_645 = arith.constant 2 : i32
        %get3A_646 = arith.index_cast %add3A_456 : i32 to index
        %get3A_647 = arith.index_cast %get3A_645 : i32 to index
        %get3A_648 = arith.constant 96 : index
        %get3A_649 = tpu.vector_load %arg6[%get3A_646, %get3A_647, %get3A_648] {strides = array<i32>} : memref<50x4x128xi32, #tpu.memory_space<vmem>>, vector<16xi32>,
        %add3A_650 = arith.addi %get3A_649, %get3A_596 : vector<16xi32>
        %swap3A_651 = arith.constant 352 : index
        %swap3A_652 = tpu.vector_load %arg9[%swap3A_651] {strides = array<i32>} : memref<512xi32, #tpu.memory_space<vmem>>, vector<16xi32>,
        tpu.vector_store %arg9[%swap3A_651], %add3A_650 {strides = array<i32>} : memref<512xi32, #tpu.memory_space<vmem>>, vector<16xi32>,
        %get3A_653 = arith.constant 2 : i32
        %get3A_654 = arith.index_cast %add3A_456 : i32 to index
        %get3A_655 = arith.index_cast %get3A_653 : i32 to index
        %get3A_656 = arith.constant 112 : index
        %get3A_657 = tpu.vector_load %arg6[%get3A_654, %get3A_655, %get3A_656] {strides = array<i32>} : memref<50x4x128xi32, #tpu.memory_space<vmem>>, vector<16xi32>,
        %add3A_658 = arith.addi %get3A_657, %get3A_596 : vector<16xi32>
        %swap3A_659 = arith.constant 368 : index
        %swap3A_660 = tpu.vector_load %arg9[%swap3A_659] {strides = array<i32>} : memref<512xi32, #tpu.memory_space<vmem>>, vector<16xi32>,
        tpu.vector_store %arg9[%swap3A_659], %add3A_658 {strides = array<i32>} : memref<512xi32, #tpu.memory_space<vmem>>, vector<16xi32>,
        %get3A_661 = arith.constant 3 : i32
        %get3A_662 = arith.index_cast %get3A_661 : i32 to index
        %get3A_663 = arith.constant 0 : index
        %get3A_664 = tpu.vector_load %arg7[%get3A_662, %get3A_663] {strides = array<i32>} : memref<4x16xi32, #tpu.memory_space<vmem>>, vector<16xi32>,
        %get3A_665 = arith.constant 3 : i32
        %get3A_666 = arith.index_cast %add3A_456 : i32 to index
        %get3A_667 = arith.index_cast %get3A_665 : i32 to index
        %get3A_668 = arith.constant 0 : index
        %get3A_669 = tpu.vector_load %arg6[%get3A_666, %get3A_667, %get3A_668] {strides = array<i32>} : memref<50x4x128xi32, #tpu.memory_space<vmem>>, vector<16xi32>,
        %add3A_670 = arith.addi %get3A_669, %get3A_664 : vector<16xi32>
        %swap3A_671 = arith.constant 384 : index
        %swap3A_672 = tpu.vector_load %arg9[%swap3A_671] {strides = array<i32>} : memref<512xi32, #tpu.memory_space<vmem>>, vector<16xi32>,
        tpu.vector_store %arg9[%swap3A_671], %add3A_670 {strides = array<i32>} : memref<512xi32, #tpu.memory_space<vmem>>, vector<16xi32>,
        %get3A_673 = arith.constant 3 : i32
        %get3A_674 = arith.index_cast %add3A_456 : i32 to index
        %get3A_675 = arith.index_cast %get3A_673 : i32 to index
        %get3A_676 = arith.constant 16 : index
        %get3A_677 = tpu.vector_load %arg6[%get3A_674, %get3A_675, %get3A_676] {strides = array<i32>} : memref<50x4x128xi32, #tpu.memory_space<vmem>>, vector<16xi32>,
        %add3A_678 = arith.addi %get3A_677, %get3A_664 : vector<16xi32>
        %swap3A_679 = arith.constant 400 : index
        %swap3A_680 = tpu.vector_load %arg9[%swap3A_679] {strides = array<i32>} : memref<512xi32, #tpu.memory_space<vmem>>, vector<16xi32>,
        tpu.vector_store %arg9[%swap3A_679], %add3A_678 {strides = array<i32>} : memref<512xi32, #tpu.memory_space<vmem>>, vector<16xi32>,
        %get3A_681 = arith.constant 3 : i32
        %get3A_682 = arith.index_cast %add3A_456 : i32 to index
        %get3A_683 = arith.index_cast %get3A_681 : i32 to index
        %get3A_684 = arith.constant 32 : index
        %get3A_685 = tpu.vector_load %arg6[%get3A_682, %get3A_683, %get3A_684] {strides = array<i32>} : memref<50x4x128xi32, #tpu.memory_space<vmem>>, vector<16xi32>,
        %add3A_686 = arith.addi %get3A_685, %get3A_664 : vector<16xi32>
        %swap3A_687 = arith.constant 416 : index
        %swap3A_688 = tpu.vector_load %arg9[%swap3A_687] {strides = array<i32>} : memref<512xi32, #tpu.memory_space<vmem>>, vector<16xi32>,
        tpu.vector_store %arg9[%swap3A_687], %add3A_686 {strides = array<i32>} : memref<512xi32, #tpu.memory_space<vmem>>, vector<16xi32>,
        %get3A_689 = arith.constant 3 : i32
        %get3A_690 = arith.index_cast %add3A_456 : i32 to index
        %get3A_691 = arith.index_cast %get3A_689 : i32 to index
        %get3A_692 = arith.constant 48 : index
        %get3A_693 = tpu.vector_load %arg6[%get3A_690, %get3A_691, %get3A_692] {strides = array<i32>} : memref<50x4x128xi32, #tpu.memory_space<vmem>>, vector<16xi32>,
        %add3A_694 = arith.addi %get3A_693, %get3A_664 : vector<16xi32>
        %swap3A_695 = arith.constant 432 : index
        %swap3A_696 = tpu.vector_load %arg9[%swap3A_695] {strides = array<i32>} : memref<512xi32, #tpu.memory_space<vmem>>, vector<16xi32>,
        tpu.vector_store %arg9[%swap3A_695], %add3A_694 {strides = array<i32>} : memref<512xi32, #tpu.memory_space<vmem>>, vector<16xi32>,
        %get3A_697 = arith.constant 3 : i32
        %get3A_698 = arith.index_cast %add3A_456 : i32 to index
        %get3A_699 = arith.index_cast %get3A_697 : i32 to index
        %get3A_700 = arith.constant 64 : index
        %get3A_701 = tpu.vector_load %arg6[%get3A_698, %get3A_699, %get3A_700] {strides = array<i32>} : memref<50x4x128xi32, #tpu.memory_space<vmem>>, vector<16xi32>,
        %add3A_702 = arith.addi %get3A_701, %get3A_664 : vector<16xi32>
        %swap3A_703 = arith.constant 448 : index
        %swap3A_704 = tpu.vector_load %arg9[%swap3A_703] {strides = array<i32>} : memref<512xi32, #tpu.memory_space<vmem>>, vector<16xi32>,
        tpu.vector_store %arg9[%swap3A_703], %add3A_702 {strides = array<i32>} : memref<512xi32, #tpu.memory_space<vmem>>, vector<16xi32>,
        %get3A_705 = arith.constant 3 : i32
        %get3A_706 = arith.index_cast %add3A_456 : i32 to index
        %get3A_707 = arith.index_cast %get3A_705 : i32 to index
        %get3A_708 = arith.constant 80 : index
        %get3A_709 = tpu.vector_load %arg6[%get3A_706, %get3A_707, %get3A_708] {strides = array<i32>} : memref<50x4x128xi32, #tpu.memory_space<vmem>>, vector<16xi32>,
        %add3A_710 = arith.addi %get3A_709, %get3A_664 : vector<16xi32>
        %swap3A_711 = arith.constant 464 : index
        %swap3A_712 = tpu.vector_load %arg9[%swap3A_711] {strides = array<i32>} : memref<512xi32, #tpu.memory_space<vmem>>, vector<16xi32>,
        tpu.vector_store %arg9[%swap3A_711], %add3A_710 {strides = array<i32>} : memref<512xi32, #tpu.memory_space<vmem>>, vector<16xi32>,
        %get3A_713 = arith.constant 3 : i32
        %get3A_714 = arith.index_cast %add3A_456 : i32 to index
        %get3A_715 = arith.index_cast %get3A_713 : i32 to index
        %get3A_716 = arith.constant 96 : index
        %get3A_717 = tpu.vector_load %arg6[%get3A_714, %get3A_715, %get3A_716] {strides = array<i32>} : memref<50x4x128xi32, #tpu.memory_space<vmem>>, vector<16xi32>,
        %add3A_718 = arith.addi %get3A_717, %get3A_664 : vector<16xi32>
        %swap3A_719 = arith.constant 480 : index
        %swap3A_720 = tpu.vector_load %arg9[%swap3A_719] {strides = array<i32>} : memref<512xi32, #tpu.memory_space<vmem>>, vector<16xi32>,
        tpu.vector_store %arg9[%swap3A_719], %add3A_718 {strides = array<i32>} : memref<512xi32, #tpu.memory_space<vmem>>, vector<16xi32>,
        %get3A_721 = arith.constant 3 : i32
        %get3A_722 = arith.index_cast %add3A_456 : i32 to index
        %get3A_723 = arith.index_cast %get3A_721 : i32 to index
        %get3A_724 = arith.constant 112 : index
        %get3A_725 = tpu.vector_load %arg6[%get3A_722, %get3A_723, %get3A_724] {strides = array<i32>} : memref<50x4x128xi32, #tpu.memory_space<vmem>>, vector<16xi32>,
        %add3A_726 = arith.addi %get3A_725, %get3A_664 : vector<16xi32>
        %swap3A_727 = arith.constant 496 : index
        %swap3A_728 = tpu.vector_load %arg9[%swap3A_727] {strides = array<i32>} : memref<512xi32, #tpu.memory_space<vmem>>, vector<16xi32>,
        tpu.vector_store %arg9[%swap3A_727], %add3A_726 {strides = array<i32>} : memref<512xi32, #tpu.memory_space<vmem>>, vector<16xi32>,
      } else {
      }
      %lt3A_386 = arith.constant 24 : i32
      %lt3A_387 = arith.cmpi slt, %scan3A_378, %lt3A_386 : i32
      %or3A_388 = arith.constant true
      %or3A_389 = arith.ori %lt3A_387, %or3A_388 : i1
      %convert_element_type3A_390 = arith.extui %or3A_389 : i1 to i32
      %cond3A_391 = arith.constant 0 : i32
      %cond3A_392 = arith.cmpi ne, %convert_element_type3A_390, %cond3A_391 : i32
      scf.if %cond3A_392 {
        %dma_start3A_455 = arith.constant 0 : i32
        %dma_start3A_456 = arith.constant 0 : i32
        %dma_start3A_457 = tpu.memref_slice %arg4[%dma_start3A_455, %dma_start3A_456] : memref<400122x32xf32, #tpu.memory_space<hbm>> -> memref<400122x32xf32, #tpu.memory_space<hbm>>
        tpu.enqueue_indirect_dma source(%dma_start3A_457 : memref<400122x32xf32, #tpu.memory_space<hbm>>) target(%arg11 : memref<512x32xf32, #tpu.memory_space<vmem>>) offsets(%arg9 : memref<512xi32, #tpu.memory_space<vmem>>) semaphore(%arg15 : memref<!tpu.dma_semaphore, #tpu.memory_space<semaphore_mem>>)
      } else {
      }
      %dma_wait3A_393 = arith.constant 0 : i32
      %dma_wait3A_394 = arith.constant 0 : i32
      %dma_wait3A_395 = tpu.memref_slice %arg4[%dma_wait3A_393, %dma_wait3A_394] : memref<400122x32xf32, #tpu.memory_space<hbm>> -> memref<400122x32xf32, #tpu.memory_space<hbm>>
      tpu.wait_indirect_dma semaphore(%arg15 : memref<!tpu.dma_semaphore, #tpu.memory_space<semaphore_mem>>) src(%dma_wait3A_395 : memref<400122x32xf32, #tpu.memory_space<hbm>>) dst(%arg10 : memref<512x32xf32, #tpu.memory_space<vmem>>)
      %gt3A = arith.constant 0 : i32
      %gt3A_396 = arith.cmpi sgt, %scan3A_378, %gt3A : i32
      %convert_element_type3A_397 = arith.extui %gt3A_396 : i1 to i32
      %cond3A_398 = arith.constant 0 : i32
      %cond3A_399 = arith.cmpi ne, %convert_element_type3A_397, %cond3A_398 : i32
      scf.if %cond3A_399 {
        %sub3A = arith.constant 2 : i32
        %sub3A_455 = arith.subi %add3A_382, %sub3A : i32
        %mul3A_456 = arith.constant 4 : i32
        %mul3A_457 = arith.muli %sub3A_455, %mul3A_456 : i32
        %dma_wait3A_458 = arith.constant 0 : i32
        %dma_wait3A_459 = arith.constant 0 : i32
        %dma_wait3A_460 = arith.constant 0 : i32
        %dma_wait3A_461 = tpu.memref_slice %arg5[%mul3A_457, %dma_wait3A_458, %add3A, %dma_wait3A_459, %dma_wait3A_460] : memref<200x4x32x8x128xf32, #tpu.memory_space<hbm>> -> memref<4x4x1x8x128xf32, #tpu.memory_space<hbm>>
        %dma_wait3A_462 = tpu.memref_squeeze %dma_wait3A_461 : memref<4x4x1x8x128xf32, #tpu.memory_space<hbm>> -> memref<4x4x8x128xf32, #tpu.memory_space<hbm>>
        %dma_wait3A_463 = arith.constant 0 : i32
        %dma_wait3A_464 = arith.constant 0 : i32
        %dma_wait3A_465 = arith.constant 0 : i32
        %dma_wait3A_466 = tpu.memref_slice %arg5[%mul3A_457, %dma_wait3A_463, %add3A, %dma_wait3A_464, %dma_wait3A_465] : memref<200x4x32x8x128xf32, #tpu.memory_space<hbm>> -> memref<4x4x1x8x128xf32, #tpu.memory_space<hbm>>
        %dma_wait3A_467 = tpu.memref_squeeze %dma_wait3A_466 : memref<4x4x1x8x128xf32, #tpu.memory_space<hbm>> -> memref<4x4x8x128xf32, #tpu.memory_space<hbm>>
        tpu.wait_dma2 semaphore(%arg16 : memref<!tpu.dma_semaphore, #tpu.memory_space<semaphore_mem>>) src(%arg12 : memref<4x4x8x128xf32, #tpu.memory_space<vmem>>) dst(%dma_wait3A_467 : memref<4x4x8x128xf32, #tpu.memory_space<hbm>>)
      } else {
      }
      %parallel_loop3A = arith.constant 0 : i32
      %parallel_loop3A_400 = arith.constant 32 : i32
      %parallel_loop3A_401 = arith.constant 1 : i32
      scf.for %parallel_loop3A_455 = %parallel_loop3A to %parallel_loop3A_400 step %parallel_loop3A_401  : i32 {
        %parallel_loop3A_456 = vector.broadcast %parallel_loop3A_455 : i32 to vector<16xi32>
        %parallel_loop3A_457 = arith.constant 8 : i32
        %parallel_loop3A_458 = arith.divsi %parallel_loop3A_455, %parallel_loop3A_457 : i32
        %parallel_loop3A_459 = arith.constant 0 : i32
        %parallel_loop3A_460 = arith.cmpi sgt, %parallel_loop3A_455, %parallel_loop3A_459 : i32
        %parallel_loop3A_461 = arith.extui %parallel_loop3A_460 : i1 to i32
        %parallel_loop3A_462 = arith.constant 0 : i32
        %parallel_loop3A_463 = arith.cmpi slt, %parallel_loop3A_455, %parallel_loop3A_462 : i32
        %parallel_loop3A_464 = arith.extui %parallel_loop3A_463 : i1 to i32
        %parallel_loop3A_465 = arith.subi %parallel_loop3A_461, %parallel_loop3A_464 : i32
        %parallel_loop3A_466 = arith.constant 0 : i32
        %parallel_loop3A_467 = arith.cmpi sgt, %parallel_loop3A_457, %parallel_loop3A_466 : i32
        %parallel_loop3A_468 = arith.extui %parallel_loop3A_467 : i1 to i32
        %parallel_loop3A_469 = arith.constant 0 : i32
        %parallel_loop3A_470 = arith.cmpi slt, %parallel_loop3A_457, %parallel_loop3A_469 : i32
        %parallel_loop3A_471 = arith.extui %parallel_loop3A_470 : i1 to i32
        %parallel_loop3A_472 = arith.subi %parallel_loop3A_468, %parallel_loop3A_471 : i32
        %parallel_loop3A_473 = arith.cmpi ne, %parallel_loop3A_465, %parallel_loop3A_472 : i32
        %parallel_loop3A_474 = arith.remsi %parallel_loop3A_455, %parallel_loop3A_457 : i32
        %parallel_loop3A_475 = arith.constant 0 : i32
        %parallel_loop3A_476 = arith.cmpi ne, %parallel_loop3A_474, %parallel_loop3A_475 : i32
        %parallel_loop3A_477 = arith.andi %parallel_loop3A_473, %parallel_loop3A_476 : i1
        %parallel_loop3A_478 = arith.constant 1 : i32
        %parallel_loop3A_479 = arith.subi %parallel_loop3A_458, %parallel_loop3A_478 : i32
        %parallel_loop3A_480 = arith.select %parallel_loop3A_477, %parallel_loop3A_479, %parallel_loop3A_458 : i32
        %parallel_loop3A_481 = arith.constant 8 : i32
        %parallel_loop3A_482 = arith.constant 0 : i32
        %parallel_loop3A_483 = arith.cmpi eq, %parallel_loop3A_481, %parallel_loop3A_482 : i32
        %parallel_loop3A_484 = arith.constant 1 : i32
        %parallel_loop3A_485 = arith.select %parallel_loop3A_483, %parallel_loop3A_484, %parallel_loop3A_481 : i32
        %parallel_loop3A_486 = arith.remsi %parallel_loop3A_455, %parallel_loop3A_485 : i32
        %parallel_loop3A_487 = arith.constant 0 : i32
        %parallel_loop3A_488 = arith.cmpi ne, %parallel_loop3A_486, %parallel_loop3A_487 : i32
        %parallel_loop3A_489 = arith.constant 0 : i32
        %parallel_loop3A_490 = arith.cmpi slt, %parallel_loop3A_486, %parallel_loop3A_489 : i32
        %parallel_loop3A_491 = arith.constant 0 : i32
        %parallel_loop3A_492 = arith.cmpi slt, %parallel_loop3A_485, %parallel_loop3A_491 : i32
        %parallel_loop3A_493 = arith.xori %parallel_loop3A_490, %parallel_loop3A_492 : i1
        %parallel_loop3A_494 = arith.andi %parallel_loop3A_493, %parallel_loop3A_488 : i1
        %parallel_loop3A_495 = arith.addi %parallel_loop3A_486, %parallel_loop3A_485 : i32
        %parallel_loop3A_496 = arith.select %parallel_loop3A_494, %parallel_loop3A_495, %parallel_loop3A_486 : i32
        %parallel_loop3A_497 = arith.constant 0 : i32
        %parallel_loop3A_498 = vector.broadcast %parallel_loop3A_497 : i32 to vector<16xi32>
        %parallel_loop3A_499 = arith.addi %add3A_21, %parallel_loop3A_498 : vector<16xi32>
        %parallel_loop3A_500 = tpu.vector_load_idx %arg10[%parallel_loop3A_499, %parallel_loop3A_456] : memref<512x32xf32, #tpu.memory_space<vmem>>[vector<16xi32>, vector<16xi32>], vector<16xf32>,
        %parallel_loop3A_501 = arith.constant 0 : i32
        %parallel_loop3A_502 = arith.index_cast %parallel_loop3A_501 : i32 to index
        %parallel_loop3A_503 = arith.index_cast %parallel_loop3A_480 : i32 to index
        %parallel_loop3A_504 = arith.index_cast %parallel_loop3A_496 : i32 to index
        %parallel_loop3A_505 = arith.constant 0 : index
        %parallel_loop3A_506 = tpu.vector_load %arg12[%parallel_loop3A_502, %parallel_loop3A_503, %parallel_loop3A_504, %parallel_loop3A_505] {strides = array<i32>} : memref<4x4x8x128xf32, #tpu.memory_space<vmem>>, vector<16xf32>,
        tpu.vector_store %arg12[%parallel_loop3A_502, %parallel_loop3A_503, %parallel_loop3A_504, %parallel_loop3A_505], %parallel_loop3A_500 {strides = array<i32>} : memref<4x4x8x128xf32, #tpu.memory_space<vmem>>, vector<16xf32>,
        %parallel_loop3A_507 = arith.constant 0 : i32
        %parallel_loop3A_508 = vector.broadcast %parallel_loop3A_507 : i32 to vector<16xi32>
        %parallel_loop3A_509 = arith.addi %add3A_24, %parallel_loop3A_508 : vector<16xi32>
        %parallel_loop3A_510 = tpu.vector_load_idx %arg10[%parallel_loop3A_509, %parallel_loop3A_456] : memref<512x32xf32, #tpu.memory_space<vmem>>[vector<16xi32>, vector<16xi32>], vector<16xf32>,
        %parallel_loop3A_511 = arith.constant 0 : i32
        %parallel_loop3A_512 = arith.index_cast %parallel_loop3A_511 : i32 to index
        %parallel_loop3A_513 = arith.index_cast %parallel_loop3A_480 : i32 to index
        %parallel_loop3A_514 = arith.index_cast %parallel_loop3A_496 : i32 to index
        %parallel_loop3A_515 = arith.constant 16 : index
        %parallel_loop3A_516 = tpu.vector_load %arg12[%parallel_loop3A_512, %parallel_loop3A_513, %parallel_loop3A_514, %parallel_loop3A_515] {strides = array<i32>} : memref<4x4x8x128xf32, #tpu.memory_space<vmem>>, vector<16xf32>,
        tpu.vector_store %arg12[%parallel_loop3A_512, %parallel_loop3A_513, %parallel_loop3A_514, %parallel_loop3A_515], %parallel_loop3A_510 {strides = array<i32>} : memref<4x4x8x128xf32, #tpu.memory_space<vmem>>, vector<16xf32>,
        %parallel_loop3A_517 = arith.constant 0 : i32
        %parallel_loop3A_518 = vector.broadcast %parallel_loop3A_517 : i32 to vector<16xi32>
        %parallel_loop3A_519 = arith.addi %add3A_27, %parallel_loop3A_518 : vector<16xi32>
        %parallel_loop3A_520 = tpu.vector_load_idx %arg10[%parallel_loop3A_519, %parallel_loop3A_456] : memref<512x32xf32, #tpu.memory_space<vmem>>[vector<16xi32>, vector<16xi32>], vector<16xf32>,
        %parallel_loop3A_521 = arith.constant 0 : i32
        %parallel_loop3A_522 = arith.index_cast %parallel_loop3A_521 : i32 to index
        %parallel_loop3A_523 = arith.index_cast %parallel_loop3A_480 : i32 to index
        %parallel_loop3A_524 = arith.index_cast %parallel_loop3A_496 : i32 to index
        %parallel_loop3A_525 = arith.constant 32 : index
        %parallel_loop3A_526 = tpu.vector_load %arg12[%parallel_loop3A_522, %parallel_loop3A_523, %parallel_loop3A_524, %parallel_loop3A_525] {strides = array<i32>} : memref<4x4x8x128xf32, #tpu.memory_space<vmem>>, vector<16xf32>,
        tpu.vector_store %arg12[%parallel_loop3A_522, %parallel_loop3A_523, %parallel_loop3A_524, %parallel_loop3A_525], %parallel_loop3A_520 {strides = array<i32>} : memref<4x4x8x128xf32, #tpu.memory_space<vmem>>, vector<16xf32>,
        %parallel_loop3A_527 = arith.constant 0 : i32
        %parallel_loop3A_528 = vector.broadcast %parallel_loop3A_527 : i32 to vector<16xi32>
        %parallel_loop3A_529 = arith.addi %add3A_30, %parallel_loop3A_528 : vector<16xi32>
        %parallel_loop3A_530 = tpu.vector_load_idx %arg10[%parallel_loop3A_529, %parallel_loop3A_456] : memref<512x32xf32, #tpu.memory_space<vmem>>[vector<16xi32>, vector<16xi32>], vector<16xf32>,
        %parallel_loop3A_531 = arith.constant 0 : i32
        %parallel_loop3A_532 = arith.index_cast %parallel_loop3A_531 : i32 to index
        %parallel_loop3A_533 = arith.index_cast %parallel_loop3A_480 : i32 to index
        %parallel_loop3A_534 = arith.index_cast %parallel_loop3A_496 : i32 to index
        %parallel_loop3A_535 = arith.constant 48 : index
        %parallel_loop3A_536 = tpu.vector_load %arg12[%parallel_loop3A_532, %parallel_loop3A_533, %parallel_loop3A_534, %parallel_loop3A_535] {strides = array<i32>} : memref<4x4x8x128xf32, #tpu.memory_space<vmem>>, vector<16xf32>,
        tpu.vector_store %arg12[%parallel_loop3A_532, %parallel_loop3A_533, %parallel_loop3A_534, %parallel_loop3A_535], %parallel_loop3A_530 {strides = array<i32>} : memref<4x4x8x128xf32, #tpu.memory_space<vmem>>, vector<16xf32>,
        %parallel_loop3A_537 = arith.constant 0 : i32
        %parallel_loop3A_538 = vector.broadcast %parallel_loop3A_537 : i32 to vector<16xi32>
        %parallel_loop3A_539 = arith.addi %add3A_33, %parallel_loop3A_538 : vector<16xi32>
        %parallel_loop3A_540 = tpu.vector_load_idx %arg10[%parallel_loop3A_539, %parallel_loop3A_456] : memref<512x32xf32, #tpu.memory_space<vmem>>[vector<16xi32>, vector<16xi32>], vector<16xf32>,
        %parallel_loop3A_541 = arith.constant 0 : i32
        %parallel_loop3A_542 = arith.index_cast %parallel_loop3A_541 : i32 to index
        %parallel_loop3A_543 = arith.index_cast %parallel_loop3A_480 : i32 to index
        %parallel_loop3A_544 = arith.index_cast %parallel_loop3A_496 : i32 to index
        %parallel_loop3A_545 = arith.constant 64 : index
        %parallel_loop3A_546 = tpu.vector_load %arg12[%parallel_loop3A_542, %parallel_loop3A_543, %parallel_loop3A_544, %parallel_loop3A_545] {strides = array<i32>} : memref<4x4x8x128xf32, #tpu.memory_space<vmem>>, vector<16xf32>,
        tpu.vector_store %arg12[%parallel_loop3A_542, %parallel_loop3A_543, %parallel_loop3A_544, %parallel_loop3A_545], %parallel_loop3A_540 {strides = array<i32>} : memref<4x4x8x128xf32, #tpu.memory_space<vmem>>, vector<16xf32>,
        %parallel_loop3A_547 = arith.constant 0 : i32
        %parallel_loop3A_548 = vector.broadcast %parallel_loop3A_547 : i32 to vector<16xi32>
        %parallel_loop3A_549 = arith.addi %add3A_36, %parallel_loop3A_548 : vector<16xi32>
        %parallel_loop3A_550 = tpu.vector_load_idx %arg10[%parallel_loop3A_549, %parallel_loop3A_456] : memref<512x32xf32, #tpu.memory_space<vmem>>[vector<16xi32>, vector<16xi32>], vector<16xf32>,
        %parallel_loop3A_551 = arith.constant 0 : i32
        %parallel_loop3A_552 = arith.index_cast %parallel_loop3A_551 : i32 to index
        %parallel_loop3A_553 = arith.index_cast %parallel_loop3A_480 : i32 to index
        %parallel_loop3A_554 = arith.index_cast %parallel_loop3A_496 : i32 to index
        %parallel_loop3A_555 = arith.constant 80 : index
        %parallel_loop3A_556 = tpu.vector_load %arg12[%parallel_loop3A_552, %parallel_loop3A_553, %parallel_loop3A_554, %parallel_loop3A_555] {strides = array<i32>} : memref<4x4x8x128xf32, #tpu.memory_space<vmem>>, vector<16xf32>,
        tpu.vector_store %arg12[%parallel_loop3A_552, %parallel_loop3A_553, %parallel_loop3A_554, %parallel_loop3A_555], %parallel_loop3A_550 {strides = array<i32>} : memref<4x4x8x128xf32, #tpu.memory_space<vmem>>, vector<16xf32>,
        %parallel_loop3A_557 = arith.constant 0 : i32
        %parallel_loop3A_558 = vector.broadcast %parallel_loop3A_557 : i32 to vector<16xi32>
        %parallel_loop3A_559 = arith.addi %add3A_39, %parallel_loop3A_558 : vector<16xi32>
        %parallel_loop3A_560 = tpu.vector_load_idx %arg10[%parallel_loop3A_559, %parallel_loop3A_456] : memref<512x32xf32, #tpu.memory_space<vmem>>[vector<16xi32>, vector<16xi32>], vector<16xf32>,
        %parallel_loop3A_561 = arith.constant 0 : i32
        %parallel_loop3A_562 = arith.index_cast %parallel_loop3A_561 : i32 to index
        %parallel_loop3A_563 = arith.index_cast %parallel_loop3A_480 : i32 to index
        %parallel_loop3A_564 = arith.index_cast %parallel_loop3A_496 : i32 to index
        %parallel_loop3A_565 = arith.constant 96 : index
        %parallel_loop3A_566 = tpu.vector_load %arg12[%parallel_loop3A_562, %parallel_loop3A_563, %parallel_loop3A_564, %parallel_loop3A_565] {strides = array<i32>} : memref<4x4x8x128xf32, #tpu.memory_space<vmem>>, vector<16xf32>,
        tpu.vector_store %arg12[%parallel_loop3A_562, %parallel_loop3A_563, %parallel_loop3A_564, %parallel_loop3A_565], %parallel_loop3A_560 {strides = array<i32>} : memref<4x4x8x128xf32, #tpu.memory_space<vmem>>, vector<16xf32>,
        %parallel_loop3A_567 = arith.constant 0 : i32
        %parallel_loop3A_568 = vector.broadcast %parallel_loop3A_567 : i32 to vector<16xi32>
        %parallel_loop3A_569 = arith.addi %add3A_42, %parallel_loop3A_568 : vector<16xi32>
        %parallel_loop3A_570 = tpu.vector_load_idx %arg10[%parallel_loop3A_569, %parallel_loop3A_456] : memref<512x32xf32, #tpu.memory_space<vmem>>[vector<16xi32>, vector<16xi32>], vector<16xf32>,
        %parallel_loop3A_571 = arith.constant 0 : i32
        %parallel_loop3A_572 = arith.index_cast %parallel_loop3A_571 : i32 to index
        %parallel_loop3A_573 = arith.index_cast %parallel_loop3A_480 : i32 to index
        %parallel_loop3A_574 = arith.index_cast %parallel_loop3A_496 : i32 to index
        %parallel_loop3A_575 = arith.constant 112 : index
        %parallel_loop3A_576 = tpu.vector_load %arg12[%parallel_loop3A_572, %parallel_loop3A_573, %parallel_loop3A_574, %parallel_loop3A_575] {strides = array<i32>} : memref<4x4x8x128xf32, #tpu.memory_space<vmem>>, vector<16xf32>,
        tpu.vector_store %arg12[%parallel_loop3A_572, %parallel_loop3A_573, %parallel_loop3A_574, %parallel_loop3A_575], %parallel_loop3A_570 {strides = array<i32>} : memref<4x4x8x128xf32, #tpu.memory_space<vmem>>, vector<16xf32>,
        %parallel_loop3A_577 = arith.constant 128 : i32
        %parallel_loop3A_578 = vector.broadcast %parallel_loop3A_577 : i32 to vector<16xi32>
        %parallel_loop3A_579 = arith.addi %add3A_21, %parallel_loop3A_578 : vector<16xi32>
        %parallel_loop3A_580 = tpu.vector_load_idx %arg10[%parallel_loop3A_579, %parallel_loop3A_456] : memref<512x32xf32, #tpu.memory_space<vmem>>[vector<16xi32>, vector<16xi32>], vector<16xf32>,
        %parallel_loop3A_581 = arith.constant 1 : i32
        %parallel_loop3A_582 = arith.index_cast %parallel_loop3A_581 : i32 to index
        %parallel_loop3A_583 = arith.index_cast %parallel_loop3A_480 : i32 to index
        %parallel_loop3A_584 = arith.index_cast %parallel_loop3A_496 : i32 to index
        %parallel_loop3A_585 = arith.constant 0 : index
        %parallel_loop3A_586 = tpu.vector_load %arg12[%parallel_loop3A_582, %parallel_loop3A_583, %parallel_loop3A_584, %parallel_loop3A_585] {strides = array<i32>} : memref<4x4x8x128xf32, #tpu.memory_space<vmem>>, vector<16xf32>,
        tpu.vector_store %arg12[%parallel_loop3A_582, %parallel_loop3A_583, %parallel_loop3A_584, %parallel_loop3A_585], %parallel_loop3A_580 {strides = array<i32>} : memref<4x4x8x128xf32, #tpu.memory_space<vmem>>, vector<16xf32>,
        %parallel_loop3A_587 = arith.constant 128 : i32
        %parallel_loop3A_588 = vector.broadcast %parallel_loop3A_587 : i32 to vector<16xi32>
        %parallel_loop3A_589 = arith.addi %add3A_24, %parallel_loop3A_588 : vector<16xi32>
        %parallel_loop3A_590 = tpu.vector_load_idx %arg10[%parallel_loop3A_589, %parallel_loop3A_456] : memref<512x32xf32, #tpu.memory_space<vmem>>[vector<16xi32>, vector<16xi32>], vector<16xf32>,
        %parallel_loop3A_591 = arith.constant 1 : i32
        %parallel_loop3A_592 = arith.index_cast %parallel_loop3A_591 : i32 to index
        %parallel_loop3A_593 = arith.index_cast %parallel_loop3A_480 : i32 to index
        %parallel_loop3A_594 = arith.index_cast %parallel_loop3A_496 : i32 to index
        %parallel_loop3A_595 = arith.constant 16 : index
        %parallel_loop3A_596 = tpu.vector_load %arg12[%parallel_loop3A_592, %parallel_loop3A_593, %parallel_loop3A_594, %parallel_loop3A_595] {strides = array<i32>} : memref<4x4x8x128xf32, #tpu.memory_space<vmem>>, vector<16xf32>,
        tpu.vector_store %arg12[%parallel_loop3A_592, %parallel_loop3A_593, %parallel_loop3A_594, %parallel_loop3A_595], %parallel_loop3A_590 {strides = array<i32>} : memref<4x4x8x128xf32, #tpu.memory_space<vmem>>, vector<16xf32>,
        %parallel_loop3A_597 = arith.constant 128 : i32
        %parallel_loop3A_598 = vector.broadcast %parallel_loop3A_597 : i32 to vector<16xi32>
        %parallel_loop3A_599 = arith.addi %add3A_27, %parallel_loop3A_598 : vector<16xi32>
        %parallel_loop3A_600 = tpu.vector_load_idx %arg10[%parallel_loop3A_599, %parallel_loop3A_456] : memref<512x32xf32, #tpu.memory_space<vmem>>[vector<16xi32>, vector<16xi32>], vector<16xf32>,
        %parallel_loop3A_601 = arith.constant 1 : i32
        %parallel_loop3A_602 = arith.index_cast %parallel_loop3A_601 : i32 to index
        %parallel_loop3A_603 = arith.index_cast %parallel_loop3A_480 : i32 to index
        %parallel_loop3A_604 = arith.index_cast %parallel_loop3A_496 : i32 to index
        %parallel_loop3A_605 = arith.constant 32 : index
        %parallel_loop3A_606 = tpu.vector_load %arg12[%parallel_loop3A_602, %parallel_loop3A_603, %parallel_loop3A_604, %parallel_loop3A_605] {strides = array<i32>} : memref<4x4x8x128xf32, #tpu.memory_space<vmem>>, vector<16xf32>,
        tpu.vector_store %arg12[%parallel_loop3A_602, %parallel_loop3A_603, %parallel_loop3A_604, %parallel_loop3A_605], %parallel_loop3A_600 {strides = array<i32>} : memref<4x4x8x128xf32, #tpu.memory_space<vmem>>, vector<16xf32>,
        %parallel_loop3A_607 = arith.constant 128 : i32
        %parallel_loop3A_608 = vector.broadcast %parallel_loop3A_607 : i32 to vector<16xi32>
        %parallel_loop3A_609 = arith.addi %add3A_30, %parallel_loop3A_608 : vector<16xi32>
        %parallel_loop3A_610 = tpu.vector_load_idx %arg10[%parallel_loop3A_609, %parallel_loop3A_456] : memref<512x32xf32, #tpu.memory_space<vmem>>[vector<16xi32>, vector<16xi32>], vector<16xf32>,
        %parallel_loop3A_611 = arith.constant 1 : i32
        %parallel_loop3A_612 = arith.index_cast %parallel_loop3A_611 : i32 to index
        %parallel_loop3A_613 = arith.index_cast %parallel_loop3A_480 : i32 to index
        %parallel_loop3A_614 = arith.index_cast %parallel_loop3A_496 : i32 to index
        %parallel_loop3A_615 = arith.constant 48 : index
        %parallel_loop3A_616 = tpu.vector_load %arg12[%parallel_loop3A_612, %parallel_loop3A_613, %parallel_loop3A_614, %parallel_loop3A_615] {strides = array<i32>} : memref<4x4x8x128xf32, #tpu.memory_space<vmem>>, vector<16xf32>,
        tpu.vector_store %arg12[%parallel_loop3A_612, %parallel_loop3A_613, %parallel_loop3A_614, %parallel_loop3A_615], %parallel_loop3A_610 {strides = array<i32>} : memref<4x4x8x128xf32, #tpu.memory_space<vmem>>, vector<16xf32>,
        %parallel_loop3A_617 = arith.constant 128 : i32
        %parallel_loop3A_618 = vector.broadcast %parallel_loop3A_617 : i32 to vector<16xi32>
        %parallel_loop3A_619 = arith.addi %add3A_33, %parallel_loop3A_618 : vector<16xi32>
        %parallel_loop3A_620 = tpu.vector_load_idx %arg10[%parallel_loop3A_619, %parallel_loop3A_456] : memref<512x32xf32, #tpu.memory_space<vmem>>[vector<16xi32>, vector<16xi32>], vector<16xf32>,
        %parallel_loop3A_621 = arith.constant 1 : i32
        %parallel_loop3A_622 = arith.index_cast %parallel_loop3A_621 : i32 to index
        %parallel_loop3A_623 = arith.index_cast %parallel_loop3A_480 : i32 to index
        %parallel_loop3A_624 = arith.index_cast %parallel_loop3A_496 : i32 to index
        %parallel_loop3A_625 = arith.constant 64 : index
        %parallel_loop3A_626 = tpu.vector_load %arg12[%parallel_loop3A_622, %parallel_loop3A_623, %parallel_loop3A_624, %parallel_loop3A_625] {strides = array<i32>} : memref<4x4x8x128xf32, #tpu.memory_space<vmem>>, vector<16xf32>,
        tpu.vector_store %arg12[%parallel_loop3A_622, %parallel_loop3A_623, %parallel_loop3A_624, %parallel_loop3A_625], %parallel_loop3A_620 {strides = array<i32>} : memref<4x4x8x128xf32, #tpu.memory_space<vmem>>, vector<16xf32>,
        %parallel_loop3A_627 = arith.constant 128 : i32
        %parallel_loop3A_628 = vector.broadcast %parallel_loop3A_627 : i32 to vector<16xi32>
        %parallel_loop3A_629 = arith.addi %add3A_36, %parallel_loop3A_628 : vector<16xi32>
        %parallel_loop3A_630 = tpu.vector_load_idx %arg10[%parallel_loop3A_629, %parallel_loop3A_456] : memref<512x32xf32, #tpu.memory_space<vmem>>[vector<16xi32>, vector<16xi32>], vector<16xf32>,
        %parallel_loop3A_631 = arith.constant 1 : i32
        %parallel_loop3A_632 = arith.index_cast %parallel_loop3A_631 : i32 to index
        %parallel_loop3A_633 = arith.index_cast %parallel_loop3A_480 : i32 to index
        %parallel_loop3A_634 = arith.index_cast %parallel_loop3A_496 : i32 to index
        %parallel_loop3A_635 = arith.constant 80 : index
        %parallel_loop3A_636 = tpu.vector_load %arg12[%parallel_loop3A_632, %parallel_loop3A_633, %parallel_loop3A_634, %parallel_loop3A_635] {strides = array<i32>} : memref<4x4x8x128xf32, #tpu.memory_space<vmem>>, vector<16xf32>,
        tpu.vector_store %arg12[%parallel_loop3A_632, %parallel_loop3A_633, %parallel_loop3A_634, %parallel_loop3A_635], %parallel_loop3A_630 {strides = array<i32>} : memref<4x4x8x128xf32, #tpu.memory_space<vmem>>, vector<16xf32>,
        %parallel_loop3A_637 = arith.constant 128 : i32
        %parallel_loop3A_638 = vector.broadcast %parallel_loop3A_637 : i32 to vector<16xi32>
        %parallel_loop3A_639 = arith.addi %add3A_39, %parallel_loop3A_638 : vector<16xi32>
        %parallel_loop3A_640 = tpu.vector_load_idx %arg10[%parallel_loop3A_639, %parallel_loop3A_456] : memref<512x32xf32, #tpu.memory_space<vmem>>[vector<16xi32>, vector<16xi32>], vector<16xf32>,
        %parallel_loop3A_641 = arith.constant 1 : i32
        %parallel_loop3A_642 = arith.index_cast %parallel_loop3A_641 : i32 to index
        %parallel_loop3A_643 = arith.index_cast %parallel_loop3A_480 : i32 to index
        %parallel_loop3A_644 = arith.index_cast %parallel_loop3A_496 : i32 to index
        %parallel_loop3A_645 = arith.constant 96 : index
        %parallel_loop3A_646 = tpu.vector_load %arg12[%parallel_loop3A_642, %parallel_loop3A_643, %parallel_loop3A_644, %parallel_loop3A_645] {strides = array<i32>} : memref<4x4x8x128xf32, #tpu.memory_space<vmem>>, vector<16xf32>,
        tpu.vector_store %arg12[%parallel_loop3A_642, %parallel_loop3A_643, %parallel_loop3A_644, %parallel_loop3A_645], %parallel_loop3A_640 {strides = array<i32>} : memref<4x4x8x128xf32, #tpu.memory_space<vmem>>, vector<16xf32>,
        %parallel_loop3A_647 = arith.constant 128 : i32
        %parallel_loop3A_648 = vector.broadcast %parallel_loop3A_647 : i32 to vector<16xi32>
        %parallel_loop3A_649 = arith.addi %add3A_42, %parallel_loop3A_648 : vector<16xi32>
        %parallel_loop3A_650 = tpu.vector_load_idx %arg10[%parallel_loop3A_649, %parallel_loop3A_456] : memref<512x32xf32, #tpu.memory_space<vmem>>[vector<16xi32>, vector<16xi32>], vector<16xf32>,
        %parallel_loop3A_651 = arith.constant 1 : i32
        %parallel_loop3A_652 = arith.index_cast %parallel_loop3A_651 : i32 to index
        %parallel_loop3A_653 = arith.index_cast %parallel_loop3A_480 : i32 to index
        %parallel_loop3A_654 = arith.index_cast %parallel_loop3A_496 : i32 to index
        %parallel_loop3A_655 = arith.constant 112 : index
        %parallel_loop3A_656 = tpu.vector_load %arg12[%parallel_loop3A_652, %parallel_loop3A_653, %parallel_loop3A_654, %parallel_loop3A_655] {strides = array<i32>} : memref<4x4x8x128xf32, #tpu.memory_space<vmem>>, vector<16xf32>,
        tpu.vector_store %arg12[%parallel_loop3A_652, %parallel_loop3A_653, %parallel_loop3A_654, %parallel_loop3A_655], %parallel_loop3A_650 {strides = array<i32>} : memref<4x4x8x128xf32, #tpu.memory_space<vmem>>, vector<16xf32>,
        %parallel_loop3A_657 = arith.constant 256 : i32
        %parallel_loop3A_658 = vector.broadcast %parallel_loop3A_657 : i32 to vector<16xi32>
        %parallel_loop3A_659 = arith.addi %add3A_21, %parallel_loop3A_658 : vector<16xi32>
        %parallel_loop3A_660 = tpu.vector_load_idx %arg10[%parallel_loop3A_659, %parallel_loop3A_456] : memref<512x32xf32, #tpu.memory_space<vmem>>[vector<16xi32>, vector<16xi32>], vector<16xf32>,
        %parallel_loop3A_661 = arith.constant 2 : i32
        %parallel_loop3A_662 = arith.index_cast %parallel_loop3A_661 : i32 to index
        %parallel_loop3A_663 = arith.index_cast %parallel_loop3A_480 : i32 to index
        %parallel_loop3A_664 = arith.index_cast %parallel_loop3A_496 : i32 to index
        %parallel_loop3A_665 = arith.constant 0 : index
        %parallel_loop3A_666 = tpu.vector_load %arg12[%parallel_loop3A_662, %parallel_loop3A_663, %parallel_loop3A_664, %parallel_loop3A_665] {strides = array<i32>} : memref<4x4x8x128xf32, #tpu.memory_space<vmem>>, vector<16xf32>,
        tpu.vector_store %arg12[%parallel_loop3A_662, %parallel_loop3A_663, %parallel_loop3A_664, %parallel_loop3A_665], %parallel_loop3A_660 {strides = array<i32>} : memref<4x4x8x128xf32, #tpu.memory_space<vmem>>, vector<16xf32>,
        %parallel_loop3A_667 = arith.constant 256 : i32
        %parallel_loop3A_668 = vector.broadcast %parallel_loop3A_667 : i32 to vector<16xi32>
        %parallel_loop3A_669 = arith.addi %add3A_24, %parallel_loop3A_668 : vector<16xi32>
        %parallel_loop3A_670 = tpu.vector_load_idx %arg10[%parallel_loop3A_669, %parallel_loop3A_456] : memref<512x32xf32, #tpu.memory_space<vmem>>[vector<16xi32>, vector<16xi32>], vector<16xf32>,
        %parallel_loop3A_671 = arith.constant 2 : i32
        %parallel_loop3A_672 = arith.index_cast %parallel_loop3A_671 : i32 to index
        %parallel_loop3A_673 = arith.index_cast %parallel_loop3A_480 : i32 to index
        %parallel_loop3A_674 = arith.index_cast %parallel_loop3A_496 : i32 to index
        %parallel_loop3A_675 = arith.constant 16 : index
        %parallel_loop3A_676 = tpu.vector_load %arg12[%parallel_loop3A_672, %parallel_loop3A_673, %parallel_loop3A_674, %parallel_loop3A_675] {strides = array<i32>} : memref<4x4x8x128xf32, #tpu.memory_space<vmem>>, vector<16xf32>,
        tpu.vector_store %arg12[%parallel_loop3A_672, %parallel_loop3A_673, %parallel_loop3A_674, %parallel_loop3A_675], %parallel_loop3A_670 {strides = array<i32>} : memref<4x4x8x128xf32, #tpu.memory_space<vmem>>, vector<16xf32>,
        %parallel_loop3A_677 = arith.constant 256 : i32
        %parallel_loop3A_678 = vector.broadcast %parallel_loop3A_677 : i32 to vector<16xi32>
        %parallel_loop3A_679 = arith.addi %add3A_27, %parallel_loop3A_678 : vector<16xi32>
        %parallel_loop3A_680 = tpu.vector_load_idx %arg10[%parallel_loop3A_679, %parallel_loop3A_456] : memref<512x32xf32, #tpu.memory_space<vmem>>[vector<16xi32>, vector<16xi32>], vector<16xf32>,
        %parallel_loop3A_681 = arith.constant 2 : i32
        %parallel_loop3A_682 = arith.index_cast %parallel_loop3A_681 : i32 to index
        %parallel_loop3A_683 = arith.index_cast %parallel_loop3A_480 : i32 to index
        %parallel_loop3A_684 = arith.index_cast %parallel_loop3A_496 : i32 to index
        %parallel_loop3A_685 = arith.constant 32 : index
        %parallel_loop3A_686 = tpu.vector_load %arg12[%parallel_loop3A_682, %parallel_loop3A_683, %parallel_loop3A_684, %parallel_loop3A_685] {strides = array<i32>} : memref<4x4x8x128xf32, #tpu.memory_space<vmem>>, vector<16xf32>,
        tpu.vector_store %arg12[%parallel_loop3A_682, %parallel_loop3A_683, %parallel_loop3A_684, %parallel_loop3A_685], %parallel_loop3A_680 {strides = array<i32>} : memref<4x4x8x128xf32, #tpu.memory_space<vmem>>, vector<16xf32>,
        %parallel_loop3A_687 = arith.constant 256 : i32
        %parallel_loop3A_688 = vector.broadcast %parallel_loop3A_687 : i32 to vector<16xi32>
        %parallel_loop3A_689 = arith.addi %add3A_30, %parallel_loop3A_688 : vector<16xi32>
        %parallel_loop3A_690 = tpu.vector_load_idx %arg10[%parallel_loop3A_689, %parallel_loop3A_456] : memref<512x32xf32, #tpu.memory_space<vmem>>[vector<16xi32>, vector<16xi32>], vector<16xf32>,
        %parallel_loop3A_691 = arith.constant 2 : i32
        %parallel_loop3A_692 = arith.index_cast %parallel_loop3A_691 : i32 to index
        %parallel_loop3A_693 = arith.index_cast %parallel_loop3A_480 : i32 to index
        %parallel_loop3A_694 = arith.index_cast %parallel_loop3A_496 : i32 to index
        %parallel_loop3A_695 = arith.constant 48 : index
        %parallel_loop3A_696 = tpu.vector_load %arg12[%parallel_loop3A_692, %parallel_loop3A_693, %parallel_loop3A_694, %parallel_loop3A_695] {strides = array<i32>} : memref<4x4x8x128xf32, #tpu.memory_space<vmem>>, vector<16xf32>,
        tpu.vector_store %arg12[%parallel_loop3A_692, %parallel_loop3A_693, %parallel_loop3A_694, %parallel_loop3A_695], %parallel_loop3A_690 {strides = array<i32>} : memref<4x4x8x128xf32, #tpu.memory_space<vmem>>, vector<16xf32>,
        %parallel_loop3A_697 = arith.constant 256 : i32
        %parallel_loop3A_698 = vector.broadcast %parallel_loop3A_697 : i32 to vector<16xi32>
        %parallel_loop3A_699 = arith.addi %add3A_33, %parallel_loop3A_698 : vector<16xi32>
        %parallel_loop3A_700 = tpu.vector_load_idx %arg10[%parallel_loop3A_699, %parallel_loop3A_456] : memref<512x32xf32, #tpu.memory_space<vmem>>[vector<16xi32>, vector<16xi32>], vector<16xf32>,
        %parallel_loop3A_701 = arith.constant 2 : i32
        %parallel_loop3A_702 = arith.index_cast %parallel_loop3A_701 : i32 to index
        %parallel_loop3A_703 = arith.index_cast %parallel_loop3A_480 : i32 to index
        %parallel_loop3A_704 = arith.index_cast %parallel_loop3A_496 : i32 to index
        %parallel_loop3A_705 = arith.constant 64 : index
        %parallel_loop3A_706 = tpu.vector_load %arg12[%parallel_loop3A_702, %parallel_loop3A_703, %parallel_loop3A_704, %parallel_loop3A_705] {strides = array<i32>} : memref<4x4x8x128xf32, #tpu.memory_space<vmem>>, vector<16xf32>,
        tpu.vector_store %arg12[%parallel_loop3A_702, %parallel_loop3A_703, %parallel_loop3A_704, %parallel_loop3A_705], %parallel_loop3A_700 {strides = array<i32>} : memref<4x4x8x128xf32, #tpu.memory_space<vmem>>, vector<16xf32>,
        %parallel_loop3A_707 = arith.constant 256 : i32
        %parallel_loop3A_708 = vector.broadcast %parallel_loop3A_707 : i32 to vector<16xi32>
        %parallel_loop3A_709 = arith.addi %add3A_36, %parallel_loop3A_708 : vector<16xi32>
        %parallel_loop3A_710 = tpu.vector_load_idx %arg10[%parallel_loop3A_709, %parallel_loop3A_456] : memref<512x32xf32, #tpu.memory_space<vmem>>[vector<16xi32>, vector<16xi32>], vector<16xf32>,
        %parallel_loop3A_711 = arith.constant 2 : i32
        %parallel_loop3A_712 = arith.index_cast %parallel_loop3A_711 : i32 to index
        %parallel_loop3A_713 = arith.index_cast %parallel_loop3A_480 : i32 to index
        %parallel_loop3A_714 = arith.index_cast %parallel_loop3A_496 : i32 to index
        %parallel_loop3A_715 = arith.constant 80 : index
        %parallel_loop3A_716 = tpu.vector_load %arg12[%parallel_loop3A_712, %parallel_loop3A_713, %parallel_loop3A_714, %parallel_loop3A_715] {strides = array<i32>} : memref<4x4x8x128xf32, #tpu.memory_space<vmem>>, vector<16xf32>,
        tpu.vector_store %arg12[%parallel_loop3A_712, %parallel_loop3A_713, %parallel_loop3A_714, %parallel_loop3A_715], %parallel_loop3A_710 {strides = array<i32>} : memref<4x4x8x128xf32, #tpu.memory_space<vmem>>, vector<16xf32>,
        %parallel_loop3A_717 = arith.constant 256 : i32
        %parallel_loop3A_718 = vector.broadcast %parallel_loop3A_717 : i32 to vector<16xi32>
        %parallel_loop3A_719 = arith.addi %add3A_39, %parallel_loop3A_718 : vector<16xi32>
        %parallel_loop3A_720 = tpu.vector_load_idx %arg10[%parallel_loop3A_719, %parallel_loop3A_456] : memref<512x32xf32, #tpu.memory_space<vmem>>[vector<16xi32>, vector<16xi32>], vector<16xf32>,
        %parallel_loop3A_721 = arith.constant 2 : i32
        %parallel_loop3A_722 = arith.index_cast %parallel_loop3A_721 : i32 to index
        %parallel_loop3A_723 = arith.index_cast %parallel_loop3A_480 : i32 to index
        %parallel_loop3A_724 = arith.index_cast %parallel_loop3A_496 : i32 to index
        %parallel_loop3A_725 = arith.constant 96 : index
        %parallel_loop3A_726 = tpu.vector_load %arg12[%parallel_loop3A_722, %parallel_loop3A_723, %parallel_loop3A_724, %parallel_loop3A_725] {strides = array<i32>} : memref<4x4x8x128xf32, #tpu.memory_space<vmem>>, vector<16xf32>,
        tpu.vector_store %arg12[%parallel_loop3A_722, %parallel_loop3A_723, %parallel_loop3A_724, %parallel_loop3A_725], %parallel_loop3A_720 {strides = array<i32>} : memref<4x4x8x128xf32, #tpu.memory_space<vmem>>, vector<16xf32>,
        %parallel_loop3A_727 = arith.constant 256 : i32
        %parallel_loop3A_728 = vector.broadcast %parallel_loop3A_727 : i32 to vector<16xi32>
        %parallel_loop3A_729 = arith.addi %add3A_42, %parallel_loop3A_728 : vector<16xi32>
        %parallel_loop3A_730 = tpu.vector_load_idx %arg10[%parallel_loop3A_729, %parallel_loop3A_456] : memref<512x32xf32, #tpu.memory_space<vmem>>[vector<16xi32>, vector<16xi32>], vector<16xf32>,
        %parallel_loop3A_731 = arith.constant 2 : i32
        %parallel_loop3A_732 = arith.index_cast %parallel_loop3A_731 : i32 to index
        %parallel_loop3A_733 = arith.index_cast %parallel_loop3A_480 : i32 to index
        %parallel_loop3A_734 = arith.index_cast %parallel_loop3A_496 : i32 to index
        %parallel_loop3A_735 = arith.constant 112 : index
        %parallel_loop3A_736 = tpu.vector_load %arg12[%parallel_loop3A_732, %parallel_loop3A_733, %parallel_loop3A_734, %parallel_loop3A_735] {strides = array<i32>} : memref<4x4x8x128xf32, #tpu.memory_space<vmem>>, vector<16xf32>,
        tpu.vector_store %arg12[%parallel_loop3A_732, %parallel_loop3A_733, %parallel_loop3A_734, %parallel_loop3A_735], %parallel_loop3A_730 {strides = array<i32>} : memref<4x4x8x128xf32, #tpu.memory_space<vmem>>, vector<16xf32>,
        %parallel_loop3A_737 = arith.constant 384 : i32
        %parallel_loop3A_738 = vector.broadcast %parallel_loop3A_737 : i32 to vector<16xi32>
        %parallel_loop3A_739 = arith.addi %add3A_21, %parallel_loop3A_738 : vector<16xi32>
        %parallel_loop3A_740 = tpu.vector_load_idx %arg10[%parallel_loop3A_739, %parallel_loop3A_456] : memref<512x32xf32, #tpu.memory_space<vmem>>[vector<16xi32>, vector<16xi32>], vector<16xf32>,
        %parallel_loop3A_741 = arith.constant 3 : i32
        %parallel_loop3A_742 = arith.index_cast %parallel_loop3A_741 : i32 to index
        %parallel_loop3A_743 = arith.index_cast %parallel_loop3A_480 : i32 to index
        %parallel_loop3A_744 = arith.index_cast %parallel_loop3A_496 : i32 to index
        %parallel_loop3A_745 = arith.constant 0 : index
        %parallel_loop3A_746 = tpu.vector_load %arg12[%parallel_loop3A_742, %parallel_loop3A_743, %parallel_loop3A_744, %parallel_loop3A_745] {strides = array<i32>} : memref<4x4x8x128xf32, #tpu.memory_space<vmem>>, vector<16xf32>,
        tpu.vector_store %arg12[%parallel_loop3A_742, %parallel_loop3A_743, %parallel_loop3A_744, %parallel_loop3A_745], %parallel_loop3A_740 {strides = array<i32>} : memref<4x4x8x128xf32, #tpu.memory_space<vmem>>, vector<16xf32>,
        %parallel_loop3A_747 = arith.constant 384 : i32
        %parallel_loop3A_748 = vector.broadcast %parallel_loop3A_747 : i32 to vector<16xi32>
        %parallel_loop3A_749 = arith.addi %add3A_24, %parallel_loop3A_748 : vector<16xi32>
        %parallel_loop3A_750 = tpu.vector_load_idx %arg10[%parallel_loop3A_749, %parallel_loop3A_456] : memref<512x32xf32, #tpu.memory_space<vmem>>[vector<16xi32>, vector<16xi32>], vector<16xf32>,
        %parallel_loop3A_751 = arith.constant 3 : i32
        %parallel_loop3A_752 = arith.index_cast %parallel_loop3A_751 : i32 to index
        %parallel_loop3A_753 = arith.index_cast %parallel_loop3A_480 : i32 to index
        %parallel_loop3A_754 = arith.index_cast %parallel_loop3A_496 : i32 to index
        %parallel_loop3A_755 = arith.constant 16 : index
        %parallel_loop3A_756 = tpu.vector_load %arg12[%parallel_loop3A_752, %parallel_loop3A_753, %parallel_loop3A_754, %parallel_loop3A_755] {strides = array<i32>} : memref<4x4x8x128xf32, #tpu.memory_space<vmem>>, vector<16xf32>,
        tpu.vector_store %arg12[%parallel_loop3A_752, %parallel_loop3A_753, %parallel_loop3A_754, %parallel_loop3A_755], %parallel_loop3A_750 {strides = array<i32>} : memref<4x4x8x128xf32, #tpu.memory_space<vmem>>, vector<16xf32>,
        %parallel_loop3A_757 = arith.constant 384 : i32
        %parallel_loop3A_758 = vector.broadcast %parallel_loop3A_757 : i32 to vector<16xi32>
        %parallel_loop3A_759 = arith.addi %add3A_27, %parallel_loop3A_758 : vector<16xi32>
        %parallel_loop3A_760 = tpu.vector_load_idx %arg10[%parallel_loop3A_759, %parallel_loop3A_456] : memref<512x32xf32, #tpu.memory_space<vmem>>[vector<16xi32>, vector<16xi32>], vector<16xf32>,
        %parallel_loop3A_761 = arith.constant 3 : i32
        %parallel_loop3A_762 = arith.index_cast %parallel_loop3A_761 : i32 to index
        %parallel_loop3A_763 = arith.index_cast %parallel_loop3A_480 : i32 to index
        %parallel_loop3A_764 = arith.index_cast %parallel_loop3A_496 : i32 to index
        %parallel_loop3A_765 = arith.constant 32 : index
        %parallel_loop3A_766 = tpu.vector_load %arg12[%parallel_loop3A_762, %parallel_loop3A_763, %parallel_loop3A_764, %parallel_loop3A_765] {strides = array<i32>} : memref<4x4x8x128xf32, #tpu.memory_space<vmem>>, vector<16xf32>,
        tpu.vector_store %arg12[%parallel_loop3A_762, %parallel_loop3A_763, %parallel_loop3A_764, %parallel_loop3A_765], %parallel_loop3A_760 {strides = array<i32>} : memref<4x4x8x128xf32, #tpu.memory_space<vmem>>, vector<16xf32>,
        %parallel_loop3A_767 = arith.constant 384 : i32
        %parallel_loop3A_768 = vector.broadcast %parallel_loop3A_767 : i32 to vector<16xi32>
        %parallel_loop3A_769 = arith.addi %add3A_30, %parallel_loop3A_768 : vector<16xi32>
        %parallel_loop3A_770 = tpu.vector_load_idx %arg10[%parallel_loop3A_769, %parallel_loop3A_456] : memref<512x32xf32, #tpu.memory_space<vmem>>[vector<16xi32>, vector<16xi32>], vector<16xf32>,
        %parallel_loop3A_771 = arith.constant 3 : i32
        %parallel_loop3A_772 = arith.index_cast %parallel_loop3A_771 : i32 to index
        %parallel_loop3A_773 = arith.index_cast %parallel_loop3A_480 : i32 to index
        %parallel_loop3A_774 = arith.index_cast %parallel_loop3A_496 : i32 to index
        %parallel_loop3A_775 = arith.constant 48 : index
        %parallel_loop3A_776 = tpu.vector_load %arg12[%parallel_loop3A_772, %parallel_loop3A_773, %parallel_loop3A_774, %parallel_loop3A_775] {strides = array<i32>} : memref<4x4x8x128xf32, #tpu.memory_space<vmem>>, vector<16xf32>,
        tpu.vector_store %arg12[%parallel_loop3A_772, %parallel_loop3A_773, %parallel_loop3A_774, %parallel_loop3A_775], %parallel_loop3A_770 {strides = array<i32>} : memref<4x4x8x128xf32, #tpu.memory_space<vmem>>, vector<16xf32>,
        %parallel_loop3A_777 = arith.constant 384 : i32
        %parallel_loop3A_778 = vector.broadcast %parallel_loop3A_777 : i32 to vector<16xi32>
        %parallel_loop3A_779 = arith.addi %add3A_33, %parallel_loop3A_778 : vector<16xi32>
        %parallel_loop3A_780 = tpu.vector_load_idx %arg10[%parallel_loop3A_779, %parallel_loop3A_456] : memref<512x32xf32, #tpu.memory_space<vmem>>[vector<16xi32>, vector<16xi32>], vector<16xf32>,
        %parallel_loop3A_781 = arith.constant 3 : i32
        %parallel_loop3A_782 = arith.index_cast %parallel_loop3A_781 : i32 to index
        %parallel_loop3A_783 = arith.index_cast %parallel_loop3A_480 : i32 to index
        %parallel_loop3A_784 = arith.index_cast %parallel_loop3A_496 : i32 to index
        %parallel_loop3A_785 = arith.constant 64 : index
        %parallel_loop3A_786 = tpu.vector_load %arg12[%parallel_loop3A_782, %parallel_loop3A_783, %parallel_loop3A_784, %parallel_loop3A_785] {strides = array<i32>} : memref<4x4x8x128xf32, #tpu.memory_space<vmem>>, vector<16xf32>,
        tpu.vector_store %arg12[%parallel_loop3A_782, %parallel_loop3A_783, %parallel_loop3A_784, %parallel_loop3A_785], %parallel_loop3A_780 {strides = array<i32>} : memref<4x4x8x128xf32, #tpu.memory_space<vmem>>, vector<16xf32>,
        %parallel_loop3A_787 = arith.constant 384 : i32
        %parallel_loop3A_788 = vector.broadcast %parallel_loop3A_787 : i32 to vector<16xi32>
        %parallel_loop3A_789 = arith.addi %add3A_36, %parallel_loop3A_788 : vector<16xi32>
        %parallel_loop3A_790 = tpu.vector_load_idx %arg10[%parallel_loop3A_789, %parallel_loop3A_456] : memref<512x32xf32, #tpu.memory_space<vmem>>[vector<16xi32>, vector<16xi32>], vector<16xf32>,
        %parallel_loop3A_791 = arith.constant 3 : i32
        %parallel_loop3A_792 = arith.index_cast %parallel_loop3A_791 : i32 to index
        %parallel_loop3A_793 = arith.index_cast %parallel_loop3A_480 : i32 to index
        %parallel_loop3A_794 = arith.index_cast %parallel_loop3A_496 : i32 to index
        %parallel_loop3A_795 = arith.constant 80 : index
        %parallel_loop3A_796 = tpu.vector_load %arg12[%parallel_loop3A_792, %parallel_loop3A_793, %parallel_loop3A_794, %parallel_loop3A_795] {strides = array<i32>} : memref<4x4x8x128xf32, #tpu.memory_space<vmem>>, vector<16xf32>,
        tpu.vector_store %arg12[%parallel_loop3A_792, %parallel_loop3A_793, %parallel_loop3A_794, %parallel_loop3A_795], %parallel_loop3A_790 {strides = array<i32>} : memref<4x4x8x128xf32, #tpu.memory_space<vmem>>, vector<16xf32>,
        %parallel_loop3A_797 = arith.constant 384 : i32
        %parallel_loop3A_798 = vector.broadcast %parallel_loop3A_797 : i32 to vector<16xi32>
        %parallel_loop3A_799 = arith.addi %add3A_39, %parallel_loop3A_798 : vector<16xi32>
        %parallel_loop3A_800 = tpu.vector_load_idx %arg10[%parallel_loop3A_799, %parallel_loop3A_456] : memref<512x32xf32, #tpu.memory_space<vmem>>[vector<16xi32>, vector<16xi32>], vector<16xf32>,
        %parallel_loop3A_801 = arith.constant 3 : i32
        %parallel_loop3A_802 = arith.index_cast %parallel_loop3A_801 : i32 to index
        %parallel_loop3A_803 = arith.index_cast %parallel_loop3A_480 : i32 to index
        %parallel_loop3A_804 = arith.index_cast %parallel_loop3A_496 : i32 to index
        %parallel_loop3A_805 = arith.constant 96 : index
        %parallel_loop3A_806 = tpu.vector_load %arg12[%parallel_loop3A_802, %parallel_loop3A_803, %parallel_loop3A_804, %parallel_loop3A_805] {strides = array<i32>} : memref<4x4x8x128xf32, #tpu.memory_space<vmem>>, vector<16xf32>,
        tpu.vector_store %arg12[%parallel_loop3A_802, %parallel_loop3A_803, %parallel_loop3A_804, %parallel_loop3A_805], %parallel_loop3A_800 {strides = array<i32>} : memref<4x4x8x128xf32, #tpu.memory_space<vmem>>, vector<16xf32>,
        %parallel_loop3A_807 = arith.constant 384 : i32
        %parallel_loop3A_808 = vector.broadcast %parallel_loop3A_807 : i32 to vector<16xi32>
        %parallel_loop3A_809 = arith.addi %add3A_42, %parallel_loop3A_808 : vector<16xi32>
        %parallel_loop3A_810 = tpu.vector_load_idx %arg10[%parallel_loop3A_809, %parallel_loop3A_456] : memref<512x32xf32, #tpu.memory_space<vmem>>[vector<16xi32>, vector<16xi32>], vector<16xf32>,
        %parallel_loop3A_811 = arith.constant 3 : i32
        %parallel_loop3A_812 = arith.index_cast %parallel_loop3A_811 : i32 to index
        %parallel_loop3A_813 = arith.index_cast %parallel_loop3A_480 : i32 to index
        %parallel_loop3A_814 = arith.index_cast %parallel_loop3A_496 : i32 to index
        %parallel_loop3A_815 = arith.constant 112 : index
        %parallel_loop3A_816 = tpu.vector_load %arg12[%parallel_loop3A_812, %parallel_loop3A_813, %parallel_loop3A_814, %parallel_loop3A_815] {strides = array<i32>} : memref<4x4x8x128xf32, #tpu.memory_space<vmem>>, vector<16xf32>,
        tpu.vector_store %arg12[%parallel_loop3A_812, %parallel_loop3A_813, %parallel_loop3A_814, %parallel_loop3A_815], %parallel_loop3A_810 {strides = array<i32>} : memref<4x4x8x128xf32, #tpu.memory_space<vmem>>, vector<16xf32>,
      } {sc.loop_unroll_factor = 4 : i64, sc.parallel_access}
      %mul3A_402 = arith.constant 4 : i32
      %mul3A_403 = arith.muli %add3A_382, %mul3A_402 : i32
      %dma_start3A_404 = arith.constant 0 : i32
      %dma_start3A_405 = arith.constant 0 : i32
      %dma_start3A_406 = arith.constant 0 : i32
      %dma_start3A_407 = tpu.memref_slice %arg5[%mul3A_403, %dma_start3A_404, %add3A, %dma_start3A_405, %dma_start3A_406] : memref<200x4x32x8x128xf32, #tpu.memory_space<hbm>> -> memref<4x4x1x8x128xf32, #tpu.memory_space<hbm>>
      %dma_start3A_408 = tpu.memref_squeeze %dma_start3A_407 : memref<4x4x1x8x128xf32, #tpu.memory_space<hbm>> -> memref<4x4x8x128xf32, #tpu.memory_space<hbm>>
      %dma_start3A_409 = arith.constant 0 : i32
      %dma_start3A_410 = arith.constant 0 : i32
      %dma_start3A_411 = arith.constant 0 : i32
      %dma_start3A_412 = tpu.memref_slice %arg5[%mul3A_403, %dma_start3A_409, %add3A, %dma_start3A_410, %dma_start3A_411] : memref<200x4x32x8x128xf32, #tpu.memory_space<hbm>> -> memref<4x4x1x8x128xf32, #tpu.memory_space<hbm>>
      %dma_start3A_413 = tpu.memref_squeeze %dma_start3A_412 : memref<4x4x1x8x128xf32, #tpu.memory_space<hbm>> -> memref<4x4x8x128xf32, #tpu.memory_space<hbm>>
      tpu.enqueue_dma source(%arg12 : memref<4x4x8x128xf32, #tpu.memory_space<vmem>>) target(%dma_start3A_413 : memref<4x4x8x128xf32, #tpu.memory_space<hbm>>) target_semaphore(%arg16 : memref<!tpu.dma_semaphore, #tpu.memory_space<semaphore_mem>>)
      %mul3A_414 = arith.constant 2 : i32
      %mul3A_415 = arith.muli %scan3A_378, %mul3A_414 : i32
      %add3A_416 = arith.constant 1 : i32
      %add3A_417 = arith.addi %mul3A_415, %add3A_416 : i32
      %lt3A_418 = arith.constant 24 : i32
      %lt3A_419 = arith.cmpi slt, %scan3A_378, %lt3A_418 : i32
      %or3A_420 = arith.constant false
      %or3A_421 = arith.ori %lt3A_419, %or3A_420 : i1
      %convert_element_type3A_422 = arith.extui %or3A_421 : i1 to i32
      %cond3A_423 = arith.constant 0 : i32
      %cond3A_424 = arith.cmpi ne, %convert_element_type3A_422, %cond3A_423 : i32
      scf.if %cond3A_424 {
        %add3A_455 = arith.constant 1 : i32
        %add3A_456 = arith.addi %add3A_417, %add3A_455 : i32
        %get3A_457 = arith.constant 0 : i32
        %get3A_458 = arith.index_cast %get3A_457 : i32 to index
        %get3A_459 = arith.constant 0 : index
        %get3A_460 = tpu.vector_load %arg7[%get3A_458, %get3A_459] {strides = array<i32>} : memref<4x16xi32, #tpu.memory_space<vmem>>, vector<16xi32>,
        %get3A_461 = arith.constant 0 : i32
        %get3A_462 = arith.index_cast %add3A_456 : i32 to index
        %get3A_463 = arith.index_cast %get3A_461 : i32 to index
        %get3A_464 = arith.constant 0 : index
        %get3A_465 = tpu.vector_load %arg6[%get3A_462, %get3A_463, %get3A_464] {strides = array<i32>} : memref<50x4x128xi32, #tpu.memory_space<vmem>>, vector<16xi32>,
        %add3A_466 = arith.addi %get3A_465, %get3A_460 : vector<16xi32>
        %swap3A_467 = arith.constant 0 : index
        %swap3A_468 = tpu.vector_load %arg8[%swap3A_467] {strides = array<i32>} : memref<512xi32, #tpu.memory_space<vmem>>, vector<16xi32>,
        tpu.vector_store %arg8[%swap3A_467], %add3A_466 {strides = array<i32>} : memref<512xi32, #tpu.memory_space<vmem>>, vector<16xi32>,
        %get3A_469 = arith.constant 0 : i32
        %get3A_470 = arith.index_cast %add3A_456 : i32 to index
        %get3A_471 = arith.index_cast %get3A_469 : i32 to index
        %get3A_472 = arith.constant 16 : index
        %get3A_473 = tpu.vector_load %arg6[%get3A_470, %get3A_471, %get3A_472] {strides = array<i32>} : memref<50x4x128xi32, #tpu.memory_space<vmem>>, vector<16xi32>,
        %add3A_474 = arith.addi %get3A_473, %get3A_460 : vector<16xi32>
        %swap3A_475 = arith.constant 16 : index
        %swap3A_476 = tpu.vector_load %arg8[%swap3A_475] {strides = array<i32>} : memref<512xi32, #tpu.memory_space<vmem>>, vector<16xi32>,
        tpu.vector_store %arg8[%swap3A_475], %add3A_474 {strides = array<i32>} : memref<512xi32, #tpu.memory_space<vmem>>, vector<16xi32>,
        %get3A_477 = arith.constant 0 : i32
        %get3A_478 = arith.index_cast %add3A_456 : i32 to index
        %get3A_479 = arith.index_cast %get3A_477 : i32 to index
        %get3A_480 = arith.constant 32 : index
        %get3A_481 = tpu.vector_load %arg6[%get3A_478, %get3A_479, %get3A_480] {strides = array<i32>} : memref<50x4x128xi32, #tpu.memory_space<vmem>>, vector<16xi32>,
        %add3A_482 = arith.addi %get3A_481, %get3A_460 : vector<16xi32>
        %swap3A_483 = arith.constant 32 : index
        %swap3A_484 = tpu.vector_load %arg8[%swap3A_483] {strides = array<i32>} : memref<512xi32, #tpu.memory_space<vmem>>, vector<16xi32>,
        tpu.vector_store %arg8[%swap3A_483], %add3A_482 {strides = array<i32>} : memref<512xi32, #tpu.memory_space<vmem>>, vector<16xi32>,
        %get3A_485 = arith.constant 0 : i32
        %get3A_486 = arith.index_cast %add3A_456 : i32 to index
        %get3A_487 = arith.index_cast %get3A_485 : i32 to index
        %get3A_488 = arith.constant 48 : index
        %get3A_489 = tpu.vector_load %arg6[%get3A_486, %get3A_487, %get3A_488] {strides = array<i32>} : memref<50x4x128xi32, #tpu.memory_space<vmem>>, vector<16xi32>,
        %add3A_490 = arith.addi %get3A_489, %get3A_460 : vector<16xi32>
        %swap3A_491 = arith.constant 48 : index
        %swap3A_492 = tpu.vector_load %arg8[%swap3A_491] {strides = array<i32>} : memref<512xi32, #tpu.memory_space<vmem>>, vector<16xi32>,
        tpu.vector_store %arg8[%swap3A_491], %add3A_490 {strides = array<i32>} : memref<512xi32, #tpu.memory_space<vmem>>, vector<16xi32>,
        %get3A_493 = arith.constant 0 : i32
        %get3A_494 = arith.index_cast %add3A_456 : i32 to index
        %get3A_495 = arith.index_cast %get3A_493 : i32 to index
        %get3A_496 = arith.constant 64 : index
        %get3A_497 = tpu.vector_load %arg6[%get3A_494, %get3A_495, %get3A_496] {strides = array<i32>} : memref<50x4x128xi32, #tpu.memory_space<vmem>>, vector<16xi32>,
        %add3A_498 = arith.addi %get3A_497, %get3A_460 : vector<16xi32>
        %swap3A_499 = arith.constant 64 : index
        %swap3A_500 = tpu.vector_load %arg8[%swap3A_499] {strides = array<i32>} : memref<512xi32, #tpu.memory_space<vmem>>, vector<16xi32>,
        tpu.vector_store %arg8[%swap3A_499], %add3A_498 {strides = array<i32>} : memref<512xi32, #tpu.memory_space<vmem>>, vector<16xi32>,
        %get3A_501 = arith.constant 0 : i32
        %get3A_502 = arith.index_cast %add3A_456 : i32 to index
        %get3A_503 = arith.index_cast %get3A_501 : i32 to index
        %get3A_504 = arith.constant 80 : index
        %get3A_505 = tpu.vector_load %arg6[%get3A_502, %get3A_503, %get3A_504] {strides = array<i32>} : memref<50x4x128xi32, #tpu.memory_space<vmem>>, vector<16xi32>,
        %add3A_506 = arith.addi %get3A_505, %get3A_460 : vector<16xi32>
        %swap3A_507 = arith.constant 80 : index
        %swap3A_508 = tpu.vector_load %arg8[%swap3A_507] {strides = array<i32>} : memref<512xi32, #tpu.memory_space<vmem>>, vector<16xi32>,
        tpu.vector_store %arg8[%swap3A_507], %add3A_506 {strides = array<i32>} : memref<512xi32, #tpu.memory_space<vmem>>, vector<16xi32>,
        %get3A_509 = arith.constant 0 : i32
        %get3A_510 = arith.index_cast %add3A_456 : i32 to index
        %get3A_511 = arith.index_cast %get3A_509 : i32 to index
        %get3A_512 = arith.constant 96 : index
        %get3A_513 = tpu.vector_load %arg6[%get3A_510, %get3A_511, %get3A_512] {strides = array<i32>} : memref<50x4x128xi32, #tpu.memory_space<vmem>>, vector<16xi32>,
        %add3A_514 = arith.addi %get3A_513, %get3A_460 : vector<16xi32>
        %swap3A_515 = arith.constant 96 : index
        %swap3A_516 = tpu.vector_load %arg8[%swap3A_515] {strides = array<i32>} : memref<512xi32, #tpu.memory_space<vmem>>, vector<16xi32>,
        tpu.vector_store %arg8[%swap3A_515], %add3A_514 {strides = array<i32>} : memref<512xi32, #tpu.memory_space<vmem>>, vector<16xi32>,
        %get3A_517 = arith.constant 0 : i32
        %get3A_518 = arith.index_cast %add3A_456 : i32 to index
        %get3A_519 = arith.index_cast %get3A_517 : i32 to index
        %get3A_520 = arith.constant 112 : index
        %get3A_521 = tpu.vector_load %arg6[%get3A_518, %get3A_519, %get3A_520] {strides = array<i32>} : memref<50x4x128xi32, #tpu.memory_space<vmem>>, vector<16xi32>,
        %add3A_522 = arith.addi %get3A_521, %get3A_460 : vector<16xi32>
        %swap3A_523 = arith.constant 112 : index
        %swap3A_524 = tpu.vector_load %arg8[%swap3A_523] {strides = array<i32>} : memref<512xi32, #tpu.memory_space<vmem>>, vector<16xi32>,
        tpu.vector_store %arg8[%swap3A_523], %add3A_522 {strides = array<i32>} : memref<512xi32, #tpu.memory_space<vmem>>, vector<16xi32>,
        %get3A_525 = arith.constant 1 : i32
        %get3A_526 = arith.index_cast %get3A_525 : i32 to index
        %get3A_527 = arith.constant 0 : index
        %get3A_528 = tpu.vector_load %arg7[%get3A_526, %get3A_527] {strides = array<i32>} : memref<4x16xi32, #tpu.memory_space<vmem>>, vector<16xi32>,
        %get3A_529 = arith.constant 1 : i32
        %get3A_530 = arith.index_cast %add3A_456 : i32 to index
        %get3A_531 = arith.index_cast %get3A_529 : i32 to index
        %get3A_532 = arith.constant 0 : index
        %get3A_533 = tpu.vector_load %arg6[%get3A_530, %get3A_531, %get3A_532] {strides = array<i32>} : memref<50x4x128xi32, #tpu.memory_space<vmem>>, vector<16xi32>,
        %add3A_534 = arith.addi %get3A_533, %get3A_528 : vector<16xi32>
        %swap3A_535 = arith.constant 128 : index
        %swap3A_536 = tpu.vector_load %arg8[%swap3A_535] {strides = array<i32>} : memref<512xi32, #tpu.memory_space<vmem>>, vector<16xi32>,
        tpu.vector_store %arg8[%swap3A_535], %add3A_534 {strides = array<i32>} : memref<512xi32, #tpu.memory_space<vmem>>, vector<16xi32>,
        %get3A_537 = arith.constant 1 : i32
        %get3A_538 = arith.index_cast %add3A_456 : i32 to index
        %get3A_539 = arith.index_cast %get3A_537 : i32 to index
        %get3A_540 = arith.constant 16 : index
        %get3A_541 = tpu.vector_load %arg6[%get3A_538, %get3A_539, %get3A_540] {strides = array<i32>} : memref<50x4x128xi32, #tpu.memory_space<vmem>>, vector<16xi32>,
        %add3A_542 = arith.addi %get3A_541, %get3A_528 : vector<16xi32>
        %swap3A_543 = arith.constant 144 : index
        %swap3A_544 = tpu.vector_load %arg8[%swap3A_543] {strides = array<i32>} : memref<512xi32, #tpu.memory_space<vmem>>, vector<16xi32>,
        tpu.vector_store %arg8[%swap3A_543], %add3A_542 {strides = array<i32>} : memref<512xi32, #tpu.memory_space<vmem>>, vector<16xi32>,
        %get3A_545 = arith.constant 1 : i32
        %get3A_546 = arith.index_cast %add3A_456 : i32 to index
        %get3A_547 = arith.index_cast %get3A_545 : i32 to index
        %get3A_548 = arith.constant 32 : index
        %get3A_549 = tpu.vector_load %arg6[%get3A_546, %get3A_547, %get3A_548] {strides = array<i32>} : memref<50x4x128xi32, #tpu.memory_space<vmem>>, vector<16xi32>,
        %add3A_550 = arith.addi %get3A_549, %get3A_528 : vector<16xi32>
        %swap3A_551 = arith.constant 160 : index
        %swap3A_552 = tpu.vector_load %arg8[%swap3A_551] {strides = array<i32>} : memref<512xi32, #tpu.memory_space<vmem>>, vector<16xi32>,
        tpu.vector_store %arg8[%swap3A_551], %add3A_550 {strides = array<i32>} : memref<512xi32, #tpu.memory_space<vmem>>, vector<16xi32>,
        %get3A_553 = arith.constant 1 : i32
        %get3A_554 = arith.index_cast %add3A_456 : i32 to index
        %get3A_555 = arith.index_cast %get3A_553 : i32 to index
        %get3A_556 = arith.constant 48 : index
        %get3A_557 = tpu.vector_load %arg6[%get3A_554, %get3A_555, %get3A_556] {strides = array<i32>} : memref<50x4x128xi32, #tpu.memory_space<vmem>>, vector<16xi32>,
        %add3A_558 = arith.addi %get3A_557, %get3A_528 : vector<16xi32>
        %swap3A_559 = arith.constant 176 : index
        %swap3A_560 = tpu.vector_load %arg8[%swap3A_559] {strides = array<i32>} : memref<512xi32, #tpu.memory_space<vmem>>, vector<16xi32>,
        tpu.vector_store %arg8[%swap3A_559], %add3A_558 {strides = array<i32>} : memref<512xi32, #tpu.memory_space<vmem>>, vector<16xi32>,
        %get3A_561 = arith.constant 1 : i32
        %get3A_562 = arith.index_cast %add3A_456 : i32 to index
        %get3A_563 = arith.index_cast %get3A_561 : i32 to index
        %get3A_564 = arith.constant 64 : index
        %get3A_565 = tpu.vector_load %arg6[%get3A_562, %get3A_563, %get3A_564] {strides = array<i32>} : memref<50x4x128xi32, #tpu.memory_space<vmem>>, vector<16xi32>,
        %add3A_566 = arith.addi %get3A_565, %get3A_528 : vector<16xi32>
        %swap3A_567 = arith.constant 192 : index
        %swap3A_568 = tpu.vector_load %arg8[%swap3A_567] {strides = array<i32>} : memref<512xi32, #tpu.memory_space<vmem>>, vector<16xi32>,
        tpu.vector_store %arg8[%swap3A_567], %add3A_566 {strides = array<i32>} : memref<512xi32, #tpu.memory_space<vmem>>, vector<16xi32>,
        %get3A_569 = arith.constant 1 : i32
        %get3A_570 = arith.index_cast %add3A_456 : i32 to index
        %get3A_571 = arith.index_cast %get3A_569 : i32 to index
        %get3A_572 = arith.constant 80 : index
        %get3A_573 = tpu.vector_load %arg6[%get3A_570, %get3A_571, %get3A_572] {strides = array<i32>} : memref<50x4x128xi32, #tpu.memory_space<vmem>>, vector<16xi32>,
        %add3A_574 = arith.addi %get3A_573, %get3A_528 : vector<16xi32>
        %swap3A_575 = arith.constant 208 : index
        %swap3A_576 = tpu.vector_load %arg8[%swap3A_575] {strides = array<i32>} : memref<512xi32, #tpu.memory_space<vmem>>, vector<16xi32>,
        tpu.vector_store %arg8[%swap3A_575], %add3A_574 {strides = array<i32>} : memref<512xi32, #tpu.memory_space<vmem>>, vector<16xi32>,
        %get3A_577 = arith.constant 1 : i32
        %get3A_578 = arith.index_cast %add3A_456 : i32 to index
        %get3A_579 = arith.index_cast %get3A_577 : i32 to index
        %get3A_580 = arith.constant 96 : index
        %get3A_581 = tpu.vector_load %arg6[%get3A_578, %get3A_579, %get3A_580] {strides = array<i32>} : memref<50x4x128xi32, #tpu.memory_space<vmem>>, vector<16xi32>,
        %add3A_582 = arith.addi %get3A_581, %get3A_528 : vector<16xi32>
        %swap3A_583 = arith.constant 224 : index
        %swap3A_584 = tpu.vector_load %arg8[%swap3A_583] {strides = array<i32>} : memref<512xi32, #tpu.memory_space<vmem>>, vector<16xi32>,
        tpu.vector_store %arg8[%swap3A_583], %add3A_582 {strides = array<i32>} : memref<512xi32, #tpu.memory_space<vmem>>, vector<16xi32>,
        %get3A_585 = arith.constant 1 : i32
        %get3A_586 = arith.index_cast %add3A_456 : i32 to index
        %get3A_587 = arith.index_cast %get3A_585 : i32 to index
        %get3A_588 = arith.constant 112 : index
        %get3A_589 = tpu.vector_load %arg6[%get3A_586, %get3A_587, %get3A_588] {strides = array<i32>} : memref<50x4x128xi32, #tpu.memory_space<vmem>>, vector<16xi32>,
        %add3A_590 = arith.addi %get3A_589, %get3A_528 : vector<16xi32>
        %swap3A_591 = arith.constant 240 : index
        %swap3A_592 = tpu.vector_load %arg8[%swap3A_591] {strides = array<i32>} : memref<512xi32, #tpu.memory_space<vmem>>, vector<16xi32>,
        tpu.vector_store %arg8[%swap3A_591], %add3A_590 {strides = array<i32>} : memref<512xi32, #tpu.memory_space<vmem>>, vector<16xi32>,
        %get3A_593 = arith.constant 2 : i32
        %get3A_594 = arith.index_cast %get3A_593 : i32 to index
        %get3A_595 = arith.constant 0 : index
        %get3A_596 = tpu.vector_load %arg7[%get3A_594, %get3A_595] {strides = array<i32>} : memref<4x16xi32, #tpu.memory_space<vmem>>, vector<16xi32>,
        %get3A_597 = arith.constant 2 : i32
        %get3A_598 = arith.index_cast %add3A_456 : i32 to index
        %get3A_599 = arith.index_cast %get3A_597 : i32 to index
        %get3A_600 = arith.constant 0 : index
        %get3A_601 = tpu.vector_load %arg6[%get3A_598, %get3A_599, %get3A_600] {strides = array<i32>} : memref<50x4x128xi32, #tpu.memory_space<vmem>>, vector<16xi32>,
        %add3A_602 = arith.addi %get3A_601, %get3A_596 : vector<16xi32>
        %swap3A_603 = arith.constant 256 : index
        %swap3A_604 = tpu.vector_load %arg8[%swap3A_603] {strides = array<i32>} : memref<512xi32, #tpu.memory_space<vmem>>, vector<16xi32>,
        tpu.vector_store %arg8[%swap3A_603], %add3A_602 {strides = array<i32>} : memref<512xi32, #tpu.memory_space<vmem>>, vector<16xi32>,
        %get3A_605 = arith.constant 2 : i32
        %get3A_606 = arith.index_cast %add3A_456 : i32 to index
        %get3A_607 = arith.index_cast %get3A_605 : i32 to index
        %get3A_608 = arith.constant 16 : index
        %get3A_609 = tpu.vector_load %arg6[%get3A_606, %get3A_607, %get3A_608] {strides = array<i32>} : memref<50x4x128xi32, #tpu.memory_space<vmem>>, vector<16xi32>,
        %add3A_610 = arith.addi %get3A_609, %get3A_596 : vector<16xi32>
        %swap3A_611 = arith.constant 272 : index
        %swap3A_612 = tpu.vector_load %arg8[%swap3A_611] {strides = array<i32>} : memref<512xi32, #tpu.memory_space<vmem>>, vector<16xi32>,
        tpu.vector_store %arg8[%swap3A_611], %add3A_610 {strides = array<i32>} : memref<512xi32, #tpu.memory_space<vmem>>, vector<16xi32>,
        %get3A_613 = arith.constant 2 : i32
        %get3A_614 = arith.index_cast %add3A_456 : i32 to index
        %get3A_615 = arith.index_cast %get3A_613 : i32 to index
        %get3A_616 = arith.constant 32 : index
        %get3A_617 = tpu.vector_load %arg6[%get3A_614, %get3A_615, %get3A_616] {strides = array<i32>} : memref<50x4x128xi32, #tpu.memory_space<vmem>>, vector<16xi32>,
        %add3A_618 = arith.addi %get3A_617, %get3A_596 : vector<16xi32>
        %swap3A_619 = arith.constant 288 : index
        %swap3A_620 = tpu.vector_load %arg8[%swap3A_619] {strides = array<i32>} : memref<512xi32, #tpu.memory_space<vmem>>, vector<16xi32>,
        tpu.vector_store %arg8[%swap3A_619], %add3A_618 {strides = array<i32>} : memref<512xi32, #tpu.memory_space<vmem>>, vector<16xi32>,
        %get3A_621 = arith.constant 2 : i32
        %get3A_622 = arith.index_cast %add3A_456 : i32 to index
        %get3A_623 = arith.index_cast %get3A_621 : i32 to index
        %get3A_624 = arith.constant 48 : index
        %get3A_625 = tpu.vector_load %arg6[%get3A_622, %get3A_623, %get3A_624] {strides = array<i32>} : memref<50x4x128xi32, #tpu.memory_space<vmem>>, vector<16xi32>,
        %add3A_626 = arith.addi %get3A_625, %get3A_596 : vector<16xi32>
        %swap3A_627 = arith.constant 304 : index
        %swap3A_628 = tpu.vector_load %arg8[%swap3A_627] {strides = array<i32>} : memref<512xi32, #tpu.memory_space<vmem>>, vector<16xi32>,
        tpu.vector_store %arg8[%swap3A_627], %add3A_626 {strides = array<i32>} : memref<512xi32, #tpu.memory_space<vmem>>, vector<16xi32>,
        %get3A_629 = arith.constant 2 : i32
        %get3A_630 = arith.index_cast %add3A_456 : i32 to index
        %get3A_631 = arith.index_cast %get3A_629 : i32 to index
        %get3A_632 = arith.constant 64 : index
        %get3A_633 = tpu.vector_load %arg6[%get3A_630, %get3A_631, %get3A_632] {strides = array<i32>} : memref<50x4x128xi32, #tpu.memory_space<vmem>>, vector<16xi32>,
        %add3A_634 = arith.addi %get3A_633, %get3A_596 : vector<16xi32>
        %swap3A_635 = arith.constant 320 : index
        %swap3A_636 = tpu.vector_load %arg8[%swap3A_635] {strides = array<i32>} : memref<512xi32, #tpu.memory_space<vmem>>, vector<16xi32>,
        tpu.vector_store %arg8[%swap3A_635], %add3A_634 {strides = array<i32>} : memref<512xi32, #tpu.memory_space<vmem>>, vector<16xi32>,
        %get3A_637 = arith.constant 2 : i32
        %get3A_638 = arith.index_cast %add3A_456 : i32 to index
        %get3A_639 = arith.index_cast %get3A_637 : i32 to index
        %get3A_640 = arith.constant 80 : index
        %get3A_641 = tpu.vector_load %arg6[%get3A_638, %get3A_639, %get3A_640] {strides = array<i32>} : memref<50x4x128xi32, #tpu.memory_space<vmem>>, vector<16xi32>,
        %add3A_642 = arith.addi %get3A_641, %get3A_596 : vector<16xi32>
        %swap3A_643 = arith.constant 336 : index
        %swap3A_644 = tpu.vector_load %arg8[%swap3A_643] {strides = array<i32>} : memref<512xi32, #tpu.memory_space<vmem>>, vector<16xi32>,
        tpu.vector_store %arg8[%swap3A_643], %add3A_642 {strides = array<i32>} : memref<512xi32, #tpu.memory_space<vmem>>, vector<16xi32>,
        %get3A_645 = arith.constant 2 : i32
        %get3A_646 = arith.index_cast %add3A_456 : i32 to index
        %get3A_647 = arith.index_cast %get3A_645 : i32 to index
        %get3A_648 = arith.constant 96 : index
        %get3A_649 = tpu.vector_load %arg6[%get3A_646, %get3A_647, %get3A_648] {strides = array<i32>} : memref<50x4x128xi32, #tpu.memory_space<vmem>>, vector<16xi32>,
        %add3A_650 = arith.addi %get3A_649, %get3A_596 : vector<16xi32>
        %swap3A_651 = arith.constant 352 : index
        %swap3A_652 = tpu.vector_load %arg8[%swap3A_651] {strides = array<i32>} : memref<512xi32, #tpu.memory_space<vmem>>, vector<16xi32>,
        tpu.vector_store %arg8[%swap3A_651], %add3A_650 {strides = array<i32>} : memref<512xi32, #tpu.memory_space<vmem>>, vector<16xi32>,
        %get3A_653 = arith.constant 2 : i32
        %get3A_654 = arith.index_cast %add3A_456 : i32 to index
        %get3A_655 = arith.index_cast %get3A_653 : i32 to index
        %get3A_656 = arith.constant 112 : index
        %get3A_657 = tpu.vector_load %arg6[%get3A_654, %get3A_655, %get3A_656] {strides = array<i32>} : memref<50x4x128xi32, #tpu.memory_space<vmem>>, vector<16xi32>,
        %add3A_658 = arith.addi %get3A_657, %get3A_596 : vector<16xi32>
        %swap3A_659 = arith.constant 368 : index
        %swap3A_660 = tpu.vector_load %arg8[%swap3A_659] {strides = array<i32>} : memref<512xi32, #tpu.memory_space<vmem>>, vector<16xi32>,
        tpu.vector_store %arg8[%swap3A_659], %add3A_658 {strides = array<i32>} : memref<512xi32, #tpu.memory_space<vmem>>, vector<16xi32>,
        %get3A_661 = arith.constant 3 : i32
        %get3A_662 = arith.index_cast %get3A_661 : i32 to index
        %get3A_663 = arith.constant 0 : index
        %get3A_664 = tpu.vector_load %arg7[%get3A_662, %get3A_663] {strides = array<i32>} : memref<4x16xi32, #tpu.memory_space<vmem>>, vector<16xi32>,
        %get3A_665 = arith.constant 3 : i32
        %get3A_666 = arith.index_cast %add3A_456 : i32 to index
        %get3A_667 = arith.index_cast %get3A_665 : i32 to index
        %get3A_668 = arith.constant 0 : index
        %get3A_669 = tpu.vector_load %arg6[%get3A_666, %get3A_667, %get3A_668] {strides = array<i32>} : memref<50x4x128xi32, #tpu.memory_space<vmem>>, vector<16xi32>,
        %add3A_670 = arith.addi %get3A_669, %get3A_664 : vector<16xi32>
        %swap3A_671 = arith.constant 384 : index
        %swap3A_672 = tpu.vector_load %arg8[%swap3A_671] {strides = array<i32>} : memref<512xi32, #tpu.memory_space<vmem>>, vector<16xi32>,
        tpu.vector_store %arg8[%swap3A_671], %add3A_670 {strides = array<i32>} : memref<512xi32, #tpu.memory_space<vmem>>, vector<16xi32>,
        %get3A_673 = arith.constant 3 : i32
        %get3A_674 = arith.index_cast %add3A_456 : i32 to index
        %get3A_675 = arith.index_cast %get3A_673 : i32 to index
        %get3A_676 = arith.constant 16 : index
        %get3A_677 = tpu.vector_load %arg6[%get3A_674, %get3A_675, %get3A_676] {strides = array<i32>} : memref<50x4x128xi32, #tpu.memory_space<vmem>>, vector<16xi32>,
        %add3A_678 = arith.addi %get3A_677, %get3A_664 : vector<16xi32>
        %swap3A_679 = arith.constant 400 : index
        %swap3A_680 = tpu.vector_load %arg8[%swap3A_679] {strides = array<i32>} : memref<512xi32, #tpu.memory_space<vmem>>, vector<16xi32>,
        tpu.vector_store %arg8[%swap3A_679], %add3A_678 {strides = array<i32>} : memref<512xi32, #tpu.memory_space<vmem>>, vector<16xi32>,
        %get3A_681 = arith.constant 3 : i32
        %get3A_682 = arith.index_cast %add3A_456 : i32 to index
        %get3A_683 = arith.index_cast %get3A_681 : i32 to index
        %get3A_684 = arith.constant 32 : index
        %get3A_685 = tpu.vector_load %arg6[%get3A_682, %get3A_683, %get3A_684] {strides = array<i32>} : memref<50x4x128xi32, #tpu.memory_space<vmem>>, vector<16xi32>,
        %add3A_686 = arith.addi %get3A_685, %get3A_664 : vector<16xi32>
        %swap3A_687 = arith.constant 416 : index
        %swap3A_688 = tpu.vector_load %arg8[%swap3A_687] {strides = array<i32>} : memref<512xi32, #tpu.memory_space<vmem>>, vector<16xi32>,
        tpu.vector_store %arg8[%swap3A_687], %add3A_686 {strides = array<i32>} : memref<512xi32, #tpu.memory_space<vmem>>, vector<16xi32>,
        %get3A_689 = arith.constant 3 : i32
        %get3A_690 = arith.index_cast %add3A_456 : i32 to index
        %get3A_691 = arith.index_cast %get3A_689 : i32 to index
        %get3A_692 = arith.constant 48 : index
        %get3A_693 = tpu.vector_load %arg6[%get3A_690, %get3A_691, %get3A_692] {strides = array<i32>} : memref<50x4x128xi32, #tpu.memory_space<vmem>>, vector<16xi32>,
        %add3A_694 = arith.addi %get3A_693, %get3A_664 : vector<16xi32>
        %swap3A_695 = arith.constant 432 : index
        %swap3A_696 = tpu.vector_load %arg8[%swap3A_695] {strides = array<i32>} : memref<512xi32, #tpu.memory_space<vmem>>, vector<16xi32>,
        tpu.vector_store %arg8[%swap3A_695], %add3A_694 {strides = array<i32>} : memref<512xi32, #tpu.memory_space<vmem>>, vector<16xi32>,
        %get3A_697 = arith.constant 3 : i32
        %get3A_698 = arith.index_cast %add3A_456 : i32 to index
        %get3A_699 = arith.index_cast %get3A_697 : i32 to index
        %get3A_700 = arith.constant 64 : index
        %get3A_701 = tpu.vector_load %arg6[%get3A_698, %get3A_699, %get3A_700] {strides = array<i32>} : memref<50x4x128xi32, #tpu.memory_space<vmem>>, vector<16xi32>,
        %add3A_702 = arith.addi %get3A_701, %get3A_664 : vector<16xi32>
        %swap3A_703 = arith.constant 448 : index
        %swap3A_704 = tpu.vector_load %arg8[%swap3A_703] {strides = array<i32>} : memref<512xi32, #tpu.memory_space<vmem>>, vector<16xi32>,
        tpu.vector_store %arg8[%swap3A_703], %add3A_702 {strides = array<i32>} : memref<512xi32, #tpu.memory_space<vmem>>, vector<16xi32>,
        %get3A_705 = arith.constant 3 : i32
        %get3A_706 = arith.index_cast %add3A_456 : i32 to index
        %get3A_707 = arith.index_cast %get3A_705 : i32 to index
        %get3A_708 = arith.constant 80 : index
        %get3A_709 = tpu.vector_load %arg6[%get3A_706, %get3A_707, %get3A_708] {strides = array<i32>} : memref<50x4x128xi32, #tpu.memory_space<vmem>>, vector<16xi32>,
        %add3A_710 = arith.addi %get3A_709, %get3A_664 : vector<16xi32>
        %swap3A_711 = arith.constant 464 : index
        %swap3A_712 = tpu.vector_load %arg8[%swap3A_711] {strides = array<i32>} : memref<512xi32, #tpu.memory_space<vmem>>, vector<16xi32>,
        tpu.vector_store %arg8[%swap3A_711], %add3A_710 {strides = array<i32>} : memref<512xi32, #tpu.memory_space<vmem>>, vector<16xi32>,
        %get3A_713 = arith.constant 3 : i32
        %get3A_714 = arith.index_cast %add3A_456 : i32 to index
        %get3A_715 = arith.index_cast %get3A_713 : i32 to index
        %get3A_716 = arith.constant 96 : index
        %get3A_717 = tpu.vector_load %arg6[%get3A_714, %get3A_715, %get3A_716] {strides = array<i32>} : memref<50x4x128xi32, #tpu.memory_space<vmem>>, vector<16xi32>,
        %add3A_718 = arith.addi %get3A_717, %get3A_664 : vector<16xi32>
        %swap3A_719 = arith.constant 480 : index
        %swap3A_720 = tpu.vector_load %arg8[%swap3A_719] {strides = array<i32>} : memref<512xi32, #tpu.memory_space<vmem>>, vector<16xi32>,
        tpu.vector_store %arg8[%swap3A_719], %add3A_718 {strides = array<i32>} : memref<512xi32, #tpu.memory_space<vmem>>, vector<16xi32>,
        %get3A_721 = arith.constant 3 : i32
        %get3A_722 = arith.index_cast %add3A_456 : i32 to index
        %get3A_723 = arith.index_cast %get3A_721 : i32 to index
        %get3A_724 = arith.constant 112 : index
        %get3A_725 = tpu.vector_load %arg6[%get3A_722, %get3A_723, %get3A_724] {strides = array<i32>} : memref<50x4x128xi32, #tpu.memory_space<vmem>>, vector<16xi32>,
        %add3A_726 = arith.addi %get3A_725, %get3A_664 : vector<16xi32>
        %swap3A_727 = arith.constant 496 : index
        %swap3A_728 = tpu.vector_load %arg8[%swap3A_727] {strides = array<i32>} : memref<512xi32, #tpu.memory_space<vmem>>, vector<16xi32>,
        tpu.vector_store %arg8[%swap3A_727], %add3A_726 {strides = array<i32>} : memref<512xi32, #tpu.memory_space<vmem>>, vector<16xi32>,
      } else {
      }
      %lt3A_425 = arith.constant 24 : i32
      %lt3A_426 = arith.cmpi slt, %scan3A_378, %lt3A_425 : i32
      %or3A_427 = arith.constant false
      %or3A_428 = arith.ori %lt3A_426, %or3A_427 : i1
      %convert_element_type3A_429 = arith.extui %or3A_428 : i1 to i32
      %cond3A_430 = arith.constant 0 : i32
      %cond3A_431 = arith.cmpi ne, %convert_element_type3A_429, %cond3A_430 : i32
      scf.if %cond3A_431 {
        %dma_start3A_455 = arith.constant 0 : i32
        %dma_start3A_456 = arith.constant 0 : i32
        %dma_start3A_457 = tpu.memref_slice %arg4[%dma_start3A_455, %dma_start3A_456] : memref<400122x32xf32, #tpu.memory_space<hbm>> -> memref<400122x32xf32, #tpu.memory_space<hbm>>
        tpu.enqueue_indirect_dma source(%dma_start3A_457 : memref<400122x32xf32, #tpu.memory_space<hbm>>) target(%arg10 : memref<512x32xf32, #tpu.memory_space<vmem>>) offsets(%arg8 : memref<512xi32, #tpu.memory_space<vmem>>) semaphore(%arg15 : memref<!tpu.dma_semaphore, #tpu.memory_space<semaphore_mem>>)
      } else {
      }
      %dma_wait3A_432 = arith.constant 0 : i32
      %dma_wait3A_433 = arith.constant 0 : i32
      %dma_wait3A_434 = tpu.memref_slice %arg4[%dma_wait3A_432, %dma_wait3A_433] : memref<400122x32xf32, #tpu.memory_space<hbm>> -> memref<400122x32xf32, #tpu.memory_space<hbm>>
      tpu.wait_indirect_dma semaphore(%arg15 : memref<!tpu.dma_semaphore, #tpu.memory_space<semaphore_mem>>) src(%dma_wait3A_434 : memref<400122x32xf32, #tpu.memory_space<hbm>>) dst(%arg11 : memref<512x32xf32, #tpu.memory_space<vmem>>)
      %gt3A_435 = arith.constant 0 : i32
      %gt3A_436 = arith.cmpi sgt, %scan3A_378, %gt3A_435 : i32
      %convert_element_type3A_437 = arith.extui %gt3A_436 : i1 to i32
      %cond3A_438 = arith.constant 0 : i32
      %cond3A_439 = arith.cmpi ne, %convert_element_type3A_437, %cond3A_438 : i32
      scf.if %cond3A_439 {
        %sub3A = arith.constant 2 : i32
        %sub3A_455 = arith.subi %add3A_417, %sub3A : i32
        %mul3A_456 = arith.constant 4 : i32
        %mul3A_457 = arith.muli %sub3A_455, %mul3A_456 : i32
        %dma_wait3A_458 = arith.constant 0 : i32
        %dma_wait3A_459 = arith.constant 0 : i32
        %dma_wait3A_460 = arith.constant 0 : i32
        %dma_wait3A_461 = tpu.memref_slice %arg5[%mul3A_457, %dma_wait3A_458, %add3A, %dma_wait3A_459, %dma_wait3A_460] : memref<200x4x32x8x128xf32, #tpu.memory_space<hbm>> -> memref<4x4x1x8x128xf32, #tpu.memory_space<hbm>>
        %dma_wait3A_462 = tpu.memref_squeeze %dma_wait3A_461 : memref<4x4x1x8x128xf32, #tpu.memory_space<hbm>> -> memref<4x4x8x128xf32, #tpu.memory_space<hbm>>
        %dma_wait3A_463 = arith.constant 0 : i32
        %dma_wait3A_464 = arith.constant 0 : i32
        %dma_wait3A_465 = arith.constant 0 : i32
        %dma_wait3A_466 = tpu.memref_slice %arg5[%mul3A_457, %dma_wait3A_463, %add3A, %dma_wait3A_464, %dma_wait3A_465] : memref<200x4x32x8x128xf32, #tpu.memory_space<hbm>> -> memref<4x4x1x8x128xf32, #tpu.memory_space<hbm>>
        %dma_wait3A_467 = tpu.memref_squeeze %dma_wait3A_466 : memref<4x4x1x8x128xf32, #tpu.memory_space<hbm>> -> memref<4x4x8x128xf32, #tpu.memory_space<hbm>>
        tpu.wait_dma2 semaphore(%arg17 : memref<!tpu.dma_semaphore, #tpu.memory_space<semaphore_mem>>) src(%arg13 : memref<4x4x8x128xf32, #tpu.memory_space<vmem>>) dst(%dma_wait3A_467 : memref<4x4x8x128xf32, #tpu.memory_space<hbm>>)
      } else {
      }
      %parallel_loop3A_440 = arith.constant 0 : i32
      %parallel_loop3A_441 = arith.constant 32 : i32
      %parallel_loop3A_442 = arith.constant 1 : i32
      scf.for %parallel_loop3A_455 = %parallel_loop3A_440 to %parallel_loop3A_441 step %parallel_loop3A_442  : i32 {
        %parallel_loop3A_456 = vector.broadcast %parallel_loop3A_455 : i32 to vector<16xi32>
        %parallel_loop3A_457 = arith.constant 8 : i32
        %parallel_loop3A_458 = arith.divsi %parallel_loop3A_455, %parallel_loop3A_457 : i32
        %parallel_loop3A_459 = arith.constant 0 : i32
        %parallel_loop3A_460 = arith.cmpi sgt, %parallel_loop3A_455, %parallel_loop3A_459 : i32
        %parallel_loop3A_461 = arith.extui %parallel_loop3A_460 : i1 to i32
        %parallel_loop3A_462 = arith.constant 0 : i32
        %parallel_loop3A_463 = arith.cmpi slt, %parallel_loop3A_455, %parallel_loop3A_462 : i32
        %parallel_loop3A_464 = arith.extui %parallel_loop3A_463 : i1 to i32
        %parallel_loop3A_465 = arith.subi %parallel_loop3A_461, %parallel_loop3A_464 : i32
        %parallel_loop3A_466 = arith.constant 0 : i32
        %parallel_loop3A_467 = arith.cmpi sgt, %parallel_loop3A_457, %parallel_loop3A_466 : i32
        %parallel_loop3A_468 = arith.extui %parallel_loop3A_467 : i1 to i32
        %parallel_loop3A_469 = arith.constant 0 : i32
        %parallel_loop3A_470 = arith.cmpi slt, %parallel_loop3A_457, %parallel_loop3A_469 : i32
        %parallel_loop3A_471 = arith.extui %parallel_loop3A_470 : i1 to i32
        %parallel_loop3A_472 = arith.subi %parallel_loop3A_468, %parallel_loop3A_471 : i32
        %parallel_loop3A_473 = arith.cmpi ne, %parallel_loop3A_465, %parallel_loop3A_472 : i32
        %parallel_loop3A_474 = arith.remsi %parallel_loop3A_455, %parallel_loop3A_457 : i32
        %parallel_loop3A_475 = arith.constant 0 : i32
        %parallel_loop3A_476 = arith.cmpi ne, %parallel_loop3A_474, %parallel_loop3A_475 : i32
        %parallel_loop3A_477 = arith.andi %parallel_loop3A_473, %parallel_loop3A_476 : i1
        %parallel_loop3A_478 = arith.constant 1 : i32
        %parallel_loop3A_479 = arith.subi %parallel_loop3A_458, %parallel_loop3A_478 : i32
        %parallel_loop3A_480 = arith.select %parallel_loop3A_477, %parallel_loop3A_479, %parallel_loop3A_458 : i32
        %parallel_loop3A_481 = arith.constant 8 : i32
        %parallel_loop3A_482 = arith.constant 0 : i32
        %parallel_loop3A_483 = arith.cmpi eq, %parallel_loop3A_481, %parallel_loop3A_482 : i32
        %parallel_loop3A_484 = arith.constant 1 : i32
        %parallel_loop3A_485 = arith.select %parallel_loop3A_483, %parallel_loop3A_484, %parallel_loop3A_481 : i32
        %parallel_loop3A_486 = arith.remsi %parallel_loop3A_455, %parallel_loop3A_485 : i32
        %parallel_loop3A_487 = arith.constant 0 : i32
        %parallel_loop3A_488 = arith.cmpi ne, %parallel_loop3A_486, %parallel_loop3A_487 : i32
        %parallel_loop3A_489 = arith.constant 0 : i32
        %parallel_loop3A_490 = arith.cmpi slt, %parallel_loop3A_486, %parallel_loop3A_489 : i32
        %parallel_loop3A_491 = arith.constant 0 : i32
        %parallel_loop3A_492 = arith.cmpi slt, %parallel_loop3A_485, %parallel_loop3A_491 : i32
        %parallel_loop3A_493 = arith.xori %parallel_loop3A_490, %parallel_loop3A_492 : i1
        %parallel_loop3A_494 = arith.andi %parallel_loop3A_493, %parallel_loop3A_488 : i1
        %parallel_loop3A_495 = arith.addi %parallel_loop3A_486, %parallel_loop3A_485 : i32
        %parallel_loop3A_496 = arith.select %parallel_loop3A_494, %parallel_loop3A_495, %parallel_loop3A_486 : i32
        %parallel_loop3A_497 = arith.constant 0 : i32
        %parallel_loop3A_498 = vector.broadcast %parallel_loop3A_497 : i32 to vector<16xi32>
        %parallel_loop3A_499 = arith.addi %add3A_21, %parallel_loop3A_498 : vector<16xi32>
        %parallel_loop3A_500 = tpu.vector_load_idx %arg11[%parallel_loop3A_499, %parallel_loop3A_456] : memref<512x32xf32, #tpu.memory_space<vmem>>[vector<16xi32>, vector<16xi32>], vector<16xf32>,
        %parallel_loop3A_501 = arith.constant 0 : i32
        %parallel_loop3A_502 = arith.index_cast %parallel_loop3A_501 : i32 to index
        %parallel_loop3A_503 = arith.index_cast %parallel_loop3A_480 : i32 to index
        %parallel_loop3A_504 = arith.index_cast %parallel_loop3A_496 : i32 to index
        %parallel_loop3A_505 = arith.constant 0 : index
        %parallel_loop3A_506 = tpu.vector_load %arg13[%parallel_loop3A_502, %parallel_loop3A_503, %parallel_loop3A_504, %parallel_loop3A_505] {strides = array<i32>} : memref<4x4x8x128xf32, #tpu.memory_space<vmem>>, vector<16xf32>,
        tpu.vector_store %arg13[%parallel_loop3A_502, %parallel_loop3A_503, %parallel_loop3A_504, %parallel_loop3A_505], %parallel_loop3A_500 {strides = array<i32>} : memref<4x4x8x128xf32, #tpu.memory_space<vmem>>, vector<16xf32>,
        %parallel_loop3A_507 = arith.constant 0 : i32
        %parallel_loop3A_508 = vector.broadcast %parallel_loop3A_507 : i32 to vector<16xi32>
        %parallel_loop3A_509 = arith.addi %add3A_24, %parallel_loop3A_508 : vector<16xi32>
        %parallel_loop3A_510 = tpu.vector_load_idx %arg11[%parallel_loop3A_509, %parallel_loop3A_456] : memref<512x32xf32, #tpu.memory_space<vmem>>[vector<16xi32>, vector<16xi32>], vector<16xf32>,
        %parallel_loop3A_511 = arith.constant 0 : i32
        %parallel_loop3A_512 = arith.index_cast %parallel_loop3A_511 : i32 to index
        %parallel_loop3A_513 = arith.index_cast %parallel_loop3A_480 : i32 to index
        %parallel_loop3A_514 = arith.index_cast %parallel_loop3A_496 : i32 to index
        %parallel_loop3A_515 = arith.constant 16 : index
        %parallel_loop3A_516 = tpu.vector_load %arg13[%parallel_loop3A_512, %parallel_loop3A_513, %parallel_loop3A_514, %parallel_loop3A_515] {strides = array<i32>} : memref<4x4x8x128xf32, #tpu.memory_space<vmem>>, vector<16xf32>,
        tpu.vector_store %arg13[%parallel_loop3A_512, %parallel_loop3A_513, %parallel_loop3A_514, %parallel_loop3A_515], %parallel_loop3A_510 {strides = array<i32>} : memref<4x4x8x128xf32, #tpu.memory_space<vmem>>, vector<16xf32>,
        %parallel_loop3A_517 = arith.constant 0 : i32
        %parallel_loop3A_518 = vector.broadcast %parallel_loop3A_517 : i32 to vector<16xi32>
        %parallel_loop3A_519 = arith.addi %add3A_27, %parallel_loop3A_518 : vector<16xi32>
        %parallel_loop3A_520 = tpu.vector_load_idx %arg11[%parallel_loop3A_519, %parallel_loop3A_456] : memref<512x32xf32, #tpu.memory_space<vmem>>[vector<16xi32>, vector<16xi32>], vector<16xf32>,
        %parallel_loop3A_521 = arith.constant 0 : i32
        %parallel_loop3A_522 = arith.index_cast %parallel_loop3A_521 : i32 to index
        %parallel_loop3A_523 = arith.index_cast %parallel_loop3A_480 : i32 to index
        %parallel_loop3A_524 = arith.index_cast %parallel_loop3A_496 : i32 to index
        %parallel_loop3A_525 = arith.constant 32 : index
        %parallel_loop3A_526 = tpu.vector_load %arg13[%parallel_loop3A_522, %parallel_loop3A_523, %parallel_loop3A_524, %parallel_loop3A_525] {strides = array<i32>} : memref<4x4x8x128xf32, #tpu.memory_space<vmem>>, vector<16xf32>,
        tpu.vector_store %arg13[%parallel_loop3A_522, %parallel_loop3A_523, %parallel_loop3A_524, %parallel_loop3A_525], %parallel_loop3A_520 {strides = array<i32>} : memref<4x4x8x128xf32, #tpu.memory_space<vmem>>, vector<16xf32>,
        %parallel_loop3A_527 = arith.constant 0 : i32
        %parallel_loop3A_528 = vector.broadcast %parallel_loop3A_527 : i32 to vector<16xi32>
        %parallel_loop3A_529 = arith.addi %add3A_30, %parallel_loop3A_528 : vector<16xi32>
        %parallel_loop3A_530 = tpu.vector_load_idx %arg11[%parallel_loop3A_529, %parallel_loop3A_456] : memref<512x32xf32, #tpu.memory_space<vmem>>[vector<16xi32>, vector<16xi32>], vector<16xf32>,
        %parallel_loop3A_531 = arith.constant 0 : i32
        %parallel_loop3A_532 = arith.index_cast %parallel_loop3A_531 : i32 to index
        %parallel_loop3A_533 = arith.index_cast %parallel_loop3A_480 : i32 to index
        %parallel_loop3A_534 = arith.index_cast %parallel_loop3A_496 : i32 to index
        %parallel_loop3A_535 = arith.constant 48 : index
        %parallel_loop3A_536 = tpu.vector_load %arg13[%parallel_loop3A_532, %parallel_loop3A_533, %parallel_loop3A_534, %parallel_loop3A_535] {strides = array<i32>} : memref<4x4x8x128xf32, #tpu.memory_space<vmem>>, vector<16xf32>,
        tpu.vector_store %arg13[%parallel_loop3A_532, %parallel_loop3A_533, %parallel_loop3A_534, %parallel_loop3A_535], %parallel_loop3A_530 {strides = array<i32>} : memref<4x4x8x128xf32, #tpu.memory_space<vmem>>, vector<16xf32>,
        %parallel_loop3A_537 = arith.constant 0 : i32
        %parallel_loop3A_538 = vector.broadcast %parallel_loop3A_537 : i32 to vector<16xi32>
        %parallel_loop3A_539 = arith.addi %add3A_33, %parallel_loop3A_538 : vector<16xi32>
        %parallel_loop3A_540 = tpu.vector_load_idx %arg11[%parallel_loop3A_539, %parallel_loop3A_456] : memref<512x32xf32, #tpu.memory_space<vmem>>[vector<16xi32>, vector<16xi32>], vector<16xf32>,
        %parallel_loop3A_541 = arith.constant 0 : i32
        %parallel_loop3A_542 = arith.index_cast %parallel_loop3A_541 : i32 to index
        %parallel_loop3A_543 = arith.index_cast %parallel_loop3A_480 : i32 to index
        %parallel_loop3A_544 = arith.index_cast %parallel_loop3A_496 : i32 to index
        %parallel_loop3A_545 = arith.constant 64 : index
        %parallel_loop3A_546 = tpu.vector_load %arg13[%parallel_loop3A_542, %parallel_loop3A_543, %parallel_loop3A_544, %parallel_loop3A_545] {strides = array<i32>} : memref<4x4x8x128xf32, #tpu.memory_space<vmem>>, vector<16xf32>,
        tpu.vector_store %arg13[%parallel_loop3A_542, %parallel_loop3A_543, %parallel_loop3A_544, %parallel_loop3A_545], %parallel_loop3A_540 {strides = array<i32>} : memref<4x4x8x128xf32, #tpu.memory_space<vmem>>, vector<16xf32>,
        %parallel_loop3A_547 = arith.constant 0 : i32
        %parallel_loop3A_548 = vector.broadcast %parallel_loop3A_547 : i32 to vector<16xi32>
        %parallel_loop3A_549 = arith.addi %add3A_36, %parallel_loop3A_548 : vector<16xi32>
        %parallel_loop3A_550 = tpu.vector_load_idx %arg11[%parallel_loop3A_549, %parallel_loop3A_456] : memref<512x32xf32, #tpu.memory_space<vmem>>[vector<16xi32>, vector<16xi32>], vector<16xf32>,
        %parallel_loop3A_551 = arith.constant 0 : i32
        %parallel_loop3A_552 = arith.index_cast %parallel_loop3A_551 : i32 to index
        %parallel_loop3A_553 = arith.index_cast %parallel_loop3A_480 : i32 to index
        %parallel_loop3A_554 = arith.index_cast %parallel_loop3A_496 : i32 to index
        %parallel_loop3A_555 = arith.constant 80 : index
        %parallel_loop3A_556 = tpu.vector_load %arg13[%parallel_loop3A_552, %parallel_loop3A_553, %parallel_loop3A_554, %parallel_loop3A_555] {strides = array<i32>} : memref<4x4x8x128xf32, #tpu.memory_space<vmem>>, vector<16xf32>,
        tpu.vector_store %arg13[%parallel_loop3A_552, %parallel_loop3A_553, %parallel_loop3A_554, %parallel_loop3A_555], %parallel_loop3A_550 {strides = array<i32>} : memref<4x4x8x128xf32, #tpu.memory_space<vmem>>, vector<16xf32>,
        %parallel_loop3A_557 = arith.constant 0 : i32
        %parallel_loop3A_558 = vector.broadcast %parallel_loop3A_557 : i32 to vector<16xi32>
        %parallel_loop3A_559 = arith.addi %add3A_39, %parallel_loop3A_558 : vector<16xi32>
        %parallel_loop3A_560 = tpu.vector_load_idx %arg11[%parallel_loop3A_559, %parallel_loop3A_456] : memref<512x32xf32, #tpu.memory_space<vmem>>[vector<16xi32>, vector<16xi32>], vector<16xf32>,
        %parallel_loop3A_561 = arith.constant 0 : i32
        %parallel_loop3A_562 = arith.index_cast %parallel_loop3A_561 : i32 to index
        %parallel_loop3A_563 = arith.index_cast %parallel_loop3A_480 : i32 to index
        %parallel_loop3A_564 = arith.index_cast %parallel_loop3A_496 : i32 to index
        %parallel_loop3A_565 = arith.constant 96 : index
        %parallel_loop3A_566 = tpu.vector_load %arg13[%parallel_loop3A_562, %parallel_loop3A_563, %parallel_loop3A_564, %parallel_loop3A_565] {strides = array<i32>} : memref<4x4x8x128xf32, #tpu.memory_space<vmem>>, vector<16xf32>,
        tpu.vector_store %arg13[%parallel_loop3A_562, %parallel_loop3A_563, %parallel_loop3A_564, %parallel_loop3A_565], %parallel_loop3A_560 {strides = array<i32>} : memref<4x4x8x128xf32, #tpu.memory_space<vmem>>, vector<16xf32>,
        %parallel_loop3A_567 = arith.constant 0 : i32
        %parallel_loop3A_568 = vector.broadcast %parallel_loop3A_567 : i32 to vector<16xi32>
        %parallel_loop3A_569 = arith.addi %add3A_42, %parallel_loop3A_568 : vector<16xi32>
        %parallel_loop3A_570 = tpu.vector_load_idx %arg11[%parallel_loop3A_569, %parallel_loop3A_456] : memref<512x32xf32, #tpu.memory_space<vmem>>[vector<16xi32>, vector<16xi32>], vector<16xf32>,
        %parallel_loop3A_571 = arith.constant 0 : i32
        %parallel_loop3A_572 = arith.index_cast %parallel_loop3A_571 : i32 to index
        %parallel_loop3A_573 = arith.index_cast %parallel_loop3A_480 : i32 to index
        %parallel_loop3A_574 = arith.index_cast %parallel_loop3A_496 : i32 to index
        %parallel_loop3A_575 = arith.constant 112 : index
        %parallel_loop3A_576 = tpu.vector_load %arg13[%parallel_loop3A_572, %parallel_loop3A_573, %parallel_loop3A_574, %parallel_loop3A_575] {strides = array<i32>} : memref<4x4x8x128xf32, #tpu.memory_space<vmem>>, vector<16xf32>,
        tpu.vector_store %arg13[%parallel_loop3A_572, %parallel_loop3A_573, %parallel_loop3A_574, %parallel_loop3A_575], %parallel_loop3A_570 {strides = array<i32>} : memref<4x4x8x128xf32, #tpu.memory_space<vmem>>, vector<16xf32>,
        %parallel_loop3A_577 = arith.constant 128 : i32
        %parallel_loop3A_578 = vector.broadcast %parallel_loop3A_577 : i32 to vector<16xi32>
        %parallel_loop3A_579 = arith.addi %add3A_21, %parallel_loop3A_578 : vector<16xi32>
        %parallel_loop3A_580 = tpu.vector_load_idx %arg11[%parallel_loop3A_579, %parallel_loop3A_456] : memref<512x32xf32, #tpu.memory_space<vmem>>[vector<16xi32>, vector<16xi32>], vector<16xf32>,
        %parallel_loop3A_581 = arith.constant 1 : i32
        %parallel_loop3A_582 = arith.index_cast %parallel_loop3A_581 : i32 to index
        %parallel_loop3A_583 = arith.index_cast %parallel_loop3A_480 : i32 to index
        %parallel_loop3A_584 = arith.index_cast %parallel_loop3A_496 : i32 to index
        %parallel_loop3A_585 = arith.constant 0 : index
        %parallel_loop3A_586 = tpu.vector_load %arg13[%parallel_loop3A_582, %parallel_loop3A_583, %parallel_loop3A_584, %parallel_loop3A_585] {strides = array<i32>} : memref<4x4x8x128xf32, #tpu.memory_space<vmem>>, vector<16xf32>,
        tpu.vector_store %arg13[%parallel_loop3A_582, %parallel_loop3A_583, %parallel_loop3A_584, %parallel_loop3A_585], %parallel_loop3A_580 {strides = array<i32>} : memref<4x4x8x128xf32, #tpu.memory_space<vmem>>, vector<16xf32>,
        %parallel_loop3A_587 = arith.constant 128 : i32
        %parallel_loop3A_588 = vector.broadcast %parallel_loop3A_587 : i32 to vector<16xi32>
        %parallel_loop3A_589 = arith.addi %add3A_24, %parallel_loop3A_588 : vector<16xi32>
        %parallel_loop3A_590 = tpu.vector_load_idx %arg11[%parallel_loop3A_589, %parallel_loop3A_456] : memref<512x32xf32, #tpu.memory_space<vmem>>[vector<16xi32>, vector<16xi32>], vector<16xf32>,
        %parallel_loop3A_591 = arith.constant 1 : i32
        %parallel_loop3A_592 = arith.index_cast %parallel_loop3A_591 : i32 to index
        %parallel_loop3A_593 = arith.index_cast %parallel_loop3A_480 : i32 to index
        %parallel_loop3A_594 = arith.index_cast %parallel_loop3A_496 : i32 to index
        %parallel_loop3A_595 = arith.constant 16 : index
        %parallel_loop3A_596 = tpu.vector_load %arg13[%parallel_loop3A_592, %parallel_loop3A_593, %parallel_loop3A_594, %parallel_loop3A_595] {strides = array<i32>} : memref<4x4x8x128xf32, #tpu.memory_space<vmem>>, vector<16xf32>,
        tpu.vector_store %arg13[%parallel_loop3A_592, %parallel_loop3A_593, %parallel_loop3A_594, %parallel_loop3A_595], %parallel_loop3A_590 {strides = array<i32>} : memref<4x4x8x128xf32, #tpu.memory_space<vmem>>, vector<16xf32>,
        %parallel_loop3A_597 = arith.constant 128 : i32
        %parallel_loop3A_598 = vector.broadcast %parallel_loop3A_597 : i32 to vector<16xi32>
        %parallel_loop3A_599 = arith.addi %add3A_27, %parallel_loop3A_598 : vector<16xi32>
        %parallel_loop3A_600 = tpu.vector_load_idx %arg11[%parallel_loop3A_599, %parallel_loop3A_456] : memref<512x32xf32, #tpu.memory_space<vmem>>[vector<16xi32>, vector<16xi32>], vector<16xf32>,
        %parallel_loop3A_601 = arith.constant 1 : i32
        %parallel_loop3A_602 = arith.index_cast %parallel_loop3A_601 : i32 to index
        %parallel_loop3A_603 = arith.index_cast %parallel_loop3A_480 : i32 to index
        %parallel_loop3A_604 = arith.index_cast %parallel_loop3A_496 : i32 to index
        %parallel_loop3A_605 = arith.constant 32 : index
        %parallel_loop3A_606 = tpu.vector_load %arg13[%parallel_loop3A_602, %parallel_loop3A_603, %parallel_loop3A_604, %parallel_loop3A_605] {strides = array<i32>} : memref<4x4x8x128xf32, #tpu.memory_space<vmem>>, vector<16xf32>,
        tpu.vector_store %arg13[%parallel_loop3A_602, %parallel_loop3A_603, %parallel_loop3A_604, %parallel_loop3A_605], %parallel_loop3A_600 {strides = array<i32>} : memref<4x4x8x128xf32, #tpu.memory_space<vmem>>, vector<16xf32>,
        %parallel_loop3A_607 = arith.constant 128 : i32
        %parallel_loop3A_608 = vector.broadcast %parallel_loop3A_607 : i32 to vector<16xi32>
        %parallel_loop3A_609 = arith.addi %add3A_30, %parallel_loop3A_608 : vector<16xi32>
        %parallel_loop3A_610 = tpu.vector_load_idx %arg11[%parallel_loop3A_609, %parallel_loop3A_456] : memref<512x32xf32, #tpu.memory_space<vmem>>[vector<16xi32>, vector<16xi32>], vector<16xf32>,
        %parallel_loop3A_611 = arith.constant 1 : i32
        %parallel_loop3A_612 = arith.index_cast %parallel_loop3A_611 : i32 to index
        %parallel_loop3A_613 = arith.index_cast %parallel_loop3A_480 : i32 to index
        %parallel_loop3A_614 = arith.index_cast %parallel_loop3A_496 : i32 to index
        %parallel_loop3A_615 = arith.constant 48 : index
        %parallel_loop3A_616 = tpu.vector_load %arg13[%parallel_loop3A_612, %parallel_loop3A_613, %parallel_loop3A_614, %parallel_loop3A_615] {strides = array<i32>} : memref<4x4x8x128xf32, #tpu.memory_space<vmem>>, vector<16xf32>,
        tpu.vector_store %arg13[%parallel_loop3A_612, %parallel_loop3A_613, %parallel_loop3A_614, %parallel_loop3A_615], %parallel_loop3A_610 {strides = array<i32>} : memref<4x4x8x128xf32, #tpu.memory_space<vmem>>, vector<16xf32>,
        %parallel_loop3A_617 = arith.constant 128 : i32
        %parallel_loop3A_618 = vector.broadcast %parallel_loop3A_617 : i32 to vector<16xi32>
        %parallel_loop3A_619 = arith.addi %add3A_33, %parallel_loop3A_618 : vector<16xi32>
        %parallel_loop3A_620 = tpu.vector_load_idx %arg11[%parallel_loop3A_619, %parallel_loop3A_456] : memref<512x32xf32, #tpu.memory_space<vmem>>[vector<16xi32>, vector<16xi32>], vector<16xf32>,
        %parallel_loop3A_621 = arith.constant 1 : i32
        %parallel_loop3A_622 = arith.index_cast %parallel_loop3A_621 : i32 to index
        %parallel_loop3A_623 = arith.index_cast %parallel_loop3A_480 : i32 to index
        %parallel_loop3A_624 = arith.index_cast %parallel_loop3A_496 : i32 to index
        %parallel_loop3A_625 = arith.constant 64 : index
        %parallel_loop3A_626 = tpu.vector_load %arg13[%parallel_loop3A_622, %parallel_loop3A_623, %parallel_loop3A_624, %parallel_loop3A_625] {strides = array<i32>} : memref<4x4x8x128xf32, #tpu.memory_space<vmem>>, vector<16xf32>,
        tpu.vector_store %arg13[%parallel_loop3A_622, %parallel_loop3A_623, %parallel_loop3A_624, %parallel_loop3A_625], %parallel_loop3A_620 {strides = array<i32>} : memref<4x4x8x128xf32, #tpu.memory_space<vmem>>, vector<16xf32>,
        %parallel_loop3A_627 = arith.constant 128 : i32
        %parallel_loop3A_628 = vector.broadcast %parallel_loop3A_627 : i32 to vector<16xi32>
        %parallel_loop3A_629 = arith.addi %add3A_36, %parallel_loop3A_628 : vector<16xi32>
        %parallel_loop3A_630 = tpu.vector_load_idx %arg11[%parallel_loop3A_629, %parallel_loop3A_456] : memref<512x32xf32, #tpu.memory_space<vmem>>[vector<16xi32>, vector<16xi32>], vector<16xf32>,
        %parallel_loop3A_631 = arith.constant 1 : i32
        %parallel_loop3A_632 = arith.index_cast %parallel_loop3A_631 : i32 to index
        %parallel_loop3A_633 = arith.index_cast %parallel_loop3A_480 : i32 to index
        %parallel_loop3A_634 = arith.index_cast %parallel_loop3A_496 : i32 to index
        %parallel_loop3A_635 = arith.constant 80 : index
        %parallel_loop3A_636 = tpu.vector_load %arg13[%parallel_loop3A_632, %parallel_loop3A_633, %parallel_loop3A_634, %parallel_loop3A_635] {strides = array<i32>} : memref<4x4x8x128xf32, #tpu.memory_space<vmem>>, vector<16xf32>,
        tpu.vector_store %arg13[%parallel_loop3A_632, %parallel_loop3A_633, %parallel_loop3A_634, %parallel_loop3A_635], %parallel_loop3A_630 {strides = array<i32>} : memref<4x4x8x128xf32, #tpu.memory_space<vmem>>, vector<16xf32>,
        %parallel_loop3A_637 = arith.constant 128 : i32
        %parallel_loop3A_638 = vector.broadcast %parallel_loop3A_637 : i32 to vector<16xi32>
        %parallel_loop3A_639 = arith.addi %add3A_39, %parallel_loop3A_638 : vector<16xi32>
        %parallel_loop3A_640 = tpu.vector_load_idx %arg11[%parallel_loop3A_639, %parallel_loop3A_456] : memref<512x32xf32, #tpu.memory_space<vmem>>[vector<16xi32>, vector<16xi32>], vector<16xf32>,
        %parallel_loop3A_641 = arith.constant 1 : i32
        %parallel_loop3A_642 = arith.index_cast %parallel_loop3A_641 : i32 to index
        %parallel_loop3A_643 = arith.index_cast %parallel_loop3A_480 : i32 to index
        %parallel_loop3A_644 = arith.index_cast %parallel_loop3A_496 : i32 to index
        %parallel_loop3A_645 = arith.constant 96 : index
        %parallel_loop3A_646 = tpu.vector_load %arg13[%parallel_loop3A_642, %parallel_loop3A_643, %parallel_loop3A_644, %parallel_loop3A_645] {strides = array<i32>} : memref<4x4x8x128xf32, #tpu.memory_space<vmem>>, vector<16xf32>,
        tpu.vector_store %arg13[%parallel_loop3A_642, %parallel_loop3A_643, %parallel_loop3A_644, %parallel_loop3A_645], %parallel_loop3A_640 {strides = array<i32>} : memref<4x4x8x128xf32, #tpu.memory_space<vmem>>, vector<16xf32>,
        %parallel_loop3A_647 = arith.constant 128 : i32
        %parallel_loop3A_648 = vector.broadcast %parallel_loop3A_647 : i32 to vector<16xi32>
        %parallel_loop3A_649 = arith.addi %add3A_42, %parallel_loop3A_648 : vector<16xi32>
        %parallel_loop3A_650 = tpu.vector_load_idx %arg11[%parallel_loop3A_649, %parallel_loop3A_456] : memref<512x32xf32, #tpu.memory_space<vmem>>[vector<16xi32>, vector<16xi32>], vector<16xf32>,
        %parallel_loop3A_651 = arith.constant 1 : i32
        %parallel_loop3A_652 = arith.index_cast %parallel_loop3A_651 : i32 to index
        %parallel_loop3A_653 = arith.index_cast %parallel_loop3A_480 : i32 to index
        %parallel_loop3A_654 = arith.index_cast %parallel_loop3A_496 : i32 to index
        %parallel_loop3A_655 = arith.constant 112 : index
        %parallel_loop3A_656 = tpu.vector_load %arg13[%parallel_loop3A_652, %parallel_loop3A_653, %parallel_loop3A_654, %parallel_loop3A_655] {strides = array<i32>} : memref<4x4x8x128xf32, #tpu.memory_space<vmem>>, vector<16xf32>,
        tpu.vector_store %arg13[%parallel_loop3A_652, %parallel_loop3A_653, %parallel_loop3A_654, %parallel_loop3A_655], %parallel_loop3A_650 {strides = array<i32>} : memref<4x4x8x128xf32, #tpu.memory_space<vmem>>, vector<16xf32>,
        %parallel_loop3A_657 = arith.constant 256 : i32
        %parallel_loop3A_658 = vector.broadcast %parallel_loop3A_657 : i32 to vector<16xi32>
        %parallel_loop3A_659 = arith.addi %add3A_21, %parallel_loop3A_658 : vector<16xi32>
        %parallel_loop3A_660 = tpu.vector_load_idx %arg11[%parallel_loop3A_659, %parallel_loop3A_456] : memref<512x32xf32, #tpu.memory_space<vmem>>[vector<16xi32>, vector<16xi32>], vector<16xf32>,
        %parallel_loop3A_661 = arith.constant 2 : i32
        %parallel_loop3A_662 = arith.index_cast %parallel_loop3A_661 : i32 to index
        %parallel_loop3A_663 = arith.index_cast %parallel_loop3A_480 : i32 to index
        %parallel_loop3A_664 = arith.index_cast %parallel_loop3A_496 : i32 to index
        %parallel_loop3A_665 = arith.constant 0 : index
        %parallel_loop3A_666 = tpu.vector_load %arg13[%parallel_loop3A_662, %parallel_loop3A_663, %parallel_loop3A_664, %parallel_loop3A_665] {strides = array<i32>} : memref<4x4x8x128xf32, #tpu.memory_space<vmem>>, vector<16xf32>,
        tpu.vector_store %arg13[%parallel_loop3A_662, %parallel_loop3A_663, %parallel_loop3A_664, %parallel_loop3A_665], %parallel_loop3A_660 {strides = array<i32>} : memref<4x4x8x128xf32, #tpu.memory_space<vmem>>, vector<16xf32>,
        %parallel_loop3A_667 = arith.constant 256 : i32
        %parallel_loop3A_668 = vector.broadcast %parallel_loop3A_667 : i32 to vector<16xi32>
        %parallel_loop3A_669 = arith.addi %add3A_24, %parallel_loop3A_668 : vector<16xi32>
        %parallel_loop3A_670 = tpu.vector_load_idx %arg11[%parallel_loop3A_669, %parallel_loop3A_456] : memref<512x32xf32, #tpu.memory_space<vmem>>[vector<16xi32>, vector<16xi32>], vector<16xf32>,
        %parallel_loop3A_671 = arith.constant 2 : i32
        %parallel_loop3A_672 = arith.index_cast %parallel_loop3A_671 : i32 to index
        %parallel_loop3A_673 = arith.index_cast %parallel_loop3A_480 : i32 to index
        %parallel_loop3A_674 = arith.index_cast %parallel_loop3A_496 : i32 to index
        %parallel_loop3A_675 = arith.constant 16 : index
        %parallel_loop3A_676 = tpu.vector_load %arg13[%parallel_loop3A_672, %parallel_loop3A_673, %parallel_loop3A_674, %parallel_loop3A_675] {strides = array<i32>} : memref<4x4x8x128xf32, #tpu.memory_space<vmem>>, vector<16xf32>,
        tpu.vector_store %arg13[%parallel_loop3A_672, %parallel_loop3A_673, %parallel_loop3A_674, %parallel_loop3A_675], %parallel_loop3A_670 {strides = array<i32>} : memref<4x4x8x128xf32, #tpu.memory_space<vmem>>, vector<16xf32>,
        %parallel_loop3A_677 = arith.constant 256 : i32
        %parallel_loop3A_678 = vector.broadcast %parallel_loop3A_677 : i32 to vector<16xi32>
        %parallel_loop3A_679 = arith.addi %add3A_27, %parallel_loop3A_678 : vector<16xi32>
        %parallel_loop3A_680 = tpu.vector_load_idx %arg11[%parallel_loop3A_679, %parallel_loop3A_456] : memref<512x32xf32, #tpu.memory_space<vmem>>[vector<16xi32>, vector<16xi32>], vector<16xf32>,
        %parallel_loop3A_681 = arith.constant 2 : i32
        %parallel_loop3A_682 = arith.index_cast %parallel_loop3A_681 : i32 to index
        %parallel_loop3A_683 = arith.index_cast %parallel_loop3A_480 : i32 to index
        %parallel_loop3A_684 = arith.index_cast %parallel_loop3A_496 : i32 to index
        %parallel_loop3A_685 = arith.constant 32 : index
        %parallel_loop3A_686 = tpu.vector_load %arg13[%parallel_loop3A_682, %parallel_loop3A_683, %parallel_loop3A_684, %parallel_loop3A_685] {strides = array<i32>} : memref<4x4x8x128xf32, #tpu.memory_space<vmem>>, vector<16xf32>,
        tpu.vector_store %arg13[%parallel_loop3A_682, %parallel_loop3A_683, %parallel_loop3A_684, %parallel_loop3A_685], %parallel_loop3A_680 {strides = array<i32>} : memref<4x4x8x128xf32, #tpu.memory_space<vmem>>, vector<16xf32>,
        %parallel_loop3A_687 = arith.constant 256 : i32
        %parallel_loop3A_688 = vector.broadcast %parallel_loop3A_687 : i32 to vector<16xi32>
        %parallel_loop3A_689 = arith.addi %add3A_30, %parallel_loop3A_688 : vector<16xi32>
        %parallel_loop3A_690 = tpu.vector_load_idx %arg11[%parallel_loop3A_689, %parallel_loop3A_456] : memref<512x32xf32, #tpu.memory_space<vmem>>[vector<16xi32>, vector<16xi32>], vector<16xf32>,
        %parallel_loop3A_691 = arith.constant 2 : i32
        %parallel_loop3A_692 = arith.index_cast %parallel_loop3A_691 : i32 to index
        %parallel_loop3A_693 = arith.index_cast %parallel_loop3A_480 : i32 to index
        %parallel_loop3A_694 = arith.index_cast %parallel_loop3A_496 : i32 to index
        %parallel_loop3A_695 = arith.constant 48 : index
        %parallel_loop3A_696 = tpu.vector_load %arg13[%parallel_loop3A_692, %parallel_loop3A_693, %parallel_loop3A_694, %parallel_loop3A_695] {strides = array<i32>} : memref<4x4x8x128xf32, #tpu.memory_space<vmem>>, vector<16xf32>,
        tpu.vector_store %arg13[%parallel_loop3A_692, %parallel_loop3A_693, %parallel_loop3A_694, %parallel_loop3A_695], %parallel_loop3A_690 {strides = array<i32>} : memref<4x4x8x128xf32, #tpu.memory_space<vmem>>, vector<16xf32>,
        %parallel_loop3A_697 = arith.constant 256 : i32
        %parallel_loop3A_698 = vector.broadcast %parallel_loop3A_697 : i32 to vector<16xi32>
        %parallel_loop3A_699 = arith.addi %add3A_33, %parallel_loop3A_698 : vector<16xi32>
        %parallel_loop3A_700 = tpu.vector_load_idx %arg11[%parallel_loop3A_699, %parallel_loop3A_456] : memref<512x32xf32, #tpu.memory_space<vmem>>[vector<16xi32>, vector<16xi32>], vector<16xf32>,
        %parallel_loop3A_701 = arith.constant 2 : i32
        %parallel_loop3A_702 = arith.index_cast %parallel_loop3A_701 : i32 to index
        %parallel_loop3A_703 = arith.index_cast %parallel_loop3A_480 : i32 to index
        %parallel_loop3A_704 = arith.index_cast %parallel_loop3A_496 : i32 to index
        %parallel_loop3A_705 = arith.constant 64 : index
        %parallel_loop3A_706 = tpu.vector_load %arg13[%parallel_loop3A_702, %parallel_loop3A_703, %parallel_loop3A_704, %parallel_loop3A_705] {strides = array<i32>} : memref<4x4x8x128xf32, #tpu.memory_space<vmem>>, vector<16xf32>,
        tpu.vector_store %arg13[%parallel_loop3A_702, %parallel_loop3A_703, %parallel_loop3A_704, %parallel_loop3A_705], %parallel_loop3A_700 {strides = array<i32>} : memref<4x4x8x128xf32, #tpu.memory_space<vmem>>, vector<16xf32>,
        %parallel_loop3A_707 = arith.constant 256 : i32
        %parallel_loop3A_708 = vector.broadcast %parallel_loop3A_707 : i32 to vector<16xi32>
        %parallel_loop3A_709 = arith.addi %add3A_36, %parallel_loop3A_708 : vector<16xi32>
        %parallel_loop3A_710 = tpu.vector_load_idx %arg11[%parallel_loop3A_709, %parallel_loop3A_456] : memref<512x32xf32, #tpu.memory_space<vmem>>[vector<16xi32>, vector<16xi32>], vector<16xf32>,
        %parallel_loop3A_711 = arith.constant 2 : i32
        %parallel_loop3A_712 = arith.index_cast %parallel_loop3A_711 : i32 to index
        %parallel_loop3A_713 = arith.index_cast %parallel_loop3A_480 : i32 to index
        %parallel_loop3A_714 = arith.index_cast %parallel_loop3A_496 : i32 to index
        %parallel_loop3A_715 = arith.constant 80 : index
        %parallel_loop3A_716 = tpu.vector_load %arg13[%parallel_loop3A_712, %parallel_loop3A_713, %parallel_loop3A_714, %parallel_loop3A_715] {strides = array<i32>} : memref<4x4x8x128xf32, #tpu.memory_space<vmem>>, vector<16xf32>,
        tpu.vector_store %arg13[%parallel_loop3A_712, %parallel_loop3A_713, %parallel_loop3A_714, %parallel_loop3A_715], %parallel_loop3A_710 {strides = array<i32>} : memref<4x4x8x128xf32, #tpu.memory_space<vmem>>, vector<16xf32>,
        %parallel_loop3A_717 = arith.constant 256 : i32
        %parallel_loop3A_718 = vector.broadcast %parallel_loop3A_717 : i32 to vector<16xi32>
        %parallel_loop3A_719 = arith.addi %add3A_39, %parallel_loop3A_718 : vector<16xi32>
        %parallel_loop3A_720 = tpu.vector_load_idx %arg11[%parallel_loop3A_719, %parallel_loop3A_456] : memref<512x32xf32, #tpu.memory_space<vmem>>[vector<16xi32>, vector<16xi32>], vector<16xf32>,
        %parallel_loop3A_721 = arith.constant 2 : i32
        %parallel_loop3A_722 = arith.index_cast %parallel_loop3A_721 : i32 to index
        %parallel_loop3A_723 = arith.index_cast %parallel_loop3A_480 : i32 to index
        %parallel_loop3A_724 = arith.index_cast %parallel_loop3A_496 : i32 to index
        %parallel_loop3A_725 = arith.constant 96 : index
        %parallel_loop3A_726 = tpu.vector_load %arg13[%parallel_loop3A_722, %parallel_loop3A_723, %parallel_loop3A_724, %parallel_loop3A_725] {strides = array<i32>} : memref<4x4x8x128xf32, #tpu.memory_space<vmem>>, vector<16xf32>,
        tpu.vector_store %arg13[%parallel_loop3A_722, %parallel_loop3A_723, %parallel_loop3A_724, %parallel_loop3A_725], %parallel_loop3A_720 {strides = array<i32>} : memref<4x4x8x128xf32, #tpu.memory_space<vmem>>, vector<16xf32>,
        %parallel_loop3A_727 = arith.constant 256 : i32
        %parallel_loop3A_728 = vector.broadcast %parallel_loop3A_727 : i32 to vector<16xi32>
        %parallel_loop3A_729 = arith.addi %add3A_42, %parallel_loop3A_728 : vector<16xi32>
        %parallel_loop3A_730 = tpu.vector_load_idx %arg11[%parallel_loop3A_729, %parallel_loop3A_456] : memref<512x32xf32, #tpu.memory_space<vmem>>[vector<16xi32>, vector<16xi32>], vector<16xf32>,
        %parallel_loop3A_731 = arith.constant 2 : i32
        %parallel_loop3A_732 = arith.index_cast %parallel_loop3A_731 : i32 to index
        %parallel_loop3A_733 = arith.index_cast %parallel_loop3A_480 : i32 to index
        %parallel_loop3A_734 = arith.index_cast %parallel_loop3A_496 : i32 to index
        %parallel_loop3A_735 = arith.constant 112 : index
        %parallel_loop3A_736 = tpu.vector_load %arg13[%parallel_loop3A_732, %parallel_loop3A_733, %parallel_loop3A_734, %parallel_loop3A_735] {strides = array<i32>} : memref<4x4x8x128xf32, #tpu.memory_space<vmem>>, vector<16xf32>,
        tpu.vector_store %arg13[%parallel_loop3A_732, %parallel_loop3A_733, %parallel_loop3A_734, %parallel_loop3A_735], %parallel_loop3A_730 {strides = array<i32>} : memref<4x4x8x128xf32, #tpu.memory_space<vmem>>, vector<16xf32>,
        %parallel_loop3A_737 = arith.constant 384 : i32
        %parallel_loop3A_738 = vector.broadcast %parallel_loop3A_737 : i32 to vector<16xi32>
        %parallel_loop3A_739 = arith.addi %add3A_21, %parallel_loop3A_738 : vector<16xi32>
        %parallel_loop3A_740 = tpu.vector_load_idx %arg11[%parallel_loop3A_739, %parallel_loop3A_456] : memref<512x32xf32, #tpu.memory_space<vmem>>[vector<16xi32>, vector<16xi32>], vector<16xf32>,
        %parallel_loop3A_741 = arith.constant 3 : i32
        %parallel_loop3A_742 = arith.index_cast %parallel_loop3A_741 : i32 to index
        %parallel_loop3A_743 = arith.index_cast %parallel_loop3A_480 : i32 to index
        %parallel_loop3A_744 = arith.index_cast %parallel_loop3A_496 : i32 to index
        %parallel_loop3A_745 = arith.constant 0 : index
        %parallel_loop3A_746 = tpu.vector_load %arg13[%parallel_loop3A_742, %parallel_loop3A_743, %parallel_loop3A_744, %parallel_loop3A_745] {strides = array<i32>} : memref<4x4x8x128xf32, #tpu.memory_space<vmem>>, vector<16xf32>,
        tpu.vector_store %arg13[%parallel_loop3A_742, %parallel_loop3A_743, %parallel_loop3A_744, %parallel_loop3A_745], %parallel_loop3A_740 {strides = array<i32>} : memref<4x4x8x128xf32, #tpu.memory_space<vmem>>, vector<16xf32>,
        %parallel_loop3A_747 = arith.constant 384 : i32
        %parallel_loop3A_748 = vector.broadcast %parallel_loop3A_747 : i32 to vector<16xi32>
        %parallel_loop3A_749 = arith.addi %add3A_24, %parallel_loop3A_748 : vector<16xi32>
        %parallel_loop3A_750 = tpu.vector_load_idx %arg11[%parallel_loop3A_749, %parallel_loop3A_456] : memref<512x32xf32, #tpu.memory_space<vmem>>[vector<16xi32>, vector<16xi32>], vector<16xf32>,
        %parallel_loop3A_751 = arith.constant 3 : i32
        %parallel_loop3A_752 = arith.index_cast %parallel_loop3A_751 : i32 to index
        %parallel_loop3A_753 = arith.index_cast %parallel_loop3A_480 : i32 to index
        %parallel_loop3A_754 = arith.index_cast %parallel_loop3A_496 : i32 to index
        %parallel_loop3A_755 = arith.constant 16 : index
        %parallel_loop3A_756 = tpu.vector_load %arg13[%parallel_loop3A_752, %parallel_loop3A_753, %parallel_loop3A_754, %parallel_loop3A_755] {strides = array<i32>} : memref<4x4x8x128xf32, #tpu.memory_space<vmem>>, vector<16xf32>,
        tpu.vector_store %arg13[%parallel_loop3A_752, %parallel_loop3A_753, %parallel_loop3A_754, %parallel_loop3A_755], %parallel_loop3A_750 {strides = array<i32>} : memref<4x4x8x128xf32, #tpu.memory_space<vmem>>, vector<16xf32>,
        %parallel_loop3A_757 = arith.constant 384 : i32
        %parallel_loop3A_758 = vector.broadcast %parallel_loop3A_757 : i32 to vector<16xi32>
        %parallel_loop3A_759 = arith.addi %add3A_27, %parallel_loop3A_758 : vector<16xi32>
        %parallel_loop3A_760 = tpu.vector_load_idx %arg11[%parallel_loop3A_759, %parallel_loop3A_456] : memref<512x32xf32, #tpu.memory_space<vmem>>[vector<16xi32>, vector<16xi32>], vector<16xf32>,
        %parallel_loop3A_761 = arith.constant 3 : i32
        %parallel_loop3A_762 = arith.index_cast %parallel_loop3A_761 : i32 to index
        %parallel_loop3A_763 = arith.index_cast %parallel_loop3A_480 : i32 to index
        %parallel_loop3A_764 = arith.index_cast %parallel_loop3A_496 : i32 to index
        %parallel_loop3A_765 = arith.constant 32 : index
        %parallel_loop3A_766 = tpu.vector_load %arg13[%parallel_loop3A_762, %parallel_loop3A_763, %parallel_loop3A_764, %parallel_loop3A_765] {strides = array<i32>} : memref<4x4x8x128xf32, #tpu.memory_space<vmem>>, vector<16xf32>,
        tpu.vector_store %arg13[%parallel_loop3A_762, %parallel_loop3A_763, %parallel_loop3A_764, %parallel_loop3A_765], %parallel_loop3A_760 {strides = array<i32>} : memref<4x4x8x128xf32, #tpu.memory_space<vmem>>, vector<16xf32>,
        %parallel_loop3A_767 = arith.constant 384 : i32
        %parallel_loop3A_768 = vector.broadcast %parallel_loop3A_767 : i32 to vector<16xi32>
        %parallel_loop3A_769 = arith.addi %add3A_30, %parallel_loop3A_768 : vector<16xi32>
        %parallel_loop3A_770 = tpu.vector_load_idx %arg11[%parallel_loop3A_769, %parallel_loop3A_456] : memref<512x32xf32, #tpu.memory_space<vmem>>[vector<16xi32>, vector<16xi32>], vector<16xf32>,
        %parallel_loop3A_771 = arith.constant 3 : i32
        %parallel_loop3A_772 = arith.index_cast %parallel_loop3A_771 : i32 to index
        %parallel_loop3A_773 = arith.index_cast %parallel_loop3A_480 : i32 to index
        %parallel_loop3A_774 = arith.index_cast %parallel_loop3A_496 : i32 to index
        %parallel_loop3A_775 = arith.constant 48 : index
        %parallel_loop3A_776 = tpu.vector_load %arg13[%parallel_loop3A_772, %parallel_loop3A_773, %parallel_loop3A_774, %parallel_loop3A_775] {strides = array<i32>} : memref<4x4x8x128xf32, #tpu.memory_space<vmem>>, vector<16xf32>,
        tpu.vector_store %arg13[%parallel_loop3A_772, %parallel_loop3A_773, %parallel_loop3A_774, %parallel_loop3A_775], %parallel_loop3A_770 {strides = array<i32>} : memref<4x4x8x128xf32, #tpu.memory_space<vmem>>, vector<16xf32>,
        %parallel_loop3A_777 = arith.constant 384 : i32
        %parallel_loop3A_778 = vector.broadcast %parallel_loop3A_777 : i32 to vector<16xi32>
        %parallel_loop3A_779 = arith.addi %add3A_33, %parallel_loop3A_778 : vector<16xi32>
        %parallel_loop3A_780 = tpu.vector_load_idx %arg11[%parallel_loop3A_779, %parallel_loop3A_456] : memref<512x32xf32, #tpu.memory_space<vmem>>[vector<16xi32>, vector<16xi32>], vector<16xf32>,
        %parallel_loop3A_781 = arith.constant 3 : i32
        %parallel_loop3A_782 = arith.index_cast %parallel_loop3A_781 : i32 to index
        %parallel_loop3A_783 = arith.index_cast %parallel_loop3A_480 : i32 to index
        %parallel_loop3A_784 = arith.index_cast %parallel_loop3A_496 : i32 to index
        %parallel_loop3A_785 = arith.constant 64 : index
        %parallel_loop3A_786 = tpu.vector_load %arg13[%parallel_loop3A_782, %parallel_loop3A_783, %parallel_loop3A_784, %parallel_loop3A_785] {strides = array<i32>} : memref<4x4x8x128xf32, #tpu.memory_space<vmem>>, vector<16xf32>,
        tpu.vector_store %arg13[%parallel_loop3A_782, %parallel_loop3A_783, %parallel_loop3A_784, %parallel_loop3A_785], %parallel_loop3A_780 {strides = array<i32>} : memref<4x4x8x128xf32, #tpu.memory_space<vmem>>, vector<16xf32>,
        %parallel_loop3A_787 = arith.constant 384 : i32
        %parallel_loop3A_788 = vector.broadcast %parallel_loop3A_787 : i32 to vector<16xi32>
        %parallel_loop3A_789 = arith.addi %add3A_36, %parallel_loop3A_788 : vector<16xi32>
        %parallel_loop3A_790 = tpu.vector_load_idx %arg11[%parallel_loop3A_789, %parallel_loop3A_456] : memref<512x32xf32, #tpu.memory_space<vmem>>[vector<16xi32>, vector<16xi32>], vector<16xf32>,
        %parallel_loop3A_791 = arith.constant 3 : i32
        %parallel_loop3A_792 = arith.index_cast %parallel_loop3A_791 : i32 to index
        %parallel_loop3A_793 = arith.index_cast %parallel_loop3A_480 : i32 to index
        %parallel_loop3A_794 = arith.index_cast %parallel_loop3A_496 : i32 to index
        %parallel_loop3A_795 = arith.constant 80 : index
        %parallel_loop3A_796 = tpu.vector_load %arg13[%parallel_loop3A_792, %parallel_loop3A_793, %parallel_loop3A_794, %parallel_loop3A_795] {strides = array<i32>} : memref<4x4x8x128xf32, #tpu.memory_space<vmem>>, vector<16xf32>,
        tpu.vector_store %arg13[%parallel_loop3A_792, %parallel_loop3A_793, %parallel_loop3A_794, %parallel_loop3A_795], %parallel_loop3A_790 {strides = array<i32>} : memref<4x4x8x128xf32, #tpu.memory_space<vmem>>, vector<16xf32>,
        %parallel_loop3A_797 = arith.constant 384 : i32
        %parallel_loop3A_798 = vector.broadcast %parallel_loop3A_797 : i32 to vector<16xi32>
        %parallel_loop3A_799 = arith.addi %add3A_39, %parallel_loop3A_798 : vector<16xi32>
        %parallel_loop3A_800 = tpu.vector_load_idx %arg11[%parallel_loop3A_799, %parallel_loop3A_456] : memref<512x32xf32, #tpu.memory_space<vmem>>[vector<16xi32>, vector<16xi32>], vector<16xf32>,
        %parallel_loop3A_801 = arith.constant 3 : i32
        %parallel_loop3A_802 = arith.index_cast %parallel_loop3A_801 : i32 to index
        %parallel_loop3A_803 = arith.index_cast %parallel_loop3A_480 : i32 to index
        %parallel_loop3A_804 = arith.index_cast %parallel_loop3A_496 : i32 to index
        %parallel_loop3A_805 = arith.constant 96 : index
        %parallel_loop3A_806 = tpu.vector_load %arg13[%parallel_loop3A_802, %parallel_loop3A_803, %parallel_loop3A_804, %parallel_loop3A_805] {strides = array<i32>} : memref<4x4x8x128xf32, #tpu.memory_space<vmem>>, vector<16xf32>,
        tpu.vector_store %arg13[%parallel_loop3A_802, %parallel_loop3A_803, %parallel_loop3A_804, %parallel_loop3A_805], %parallel_loop3A_800 {strides = array<i32>} : memref<4x4x8x128xf32, #tpu.memory_space<vmem>>, vector<16xf32>,
        %parallel_loop3A_807 = arith.constant 384 : i32
        %parallel_loop3A_808 = vector.broadcast %parallel_loop3A_807 : i32 to vector<16xi32>
        %parallel_loop3A_809 = arith.addi %add3A_42, %parallel_loop3A_808 : vector<16xi32>
        %parallel_loop3A_810 = tpu.vector_load_idx %arg11[%parallel_loop3A_809, %parallel_loop3A_456] : memref<512x32xf32, #tpu.memory_space<vmem>>[vector<16xi32>, vector<16xi32>], vector<16xf32>,
        %parallel_loop3A_811 = arith.constant 3 : i32
        %parallel_loop3A_812 = arith.index_cast %parallel_loop3A_811 : i32 to index
        %parallel_loop3A_813 = arith.index_cast %parallel_loop3A_480 : i32 to index
        %parallel_loop3A_814 = arith.index_cast %parallel_loop3A_496 : i32 to index
        %parallel_loop3A_815 = arith.constant 112 : index
        %parallel_loop3A_816 = tpu.vector_load %arg13[%parallel_loop3A_812, %parallel_loop3A_813, %parallel_loop3A_814, %parallel_loop3A_815] {strides = array<i32>} : memref<4x4x8x128xf32, #tpu.memory_space<vmem>>, vector<16xf32>,
        tpu.vector_store %arg13[%parallel_loop3A_812, %parallel_loop3A_813, %parallel_loop3A_814, %parallel_loop3A_815], %parallel_loop3A_810 {strides = array<i32>} : memref<4x4x8x128xf32, #tpu.memory_space<vmem>>, vector<16xf32>,
      } {sc.loop_unroll_factor = 4 : i64, sc.parallel_access}
      %mul3A_443 = arith.constant 4 : i32
      %mul3A_444 = arith.muli %add3A_417, %mul3A_443 : i32
      %dma_start3A_445 = arith.constant 0 : i32
      %dma_start3A_446 = arith.constant 0 : i32
      %dma_start3A_447 = arith.constant 0 : i32
      %dma_start3A_448 = tpu.memref_slice %arg5[%mul3A_444, %dma_start3A_445, %add3A, %dma_start3A_446, %dma_start3A_447] : memref<200x4x32x8x128xf32, #tpu.memory_space<hbm>> -> memref<4x4x1x8x128xf32, #tpu.memory_space<hbm>>
      %dma_start3A_449 = tpu.memref_squeeze %dma_start3A_448 : memref<4x4x1x8x128xf32, #tpu.memory_space<hbm>> -> memref<4x4x8x128xf32, #tpu.memory_space<hbm>>
      %dma_start3A_450 = arith.constant 0 : i32
      %dma_start3A_451 = arith.constant 0 : i32
      %dma_start3A_452 = arith.constant 0 : i32
      %dma_start3A_453 = tpu.memref_slice %arg5[%mul3A_444, %dma_start3A_450, %add3A, %dma_start3A_451, %dma_start3A_452] : memref<200x4x32x8x128xf32, #tpu.memory_space<hbm>> -> memref<4x4x1x8x128xf32, #tpu.memory_space<hbm>>
      %dma_start3A_454 = tpu.memref_squeeze %dma_start3A_453 : memref<4x4x1x8x128xf32, #tpu.memory_space<hbm>> -> memref<4x4x8x128xf32, #tpu.memory_space<hbm>>
      tpu.enqueue_dma source(%arg13 : memref<4x4x8x128xf32, #tpu.memory_space<vmem>>) target(%dma_start3A_454 : memref<4x4x8x128xf32, #tpu.memory_space<hbm>>) target_semaphore(%arg17 : memref<!tpu.dma_semaphore, #tpu.memory_space<semaphore_mem>>)
    }
    %scan3A_351 = arith.constant 25 : i32
    %mul3A_352 = arith.constant 48 : i32
    %mul3A_353 = arith.constant 4 : i32
    %mul3A_354 = arith.muli %mul3A_352, %mul3A_353 : i32
    %dma_wait3A_355 = arith.constant 0 : i32
    %dma_wait3A_356 = arith.constant 0 : i32
    %dma_wait3A_357 = arith.constant 0 : i32
    %dma_wait3A_358 = tpu.memref_slice %arg5[%mul3A_354, %dma_wait3A_355, %add3A, %dma_wait3A_356, %dma_wait3A_357] : memref<200x4x32x8x128xf32, #tpu.memory_space<hbm>> -> memref<4x4x1x8x128xf32, #tpu.memory_space<hbm>>
    %dma_wait3A_359 = tpu.memref_squeeze %dma_wait3A_358 : memref<4x4x1x8x128xf32, #tpu.memory_space<hbm>> -> memref<4x4x8x128xf32, #tpu.memory_space<hbm>>
    %dma_wait3A_360 = arith.constant 0 : i32
    %dma_wait3A_361 = arith.constant 0 : i32
    %dma_wait3A_362 = arith.constant 0 : i32
    %dma_wait3A_363 = tpu.memref_slice %arg5[%mul3A_354, %dma_wait3A_360, %add3A, %dma_wait3A_361, %dma_wait3A_362] : memref<200x4x32x8x128xf32, #tpu.memory_space<hbm>> -> memref<4x4x1x8x128xf32, #tpu.memory_space<hbm>>
    %dma_wait3A_364 = tpu.memref_squeeze %dma_wait3A_363 : memref<4x4x1x8x128xf32, #tpu.memory_space<hbm>> -> memref<4x4x8x128xf32, #tpu.memory_space<hbm>>
    tpu.wait_dma2 semaphore(%arg16 : memref<!tpu.dma_semaphore, #tpu.memory_space<semaphore_mem>>) src(%arg12 : memref<4x4x8x128xf32, #tpu.memory_space<vmem>>) dst(%dma_wait3A_364 : memref<4x4x8x128xf32, #tpu.memory_space<hbm>>)
    %mul3A_365 = arith.constant 49 : i32
    %mul3A_366 = arith.constant 4 : i32
    %mul3A_367 = arith.muli %mul3A_365, %mul3A_366 : i32
    %dma_wait3A_368 = arith.constant 0 : i32
    %dma_wait3A_369 = arith.constant 0 : i32
    %dma_wait3A_370 = arith.constant 0 : i32
    %dma_wait3A_371 = tpu.memref_slice %arg5[%mul3A_367, %dma_wait3A_368, %add3A, %dma_wait3A_369, %dma_wait3A_370] : memref<200x4x32x8x128xf32, #tpu.memory_space<hbm>> -> memref<4x4x1x8x128xf32, #tpu.memory_space<hbm>>
    %dma_wait3A_372 = tpu.memref_squeeze %dma_wait3A_371 : memref<4x4x1x8x128xf32, #tpu.memory_space<hbm>> -> memref<4x4x8x128xf32, #tpu.memory_space<hbm>>
    %dma_wait3A_373 = arith.constant 0 : i32
    %dma_wait3A_374 = arith.constant 0 : i32
    %dma_wait3A_375 = arith.constant 0 : i32
    %dma_wait3A_376 = tpu.memref_slice %arg5[%mul3A_367, %dma_wait3A_373, %add3A, %dma_wait3A_374, %dma_wait3A_375] : memref<200x4x32x8x128xf32, #tpu.memory_space<hbm>> -> memref<4x4x1x8x128xf32, #tpu.memory_space<hbm>>
    %dma_wait3A_377 = tpu.memref_squeeze %dma_wait3A_376 : memref<4x4x1x8x128xf32, #tpu.memory_space<hbm>> -> memref<4x4x8x128xf32, #tpu.memory_space<hbm>>
    tpu.wait_dma2 semaphore(%arg17 : memref<!tpu.dma_semaphore, #tpu.memory_space<semaphore_mem>>) src(%arg13 : memref<4x4x8x128xf32, #tpu.memory_space<vmem>>) dst(%dma_wait3A_377 : memref<4x4x8x128xf32, #tpu.memory_space<hbm>>)
    return
  }
}

</mosaic_0001>

<sc_bundles>
// kernel: kernel.3.cloned.1.call-start
scs
__scs_entry_jumppad:
0x0: {  	(pc) =	sbr.rel $0x88, $3  }
0x1: {  	(tag) =	ssettag $0x0;
	lr =	simm.s32 $0x1  }
0x2: {  	[smem:$0x3F9E] =	sst lr;
	_ =	strace $0xD0000000  }
0x3: {  	_ = 	snop  }
0x4: {  	_ = 	snop  }
0x5: {  	_ = 	snop  }
0x6: {  	_ = 	snop  }
0x7: {  	_ = 	snop  }
__scs_overlays_trampoline_lowered:
0x8: {  	[smem:$0x3FAD] =	sst s0  }
0x9: {  	[smem:$0x3FAE] =	sst s1  }
0xa: {  	[smem:$0x3FAF] =	sst s2  }
0xb: {  	[smem:$0x3FB0] =	sst s3  }
0xc: {  	[smem:$0x3FB1] =	sst s4  }
0xd: {  	[smem:$0x3FB2] =	sst s5  }
0xe: {  	[smem:$0x3FB3] =	sst s6  }
0xf: {  	[smem:$0x3FB4] =	sst s7  }
0x10: {  	[smem:$0x3FB5] =	sst s8  }
0x11: {  	[smem:$0x3FB6] =	sst s9;
	s0 =	simm.s32 @!p0 $0x0  }
0x12: {  	s1 =	sld [smem:$0x3F9C];
	s0 =	simm.s32 @p0 $0x1  }
0x13: {  	[smem:$0x3FB7] =	sst s0;
	s0 =	simm.s32 @!p1 $0x0  }
0x14: {  	s2 =	sld [smem:$0x3F9B];
	s0 =	simm.s32 @p1 $0x1  }
0x15: {  	[smem:$0x3FB8] =	sst s0;
	s0 =	simm.s32 @!p2 $0x0  }
0x16: {  	s3 =	sld [smem:$0x3FDB];
	s0 =	simm.s32 @p2 $0x1  }
0x17: {  	s4 =	simm.s32 $0x1BF5;
	[smem:$0x3FBA] =	sst s0  }
0x18: {  	s0 =	sld [smem:$0x3F9D];
	_ =	swait.ge [sflag:s4], $0x0  }
0x19: {  	s7 =	sld [smem:$0x3F9E]  }
0x1a: {  	s8 =	sadd.s32 $0xFFFFE003, lr  }
0x1b: {  	s9 =	sadd.s32 $0xFFFFFEF7, lr;
	s5 =	simm.s32 $0xFFFFFFFF;
	p2 =	slt.u32 s8, $0xFFFFF086  }
0x1c: {  	p1 =	slt.u32 s9, $0xF7A;
	s5 =	simm.s32 @!p2 $0x0  }
0x1d: {  	s5 =	simm.s32 @p1 $0x1;
	p0 =	seq.s32 s7, s2  }
0x1e: {  	s7 =	smul.u32 @!p0 $0xF7A, s2;
	p2 =	seq.s32 @!p0 s5, $0x0  }
0x1f: {  	s9 =	smul.u32 $0xF7A, s1;
	s8 =	simm.s32 @!p0 $0x1BF5;
	p2 =	por !p2, p0  }
0x20: {  	[sflag:s8] =	ssyncset.s32 @!p0 $0xFFFFF086;
	s6 =	sadd.s32 @!p0 s3, s7;
	s7 =	simm.s32 @!p0 $0x108  }
0x21: {  	s3 =	sadd.s32 s3, s9;
	s6 =	sadd.s32 @!p0 $0x88, s6;
	s7 =	simm.s32 @p2 $0x1082  }
0x22: {  	[simem:s7], [sflag:s8] =	dma.local @!p0 [hbm:s6], $0xF7A  }
0x23: {  	s9 =	sor.u32 $0xD0000000, s2;
	s6 =	simm.s32 $0x108;
	_ =	swait.ge @!p0 [sflag:s8], $0x0  }
0x24: {  	s3 =	sadd.s32 $0x88, s3;
	s6 =	simm.s32 @!p1 $0x1082;
	[sflag:s4] =	ssyncset.s32 $0xFFFFF086  }
0x25: {  	[simem:s6], [sflag:s4] =	dma.local [hbm:s3], $0xF7A  }
0x26: {  	[smem:$0x3F9E] =	sst s1;
	(tag) =	ssettag s2;
	_ =	strace s9  }
0x27: {  	s1 =	sld [smem:$0x3FAE]  }
0x28: {  	s2 =	sld [smem:$0x3FAF]  }
0x29: {  	s4 =	sld [smem:$0x3FB1]  }
0x2a: {  	p0 =	seq.s32 s5, $0x0;
	s5 =	sld [smem:$0x3FB2]  }
0x2b: {  	s6 =	sld [smem:$0x3FB3]  }
0x2c: {  	s7 =	sld [smem:$0x3FB4]  }
0x2d: {  	s3 =	simm.s32 $0x108;
	s8 =	sld [smem:$0x3FB5]  }
0x2e: {  	s3 =	simm.s32 @!p0 $0x1082;
	s9 =	sld [smem:$0x3FB6]  }
0x2f: {  	lr =	sadd.s32 s0, s3;
	s0 =	sld [smem:$0x3FAD]  }
0x30: {  	s3 =	sld [smem:$0x3FB0]  }
0x31: {  	[smem:$0x3FB9] =	sst s10  }
0x32: {  	s10 =	sld [smem:$0x3FB7];
	_ =	sdelay $0x3  }
0x33: {  	p0 =	seq.s32 s10, $0x1;
	s10 =	sld [smem:$0x3FB9];
	_ =	sdelay $0x3  }
0x34: {  	[smem:$0x3FB9] =	sst s10  }
0x35: {  	s10 =	sld [smem:$0x3FB8];
	_ =	sdelay $0x3  }
0x36: {  	p1 =	seq.s32 s10, $0x1;
	s10 =	sld [smem:$0x3FB9];
	_ =	sdelay $0x3  }
0x37: {  	[smem:$0x3FB9] =	sst s10  }
0x38: {  	s10 =	sld [smem:$0x3FBA]  }
0x39: {  	_ = 	snop;
	(pc) =	sbr.ind lr, $3  }
0x3a: {  	_ = 	snop  }
0x3b: {  	_ = 	snop  }
0x3c: {  	p2 =	seq.s32 s10, $0x1;
	s10 =	sld [smem:$0x3FB9]  }
0x3d: {  	_ =	shalt  }
0x3e: {  	_ =	shalt  }
0x3f: {  	_ =	shalt  }
0x40: {  	_ =	shalt  }
0x41: {  	_ =	shalt  }
0x42: {  	_ =	shalt  }
0x43: {  	_ =	shalt  }
0x44: {  	_ =	shalt  }
0x45: {  	_ =	shalt  }
0x46: {  	_ =	shalt  }
0x47: {  	_ =	shalt  }
0x48: {  	_ =	shalt  }
0x49: {  	_ =	shalt  }
0x4a: {  	_ =	shalt  }
0x4b: {  	_ =	shalt  }
0x4c: {  	_ =	shalt  }
0x4d: {  	_ =	shalt  }
0x4e: {  	_ =	shalt  }
0x4f: {  	_ =	shalt  }
0x50: {  	_ =	shalt  }
0x51: {  	_ =	shalt  }
0x52: {  	_ =	shalt  }
0x53: {  	_ =	shalt  }
0x54: {  	_ =	shalt  }
0x55: {  	_ =	shalt  }
0x56: {  	_ =	shalt  }
0x57: {  	_ =	shalt  }
0x58: {  	_ =	shalt  }
0x59: {  	_ =	shalt  }
0x5a: {  	_ =	shalt  }
0x5b: {  	_ =	shalt  }
0x5c: {  	_ =	shalt  }
0x5d: {  	_ =	shalt  }
0x5e: {  	_ =	shalt  }
0x5f: {  	_ =	shalt  }
0x60: {  	_ =	shalt  }
0x61: {  	_ =	shalt  }
0x62: {  	_ =	shalt  }
0x63: {  	_ =	shalt  }
0x64: {  	_ =	shalt  }
0x65: {  	_ =	shalt  }
0x66: {  	_ =	shalt  }
0x67: {  	_ =	shalt  }
0x68: {  	_ =	shalt  }
0x69: {  	_ =	shalt  }
0x6a: {  	_ =	shalt  }
0x6b: {  	_ =	shalt  }
0x6c: {  	_ =	shalt  }
0x6d: {  	_ =	shalt  }
0x6e: {  	_ =	shalt  }
0x6f: {  	_ =	shalt  }
0x70: {  	_ =	shalt  }
0x71: {  	_ =	shalt  }
0x72: {  	_ =	shalt  }
0x73: {  	_ =	shalt  }
0x74: {  	_ =	shalt  }
0x75: {  	_ =	shalt  }
0x76: {  	_ =	shalt  }
0x77: {  	_ =	shalt  }
0x78: {  	_ =	shalt  }
0x79: {  	_ =	shalt  }
0x7a: {  	_ =	shalt  }
0x7b: {  	_ =	shalt  }
0x7c: {  	_ =	shalt  }
0x7d: {  	_ =	shalt  }
0x7e: {  	_ =	shalt  }
0x7f: {  	_ =	shalt  }
0x80: {  	_ =	shalt  }
0x81: {  	_ =	shalt  }
0x82: {  	_ =	shalt  }
0x83: {  	_ =	shalt  }
0x84: {  	_ =	shalt  }
0x85: {  	_ =	shalt  }
0x86: {  	_ =	shalt  }
0x87: {  	_ =	shalt  }
.Lfunc_end0:
.L_simem_size_0:
called_computation_lowered:
.L_overlay_start_0:
0x88: {  	s2 =	sld [smem:$0x3FD9]  }
0x89: {  	s3 =	sld [smem:$0x3FFE];
	_ =	sdelay $0x1  }
0x8a: {  	s1 =	srdreg.scid  }
0x8b: {  	s0 =	sand.u32 $0x1, s1  }
0x8c: {  	s17 =	sshll.u32 s0, $0xA;
	s2 =	sadd.s32 s3, s2  }
0x8d: {  	s2 =	sadd.s32 s2, s17  }
0x8e: {  	[smem:$0x3FC5] =	sst s2  }
0x8f: {  	_ = 	snop  }
0x90: {  	s2 =	sld [smem:$0x3FC9]  }
0x91: {  	s18 =	sld [smem:$0x3FD0];
	(tm) =	ssettm $0x1  }
0x92: {  	s4 =	sld [smem:$0x3FFB];
	_ =	sdelay $0x3  }
0x93: {  	_ =	strace s4  }
0x94: {  	s4 =	sld [smem:$0x3FFC];
	_ =	sdelay $0x3  }
0x95: {  	_ =	strace s4  }
0x96: {  	s4 =	sld [smem:$0x3FFD];
	_ =	sdelay $0x3  }
0x97: {  	_ =	strace s4  }
0x98: {  	_ =	strace $0x8FFFFFFF  }
0x99: {  	s19 =	sld [smem:$0x3FDB];
	_ =	sdelay $0x1  }
0x9a: {  	s5 =	simm.s32 $_scs_section_size  }
0x9b: {  	s6 =	simm.s32 $_size__tile_overlayer_lowered;
	s7 =	simm.s32 $_tile_overlayer_lowered  }
0x9c: {  	s22 =	simm.s32 $0x1BFF;
	s21 =	sshll.u32 s7, $0x1;
	s4 =	sadd.s32 s5, s19  }
0x9d: {  	s8 =	simm.s32 $0x0;
	s20 =	sshll.u32 s6, $0x1;
	s6 =	sadd.s32 s21, s4  }
0x9e: {  	[timem:s8], [sflag:s22] =	dma.local [hbm:s6], s20  }
0x9f: {  	_ =	swait.ge [sflag:s22], s20  }
0xa0: {  	s5 =	ssub.s32 $0x0, s20;
	[sflag:s22] =	ssyncset.done $0x0  }
0xa1: {  	[sflag:s22] =	ssyncadd.s32 s5;
	_ =	sdelay $0x1  }
0xa2: {  	s23 =	simm.s32 $0x1B8B  }
0xa3: {  	_ =	swait.ge [sflag:s23], $0x1  }
0xa4: {  	[sflag:s23] =	ssyncset.done $0x0  }
0xa5: {  	s25 =	simm.s32 $0x1B8E;
	s24 =	sld [smem:$0x3FFE];
	[sflag:s23] =	ssyncadd.s32 $0xFFFFFFFF  }
0xa6: {  	s26 =	simm.s32 $execute0_lowered;
	[smem:$0x3FD2] =	sst s25  }
0xa7: {  	s6 =	sshll.u32 s26, $0x1;
	_ =	strace $0x80000046;
	[dreg:$0x1] =	wrdreg $0xFFFFFFFF  }
0xa8: {  	s28 =	simm.s32 $_size_execute0_lowered;
	s4 =	sadd.s32 s4, s6;
	[dreg:$0x0] =	wrdreg $0x0  }
0xa9: {  	s6 =	sshll.u32 s28, $0x1;
	[dreg:$0x2] =	wrdreg s4  }
0xaa: {  	[dreg:$0x3] =	wrdreg s6  }
0xab: {  	[dreg:$0x4] =	wrdreg $0xC0  }
0xac: {  	_ =	task [dreg:s8], $0x5FFFF  }
0xad: {  	[dreg:$0x1] =	wrdreg $0xFFFFFFFF  }
0xae: {  	[dreg:$0x0] =	wrdreg $0x60  }
0xaf: {  	[dreg:$0x2] =	wrdreg s2  }
0xb0: {  	[dreg:$0x3] =	wrdreg s24  }
0xb1: {  	[dreg:$0x4] =	wrdreg s18  }
0xb2: {  	[dreg:$0x5] =	wrdreg $0x9  }
0xb3: {  	_ =	task.clear_ibuf [dreg:s8], $0x6FFFF;
	_ =	strace $0x90000046  }
0xb4: {  	s29 =	simm.s32 $0x9;
	_ =	strace $0x80000048  }
0xb5: {  	_ =	swait.ge [sflag:s29], $0x1  }
0xb6: {  	[sflag:s29] =	ssyncadd.s32 $0xFFFFFFFF  }
0xb7: {  	_ =	strace $0x90000048  }
0xb8: {  	_ =	sfence  }
0xb9: {  	s30 =	sld [smem:$0x0];
	_ =	sdelay $0x2  }
0xba: {  	s31 =	sshll.u32 s1, $0xD;
	s1 =	sshrl.u32 s1, $0x2  }
0xbb: {  	s3 =	sand.u32 $0x4000, s31;
	s1 =	sadd.s32 s1, s30  }
0xbc: {  	s0 =	sor.u32 s3, s0;
	s1 =	sshll.u32 s1, $0x11  }
0xbd: {  	s0 =	sor.u32 s1, s0  }
0xbe: {  	s0 =	sadd.s32 $0x8F2B, s0  }
0xbf: {  	[sflag:s0] =	ssyncadd.remote.s32 $0x1  }
0xc0: {  	_ =	sfence.sel $0xFFFF  }
0xc1: {  	[dreg:$0x0] =	wrdreg $0xFFFFFFFF;
	(pc) =	sbr.abs _section_cstart, $3  }
0xc2: {  	[dreg:$0x1] =	wrdreg $0xFFFFFFFF  }
0xc3: {  	_ =	task.clear_ibuf [dreg:s8], $0x2FFFF;
	_ =	strace $0x9FFFFFFF  }
0xc4: {  	(tm) =	ssettm $0x7FFFFFFF  }
0xc5: {  	_ =	shalt  }
tec
execute0_lowered:
.L_overlay_start_1:
0x0: {  	(tag) =	ssettag $0x1  }
0x1: {  	v0 =	vlaneseq.u32  }
0x2: {  	s0 =	rddreg [dreg:$0x0];
	v0 =	vmul.u32 $0x20, v0  }
0x3: {  	s2 =	rddreg [dreg:$0x1]  }
0x4: {  	s1 =	rddreg [dreg:$0x2];
	s3 =	simm.s32 $0x0;
	s29 =	srdreg.scid;
	v1 =	vor.u32 $0x200, v0  }
0x5: {  	s4 =	stileid.u32;
	s11 =	simm.s32 $0x200;
	s14 =	simm.s32 $0x6440;
	v2 =	vor.u32 $0x400, v0;
	v3 =	vor.u32 $0x600, v0;
	v4 =	vor.u32 $0x800, v0  }
0x6: {  	s15 =	simm.s32 $0x6840;
	s16 =	simm.s32 $0x6640;
	s17 =	simm.s32 $0xA840;
	v5 =	vor.u32 $0xA00, v0;
	v6 =	vor.u32 $0xC00, v0;
	v7 =	vor.u32 $0xE00, v0  }
0x7: {  	s18 =	simm.s32 $0x2;
	s19 =	simm.s32 $0x400;
	s20 =	simm.s32 $0x8000;
	v8 =	vor.u32 $0x1000, v0;
	v9 =	vor.u32 $0x1200, v0;
	v10 =	vor.u32 $0x1400, v0  }
0x8: {  	s21 =	simm.s32 $0xE840;
	s22 =	simm.s32 $0x4;
	[smem:$0x7FF] =	sst s3;
	v11 =	vor.u32 $0x1600, v0;
	v12 =	vor.u32 $0x1800, v0;
	v13 =	vor.u32 $0x1A00, v0  }
0x9: {  	s3 =	sand.u32 $0x1, s29;
	s4 =	sshll.u32 s4, $0x1;
	s5 =	sadd.s32 $0x600, s2;
	v14 =	vor.u32 $0x1C00, v0;
	v15 =	vor.u32 $0x1E00, v0;
	v16 =	vor.u32 $0x2000, v0  }
0xa: {  	_ =	strace $0x80000047;
	s6 =	ssub.s32 $0x2, s3;
	s3 =	sor.u32 s3, s4;
	v17 =	vor.u32 $0x2200, v0;
	v18 =	vor.u32 $0x2400, v0;
	v19 =	vor.u32 $0x2600, v0  }
0xb: {  	[dreg:$0x4] =	wrdreg s5;
	s30 =	sshrl.u32 s6, $0x1;
	s4 =	sshll.u32 s3, $0x6;
	v20 =	vor.u32 $0x2800, v0;
	v21 =	vor.u32 $0x2A00, v0;
	v22 =	vor.u32 $0x2C00, v0  }
0xc: {  	s5 =	sadd.s32 $0x61B600, s2;
	v23 =	vor.u32 $0x2E00, v0;
	v24 =	vor.u32 $0x3000, v0;
	v25 =	vor.u32 $0x3200, v0;
	s2 =	ssub.s32 s6, s30;
	s0 =	sadd.s32 s0, s4  }
0xd: {  	s23 =	simm.s32 $0x12840;
	v26 =	vor.u32 $0x3400, v0;
	v27 =	vor.u32 $0x3600, v0;
	v28 =	vor.u32 $0x3800, v0;
	[dreg:$0x5] =	wrdreg s0;
	s31 =	smax.u32 s2, $0x1  }
0xe: {  	s7 =	sshll.u32 s3, $0xA;
	v29 =	vor.u32 $0x3A00, v0;
	v30 =	vor.u32 $0x3C00, v0;
	v31 =	vor.u32 $0x3E00, v0;
	s2 =	simm.s32 $0x0;
	[dreg:$0x6] =	wrdreg s31  }
.LBB2_1:
0xf: {  	[dreg:$0x7] =	wrdreg s2;
	s0 =	simm.s32 $0x0  }
0x10: {  	s26 =	rddreg [dreg:$0x4];
	s3 =	simm.s32 $0x6400;
	s28 =	simm.s32 $0x5  }
0x11: {  	[tilespmem:s3], [sflag:$0x5] =	stream.linear.gather [hbm4b:s26+s0], $0x40, $0x38;
	[tilespmem:$0x16840] =	vst v63  }
0x12: {  	_ =	swait.ge [sflag:s28], $0x40  }
0x13: {  	s30 =	simm.s32 $0x4000;
	[sflag:s28] =	ssyncset.done $0x0  }
0x14: {  	s31 =	simm.s32 $0x1;
	s29 =	rddreg [dreg:$0x5];
	[sflag:s28] =	ssyncadd.s32 $0xFFFFFFC0  }
0x15: {  	[tilespmem:s0], [sflag:$0x1] =	stream.strided.gather [hbm4b:s29+s11], $0x6400, s30, s11, $0x38;
	[tilespmem:$0x16840] =	vst v63  }
0x16: {  	_ =	swait.ge [sflag:s31], $0x6400  }
0x17: {  	[sflag:s31] =	ssyncset.done $0x0  }
0x18: {  	[sflag:s31] =	ssyncadd.s32 $0xFFFF9C00  }
0x19: {  	v32 =	vld [tilespmem:$0x6400]  }
0x1a: {  	v33 =	vld [tilespmem:$0x0]  }
0x1b: {  	v34 =	vld [tilespmem:$0x10]  }
0x1c: {  	v35 =	vld [tilespmem:$0x20]  }
0x1d: {  	v36 =	vld [tilespmem:$0x30]  }
0x1e: {  	v37 =	vld [tilespmem:$0x40]  }
0x1f: {  	v38 =	vld [tilespmem:$0x50]  }
0x20: {  	v39 =	vld [tilespmem:$0x60]  }
0x21: {  	v40 =	vld [tilespmem:$0x70]  }
0x22: {  	v41 =	vld [tilespmem:$0x6410];
	v33 =	vadd.s32 v32, v33  }
0x23: {  	v55 =	vld [tilespmem:$0x80];
	v54 =	vadd.s32 v32, v34;
	[tilespmem:$0x6440] =	vst v33  }
0x24: {  	v57 =	vld [tilespmem:$0x90];
	v56 =	vadd.s32 v32, v35;
	[tilespmem:$0x6450] =	vst v54  }
0x25: {  	v59 =	vld [tilespmem:$0xA0];
	v58 =	vadd.s32 v32, v36;
	[tilespmem:$0x6460] =	vst v56  }
0x26: {  	v61 =	vld [tilespmem:$0xB0];
	v60 =	vadd.s32 v32, v37;
	[tilespmem:$0x6470] =	vst v58  }
0x27: {  	v63 =	vld [tilespmem:$0xC0];
	v62 =	vadd.s32 v32, v38;
	[tilespmem:$0x6480] =	vst v60  }
0x28: {  	v43 =	vld [tilespmem:$0xD0];
	v42 =	vadd.s32 v32, v39;
	[tilespmem:$0x6490] =	vst v62  }
0x29: {  	v44 =	vld [tilespmem:$0xE0];
	v32 =	vadd.s32 v32, v40;
	[tilespmem:$0x64A0] =	vst v42  }
0x2a: {  	v46 =	vld [tilespmem:$0xF0];
	v45 =	vadd.s32 v41, v55;
	[tilespmem:$0x64B0] =	vst v32  }
0x2b: {  	v49 =	vld [tilespmem:$0x100];
	v47 =	vadd.s32 v41, v57;
	[tilespmem:$0x64C0] =	vst v45  }
0x2c: {  	v51 =	vld [tilespmem:$0x110];
	v48 =	vadd.s32 v41, v59;
	[tilespmem:$0x64D0] =	vst v47  }
0x2d: {  	v35 =	vld [tilespmem:$0x6420];
	v50 =	vadd.s32 v41, v61;
	[tilespmem:$0x64E0] =	vst v48  }
0x2e: {  	v53 =	vld [tilespmem:$0x120];
	v52 =	vadd.s32 v41, v63;
	[tilespmem:$0x64F0] =	vst v50  }
0x2f: {  	v55 =	vld [tilespmem:$0x130];
	[tilespmem:$0x6500] =	vst v52;
	v54 =	vadd.s32 v41, v43  }
0x30: {  	v57 =	vld [tilespmem:$0x140];
	v56 =	vadd.s32 v41, v44;
	[tilespmem:$0x6510] =	vst v54  }
0x31: {  	v59 =	vld [tilespmem:$0x150];
	v58 =	vadd.s32 v41, v46;
	[tilespmem:$0x6520] =	vst v56  }
0x32: {  	v61 =	vld [tilespmem:$0x160];
	[tilespmem:$0x6530] =	vst v58;
	v60 =	vadd.s32 v35, v49  }
0x33: {  	v63 =	vld [tilespmem:$0x170];
	v62 =	vadd.s32 v35, v51;
	[tilespmem:$0x6540] =	vst v60  }
0x34: {  	v42 =	vld [tilespmem:$0x6430];
	v41 =	vadd.s32 v35, v53;
	[tilespmem:$0x6550] =	vst v62  }
0x35: {  	v44 =	vld [tilespmem:$0x180];
	v43 =	vadd.s32 v35, v55;
	[tilespmem:$0x6560] =	vst v41  }
0x36: {  	v46 =	vld [tilespmem:$0x190];
	v45 =	vadd.s32 v35, v57;
	[tilespmem:$0x6570] =	vst v43  }
0x37: {  	v48 =	vld [tilespmem:$0x1A0];
	v47 =	vadd.s32 v35, v59;
	[tilespmem:$0x6580] =	vst v45  }
0x38: {  	v50 =	vld [tilespmem:$0x1B0];
	v49 =	vadd.s32 v35, v61;
	[tilespmem:$0x6590] =	vst v47  }
0x39: {  	v52 =	vld [tilespmem:$0x1C0];
	v51 =	vadd.s32 v35, v63;
	[tilespmem:$0x65A0] =	vst v49  }
0x3a: {  	v54 =	vld [tilespmem:$0x1D0];
	[tilespmem:$0x65B0] =	vst v51;
	v53 =	vadd.s32 v42, v44  }
0x3b: {  	v56 =	vld [tilespmem:$0x1E0];
	v55 =	vadd.s32 v42, v46;
	[tilespmem:$0x65C0] =	vst v53  }
0x3c: {  	v58 =	vld [tilespmem:$0x1F0];
	v57 =	vadd.s32 v42, v48;
	[tilespmem:$0x65D0] =	vst v55  }
0x3d: {  	v59 =	vadd.s32 v42, v50;
	[tilespmem:$0x65E0] =	vst v57  }
0x3e: {  	v60 =	vadd.s32 v42, v52;
	[tilespmem:$0x65F0] =	vst v59  }
0x3f: {  	[tilespmem:$0x6600] =	vst v60;
	v61 =	vadd.s32 v42, v54  }
0x40: {  	v62 =	vadd.s32 v42, v56;
	[tilespmem:$0x6610] =	vst v61  }
0x41: {  	v63 =	vadd.s32 v42, v58;
	[tilespmem:$0x6620] =	vst v62  }
0x42: {  	s26 =	simm.s32 $0x0;
	[tilespmem:$0x6630] =	vst v63  }
0x43: {  	[tilespmem:s15], [sflag:$0x2] =	stream.indirect.gather [hbm4b:s5+s11], $0x20, s14, s11, $0xb8;
	[tilespmem:$0x16840] =	vst v63  }
.LBB2_2:
0x44: {  	s28 =	sshllo.u32 s26, $0x1  }
0x45: {  	s0 =	sshll.u32 s28, $0x9  }
0x46: {  	v32 =	vld [tilespmem:$0x6400];
	s0 =	sand.u32 $0x3FFFFE00, s0  }
0x47: {  	v33 =	vld [tilespmem:s0+$0x0];
	_ =	sdelay $0x4  }
0x48: {  	v33 =	vadd.s32 v32, v33  }
0x49: {  	[tilespmem:$0x6640] =	vst v33  }
0x4a: {  	v33 =	vld [tilespmem:s0+$0x10];
	_ =	sdelay $0x4  }
0x4b: {  	v33 =	vadd.s32 v32, v33  }
0x4c: {  	[tilespmem:$0x6650] =	vst v33  }
0x4d: {  	v33 =	vld [tilespmem:s0+$0x20];
	_ =	sdelay $0x4  }
0x4e: {  	v33 =	vadd.s32 v32, v33  }
0x4f: {  	[tilespmem:$0x6660] =	vst v33  }
0x50: {  	v33 =	vld [tilespmem:s0+$0x30];
	_ =	sdelay $0x4  }
0x51: {  	v33 =	vadd.s32 v32, v33  }
0x52: {  	[tilespmem:$0x6670] =	vst v33  }
0x53: {  	v33 =	vld [tilespmem:s0+$0x40];
	_ =	sdelay $0x4  }
0x54: {  	v33 =	vadd.s32 v32, v33  }
0x55: {  	[tilespmem:$0x6680] =	vst v33  }
0x56: {  	v33 =	vld [tilespmem:s0+$0x50];
	_ =	sdelay $0x4  }
0x57: {  	v33 =	vadd.s32 v32, v33  }
0x58: {  	[tilespmem:$0x6690] =	vst v33  }
0x59: {  	v33 =	vld [tilespmem:s0+$0x60];
	_ =	sdelay $0x4  }
0x5a: {  	v33 =	vadd.s32 v32, v33  }
0x5b: {  	[tilespmem:$0x66A0] =	vst v33  }
0x5c: {  	v33 =	vld [tilespmem:s0+$0x70];
	_ =	sdelay $0x4  }
0x5d: {  	v32 =	vadd.s32 v32, v33  }
0x5e: {  	v44 =	vld [tilespmem:$0x6410];
	[tilespmem:$0x66B0] =	vst v32  }
0x5f: {  	v45 =	vld [tilespmem:s0+$0x80];
	_ =	sdelay $0x4  }
0x60: {  	v33 =	vadd.s32 v44, v45  }
0x61: {  	[tilespmem:$0x66C0] =	vst v33  }
0x62: {  	v33 =	vld [tilespmem:s0+$0x90];
	_ =	sdelay $0x4  }
0x63: {  	v33 =	vadd.s32 v44, v33  }
0x64: {  	[tilespmem:$0x66D0] =	vst v33  }
0x65: {  	v33 =	vld [tilespmem:s0+$0xA0];
	_ =	sdelay $0x4  }
0x66: {  	v33 =	vadd.s32 v44, v33  }
0x67: {  	[tilespmem:$0x66E0] =	vst v33  }
0x68: {  	v33 =	vld [tilespmem:s0+$0xB0];
	_ =	sdelay $0x4  }
0x69: {  	v33 =	vadd.s32 v44, v33  }
0x6a: {  	[tilespmem:$0x66F0] =	vst v33  }
0x6b: {  	v33 =	vld [tilespmem:s0+$0xC0];
	_ =	sdelay $0x4  }
0x6c: {  	v33 =	vadd.s32 v44, v33  }
0x6d: {  	[tilespmem:$0x6700] =	vst v33  }
0x6e: {  	v33 =	vld [tilespmem:s0+$0xD0];
	_ =	sdelay $0x4  }
0x6f: {  	v33 =	vadd.s32 v44, v33  }
0x70: {  	[tilespmem:$0x6710] =	vst v33  }
0x71: {  	v33 =	vld [tilespmem:s0+$0xE0];
	_ =	sdelay $0x4  }
0x72: {  	v33 =	vadd.s32 v44, v33  }
0x73: {  	[tilespmem:$0x6720] =	vst v33  }
0x74: {  	v33 =	vld [tilespmem:s0+$0xF0];
	_ =	sdelay $0x4  }
0x75: {  	v32 =	vadd.s32 v44, v33  }
0x76: {  	v46 =	vld [tilespmem:$0x6420];
	[tilespmem:$0x6730] =	vst v32  }
0x77: {  	v47 =	vld [tilespmem:s0+$0x100];
	_ =	sdelay $0x4  }
0x78: {  	v33 =	vadd.s32 v46, v47  }
0x79: {  	[tilespmem:$0x6740] =	vst v33  }
0x7a: {  	v33 =	vld [tilespmem:s0+$0x110];
	_ =	sdelay $0x4  }
0x7b: {  	v33 =	vadd.s32 v46, v33  }
0x7c: {  	[tilespmem:$0x6750] =	vst v33  }
0x7d: {  	v33 =	vld [tilespmem:s0+$0x120];
	_ =	sdelay $0x4  }
0x7e: {  	v33 =	vadd.s32 v46, v33  }
0x7f: {  	[tilespmem:$0x6760] =	vst v33  }
0x80: {  	v33 =	vld [tilespmem:s0+$0x130];
	_ =	sdelay $0x4  }
0x81: {  	v33 =	vadd.s32 v46, v33  }
0x82: {  	[tilespmem:$0x6770] =	vst v33  }
0x83: {  	v33 =	vld [tilespmem:s0+$0x140];
	_ =	sdelay $0x4  }
0x84: {  	v33 =	vadd.s32 v46, v33  }
0x85: {  	[tilespmem:$0x6780] =	vst v33  }
0x86: {  	v33 =	vld [tilespmem:s0+$0x150];
	_ =	sdelay $0x4  }
0x87: {  	v33 =	vadd.s32 v46, v33  }
0x88: {  	[tilespmem:$0x6790] =	vst v33  }
0x89: {  	v33 =	vld [tilespmem:s0+$0x160];
	_ =	sdelay $0x4  }
0x8a: {  	v33 =	vadd.s32 v46, v33  }
0x8b: {  	[tilespmem:$0x67A0] =	vst v33  }
0x8c: {  	v33 =	vld [tilespmem:s0+$0x170];
	_ =	sdelay $0x4  }
0x8d: {  	v32 =	vadd.s32 v46, v33  }
0x8e: {  	v48 =	vld [tilespmem:$0x6430];
	[tilespmem:$0x67B0] =	vst v32  }
0x8f: {  	v49 =	vld [tilespmem:s0+$0x180];
	_ =	sdelay $0x4  }
0x90: {  	v33 =	vadd.s32 v48, v49  }
0x91: {  	[tilespmem:$0x67C0] =	vst v33  }
0x92: {  	v33 =	vld [tilespmem:s0+$0x190];
	_ =	sdelay $0x4  }
0x93: {  	v33 =	vadd.s32 v48, v33  }
0x94: {  	[tilespmem:$0x67D0] =	vst v33  }
0x95: {  	v33 =	vld [tilespmem:s0+$0x1A0];
	_ =	sdelay $0x4  }
0x96: {  	v33 =	vadd.s32 v48, v33  }
0x97: {  	[tilespmem:$0x67E0] =	vst v33  }
0x98: {  	v33 =	vld [tilespmem:s0+$0x1B0];
	_ =	sdelay $0x4  }
0x99: {  	v33 =	vadd.s32 v48, v33  }
0x9a: {  	[tilespmem:$0x67F0] =	vst v33  }
0x9b: {  	v33 =	vld [tilespmem:s0+$0x1C0];
	_ =	sdelay $0x4  }
0x9c: {  	v33 =	vadd.s32 v48, v33  }
0x9d: {  	[tilespmem:$0x6800] =	vst v33  }
0x9e: {  	v33 =	vld [tilespmem:s0+$0x1D0];
	_ =	sdelay $0x4  }
0x9f: {  	v33 =	vadd.s32 v48, v33  }
0xa0: {  	[tilespmem:$0x6810] =	vst v33  }
0xa1: {  	v33 =	vld [tilespmem:s0+$0x1E0];
	_ =	sdelay $0x4  }
0xa2: {  	v33 =	vadd.s32 v48, v33  }
0xa3: {  	[tilespmem:$0x6820] =	vst v33  }
0xa4: {  	v33 =	vld [tilespmem:s0+$0x1F0];
	_ =	sdelay $0x3  }
0xa5: {  	s4 =	simm.s32 $0x2  }
0xa6: {  	s2 =	simm.s32 $0x3;
	v50 =	vmov s4;
	v32 =	vadd.s32 v48, v33  }
0xa7: {  	v51 =	vmov s2;
	v33 =	vand.u32 $0x1E, v50;
	[tilespmem:$0x6830] =	vst v32  }
0xa8: {  	v34 =	vand.u32 $0x1F, v51;
	v32 =	vbroadcast v33, $0x0;
	[tilespmem:s17], [sflag:$0x2] =	stream.indirect.gather [hbm4b:s5+s11], $0x20, s16, s11, $0xb8;
	[tilespmem:$0x16840] =	vst v63  }
0xa9: {  	s6 =	simm.s32 $0x1;
	v34 =	vbroadcast v34, $0x0;
	_ =	swait.ge [sflag:s18], $0x4000  }
0xaa: {  	p0 =	seq.s32 s26, $0x0;
	v35 =	vmov s6;
	v33 =	vor.u32 v0, v32;
	[sflag:s18] =	ssyncset.done $0x0  }
0xab: {  	s2 =	simm.s32 @!p0 $0x3;
	v35 =	vand.u32 $0x1D, v35;
	v36 =	vor.u32 v0, v34;
	[sflag:s18] =	ssyncadd.s32 $0xFFFFC000  }
0xac: {  	v35 =	vbroadcast v35, $0x0;
	_ =	swait.ge @!p0 [sflag:s2], $0x4000  }
0xad: {  	[sflag:s2] =	ssyncset.done @!p0 $0x0  }
0xae: {  	v38 =	vor.u32 v0, v35;
	[sflag:s2] =	ssyncadd.s32 @!p0 $0xFFFFC000  }
0xaf: {  	v39 =	vld.idx.msk [tilespmem:v33+s15+$0x0], $0xffff  }
0xb0: {  	s8 =	simm.s32 $0x0;
	v52 =	vor.u32 v1, v32;
	v36 =	vld.idx.msk [tilespmem:v36+s15+$0x0], $0xffff  }
0xb1: {  	s9 =	simm.s32 $0x0;
	s10 =	simm.s32 $0x100;
	v37 =	vmov s8;
	v40 =	vor.u32 v1, v34  }
0xb2: {  	s4 =	simm.s32 $0x180;
	v37 =	vand.u32 $0x1C, v37;
	s0 =	sand.u32 $0xC00, s9;
	s2 =	sand.u32 $0x300, s10  }
0xb3: {  	s12 =	sand.u32 $0x380, s4;
	v33 =	vbroadcast v37, $0x0;
	s3 =	sor.u32 s0, s2;
	v38 =	vld.idx.msk [tilespmem:v38+s15+$0x0], $0xffff  }
0xb4: {  	v53 =	vor.u32 v1, v35;
	s2 =	sor.u32 s0, s12;
	[tilespmem:s3+$0xE840] =	vst v39  }
0xb5: {  	s13 =	simm.s32 $0x80;
	v41 =	vor.u32 v0, v33;
	[tilespmem:s2+$0xE840] =	vst v36;
	v37 =	vld.idx.msk [tilespmem:v52+s15+$0x0], $0xffff  }
0xb6: {  	s4 =	sand.u32 $0x280, s13;
	v54 =	vor.u32 v2, v32;
	v36 =	vld.idx.msk [tilespmem:v40+s15+$0x0], $0xffff  }
0xb7: {  	v42 =	vor.u32 v2, v34;
	s0 =	sor.u32 s0, s4  }
0xb8: {  	[tilespmem:s0+$0xE840] =	vst v38  }
0xb9: {  	v38 =	vld.idx.msk [tilespmem:v53+s15+$0x0], $0xffff  }
0xba: {  	v55 =	vor.u32 v2, v35;
	v41 =	vld.idx.msk [tilespmem:v41+s15+$0x0], $0xffff;
	[tilespmem:s3+$0xE850] =	vst v37  }
0xbb: {  	v43 =	vor.u32 v1, v33;
	[tilespmem:s2+$0xE850] =	vst v36;
	v56 =	vld.idx.msk [tilespmem:v54+s15+$0x0], $0xffff  }
0xbc: {  	v58 =	vor.u32 v3, v32;
	v57 =	vld.idx.msk [tilespmem:v42+s15+$0x0], $0xffff  }
0xbd: {  	v59 =	vor.u32 v3, v34  }
0xbe: {  	s29 =	simm.s32 $0x10840;
	[tilespmem:s0+$0xE850] =	vst v38  }
0xbf: {  	[tilespmem:s29+$0xFFFFE000] =	vst v41;
	v37 =	vld.idx.msk [tilespmem:v55+s15+$0x0], $0xffff  }
0xc0: {  	v61 =	vor.u32 v3, v35;
	v41 =	vld.idx.msk [tilespmem:v43+s15+$0x0], $0xffff;
	[tilespmem:s3+$0xE860] =	vst v56  }
0xc1: {  	v60 =	vor.u32 v2, v33;
	[tilespmem:s2+$0xE860] =	vst v57;
	v62 =	vld.idx.msk [tilespmem:v58+s15+$0x0], $0xffff  }
0xc2: {  	v63 =	vor.u32 v4, v32;
	v45 =	vld.idx.msk [tilespmem:v59+s15+$0x0], $0xffff  }
0xc3: {  	v46 =	vor.u32 v4, v34  }
0xc4: {  	[tilespmem:s0+$0xE860] =	vst v37  }
0xc5: {  	[tilespmem:s29+$0xFFFFE010] =	vst v41;
	v36 =	vld.idx.msk [tilespmem:v61+s15+$0x0], $0xffff  }
0xc6: {  	v48 =	vor.u32 v4, v35;
	v41 =	vld.idx.msk [tilespmem:v60+s15+$0x0], $0xffff;
	[tilespmem:s3+$0xE870] =	vst v62  }
0xc7: {  	v47 =	vor.u32 v3, v33;
	[tilespmem:s2+$0xE870] =	vst v45;
	v38 =	vld.idx.msk [tilespmem:v63+s15+$0x0], $0xffff  }
0xc8: {  	v49 =	vor.u32 v5, v32;
	v40 =	vld.idx.msk [tilespmem:v46+s15+$0x0], $0xffff  }
0xc9: {  	v50 =	vor.u32 v5, v34  }
0xca: {  	[tilespmem:s0+$0xE870] =	vst v36  }
0xcb: {  	[tilespmem:s29+$0xFFFFE020] =	vst v41;
	v36 =	vld.idx.msk [tilespmem:v48+s15+$0x0], $0xffff  }
0xcc: {  	v52 =	vor.u32 v5, v35;
	v41 =	vld.idx.msk [tilespmem:v47+s15+$0x0], $0xffff;
	[tilespmem:s3+$0xE880] =	vst v38  }
0xcd: {  	v51 =	vor.u32 v4, v33;
	[tilespmem:s2+$0xE880] =	vst v40;
	v38 =	vld.idx.msk [tilespmem:v49+s15+$0x0], $0xffff  }
0xce: {  	v53 =	vor.u32 v6, v32;
	v40 =	vld.idx.msk [tilespmem:v50+s15+$0x0], $0xffff  }
0xcf: {  	v54 =	vor.u32 v6, v34  }
0xd0: {  	[tilespmem:s0+$0xE880] =	vst v36  }
0xd1: {  	[tilespmem:s29+$0xFFFFE030] =	vst v41;
	v36 =	vld.idx.msk [tilespmem:v52+s15+$0x0], $0xffff  }
0xd2: {  	v56 =	vor.u32 v6, v35;
	v41 =	vld.idx.msk [tilespmem:v51+s15+$0x0], $0xffff;
	[tilespmem:s3+$0xE890] =	vst v38  }
0xd3: {  	v55 =	vor.u32 v5, v33;
	[tilespmem:s2+$0xE890] =	vst v40;
	v38 =	vld.idx.msk [tilespmem:v53+s15+$0x0], $0xffff  }
0xd4: {  	v57 =	vor.u32 v7, v32;
	v40 =	vld.idx.msk [tilespmem:v54+s15+$0x0], $0xffff  }
0xd5: {  	v58 =	vor.u32 v7, v34  }
0xd6: {  	[tilespmem:s0+$0xE890] =	vst v36  }
0xd7: {  	[tilespmem:s29+$0xFFFFE040] =	vst v41;
	v36 =	vld.idx.msk [tilespmem:v56+s15+$0x0], $0xffff  }
0xd8: {  	v60 =	vor.u32 v7, v35;
	v41 =	vld.idx.msk [tilespmem:v55+s15+$0x0], $0xffff;
	[tilespmem:s3+$0xE8A0] =	vst v38  }
0xd9: {  	v59 =	vor.u32 v6, v33;
	[tilespmem:s2+$0xE8A0] =	vst v40;
	v38 =	vld.idx.msk [tilespmem:v57+s15+$0x0], $0xffff  }
0xda: {  	v61 =	vor.u32 v8, v32;
	v40 =	vld.idx.msk [tilespmem:v58+s15+$0x0], $0xffff  }
0xdb: {  	v62 =	vor.u32 v8, v34  }
0xdc: {  	[tilespmem:s0+$0xE8A0] =	vst v36  }
0xdd: {  	[tilespmem:s29+$0xFFFFE050] =	vst v41;
	v36 =	vld.idx.msk [tilespmem:v60+s15+$0x0], $0xffff  }
0xde: {  	v45 =	vor.u32 v8, v35;
	v41 =	vld.idx.msk [tilespmem:v59+s15+$0x0], $0xffff;
	[tilespmem:s3+$0xE8B0] =	vst v38  }
0xdf: {  	v63 =	vor.u32 v7, v33;
	[tilespmem:s2+$0xE8B0] =	vst v40;
	v38 =	vld.idx.msk [tilespmem:v61+s15+$0x0], $0xffff  }
0xe0: {  	v46 =	vor.u32 v9, v32;
	v40 =	vld.idx.msk [tilespmem:v62+s15+$0x0], $0xffff  }
0xe1: {  	v47 =	vor.u32 v9, v34  }
0xe2: {  	[tilespmem:s0+$0xE8B0] =	vst v36  }
0xe3: {  	[tilespmem:s29+$0xFFFFE060] =	vst v41;
	v36 =	vld.idx.msk [tilespmem:v45+s15+$0x0], $0xffff  }
0xe4: {  	v49 =	vor.u32 v9, v35;
	v41 =	vld.idx.msk [tilespmem:v63+s15+$0x0], $0xffff;
	[tilespmem:s3+$0xF840] =	vst v38  }
0xe5: {  	v48 =	vor.u32 v8, v33;
	[tilespmem:s2+$0xF840] =	vst v40;
	v38 =	vld.idx.msk [tilespmem:v46+s15+$0x0], $0xffff  }
0xe6: {  	v50 =	vor.u32 v10, v32;
	v40 =	vld.idx.msk [tilespmem:v47+s15+$0x0], $0xffff  }
0xe7: {  	v51 =	vor.u32 v10, v34  }
0xe8: {  	[tilespmem:s0+$0xF840] =	vst v36  }
0xe9: {  	[tilespmem:s29+$0xFFFFE070] =	vst v41;
	v36 =	vld.idx.msk [tilespmem:v49+s15+$0x0], $0xffff  }
0xea: {  	v53 =	vor.u32 v10, v35;
	v41 =	vld.idx.msk [tilespmem:v48+s15+$0x0], $0xffff;
	[tilespmem:s3+$0xF850] =	vst v38  }
0xeb: {  	v52 =	vor.u32 v9, v33;
	[tilespmem:s2+$0xF850] =	vst v40;
	v38 =	vld.idx.msk [tilespmem:v50+s15+$0x0], $0xffff  }
0xec: {  	v54 =	vor.u32 v11, v32;
	v40 =	vld.idx.msk [tilespmem:v51+s15+$0x0], $0xffff  }
0xed: {  	v55 =	vor.u32 v11, v34  }
0xee: {  	[tilespmem:s0+$0xF850] =	vst v36  }
0xef: {  	[tilespmem:s29+$0xFFFFF000] =	vst v41;
	v36 =	vld.idx.msk [tilespmem:v53+s15+$0x0], $0xffff  }
0xf0: {  	v57 =	vor.u32 v11, v35;
	v41 =	vld.idx.msk [tilespmem:v52+s15+$0x0], $0xffff;
	[tilespmem:s3+$0xF860] =	vst v38  }
0xf1: {  	v56 =	vor.u32 v10, v33;
	[tilespmem:s2+$0xF860] =	vst v40;
	v38 =	vld.idx.msk [tilespmem:v54+s15+$0x0], $0xffff  }
0xf2: {  	v58 =	vor.u32 v12, v32;
	v40 =	vld.idx.msk [tilespmem:v55+s15+$0x0], $0xffff  }
0xf3: {  	v59 =	vor.u32 v12, v34  }
0xf4: {  	[tilespmem:s0+$0xF860] =	vst v36  }
0xf5: {  	[tilespmem:s29+$0xFFFFF010] =	vst v41;
	v36 =	vld.idx.msk [tilespmem:v57+s15+$0x0], $0xffff  }
0xf6: {  	v61 =	vor.u32 v12, v35;
	v41 =	vld.idx.msk [tilespmem:v56+s15+$0x0], $0xffff;
	[tilespmem:s3+$0xF870] =	vst v38  }
0xf7: {  	v60 =	vor.u32 v11, v33;
	[tilespmem:s2+$0xF870] =	vst v40;
	v38 =	vld.idx.msk [tilespmem:v58+s15+$0x0], $0xffff  }
0xf8: {  	v62 =	vor.u32 v13, v32;
	v40 =	vld.idx.msk [tilespmem:v59+s15+$0x0], $0xffff  }
0xf9: {  	v63 =	vor.u32 v13, v34  }
0xfa: {  	[tilespmem:s0+$0xF870] =	vst v36  }
0xfb: {  	[tilespmem:s29+$0xFFFFF020] =	vst v41;
	v36 =	vld.idx.msk [tilespmem:v61+s15+$0x0], $0xffff  }
0xfc: {  	v46 =	vor.u32 v13, v35;
	v41 =	vld.idx.msk [tilespmem:v60+s15+$0x0], $0xffff;
	[tilespmem:s3+$0xF880] =	vst v38  }
0xfd: {  	v45 =	vor.u32 v12, v33;
	[tilespmem:s2+$0xF880] =	vst v40;
	v38 =	vld.idx.msk [tilespmem:v62+s15+$0x0], $0xffff  }
0xfe: {  	v47 =	vor.u32 v14, v32;
	v40 =	vld.idx.msk [tilespmem:v63+s15+$0x0], $0xffff  }
0xff: {  	v48 =	vor.u32 v14, v34  }
0x100: {  	[tilespmem:s0+$0xF880] =	vst v36  }
0x101: {  	[tilespmem:s29+$0xFFFFF030] =	vst v41;
	v36 =	vld.idx.msk [tilespmem:v46+s15+$0x0], $0xffff  }
0x102: {  	v50 =	vor.u32 v14, v35;
	v41 =	vld.idx.msk [tilespmem:v45+s15+$0x0], $0xffff;
	[tilespmem:s3+$0xF890] =	vst v38  }
0x103: {  	v49 =	vor.u32 v13, v33;
	[tilespmem:s2+$0xF890] =	vst v40;
	v38 =	vld.idx.msk [tilespmem:v47+s15+$0x0], $0xffff  }
0x104: {  	v51 =	vor.u32 v15, v32;
	v40 =	vld.idx.msk [tilespmem:v48+s15+$0x0], $0xffff  }
0x105: {  	v52 =	vor.u32 v15, v34  }
0x106: {  	[tilespmem:s0+$0xF890] =	vst v36  }
0x107: {  	[tilespmem:s29+$0xFFFFF040] =	vst v41;
	v36 =	vld.idx.msk [tilespmem:v50+s15+$0x0], $0xffff  }
0x108: {  	v54 =	vor.u32 v15, v35;
	v41 =	vld.idx.msk [tilespmem:v49+s15+$0x0], $0xffff;
	[tilespmem:s3+$0xF8A0] =	vst v38  }
0x109: {  	v53 =	vor.u32 v14, v33;
	[tilespmem:s2+$0xF8A0] =	vst v40;
	v38 =	vld.idx.msk [tilespmem:v51+s15+$0x0], $0xffff  }
0x10a: {  	v55 =	vor.u32 v16, v32;
	v40 =	vld.idx.msk [tilespmem:v52+s15+$0x0], $0xffff  }
0x10b: {  	v56 =	vor.u32 v16, v34  }
0x10c: {  	[tilespmem:s0+$0xF8A0] =	vst v36  }
0x10d: {  	s24 =	simm.s32 $0x5;
	s6 =	simm.s32 $0x7;
	v57 =	vor.u32 v15, v33;
	[tilespmem:s29+$0xFFFFF050] =	vst v41;
	v37 =	vld.idx.msk [tilespmem:v54+s15+$0x0], $0xffff  }
0x10e: {  	s25 =	simm.s32 $0x6;
	v58 =	vmov s24;
	v59 =	vmov s6;
	v45 =	vor.u32 v16, v35;
	v41 =	vld.idx.msk [tilespmem:v53+s15+$0x0], $0xffff;
	[tilespmem:s3+$0xF8B0] =	vst v38  }
0x10f: {  	v60 =	vmov s25;
	v39 =	vand.u32 $0x1F, v59;
	v36 =	vand.u32 $0x1D, v58;
	[tilespmem:s2+$0xF8B0] =	vst v40;
	v46 =	vld.idx.msk [tilespmem:v55+s15+$0x0], $0xffff  }
0x110: {  	s8 =	simm.s32 $0x4;
	v62 =	vand.u32 $0x1E, v60;
	v47 =	vor.u32 v17, v32;
	v38 =	vbroadcast v36, $0x0;
	v40 =	vld.idx.msk [tilespmem:v56+s15+$0x0], $0xffff  }
0x111: {  	v63 =	vor.u32 v17, v34;
	v52 =	vmov s8;
	v36 =	vbroadcast v62, $0x0  }
0x112: {  	v39 =	vbroadcast v39, $0x0;
	v53 =	vand.u32 $0x1C, v52;
	[tilespmem:s0+$0xF8B0] =	vst v37;
	v48 =	vor.u32 v0, v38  }
0x113: {  	s30 =	sadd.s32 $0xE840, s3;
	v37 =	vbroadcast v53, $0x0;
	[tilespmem:s29+$0xFFFFF060] =	vst v41;
	v43 =	vld.idx.msk [tilespmem:v45+s15+$0x0], $0xffff;
	v54 =	vor.u32 v0, v36  }
0x114: {  	s31 =	sadd.s32 $0xE840, s2;
	v55 =	vor.u32 v0, v39;
	v61 =	vld.idx.msk [tilespmem:v57+s15+$0x0], $0xffff;
	[tilespmem:s30+$0x2000] =	vst v46  }
0x115: {  	v56 =	vor.u32 v0, v37;
	[tilespmem:s31+$0x2000] =	vst v40;
	v46 =	vld.idx.msk [tilespmem:v47+s15+$0x0], $0xffff  }
0x116: {  	v44 =	vor.u32 v16, v33;
	v40 =	vld.idx.msk [tilespmem:v63+s15+$0x0], $0xffff  }
0x117: {  	v57 =	vor.u32 v18, v34;
	v48 =	vld.idx.msk [tilespmem:v48+s15+$0x0], $0xffff  }
0x118: {  	v49 =	vor.u32 v18, v32;
	v45 =	vld.idx.msk [tilespmem:v54+s15+$0x0], $0xffff  }
0x119: {  	v50 =	vor.u32 v1, v38;
	v47 =	vld.idx.msk [tilespmem:v55+s15+$0x0], $0xffff  }
0x11a: {  	s9 =	simm.s32 $0x200;
	s10 =	simm.s32 $0x280;
	v51 =	vor.u32 v1, v36;
	[tilespmem:s29+$0xFFFFF070] =	vst v61;
	v41 =	vld.idx.msk [tilespmem:v56+s15+$0x0], $0xffff  }
0x11b: {  	s12 =	sand.u32 $0xC00, s9;
	s8 =	simm.s32 $0x300;
	v52 =	vor.u32 v1, v39;
	s3 =	sand.u32 $0x280, s10;
	v42 =	vld.idx.msk [tilespmem:v44+s15+$0x0], $0xffff;
	[tilespmem:s31+$0x2010] =	vst v40  }
0x11c: {  	s24 =	sand.u32 $0x300, s8;
	s2 =	simm.s32 $0x380;
	s13 =	sor.u32 s12, s3;
	v58 =	vor.u32 v1, v37;
	[tilespmem:s30+$0x2010] =	vst v46;
	v40 =	vld.idx.msk [tilespmem:v57+s15+$0x0], $0xffff  }
0x11d: {  	s3 =	sor.u32 s12, s24;
	s25 =	sand.u32 $0x380, s2;
	v56 =	vor.u32 v17, v33;
	[tilespmem:s13+$0xE840] =	vst v48;
	v46 =	vld.idx.msk [tilespmem:v49+s15+$0x0], $0xffff  }
0x11e: {  	v59 =	vor.u32 v19, v34;
	s12 =	sor.u32 s12, s25;
	[tilespmem:s3+$0xE840] =	vst v45;
	v60 =	vld.idx.msk [tilespmem:v50+s15+$0x0], $0xffff  }
0x11f: {  	s9 =	simm.s32 $0x10A40;
	v61 =	vor.u32 v19, v32;
	[tilespmem:s12+$0xE840] =	vst v47;
	v51 =	vld.idx.msk [tilespmem:v51+s15+$0x0], $0xffff  }
0x120: {  	v62 =	vor.u32 v2, v38;
	[tilespmem:s9+$0xFFFFE000] =	vst v41;
	v63 =	vld.idx.msk [tilespmem:v52+s15+$0x0], $0xffff  }
0x121: {  	v44 =	vld.idx.msk [tilespmem:v58+s15+$0x0], $0xffff;
	v58 =	vor.u32 v2, v39;
	[tilespmem:s29+$0x0] =	vst v42  }
0x122: {  	v47 =	vld.idx.msk [tilespmem:v56+s15+$0x0], $0xffff;
	[tilespmem:s31+$0x2020] =	vst v40  }
0x123: {  	v57 =	vor.u32 v2, v36;
	[tilespmem:s30+$0x2020] =	vst v46;
	v59 =	vld.idx.msk [tilespmem:v59+s15+$0x0], $0xffff  }
0x124: {  	[tilespmem:s13+$0xE850] =	vst v60;
	v45 =	vld.idx.msk [tilespmem:v61+s15+$0x0], $0xffff  }
0x125: {  	[tilespmem:s12+$0xE850] =	vst v63;
	v61 =	vor.u32 v2, v37;
	v49 =	vld.idx.msk [tilespmem:v62+s15+$0x0], $0xffff  }
0x126: {  	v56 =	vld.idx.msk [tilespmem:v58+s15+$0x0], $0xffff;
	v58 =	vor.u32 v18, v33  }
0x127: {  	v60 =	vor.u32 v20, v34;
	[tilespmem:s3+$0xE850] =	vst v51  }
0x128: {  	[tilespmem:s9+$0xFFFFE010] =	vst v44;
	v62 =	vor.u32 v3, v38;
	v40 =	vld.idx.msk [tilespmem:v57+s15+$0x0], $0xffff  }
0x129: {  	v57 =	vor.u32 v3, v36;
	[tilespmem:s29+$0x10] =	vst v47  }
0x12a: {  	v63 =	vor.u32 v20, v32;
	[tilespmem:s31+$0x2030] =	vst v59;
	v42 =	vld.idx.msk [tilespmem:v61+s15+$0x0], $0xffff  }
0x12b: {  	v59 =	vor.u32 v3, v39;
	[tilespmem:s13+$0xE860] =	vst v49;
	v48 =	vld.idx.msk [tilespmem:v58+s15+$0x0], $0xffff  }
0x12c: {  	[tilespmem:s30+$0x2030] =	vst v45;
	v44 =	vld.idx.msk [tilespmem:v60+s15+$0x0], $0xffff;
	v60 =	vor.u32 v17, v35  }
0x12d: {  	[tilespmem:s3+$0xE860] =	vst v40;
	v61 =	vor.u32 v21, v34;
	v45 =	vld.idx.msk [tilespmem:v62+s15+$0x0], $0xffff  }
0x12e: {  	v62 =	vor.u32 v4, v38;
	v46 =	vld.idx.msk [tilespmem:v57+s15+$0x0], $0xffff  }
0x12f: {  	s0 =	sadd.s32 $0xE840, s0;
	[tilespmem:s12+$0xE860] =	vst v56;
	v41 =	vld.idx.msk [tilespmem:v63+s15+$0x0], $0xffff;
	v63 =	vor.u32 v4, v36  }
0x130: {  	[tilespmem:s0+$0x2000] =	vst v43;
	v56 =	vor.u32 v21, v32;
	v51 =	vld.idx.msk [tilespmem:v59+s15+$0x0], $0xffff  }
0x131: {  	v59 =	vor.u32 v3, v37;
	[tilespmem:s31+$0x2040] =	vst v44;
	v58 =	vld.idx.msk [tilespmem:v60+s15+$0x0], $0xffff  }
0x132: {  	v57 =	vor.u32 v4, v39;
	[tilespmem:s13+$0xE870] =	vst v45;
	v40 =	vld.idx.msk [tilespmem:v61+s15+$0x0], $0xffff  }
0x133: {  	[tilespmem:s3+$0xE870] =	vst v46;
	v60 =	vor.u32 v18, v35;
	v45 =	vld.idx.msk [tilespmem:v62+s15+$0x0], $0xffff  }
0x134: {  	[tilespmem:s30+$0x2040] =	vst v41;
	v61 =	vor.u32 v5, v38;
	v62 =	vld.idx.msk [tilespmem:v63+s15+$0x0], $0xffff  }
0x135: {  	[tilespmem:s9+$0xFFFFE020] =	vst v42;
	v43 =	vld.idx.msk [tilespmem:v56+s15+$0x0], $0xffff;
	v63 =	vor.u32 v5, v36  }
0x136: {  	v56 =	vor.u32 v22, v32;
	[tilespmem:s12+$0xE870] =	vst v51;
	v49 =	vld.idx.msk [tilespmem:v59+s15+$0x0], $0xffff  }
0x137: {  	v51 =	vld.idx.msk [tilespmem:v57+s15+$0x0], $0xffff;
	[tilespmem:s0+$0x2010] =	vst v58;
	v58 =	vor.u32 v4, v37  }
0x138: {  	v57 =	vor.u32 v5, v39;
	[tilespmem:s13+$0xE880] =	vst v45;
	v59 =	vld.idx.msk [tilespmem:v60+s15+$0x0], $0xffff  }
0x139: {  	[tilespmem:s3+$0xE880] =	vst v62;
	v60 =	vor.u32 v19, v35;
	v41 =	vld.idx.msk [tilespmem:v61+s15+$0x0], $0xffff  }
0x13a: {  	[tilespmem:s30+$0x2050] =	vst v43;
	v61 =	vor.u32 v6, v38;
	v47 =	vld.idx.msk [tilespmem:v63+s15+$0x0], $0xffff  }
0x13b: {  	v62 =	vor.u32 v6, v36;
	v42 =	vld.idx.msk [tilespmem:v56+s15+$0x0], $0xffff;
	[tilespmem:s9+$0xFFFFE030] =	vst v49  }
0x13c: {  	v56 =	vor.u32 v23, v32;
	[tilespmem:s12+$0xE880] =	vst v51;
	v44 =	vld.idx.msk [tilespmem:v58+s15+$0x0], $0xffff  }
0x13d: {  	v58 =	vor.u32 v5, v37;
	v63 =	vld.idx.msk [tilespmem:v57+s15+$0x0], $0xffff;
	[tilespmem:s0+$0x2020] =	vst v59  }
0x13e: {  	v57 =	vor.u32 v6, v39;
	[tilespmem:s13+$0xE890] =	vst v41;
	v59 =	vld.idx.msk [tilespmem:v60+s15+$0x0], $0xffff  }
0x13f: {  	[tilespmem:s3+$0xE890] =	vst v47;
	v60 =	vor.u32 v20, v35;
	v43 =	vld.idx.msk [tilespmem:v61+s15+$0x0], $0xffff  }
0x140: {  	[tilespmem:s30+$0x2060] =	vst v42;
	v50 =	vld.idx.msk [tilespmem:v62+s15+$0x0], $0xffff;
	v62 =	vor.u32 v22, v34  }
0x141: {  	v61 =	vor.u32 v7, v38;
	v42 =	vld.idx.msk [tilespmem:v56+s15+$0x0], $0xffff;
	[tilespmem:s9+$0xFFFFE040] =	vst v44  }
0x142: {  	[tilespmem:s12+$0xE890] =	vst v63;
	v63 =	vor.u32 v7, v36;
	v45 =	vld.idx.msk [tilespmem:v58+s15+$0x0], $0xffff  }
0x143: {  	v56 =	vld.idx.msk [tilespmem:v57+s15+$0x0], $0xffff;
	[tilespmem:s0+$0x2030] =	vst v59;
	v57 =	vor.u32 v24, v32  }
0x144: {  	[tilespmem:s31+$0x2050] =	vst v40;
	v59 =	vor.u32 v6, v37;
	v46 =	vld.idx.msk [tilespmem:v60+s15+$0x0], $0xffff  }
0x145: {  	v58 =	vor.u32 v7, v39;
	[tilespmem:s13+$0xE8A0] =	vst v43;
	v49 =	vld.idx.msk [tilespmem:v62+s15+$0x0], $0xffff  }
0x146: {  	[tilespmem:s3+$0xE8A0] =	vst v50;
	v60 =	vor.u32 v21, v35;
	v47 =	vld.idx.msk [tilespmem:v61+s15+$0x0], $0xffff  }
0x147: {  	[tilespmem:s30+$0x2070] =	vst v42;
	v62 =	vor.u32 v23, v34;
	v44 =	vld.idx.msk [tilespmem:v63+s15+$0x0], $0xffff  }
0x148: {  	v61 =	vor.u32 v8, v38;
	[tilespmem:s9+$0xFFFFE050] =	vst v45;
	v41 =	vld.idx.msk [tilespmem:v57+s15+$0x0], $0xffff  }
0x149: {  	v63 =	vor.u32 v8, v36;
	[tilespmem:s12+$0xE8A0] =	vst v56;
	v40 =	vld.idx.msk [tilespmem:v59+s15+$0x0], $0xffff  }
0x14a: {  	v57 =	vor.u32 v19, v33;
	v43 =	vld.idx.msk [tilespmem:v58+s15+$0x0], $0xffff;
	[tilespmem:s0+$0x2040] =	vst v46  }
0x14b: {  	v56 =	vor.u32 v25, v32;
	[tilespmem:s31+$0x2060] =	vst v49;
	v50 =	vld.idx.msk [tilespmem:v60+s15+$0x0], $0xffff  }
0x14c: {  	v58 =	vor.u32 v7, v37;
	[tilespmem:s13+$0xE8B0] =	vst v47;
	v42 =	vld.idx.msk [tilespmem:v62+s15+$0x0], $0xffff  }
0x14d: {  	v59 =	vor.u32 v22, v35;
	v52 =	vld.idx.msk [tilespmem:v61+s15+$0x0], $0xffff;
	[tilespmem:s3+$0xE8B0] =	vst v44  }
0x14e: {  	[tilespmem:s29+$0x20] =	vst v48;
	v61 =	vor.u32 v8, v39;
	v45 =	vld.idx.msk [tilespmem:v63+s15+$0x0], $0xffff  }
0x14f: {  	v60 =	vor.u32 v9, v38;
	[tilespmem:s30+$0x3000] =	vst v41;
	v47 =	vld.idx.msk [tilespmem:v57+s15+$0x0], $0xffff  }
0x150: {  	v62 =	vor.u32 v9, v36;
	[tilespmem:s9+$0xFFFFE060] =	vst v40;
	v46 =	vld.idx.msk [tilespmem:v56+s15+$0x0], $0xffff  }
0x151: {  	v63 =	vld.idx.msk [tilespmem:v58+s15+$0x0], $0xffff;
	v56 =	vor.u32 v24, v34;
	[tilespmem:s0+$0x2050] =	vst v50  }
0x152: {  	v57 =	vor.u32 v20, v33;
	[tilespmem:s12+$0xE8B0] =	vst v43;
	v44 =	vld.idx.msk [tilespmem:v59+s15+$0x0], $0xffff  }
0x153: {  	v58 =	vor.u32 v8, v37;
	[tilespmem:s13+$0xF840] =	vst v52;
	v41 =	vld.idx.msk [tilespmem:v61+s15+$0x0], $0xffff  }
0x154: {  	v59 =	vor.u32 v23, v35;
	v49 =	vld.idx.msk [tilespmem:v60+s15+$0x0], $0xffff;
	[tilespmem:s3+$0xF840] =	vst v45  }
0x155: {  	[tilespmem:s31+$0x2070] =	vst v42;
	v60 =	vor.u32 v10, v38;
	v40 =	vld.idx.msk [tilespmem:v62+s15+$0x0], $0xffff  }
0x156: {  	v61 =	vor.u32 v9, v39;
	[tilespmem:s29+$0x30] =	vst v47;
	v62 =	vld.idx.msk [tilespmem:v56+s15+$0x0], $0xffff  }
0x157: {  	[tilespmem:s9+$0xFFFFE070] =	vst v63;
	v63 =	vor.u32 v10, v36;
	v56 =	vld.idx.msk [tilespmem:v57+s15+$0x0], $0xffff  }
0x158: {  	v57 =	vor.u32 v25, v34;
	v43 =	vld.idx.msk [tilespmem:v58+s15+$0x0], $0xffff;
	[tilespmem:s0+$0x2060] =	vst v44  }
0x159: {  	v58 =	vor.u32 v21, v33;
	[tilespmem:s13+$0xF850] =	vst v49;
	v45 =	vld.idx.msk [tilespmem:v59+s15+$0x0], $0xffff  }
0x15a: {  	[tilespmem:s12+$0xF840] =	vst v41;
	v59 =	vor.u32 v9, v37;
	v42 =	vld.idx.msk [tilespmem:v60+s15+$0x0], $0xffff  }
0x15b: {  	v60 =	vor.u32 v24, v35;
	[tilespmem:s3+$0xF850] =	vst v40;
	v40 =	vld.idx.msk [tilespmem:v61+s15+$0x0], $0xffff  }
0x15c: {  	v61 =	vor.u32 v11, v38;
	[tilespmem:s31+$0x3000] =	vst v62;
	v48 =	vld.idx.msk [tilespmem:v63+s15+$0x0], $0xffff  }
0x15d: {  	[tilespmem:s29+$0x40] =	vst v56;
	v56 =	vor.u32 v26, v32;
	v44 =	vld.idx.msk [tilespmem:v57+s15+$0x0], $0xffff  }
0x15e: {  	v62 =	vor.u32 v10, v39;
	[tilespmem:s9+$0xFFFFF000] =	vst v43;
	v63 =	vld.idx.msk [tilespmem:v58+s15+$0x0], $0xffff  }
0x15f: {  	v58 =	vor.u32 v11, v36;
	v57 =	vld.idx.msk [tilespmem:v59+s15+$0x0], $0xffff;
	[tilespmem:s0+$0x2070] =	vst v45  }
0x160: {  	v59 =	vor.u32 v22, v33;
	[tilespmem:s13+$0xF860] =	vst v42;
	v45 =	vld.idx.msk [tilespmem:v60+s15+$0x0], $0xffff  }
0x161: {  	v53 =	vor.u32 v10, v37;
	[tilespmem:s30+$0x3010] =	vst v46;
	v52 =	vld.idx.msk [tilespmem:v61+s15+$0x0], $0xffff  }
0x162: {  	v60 =	vor.u32 v25, v35;
	[tilespmem:s12+$0xF850] =	vst v40;
	v41 =	vld.idx.msk [tilespmem:v56+s15+$0x0], $0xffff  }
0x163: {  	v61 =	vor.u32 v12, v38;
	v40 =	vld.idx.msk [tilespmem:v62+s15+$0x0], $0xffff;
	[tilespmem:s3+$0xF860] =	vst v48  }
0x164: {  	[tilespmem:s29+$0x50] =	vst v63;
	v63 =	vor.u32 v26, v34;
	v48 =	vld.idx.msk [tilespmem:v58+s15+$0x0], $0xffff  }
0x165: {  	v62 =	vor.u32 v11, v39;
	[tilespmem:s9+$0xFFFFF010] =	vst v57;
	v42 =	vld.idx.msk [tilespmem:v59+s15+$0x0], $0xffff  }
0x166: {  	v56 =	vor.u32 v12, v36;
	v50 =	vld.idx.msk [tilespmem:v53+s15+$0x0], $0xffff;
	[tilespmem:s0+$0x3000] =	vst v45  }
0x167: {  	v57 =	vor.u32 v23, v33;
	[tilespmem:s13+$0xF870] =	vst v52;
	v46 =	vld.idx.msk [tilespmem:v60+s15+$0x0], $0xffff  }
0x168: {  	[tilespmem:s31+$0x3010] =	vst v44;
	v58 =	vor.u32 v11, v37;
	v47 =	vld.idx.msk [tilespmem:v61+s15+$0x0], $0xffff  }
0x169: {  	v59 =	vor.u32 v26, v35;
	[tilespmem:s12+$0xF860] =	vst v40;
	v43 =	vld.idx.msk [tilespmem:v63+s15+$0x0], $0xffff  }
0x16a: {  	v60 =	vor.u32 v13, v38;
	v40 =	vld.idx.msk [tilespmem:v62+s15+$0x0], $0xffff;
	[tilespmem:s3+$0xF870] =	vst v48  }
0x16b: {  	v62 =	vor.u32 v27, v34;
	v48 =	vld.idx.msk [tilespmem:v56+s15+$0x0], $0xffff;
	[tilespmem:s29+$0x60] =	vst v42  }
0x16c: {  	v61 =	vor.u32 v12, v39;
	[tilespmem:s9+$0xFFFFF020] =	vst v50;
	v42 =	vld.idx.msk [tilespmem:v57+s15+$0x0], $0xffff  }
0x16d: {  	v63 =	vor.u32 v13, v36;
	v50 =	vld.idx.msk [tilespmem:v58+s15+$0x0], $0xffff;
	[tilespmem:s0+$0x3010] =	vst v46  }
0x16e: {  	v56 =	vor.u32 v24, v33;
	[tilespmem:s13+$0xF880] =	vst v47;
	v57 =	vld.idx.msk [tilespmem:v59+s15+$0x0], $0xffff  }
0x16f: {  	v58 =	vor.u32 v12, v37;
	[tilespmem:s31+$0x3020] =	vst v43;
	v44 =	vld.idx.msk [tilespmem:v60+s15+$0x0], $0xffff  }
0x170: {  	v59 =	vor.u32 v27, v35;
	[tilespmem:s12+$0xF870] =	vst v40;
	v45 =	vld.idx.msk [tilespmem:v62+s15+$0x0], $0xffff  }
0x171: {  	v60 =	vor.u32 v14, v38;
	v40 =	vld.idx.msk [tilespmem:v61+s15+$0x0], $0xffff;
	[tilespmem:s3+$0xF880] =	vst v48  }
0x172: {  	v62 =	vor.u32 v28, v34;
	v48 =	vld.idx.msk [tilespmem:v63+s15+$0x0], $0xffff;
	[tilespmem:s29+$0x70] =	vst v42  }
0x173: {  	v61 =	vor.u32 v13, v39;
	[tilespmem:s9+$0xFFFFF030] =	vst v50;
	v42 =	vld.idx.msk [tilespmem:v56+s15+$0x0], $0xffff  }
0x174: {  	v63 =	vor.u32 v14, v36;
	v49 =	vld.idx.msk [tilespmem:v58+s15+$0x0], $0xffff;
	[tilespmem:s0+$0x3020] =	vst v57  }
0x175: {  	v56 =	vor.u32 v25, v33;
	[tilespmem:s13+$0xF890] =	vst v44;
	v47 =	vld.idx.msk [tilespmem:v59+s15+$0x0], $0xffff  }
0x176: {  	v57 =	vor.u32 v13, v37;
	[tilespmem:s31+$0x3030] =	vst v45;
	v43 =	vld.idx.msk [tilespmem:v60+s15+$0x0], $0xffff  }
0x177: {  	v58 =	vor.u32 v28, v35;
	[tilespmem:s12+$0xF880] =	vst v40;
	v46 =	vld.idx.msk [tilespmem:v62+s15+$0x0], $0xffff  }
0x178: {  	v59 =	vor.u32 v15, v38;
	v40 =	vld.idx.msk [tilespmem:v61+s15+$0x0], $0xffff;
	[tilespmem:s3+$0xF890] =	vst v48  }
0x179: {  	v61 =	vor.u32 v29, v34;
	v48 =	vld.idx.msk [tilespmem:v63+s15+$0x0], $0xffff;
	[tilespmem:s29+$0x1000] =	vst v42  }
0x17a: {  	v60 =	vor.u32 v14, v39;
	[tilespmem:s9+$0xFFFFF040] =	vst v49;
	v42 =	vld.idx.msk [tilespmem:v56+s15+$0x0], $0xffff  }
0x17b: {  	v62 =	vor.u32 v15, v36;
	v49 =	vld.idx.msk [tilespmem:v57+s15+$0x0], $0xffff;
	[tilespmem:s0+$0x3030] =	vst v47  }
0x17c: {  	v63 =	vor.u32 v26, v33;
	[tilespmem:s13+$0xF8A0] =	vst v43;
	v47 =	vld.idx.msk [tilespmem:v58+s15+$0x0], $0xffff  }
0x17d: {  	v56 =	vor.u32 v14, v37;
	[tilespmem:s31+$0x3040] =	vst v46;
	v45 =	vld.idx.msk [tilespmem:v59+s15+$0x0], $0xffff  }
0x17e: {  	v57 =	vor.u32 v29, v35;
	[tilespmem:s12+$0xF890] =	vst v40;
	v44 =	vld.idx.msk [tilespmem:v61+s15+$0x0], $0xffff  }
0x17f: {  	v58 =	vor.u32 v16, v38;
	v40 =	vld.idx.msk [tilespmem:v60+s15+$0x0], $0xffff;
	[tilespmem:s3+$0xF8A0] =	vst v48  }
0x180: {  	v60 =	vor.u32 v30, v34;
	v48 =	vld.idx.msk [tilespmem:v62+s15+$0x0], $0xffff;
	[tilespmem:s29+$0x1010] =	vst v42  }
0x181: {  	v59 =	vor.u32 v15, v39;
	[tilespmem:s9+$0xFFFFF050] =	vst v49;
	v43 =	vld.idx.msk [tilespmem:v63+s15+$0x0], $0xffff  }
0x182: {  	v61 =	vor.u32 v16, v36;
	v49 =	vld.idx.msk [tilespmem:v56+s15+$0x0], $0xffff;
	[tilespmem:s0+$0x3040] =	vst v47  }
0x183: {  	v62 =	vor.u32 v27, v33;
	[tilespmem:s13+$0xF8B0] =	vst v45;
	v63 =	vld.idx.msk [tilespmem:v57+s15+$0x0], $0xffff  }
0x184: {  	v54 =	vor.u32 v15, v37;
	[tilespmem:s31+$0x3050] =	vst v44;
	v46 =	vld.idx.msk [tilespmem:v58+s15+$0x0], $0xffff  }
0x185: {  	v55 =	vor.u32 v30, v35;
	[tilespmem:s12+$0xF8A0] =	vst v40;
	v42 =	vld.idx.msk [tilespmem:v60+s15+$0x0], $0xffff  }
0x186: {  	v50 =	vld.idx.msk [tilespmem:v59+s15+$0x0], $0xffff;
	[tilespmem:s3+$0xF8B0] =	vst v48  }
0x187: {  	v47 =	vld.idx.msk [tilespmem:v61+s15+$0x0], $0xffff;
	[tilespmem:s29+$0x1020] =	vst v43  }
0x188: {  	v51 =	vor.u32 v16, v39;
	[tilespmem:s9+$0xFFFFF060] =	vst v49;
	v44 =	vld.idx.msk [tilespmem:v62+s15+$0x0], $0xffff  }
0x189: {  	s8 =	sadd.s32 $0xE840, s13;
	v45 =	vor.u32 v27, v32;
	v40 =	vor.u32 v16, v37;
	v49 =	vld.idx.msk [tilespmem:v54+s15+$0x0], $0xffff;
	[tilespmem:s0+$0x3050] =	vst v63  }
0x18a: {  	s4 =	simm.s32 $0x10A40;
	s10 =	simm.s32 $0x8;
	v48 =	vor.u32 v17, v36;
	v43 =	vor.u32 v28, v33;
	[tilespmem:s8+$0x2000] =	vst v46;
	v46 =	vld.idx.msk [tilespmem:v55+s15+$0x0], $0xffff  }
.LBB2_3:
0x18b: {  	s13 =	sadd.s32 $0x1, s10  }
0x18c: {  	s24 =	sadd.s32 $0x3, s10;
	[tilespmem:s12+$0xF8B0] =	vst v50;
	v50 =	vor.u32 v31, v35;
	v35 =	vmov v38;
	s25 =	smov.u32 s10;
	s6 =	sadd.s32 $0x4, s10  }
0x18d: {  	p1 =	slt.u32 s10, $0x1C;
	s10 =	sadd.s32 $0xE840, s3;
	v53 =	vor.u32 v31, v34;
	v34 =	vmovc v39;
	v38 =	vmov s13;
	s13 =	sadd.s32 $0x2, s25;
	v52 =	vmov s24;
	v51 =	vld.idx.msk [tilespmem:v51+s15+$0x0], $0xffff;
	[tilespmem:s30+$0x3020] =	vst v41  }
0x18e: {  	v38 =	vand.u32 $0x1D, v38;
	v39 =	vmov s13;
	v52 =	vand.u32 $0x1F, v52;
	[tilespmem:s10+$0x2000] =	vst v47;
	v45 =	vld.idx.msk [tilespmem:v45+s15+$0x0], $0xffff  }
0x18f: {  	v38 =	vbroadcast v38, $0x0;
	v39 =	vand.u32 $0x1E, v39;
	v47 =	vld.idx.msk [tilespmem:v48+s15+$0x0], $0xffff;
	v48 =	vor.u32 v17, v34;
	[tilespmem:s29+$0x1030] =	vst v44  }
0x190: {  	v44 =	vor.u32 v28, v32;
	v41 =	vbroadcast v39, $0x0;
	[tilespmem:s9+$0xFFFFF070] =	vst v49;
	v43 =	vld.idx.msk [tilespmem:v43+s15+$0x0], $0xffff  }
0x191: {  	v49 =	vmov s25;
	v39 =	vbroadcast v52, $0x0;
	v54 =	vor.u32 v0, v38;
	v52 =	vld.idx.msk [tilespmem:v40+s15+$0x0], $0xffff;
	[tilespmem:s0+$0x3060] =	vst v46  }
0x192: {  	s3 =	sadd.s32 $0xE840, s12;
	v40 =	vand.u32 $0x1C, v49;
	v49 =	vor.u32 v29, v33;
	v46 =	vor.u32 v0, v41;
	v50 =	vld.idx.msk [tilespmem:v50+s15+$0x0], $0xffff;
	[tilespmem:s31+$0x3060] =	vst v42  }
0x193: {  	v42 =	vbroadcast v40, $0x0;
	v55 =	vor.u32 v0, v39;
	[tilespmem:s3+$0x2000] =	vst v51;
	v51 =	vld.idx.msk [tilespmem:v53+s15+$0x0], $0xffff  }
0x194: {  	v48 =	vld.idx.msk [tilespmem:v48+s15+$0x0], $0xffff;
	[tilespmem:s30+$0x3030] =	vst v45  }
0x195: {  	v45 =	vor.u32 v0, v42;
	v40 =	vor.u32 v16, v42;
	[tilespmem:s10+$0x2010] =	vst v47;
	v44 =	vld.idx.msk [tilespmem:v44+s15+$0x0], $0xffff  }
0x196: {  	v53 =	vor.u32 v18, v34;
	v47 =	vld.idx.msk [tilespmem:v54+s15+$0x0], $0xffff;
	[tilespmem:s29+$0x1040] =	vst v43  }
0x197: {  	v43 =	vor.u32 v18, v36;
	[tilespmem:s9+$0x0] =	vst v52;
	v49 =	vld.idx.msk [tilespmem:v49+s15+$0x0], $0xffff  }
0x198: {  	s2 =	sadd.s32 $0x200, s2;
	v52 =	vor.u32 v1, v38;
	v46 =	vld.idx.msk [tilespmem:v46+s15+$0x0], $0xffff;
	[tilespmem:s0+$0x3070] =	vst v50;
	s0 =	smov.u32 s8  }
0x199: {  	s12 =	sadd.s32 $0xFFFFFF00, s2;
	s8 =	sadd.s32 $0xFFFFFE80, s2;
	v50 =	vor.u32 v1, v41;
	v54 =	vld.idx.msk [tilespmem:v55+s15+$0x0], $0xffff;
	v55 =	vor.u32 v30, v33;
	[tilespmem:s31+$0x3070] =	vst v51;
	s31 =	smov.u32 s3  }
0x19a: {  	s13 =	sand.u32 $0xC00, s8;
	s3 =	sand.u32 $0x280, s12;
	s12 =	sadd.s32 $0xFFFFFF80, s2;
	v51 =	vor.u32 v1, v39;
	v45 =	vld.idx.msk [tilespmem:v45+s15+$0x0], $0xffff;
	[tilespmem:s31+$0x2010] =	vst v48  }
0x19b: {  	s8 =	sor.u32 s13, s3;
	s3 =	sand.u32 $0x300, s12;
	v48 =	vld.idx.msk [tilespmem:v53+s15+$0x0], $0xffff;
	[tilespmem:s30+$0x3040] =	vst v44  }
0x19c: {  	s12 =	sand.u32 $0x380, s2;
	v44 =	vor.u32 v1, v42;
	s3 =	sor.u32 s13, s3;
	[tilespmem:s8+$0xE840] =	vst v47;
	v43 =	vld.idx.msk [tilespmem:v43+s15+$0x0], $0xffff  }
0x19d: {  	s12 =	sor.u32 s13, s12;
	v47 =	vld.idx.msk [tilespmem:v52+s15+$0x0], $0xffff;
	v52 =	vor.u32 v19, v34;
	[tilespmem:s29+$0x1050] =	vst v49  }
0x19e: {  	[tilespmem:s3+$0xE840] =	vst v46;
	v46 =	vor.u32 v19, v36;
	v49 =	vld.idx.msk [tilespmem:v55+s15+$0x0], $0xffff  }
0x19f: {  	s9 =	sadd.s32 $0x200, s9;
	v53 =	vor.u32 v2, v38;
	v50 =	vld.idx.msk [tilespmem:v50+s15+$0x0], $0xffff;
	[tilespmem:s12+$0xE840] =	vst v54  }
0x1a0: {  	[tilespmem:s9+$0xFFFFE000] =	vst v45;
	v45 =	vld.idx.msk [tilespmem:v51+s15+$0x0], $0xffff;
	v51 =	vor.u32 v17, v37  }
0x1a1: {  	v54 =	vor.u32 v2, v39;
	v44 =	vld.idx.msk [tilespmem:v44+s15+$0x0], $0xffff;
	[tilespmem:s31+$0x2020] =	vst v48;
	v48 =	vor.u32 v31, v33;
	v33 =	vmov v37  }
0x1a2: {  	v55 =	vor.u32 v2, v41;
	v37 =	vmov v42;
	[tilespmem:s10+$0x2020] =	vst v43;
	v43 =	vld.idx.msk [tilespmem:v52+s15+$0x0], $0xffff  }
0x1a3: {  	[tilespmem:s8+$0xE850] =	vst v47;
	v42 =	vld.idx.msk [tilespmem:v46+s15+$0x0], $0xffff  }
0x1a4: {  	v52 =	vor.u32 v20, v34;
	v46 =	vor.u32 v2, v37;
	v47 =	vld.idx.msk [tilespmem:v53+s15+$0x0], $0xffff;
	[tilespmem:s29+$0x1060] =	vst v49  }
0x1a5: {  	[tilespmem:s3+$0xE850] =	vst v50;
	v49 =	vld.idx.msk [tilespmem:v51+s15+$0x0], $0xffff  }
0x1a6: {  	v50 =	vor.u32 v3, v38;
	[tilespmem:s12+$0xE850] =	vst v45;
	v45 =	vld.idx.msk [tilespmem:v48+s15+$0x0], $0xffff  }
0x1a7: {  	v48 =	vor.u32 v20, v36;
	[tilespmem:s9+$0xFFFFE010] =	vst v44;
	v44 =	vld.idx.msk [tilespmem:v55+s15+$0x0], $0xffff  }
0x1a8: {  	v53 =	vor.u32 v3, v39;
	v51 =	vld.idx.msk [tilespmem:v54+s15+$0x0], $0xffff;
	[tilespmem:s31+$0x2030] =	vst v43;
	v43 =	vor.u32 v29, v32  }
0x1a9: {  	v54 =	vor.u32 v3, v41;
	[tilespmem:s10+$0x2030] =	vst v42;
	v42 =	vld.idx.msk [tilespmem:v52+s15+$0x0], $0xffff  }
0x1aa: {  	v46 =	vld.idx.msk [tilespmem:v46+s15+$0x0], $0xffff;
	[tilespmem:s8+$0xE860] =	vst v47;
	v47 =	vor.u32 v18, v33  }
0x1ab: {  	v52 =	vor.u32 v3, v37;
	v50 =	vld.idx.msk [tilespmem:v50+s15+$0x0], $0xffff;
	[tilespmem:s4+$0x10] =	vst v49  }
0x1ac: {  	v49 =	vor.u32 v17, v35;
	v48 =	vld.idx.msk [tilespmem:v48+s15+$0x0], $0xffff;
	[tilespmem:s29+$0x1070] =	vst v45;
	s29 =	smov.u32 s4;
	s4 =	smov.u32 s9  }
0x1ad: {  	v45 =	vor.u32 v4, v38;
	[tilespmem:s3+$0xE860] =	vst v44;
	v44 =	vor.u32 v21, v34;
	v43 =	vld.idx.msk [tilespmem:v43+s15+$0x0], $0xffff  }
0x1ae: {  	v54 =	vld.idx.msk [tilespmem:v54+s15+$0x0], $0xffff;
	[tilespmem:s12+$0xE860] =	vst v51  }
0x1af: {  	v55 =	vor.u32 v21, v36;
	v51 =	vor.u32 v4, v39;
	v47 =	vld.idx.msk [tilespmem:v47+s15+$0x0], $0xffff;
	[tilespmem:s31+$0x2040] =	vst v42  }
0x1b0: {  	v42 =	vor.u32 v4, v41;
	v53 =	vld.idx.msk [tilespmem:v53+s15+$0x0], $0xffff  }
0x1b1: {  	[tilespmem:s8+$0xE870] =	vst v50;
	v49 =	vld.idx.msk [tilespmem:v49+s15+$0x0], $0xffff  }
0x1b2: {  	v50 =	vor.u32 v4, v37;
	[tilespmem:s10+$0x2040] =	vst v48;
	v44 =	vld.idx.msk [tilespmem:v44+s15+$0x0], $0xffff  }
0x1b3: {  	v45 =	vld.idx.msk [tilespmem:v45+s15+$0x0], $0xffff;
	[tilespmem:s30+$0x3050] =	vst v43;
	v43 =	vor.u32 v30, v32  }
0x1b4: {  	v48 =	vor.u32 v5, v38;
	[tilespmem:s3+$0xE870] =	vst v54;
	v54 =	vor.u32 v18, v35;
	v55 =	vld.idx.msk [tilespmem:v55+s15+$0x0], $0xffff  }
0x1b5: {  	[tilespmem:s9+$0xFFFFE020] =	vst v46;
	v42 =	vld.idx.msk [tilespmem:v42+s15+$0x0], $0xffff  }
0x1b6: {  	v46 =	vld.idx.msk [tilespmem:v52+s15+$0x0], $0xffff;
	[tilespmem:s12+$0xE870] =	vst v53;
	v52 =	vor.u32 v5, v39;
	v53 =	vor.u32 v22, v36  }
0x1b7: {  	v56 =	vor.u32 v5, v41;
	v51 =	vld.idx.msk [tilespmem:v51+s15+$0x0], $0xffff;
	[tilespmem:s0+$0x2010] =	vst v49  }
0x1b8: {  	[tilespmem:s31+$0x2050] =	vst v44;
	v43 =	vld.idx.msk [tilespmem:v43+s15+$0x0], $0xffff  }
0x1b9: {  	v44 =	vor.u32 v5, v37;
	[tilespmem:s8+$0xE880] =	vst v45;
	v45 =	vld.idx.msk [tilespmem:v54+s15+$0x0], $0xffff  }
0x1ba: {  	v49 =	vor.u32 v31, v32;
	v32 =	vmov v36;
	v36 =	vmov v41;
	v48 =	vld.idx.msk [tilespmem:v48+s15+$0x0], $0xffff;
	[tilespmem:s10+$0x2050] =	vst v55  }
0x1bb: {  	v41 =	vor.u32 v19, v35;
	[tilespmem:s3+$0xE880] =	vst v42;
	v42 =	vld.idx.msk [tilespmem:v53+s15+$0x0], $0xffff  }
0x1bc: {  	[tilespmem:s9+$0xFFFFE030] =	vst v46;
	v46 =	vor.u32 v6, v38;
	v53 =	vld.idx.msk [tilespmem:v56+s15+$0x0], $0xffff  }
0x1bd: {  	v50 =	vld.idx.msk [tilespmem:v50+s15+$0x0], $0xffff;
	[tilespmem:s12+$0xE880] =	vst v51  }
0x1be: {  	v54 =	vor.u32 v6, v39;
	v51 =	vor.u32 v6, v36;
	v52 =	vld.idx.msk [tilespmem:v52+s15+$0x0], $0xffff;
	[tilespmem:s30+$0x3060] =	vst v43  }
0x1bf: {  	v43 =	vor.u32 v23, v32;
	[tilespmem:s0+$0x2020] =	vst v45;
	v45 =	vld.idx.msk [tilespmem:v49+s15+$0x0], $0xffff  }
0x1c0: {  	[tilespmem:s8+$0xE890] =	vst v48;
	v41 =	vld.idx.msk [tilespmem:v41+s15+$0x0], $0xffff  }
0x1c1: {  	v48 =	vor.u32 v6, v37;
	v46 =	vld.idx.msk [tilespmem:v46+s15+$0x0], $0xffff;
	[tilespmem:s29+$0x20] =	vst v47  }
0x1c2: {  	v47 =	vor.u32 v20, v35;
	[tilespmem:s3+$0xE890] =	vst v53  }
0x1c3: {  	v49 =	vor.u32 v7, v38;
	v51 =	vld.idx.msk [tilespmem:v51+s15+$0x0], $0xffff;
	[tilespmem:s10+$0x2060] =	vst v42  }
0x1c4: {  	[tilespmem:s12+$0xE890] =	vst v52;
	v42 =	vld.idx.msk [tilespmem:v43+s15+$0x0], $0xffff;
	v43 =	vor.u32 v22, v34  }
0x1c5: {  	[tilespmem:s9+$0xFFFFE040] =	vst v50;
	v50 =	vor.u32 v7, v36;
	v52 =	vld.idx.msk [tilespmem:v54+s15+$0x0], $0xffff  }
0x1c6: {  	v44 =	vld.idx.msk [tilespmem:v44+s15+$0x0], $0xffff;
	[tilespmem:s0+$0x2030] =	vst v41;
	v41 =	vor.u32 v24, v32  }
0x1c7: {  	[tilespmem:s8+$0xE8A0] =	vst v46;
	v46 =	vor.u32 v7, v39;
	v47 =	vld.idx.msk [tilespmem:v47+s15+$0x0], $0xffff  }
0x1c8: {  	v49 =	vld.idx.msk [tilespmem:v49+s15+$0x0], $0xffff;
	[tilespmem:s30+$0x3070] =	vst v45;
	s30 =	smov.u32 s10  }
0x1c9: {  	v45 =	vor.u32 v21, v35;
	[tilespmem:s3+$0xE8A0] =	vst v51;
	v43 =	vld.idx.msk [tilespmem:v43+s15+$0x0], $0xffff  }
0x1ca: {  	v51 =	vor.u32 v8, v38;
	v50 =	vld.idx.msk [tilespmem:v50+s15+$0x0], $0xffff;
	[tilespmem:s30+$0x2070] =	vst v42  }
0x1cb: {  	v42 =	vor.u32 v23, v34;
	[tilespmem:s12+$0xE8A0] =	vst v52;
	v41 =	vld.idx.msk [tilespmem:v41+s15+$0x0], $0xffff  }
0x1cc: {  	[tilespmem:s9+$0xFFFFE050] =	vst v44;
	v44 =	vor.u32 v8, v36;
	v46 =	vld.idx.msk [tilespmem:v46+s15+$0x0], $0xffff  }
0x1cd: {  	v48 =	vld.idx.msk [tilespmem:v48+s15+$0x0], $0xffff;
	[tilespmem:s0+$0x2040] =	vst v47;
	v47 =	vor.u32 v25, v32  }
0x1ce: {  	[tilespmem:s8+$0xE8B0] =	vst v49;
	v49 =	vor.u32 v19, v33;
	v45 =	vld.idx.msk [tilespmem:v45+s15+$0x0], $0xffff  }
0x1cf: {  	v52 =	vor.u32 v7, v37;
	v51 =	vld.idx.msk [tilespmem:v51+s15+$0x0], $0xffff;
	[tilespmem:s31+$0x2060] =	vst v43  }
0x1d0: {  	v43 =	vor.u32 v22, v35;
	[tilespmem:s3+$0xE8B0] =	vst v50;
	v42 =	vld.idx.msk [tilespmem:v42+s15+$0x0], $0xffff  }
0x1d1: {  	v50 =	vor.u32 v9, v38;
	v44 =	vld.idx.msk [tilespmem:v44+s15+$0x0], $0xffff;
	[tilespmem:s30+$0x3000] =	vst v41  }
0x1d2: {  	v41 =	vor.u32 v8, v39;
	[tilespmem:s12+$0xE8B0] =	vst v46;
	v46 =	vld.idx.msk [tilespmem:v47+s15+$0x0], $0xffff  }
0x1d3: {  	v47 =	vor.u32 v9, v36;
	[tilespmem:s9+$0xFFFFE060] =	vst v48;
	v48 =	vld.idx.msk [tilespmem:v49+s15+$0x0], $0xffff  }
0x1d4: {  	v49 =	vld.idx.msk [tilespmem:v52+s15+$0x0], $0xffff;
	[tilespmem:s0+$0x2050] =	vst v45;
	v45 =	vor.u32 v24, v34  }
0x1d5: {  	[tilespmem:s8+$0xF840] =	vst v51;
	v51 =	vor.u32 v20, v33;
	v43 =	vld.idx.msk [tilespmem:v43+s15+$0x0], $0xffff  }
0x1d6: {  	v52 =	vor.u32 v8, v37;
	v50 =	vld.idx.msk [tilespmem:v50+s15+$0x0], $0xffff;
	[tilespmem:s31+$0x2070] =	vst v42  }
0x1d7: {  	v42 =	vor.u32 v23, v35;
	[tilespmem:s3+$0xF840] =	vst v44;
	v41 =	vld.idx.msk [tilespmem:v41+s15+$0x0], $0xffff  }
0x1d8: {  	v44 =	vor.u32 v10, v38;
	v47 =	vld.idx.msk [tilespmem:v47+s15+$0x0], $0xffff;
	[tilespmem:s30+$0x3010] =	vst v46  }
0x1d9: {  	v46 =	vor.u32 v9, v39;
	[tilespmem:s29+$0x30] =	vst v48;
	v45 =	vld.idx.msk [tilespmem:v45+s15+$0x0], $0xffff  }
0x1da: {  	v48 =	vor.u32 v10, v36;
	[tilespmem:s9+$0xFFFFE070] =	vst v49;
	v49 =	vld.idx.msk [tilespmem:v51+s15+$0x0], $0xffff  }
0x1db: {  	v51 =	vld.idx.msk [tilespmem:v52+s15+$0x0], $0xffff;
	[tilespmem:s0+$0x2060] =	vst v43;
	v43 =	vor.u32 v25, v34  }
0x1dc: {  	[tilespmem:s8+$0xF850] =	vst v50;
	v50 =	vor.u32 v21, v33;
	v42 =	vld.idx.msk [tilespmem:v42+s15+$0x0], $0xffff  }
0x1dd: {  	v52 =	vor.u32 v9, v37;
	v44 =	vld.idx.msk [tilespmem:v44+s15+$0x0], $0xffff;
	[tilespmem:s12+$0xF840] =	vst v41  }
0x1de: {  	[tilespmem:s3+$0xF850] =	vst v47;
	v41 =	vld.idx.msk [tilespmem:v46+s15+$0x0], $0xffff;
	v46 =	vor.u32 v24, v35  }
0x1df: {  	v47 =	vor.u32 v11, v38;
	v48 =	vld.idx.msk [tilespmem:v48+s15+$0x0], $0xffff;
	[tilespmem:s31+$0x3000] =	vst v45  }
0x1e0: {  	v45 =	vor.u32 v10, v39;
	[tilespmem:s29+$0x40] =	vst v49;
	v43 =	vld.idx.msk [tilespmem:v43+s15+$0x0], $0xffff  }
0x1e1: {  	[tilespmem:s9+$0xFFFFF000] =	vst v51;
	v49 =	vld.idx.msk [tilespmem:v50+s15+$0x0], $0xffff;
	v50 =	vor.u32 v26, v32  }
0x1e2: {  	v51 =	vld.idx.msk [tilespmem:v52+s15+$0x0], $0xffff;
	v52 =	vor.u32 v11, v36;
	[tilespmem:s0+$0x2070] =	vst v42  }
0x1e3: {  	v42 =	vor.u32 v22, v33;
	[tilespmem:s8+$0xF860] =	vst v44;
	v44 =	vld.idx.msk [tilespmem:v46+s15+$0x0], $0xffff  }
0x1e4: {  	v46 =	vor.u32 v10, v37;
	v47 =	vld.idx.msk [tilespmem:v47+s15+$0x0], $0xffff;
	[tilespmem:s12+$0xF850] =	vst v41  }
0x1e5: {  	v53 =	vor.u32 v25, v35;
	v45 =	vld.idx.msk [tilespmem:v45+s15+$0x0], $0xffff  }
0x1e6: {  	v54 =	vor.u32 v12, v38;
	[tilespmem:s3+$0xF860] =	vst v48;
	v41 =	vld.idx.msk [tilespmem:v50+s15+$0x0], $0xffff  }
0x1e7: {  	v50 =	vor.u32 v11, v39;
	v48 =	vld.idx.msk [tilespmem:v52+s15+$0x0], $0xffff;
	[tilespmem:s29+$0x50] =	vst v49  }
0x1e8: {  	v49 =	vor.u32 v26, v34;
	[tilespmem:s9+$0xFFFFF010] =	vst v51;
	v42 =	vld.idx.msk [tilespmem:v42+s15+$0x0], $0xffff  }
0x1e9: {  	v51 =	vor.u32 v12, v36;
	v46 =	vld.idx.msk [tilespmem:v46+s15+$0x0], $0xffff;
	[tilespmem:s0+$0x3000] =	vst v44  }
0x1ea: {  	v44 =	vor.u32 v23, v33;
	[tilespmem:s8+$0xF870] =	vst v47;
	v47 =	vld.idx.msk [tilespmem:v53+s15+$0x0], $0xffff  }
0x1eb: {  	v52 =	vor.u32 v11, v37;
	v53 =	vld.idx.msk [tilespmem:v54+s15+$0x0], $0xffff;
	[tilespmem:s12+$0xF860] =	vst v45  }
0x1ec: {  	v45 =	vld.idx.msk [tilespmem:v50+s15+$0x0], $0xffff;
	v50 =	vor.u32 v26, v35;
	[tilespmem:s31+$0x3010] =	vst v43  }
0x1ed: {  	v43 =	vor.u32 v13, v38;
	[tilespmem:s3+$0xF870] =	vst v48;
	v48 =	vld.idx.msk [tilespmem:v49+s15+$0x0], $0xffff  }
0x1ee: {  	v49 =	vld.idx.msk [tilespmem:v51+s15+$0x0], $0xffff;
	v51 =	vor.u32 v12, v39;
	[tilespmem:s29+$0x60] =	vst v42  }
0x1ef: {  	[tilespmem:s9+$0xFFFFF020] =	vst v46;
	v42 =	vld.idx.msk [tilespmem:v44+s15+$0x0], $0xffff;
	v44 =	vor.u32 v27, v34  }
0x1f0: {  	v46 =	vld.idx.msk [tilespmem:v52+s15+$0x0], $0xffff;
	v52 =	vor.u32 v13, v36;
	[tilespmem:s0+$0x3010] =	vst v47  }
0x1f1: {  	v47 =	vor.u32 v24, v33;
	[tilespmem:s8+$0xF880] =	vst v53;
	v50 =	vld.idx.msk [tilespmem:v50+s15+$0x0], $0xffff  }
0x1f2: {  	v53 =	vor.u32 v12, v37;
	v43 =	vld.idx.msk [tilespmem:v43+s15+$0x0], $0xffff;
	[tilespmem:s12+$0xF870] =	vst v45  }
0x1f3: {  	v45 =	vld.idx.msk [tilespmem:v51+s15+$0x0], $0xffff;
	v51 =	vor.u32 v27, v35;
	[tilespmem:s31+$0x3020] =	vst v48  }
0x1f4: {  	v48 =	vor.u32 v14, v38;
	[tilespmem:s3+$0xF880] =	vst v49;
	v44 =	vld.idx.msk [tilespmem:v44+s15+$0x0], $0xffff  }
0x1f5: {  	v49 =	vld.idx.msk [tilespmem:v52+s15+$0x0], $0xffff;
	v52 =	vor.u32 v13, v39;
	[tilespmem:s29+$0x70] =	vst v42  }
0x1f6: {  	[tilespmem:s9+$0xFFFFF030] =	vst v46;
	v42 =	vld.idx.msk [tilespmem:v47+s15+$0x0], $0xffff;
	v46 =	vor.u32 v28, v34  }
0x1f7: {  	v47 =	vld.idx.msk [tilespmem:v53+s15+$0x0], $0xffff;
	v53 =	vor.u32 v14, v36;
	[tilespmem:s0+$0x3020] =	vst v50  }
0x1f8: {  	[tilespmem:s8+$0xF890] =	vst v43;
	v43 =	vor.u32 v25, v33;
	v50 =	vld.idx.msk [tilespmem:v51+s15+$0x0], $0xffff  }
0x1f9: {  	v51 =	vor.u32 v13, v37;
	v48 =	vld.idx.msk [tilespmem:v48+s15+$0x0], $0xffff;
	[tilespmem:s12+$0xF880] =	vst v45  }
0x1fa: {  	v45 =	vld.idx.msk [tilespmem:v52+s15+$0x0], $0xffff;
	v52 =	vor.u32 v28, v35;
	[tilespmem:s31+$0x3030] =	vst v44  }
0x1fb: {  	v44 =	vor.u32 v15, v38;
	[tilespmem:s3+$0xF890] =	vst v49;
	v46 =	vld.idx.msk [tilespmem:v46+s15+$0x0], $0xffff  }
0x1fc: {  	v49 =	vld.idx.msk [tilespmem:v53+s15+$0x0], $0xffff;
	v53 =	vor.u32 v14, v39;
	[tilespmem:s29+$0x1000] =	vst v42  }
0x1fd: {  	[tilespmem:s9+$0xFFFFF040] =	vst v47;
	v42 =	vld.idx.msk [tilespmem:v43+s15+$0x0], $0xffff;
	v43 =	vor.u32 v29, v34  }
0x1fe: {  	v47 =	vld.idx.msk [tilespmem:v51+s15+$0x0], $0xffff;
	v51 =	vor.u32 v15, v36;
	[tilespmem:s0+$0x3030] =	vst v50  }
0x1ff: {  	[tilespmem:s8+$0xF8A0] =	vst v48;
	v48 =	vor.u32 v26, v33;
	v50 =	vld.idx.msk [tilespmem:v52+s15+$0x0], $0xffff  }
0x200: {  	v52 =	vor.u32 v14, v37;
	v44 =	vld.idx.msk [tilespmem:v44+s15+$0x0], $0xffff;
	[tilespmem:s12+$0xF890] =	vst v45  }
0x201: {  	v45 =	vld.idx.msk [tilespmem:v53+s15+$0x0], $0xffff;
	v53 =	vor.u32 v29, v35;
	[tilespmem:s31+$0x3040] =	vst v46  }
0x202: {  	v46 =	vor.u32 v16, v38;
	[tilespmem:s3+$0xF8A0] =	vst v49;
	v43 =	vld.idx.msk [tilespmem:v43+s15+$0x0], $0xffff  }
0x203: {  	v49 =	vld.idx.msk [tilespmem:v51+s15+$0x0], $0xffff;
	v51 =	vor.u32 v15, v39;
	[tilespmem:s29+$0x1010] =	vst v42  }
0x204: {  	v42 =	vor.u32 v30, v34;
	[tilespmem:s9+$0xFFFFF050] =	vst v47;
	v48 =	vld.idx.msk [tilespmem:v48+s15+$0x0], $0xffff  }
0x205: {  	v47 =	vor.u32 v16, v36;
	v52 =	vld.idx.msk [tilespmem:v52+s15+$0x0], $0xffff;
	[tilespmem:s0+$0x3040] =	vst v50  }
0x206: {  	[tilespmem:s8+$0xF8B0] =	vst v44;
	v44 =	vor.u32 v27, v33;
	v53 =	vld.idx.msk [tilespmem:v53+s15+$0x0], $0xffff  }
0x207: {  	v54 =	vor.u32 v15, v37;
	v46 =	vld.idx.msk [tilespmem:v46+s15+$0x0], $0xffff;
	[tilespmem:s12+$0xF8A0] =	vst v45  }
0x208: {  	v55 =	vor.u32 v30, v35;
	v50 =	vld.idx.msk [tilespmem:v51+s15+$0x0], $0xffff;
	[tilespmem:s31+$0x3050] =	vst v43  }
.Ltmp0:
0x209: {  	[tilespmem:s3+$0xF8B0] =	vst v49;
	v42 =	vld.idx.msk [tilespmem:v42+s15+$0x0], $0xffff;
	(pc) =	sbr.rel @p1 .LBB2_3-.Ltmp0, $4  }
0x20a: {  	v51 =	vor.u32 v16, v39;
	v47 =	vld.idx.msk [tilespmem:v47+s15+$0x0], $0xffff;
	[tilespmem:s29+$0x1020] =	vst v48  }
0x20b: {  	v45 =	vor.u32 v27, v32;
	[tilespmem:s9+$0xFFFFF060] =	vst v52;
	v44 =	vld.idx.msk [tilespmem:v44+s15+$0x0], $0xffff  }
0x20c: {  	s8 =	sadd.s32 $0xE840, s8;
	v48 =	vor.u32 v17, v36;
	v49 =	vld.idx.msk [tilespmem:v54+s15+$0x0], $0xffff;
	[tilespmem:s0+$0x3050] =	vst v53  }
0x20d: {  	s10 =	smov.u32 s6;
	v43 =	vor.u32 v28, v33;
	[tilespmem:s8+$0x2000] =	vst v46;
	v46 =	vld.idx.msk [tilespmem:v55+s15+$0x0], $0xffff  }
0x20e: {  	_ =	sdelay $0x2  }
0x20f: {  	[tilespmem:s12+$0xF8B0] =	vst v50;
	v57 =	vor.u32 v17, v38  }
0x210: {  	v50 =	vld.idx.msk [tilespmem:v51+s15+$0x0], $0xffff;
	[tilespmem:s9+$0xFFFFF070] =	vst v49  }
0x211: {  	v58 =	vor.u32 v17, v39;
	v40 =	vld.idx.msk [tilespmem:v40+s15+$0x0], $0xffff  }
0x212: {  	v52 =	vor.u32 v17, v37  }
0x213: {  	s2 =	sadd.s32 $0xE840, s3  }
0x214: {  	s6 =	sadd.s32 $0xE840, s12;
	[tilespmem:s2+$0x2000] =	vst v47;
	v49 =	vld.idx.msk [tilespmem:v57+s15+$0x0], $0xffff  }
0x215: {  	v59 =	vor.u32 v18, v38;
	v48 =	vld.idx.msk [tilespmem:v48+s15+$0x0], $0xffff;
	[tilespmem:s6+$0x2000] =	vst v50  }
0x216: {  	v53 =	vor.u32 v18, v36;
	v50 =	vld.idx.msk [tilespmem:v58+s15+$0x0], $0xffff;
	[tilespmem:s9+$0x0] =	vst v40  }
0x217: {  	v60 =	vor.u32 v18, v39;
	v61 =	vld.idx.msk [tilespmem:v52+s15+$0x0], $0xffff  }
0x218: {  	v62 =	vor.u32 v18, v37  }
0x219: {  	[tilespmem:s8+$0x2010] =	vst v49  }
0x21a: {  	[tilespmem:s2+$0x2010] =	vst v48;
	v40 =	vld.idx.msk [tilespmem:v59+s15+$0x0], $0xffff  }
0x21b: {  	v63 =	vor.u32 v19, v38;
	v58 =	vld.idx.msk [tilespmem:v53+s15+$0x0], $0xffff;
	[tilespmem:s6+$0x2010] =	vst v50  }
0x21c: {  	v47 =	vld.idx.msk [tilespmem:v60+s15+$0x0], $0xffff;
	v60 =	vor.u32 v19, v36;
	[tilespmem:s4+$0x10] =	vst v61  }
0x21d: {  	v56 =	vor.u32 v19, v39;
	v57 =	vld.idx.msk [tilespmem:v62+s15+$0x0], $0xffff  }
0x21e: {  	v59 =	vor.u32 v19, v37  }
0x21f: {  	[tilespmem:s8+$0x2020] =	vst v40  }
0x220: {  	[tilespmem:s2+$0x2020] =	vst v58;
	v40 =	vld.idx.msk [tilespmem:v63+s15+$0x0], $0xffff  }
0x221: {  	v61 =	vor.u32 v20, v38;
	[tilespmem:s6+$0x2020] =	vst v47;
	v51 =	vld.idx.msk [tilespmem:v60+s15+$0x0], $0xffff  }
0x222: {  	v47 =	vld.idx.msk [tilespmem:v56+s15+$0x0], $0xffff;
	v56 =	vor.u32 v20, v36;
	[tilespmem:s4+$0x20] =	vst v57  }
0x223: {  	v62 =	vor.u32 v20, v39;
	v50 =	vld.idx.msk [tilespmem:v59+s15+$0x0], $0xffff  }
0x224: {  	v63 =	vor.u32 v20, v37  }
0x225: {  	[tilespmem:s8+$0x2030] =	vst v40  }
0x226: {  	v40 =	vld.idx.msk [tilespmem:v61+s15+$0x0], $0xffff;
	[tilespmem:s2+$0x2030] =	vst v51  }
0x227: {  	v57 =	vor.u32 v21, v38;
	[tilespmem:s6+$0x2030] =	vst v47;
	v51 =	vld.idx.msk [tilespmem:v56+s15+$0x0], $0xffff  }
0x228: {  	v60 =	vor.u32 v21, v36;
	v47 =	vld.idx.msk [tilespmem:v62+s15+$0x0], $0xffff;
	[tilespmem:s4+$0x30] =	vst v50  }
0x229: {  	v58 =	vor.u32 v21, v39;
	v50 =	vld.idx.msk [tilespmem:v63+s15+$0x0], $0xffff  }
0x22a: {  	v59 =	vor.u32 v21, v37  }
0x22b: {  	[tilespmem:s8+$0x2040] =	vst v40  }
0x22c: {  	v40 =	vld.idx.msk [tilespmem:v57+s15+$0x0], $0xffff;
	[tilespmem:s2+$0x2040] =	vst v51  }
0x22d: {  	v61 =	vor.u32 v22, v38;
	[tilespmem:s6+$0x2040] =	vst v47;
	v51 =	vld.idx.msk [tilespmem:v60+s15+$0x0], $0xffff  }
0x22e: {  	v56 =	vor.u32 v22, v36;
	v47 =	vld.idx.msk [tilespmem:v58+s15+$0x0], $0xffff;
	[tilespmem:s4+$0x40] =	vst v50  }
0x22f: {  	v62 =	vor.u32 v22, v39;
	v50 =	vld.idx.msk [tilespmem:v59+s15+$0x0], $0xffff  }
0x230: {  	v63 =	vor.u32 v22, v37  }
0x231: {  	[tilespmem:s8+$0x2050] =	vst v40  }
0x232: {  	v40 =	vld.idx.msk [tilespmem:v61+s15+$0x0], $0xffff;
	[tilespmem:s2+$0x2050] =	vst v51  }
0x233: {  	v57 =	vor.u32 v23, v38;
	[tilespmem:s6+$0x2050] =	vst v47;
	v51 =	vld.idx.msk [tilespmem:v56+s15+$0x0], $0xffff  }
0x234: {  	v60 =	vor.u32 v23, v36;
	v47 =	vld.idx.msk [tilespmem:v62+s15+$0x0], $0xffff;
	[tilespmem:s4+$0x50] =	vst v50  }
0x235: {  	v58 =	vor.u32 v23, v39;
	v50 =	vld.idx.msk [tilespmem:v63+s15+$0x0], $0xffff  }
0x236: {  	v59 =	vor.u32 v23, v37  }
0x237: {  	[tilespmem:s8+$0x2060] =	vst v40  }
0x238: {  	v40 =	vld.idx.msk [tilespmem:v57+s15+$0x0], $0xffff;
	[tilespmem:s2+$0x2060] =	vst v51  }
0x239: {  	v61 =	vor.u32 v24, v38;
	[tilespmem:s6+$0x2060] =	vst v47;
	v51 =	vld.idx.msk [tilespmem:v60+s15+$0x0], $0xffff  }
0x23a: {  	v56 =	vor.u32 v24, v36;
	v47 =	vld.idx.msk [tilespmem:v58+s15+$0x0], $0xffff;
	[tilespmem:s4+$0x60] =	vst v50  }
0x23b: {  	v62 =	vor.u32 v24, v39;
	v50 =	vld.idx.msk [tilespmem:v59+s15+$0x0], $0xffff  }
0x23c: {  	v63 =	vor.u32 v24, v37  }
0x23d: {  	[tilespmem:s8+$0x2070] =	vst v40  }
0x23e: {  	v40 =	vld.idx.msk [tilespmem:v61+s15+$0x0], $0xffff;
	[tilespmem:s2+$0x2070] =	vst v51  }
0x23f: {  	v57 =	vor.u32 v25, v38;
	[tilespmem:s6+$0x2070] =	vst v47;
	v51 =	vld.idx.msk [tilespmem:v56+s15+$0x0], $0xffff  }
0x240: {  	v60 =	vor.u32 v25, v36;
	v47 =	vld.idx.msk [tilespmem:v62+s15+$0x0], $0xffff;
	[tilespmem:s4+$0x70] =	vst v50  }
0x241: {  	v58 =	vor.u32 v25, v39;
	v50 =	vld.idx.msk [tilespmem:v63+s15+$0x0], $0xffff  }
0x242: {  	[tilespmem:s30+$0x3020] =	vst v41;
	v59 =	vor.u32 v25, v37  }
0x243: {  	[tilespmem:s8+$0x3000] =	vst v40  }
0x244: {  	v40 =	vld.idx.msk [tilespmem:v57+s15+$0x0], $0xffff;
	[tilespmem:s2+$0x3000] =	vst v51  }
0x245: {  	v61 =	vor.u32 v26, v38;
	[tilespmem:s6+$0x3000] =	vst v47;
	v41 =	vld.idx.msk [tilespmem:v60+s15+$0x0], $0xffff  }
0x246: {  	v52 =	vor.u32 v26, v36;
	v47 =	vld.idx.msk [tilespmem:v58+s15+$0x0], $0xffff;
	[tilespmem:s4+$0x1000] =	vst v50  }
0x247: {  	[tilespmem:s31+$0x3060] =	vst v42;
	v62 =	vor.u32 v26, v39;
	v50 =	vld.idx.msk [tilespmem:v59+s15+$0x0], $0xffff  }
0x248: {  	[tilespmem:s29+$0x1030] =	vst v44;
	v63 =	vor.u32 v26, v37  }
0x249: {  	v45 =	vld.idx.msk [tilespmem:v45+s15+$0x0], $0xffff;
	[tilespmem:s8+$0x3010] =	vst v40  }
0x24a: {  	v35 =	vor.u32 v31, v35;
	v40 =	vld.idx.msk [tilespmem:v61+s15+$0x0], $0xffff;
	[tilespmem:s2+$0x3010] =	vst v41  }
0x24b: {  	v53 =	vor.u32 v27, v38;
	[tilespmem:s6+$0x3010] =	vst v47;
	v55 =	vld.idx.msk [tilespmem:v52+s15+$0x0], $0xffff  }
0x24c: {  	v57 =	vor.u32 v27, v36;
	v47 =	vld.idx.msk [tilespmem:v62+s15+$0x0], $0xffff;
	[tilespmem:s4+$0x1010] =	vst v50  }
0x24d: {  	v54 =	vor.u32 v27, v39;
	[tilespmem:s0+$0x3060] =	vst v46;
	v44 =	vld.idx.msk [tilespmem:v63+s15+$0x0], $0xffff  }
0x24e: {  	v43 =	vld.idx.msk [tilespmem:v43+s15+$0x0], $0xffff;
	[tilespmem:s30+$0x3030] =	vst v45;
	v56 =	vor.u32 v27, v37  }
0x24f: {  	v34 =	vor.u32 v31, v34;
	v35 =	vld.idx.msk [tilespmem:v35+s15+$0x0], $0xffff;
	[tilespmem:s8+$0x3020] =	vst v40  }
0x250: {  	v58 =	vor.u32 v28, v32;
	v59 =	vld.idx.msk [tilespmem:v53+s15+$0x0], $0xffff;
	[tilespmem:s2+$0x3020] =	vst v55  }
0x251: {  	v60 =	vor.u32 v28, v38;
	[tilespmem:s6+$0x3020] =	vst v47;
	v63 =	vld.idx.msk [tilespmem:v57+s15+$0x0], $0xffff  }
0x252: {  	v52 =	vor.u32 v28, v36;
	v41 =	vld.idx.msk [tilespmem:v54+s15+$0x0], $0xffff;
	[tilespmem:s4+$0x1020] =	vst v44  }
0x253: {  	[tilespmem:s29+$0x1040] =	vst v43;
	v61 =	vor.u32 v28, v39;
	v46 =	vld.idx.msk [tilespmem:v56+s15+$0x0], $0xffff  }
0x254: {  	v34 =	vld.idx.msk [tilespmem:v34+s15+$0x0], $0xffff;
	[tilespmem:s0+$0x3070] =	vst v35;
	v62 =	vor.u32 v28, v37  }
0x255: {  	v40 =	vld.idx.msk [tilespmem:v58+s15+$0x0], $0xffff;
	v53 =	vor.u32 v29, v33;
	[tilespmem:s8+$0x3030] =	vst v59  }
0x256: {  	v54 =	vor.u32 v29, v32;
	v55 =	vld.idx.msk [tilespmem:v60+s15+$0x0], $0xffff;
	[tilespmem:s2+$0x3030] =	vst v63  }
0x257: {  	v56 =	vor.u32 v29, v38;
	[tilespmem:s6+$0x3030] =	vst v41;
	v35 =	vld.idx.msk [tilespmem:v52+s15+$0x0], $0xffff  }
0x258: {  	v60 =	vor.u32 v29, v36;
	v44 =	vld.idx.msk [tilespmem:v61+s15+$0x0], $0xffff;
	[tilespmem:s4+$0x1030] =	vst v46  }
0x259: {  	[tilespmem:s31+$0x3070] =	vst v34;
	v57 =	vor.u32 v29, v39;
	v42 =	vld.idx.msk [tilespmem:v62+s15+$0x0], $0xffff  }
0x25a: {  	v58 =	vor.u32 v29, v37;
	[tilespmem:s30+$0x3040] =	vst v40;
	v59 =	vld.idx.msk [tilespmem:v53+s15+$0x0], $0xffff  }
0x25b: {  	v47 =	vld.idx.msk [tilespmem:v54+s15+$0x0], $0xffff;
	v61 =	vor.u32 v30, v33;
	[tilespmem:s8+$0x3040] =	vst v55  }
0x25c: {  	v62 =	vor.u32 v30, v32;
	v63 =	vld.idx.msk [tilespmem:v56+s15+$0x0], $0xffff;
	[tilespmem:s2+$0x3040] =	vst v35  }
0x25d: {  	v52 =	vor.u32 v30, v38;
	[tilespmem:s6+$0x3040] =	vst v44;
	v40 =	vld.idx.msk [tilespmem:v60+s15+$0x0], $0xffff  }
0x25e: {  	v55 =	vor.u32 v30, v36;
	v46 =	vld.idx.msk [tilespmem:v57+s15+$0x0], $0xffff;
	[tilespmem:s4+$0x1040] =	vst v42  }
0x25f: {  	v53 =	vor.u32 v30, v39;
	[tilespmem:s29+$0x1050] =	vst v59;
	v34 =	vld.idx.msk [tilespmem:v58+s15+$0x0], $0xffff  }
0x260: {  	v54 =	vor.u32 v30, v37;
	[tilespmem:s30+$0x3050] =	vst v47;
	v43 =	vld.idx.msk [tilespmem:v61+s15+$0x0], $0xffff  }
0x261: {  	v56 =	vor.u32 v31, v33;
	v41 =	vld.idx.msk [tilespmem:v62+s15+$0x0], $0xffff;
	[tilespmem:s8+$0x3050] =	vst v63  }
0x262: {  	v57 =	vor.u32 v31, v32;
	v44 =	vld.idx.msk [tilespmem:v52+s15+$0x0], $0xffff;
	[tilespmem:s2+$0x3050] =	vst v40  }
0x263: {  	v58 =	vor.u32 v31, v38;
	[tilespmem:s6+$0x3050] =	vst v46;
	v61 =	vld.idx.msk [tilespmem:v55+s15+$0x0], $0xffff  }
0x264: {  	v62 =	vor.u32 v31, v36;
	v42 =	vld.idx.msk [tilespmem:v53+s15+$0x0], $0xffff;
	[tilespmem:s4+$0x1050] =	vst v34  }
0x265: {  	v59 =	vor.u32 v31, v39;
	[tilespmem:s29+$0x1060] =	vst v43;
	v35 =	vld.idx.msk [tilespmem:v54+s15+$0x0], $0xffff  }
0x266: {  	v60 =	vor.u32 v31, v37;
	v33 =	vld.idx.msk [tilespmem:v56+s15+$0x0], $0xffff;
	[tilespmem:s30+$0x3060] =	vst v41  }
0x267: {  	v32 =	vld.idx.msk [tilespmem:v57+s15+$0x0], $0xffff;
	[tilespmem:s8+$0x3060] =	vst v44  }
0x268: {  	v38 =	vld.idx.msk [tilespmem:v58+s15+$0x0], $0xffff;
	[tilespmem:s2+$0x3060] =	vst v61  }
0x269: {  	[tilespmem:s6+$0x3060] =	vst v42;
	v63 =	vld.idx.msk [tilespmem:v62+s15+$0x0], $0xffff  }
0x26a: {  	v34 =	vld.idx.msk [tilespmem:v59+s15+$0x0], $0xffff;
	[tilespmem:s4+$0x1060] =	vst v35  }
0x26b: {  	[tilespmem:s29+$0x1070] =	vst v33;
	v35 =	vld.idx.msk [tilespmem:v60+s15+$0x0], $0xffff  }
0x26c: {  	p1 =	sne.s32 s26, $0x18;
	[tilespmem:s30+$0x3070] =	vst v32  }
.Ltmp1:
0x26d: {  	s31 =	sshll.u32 s26, $0x14;
	[tilespmem:s8+$0x3070] =	vst v38;
	(pc) =	sbr.rel @p1 .LBB2_6-.Ltmp1, $4  }
0x26e: {  	s0 =	sor.u32 s7, s31;
	[tilespmem:s2+$0x3070] =	vst v63  }
0x26f: {  	s0 =	sshrl.u32 s0, $0x3;
	[tilespmem:s6+$0x3070] =	vst v34  }
0x270: {  	s0 =	sadd.s32 s1, s0;
	[tilespmem:s4+$0x1070] =	vst v35  }
0x271: {  	[hbm4b:s0+s19] =	stream.strided.scatter [tilespmem:s21], [sflag:$0x3], $0x4000, s20, s19, $0x38;
	[tilespmem:$0x16840] =	vst v63  }
.Ltmp2:
0x272: {  	(pc) =	sbr.rel .LBB2_7-.Ltmp2, $4  }
0x273: {  	_ = 	snop  }
0x274: {  	_ =	swait.ge [sflag:s18], $0x4000  }
0x275: {  	[sflag:s18] =	ssyncset.done $0x0  }
0x276: {  	[sflag:s18] =	ssyncadd.s32 $0xFFFFC000  }
.LBB2_6:
0x277: {  	s0 =	sshll.u32 s26, $0xA  }
0x278: {  	v32 =	vld [tilespmem:$0x6400];
	s0 =	sand.u32 $0x3FFFFC00, s0  }
0x279: {  	v33 =	vld [tilespmem:s0+$0x400];
	_ =	sdelay $0x4  }
0x27a: {  	v33 =	vadd.s32 v32, v33  }
0x27b: {  	[tilespmem:$0x6440] =	vst v33  }
0x27c: {  	v33 =	vld [tilespmem:s0+$0x410];
	_ =	sdelay $0x4  }
0x27d: {  	v33 =	vadd.s32 v32, v33  }
0x27e: {  	[tilespmem:$0x6450] =	vst v33  }
0x27f: {  	v33 =	vld [tilespmem:s0+$0x420];
	_ =	sdelay $0x4  }
0x280: {  	v33 =	vadd.s32 v32, v33  }
0x281: {  	[tilespmem:$0x6460] =	vst v33  }
0x282: {  	v33 =	vld [tilespmem:s0+$0x430];
	_ =	sdelay $0x4  }
0x283: {  	v33 =	vadd.s32 v32, v33  }
0x284: {  	[tilespmem:$0x6470] =	vst v33  }
0x285: {  	v33 =	vld [tilespmem:s0+$0x440];
	_ =	sdelay $0x4  }
0x286: {  	v33 =	vadd.s32 v32, v33  }
0x287: {  	[tilespmem:$0x6480] =	vst v33  }
0x288: {  	v33 =	vld [tilespmem:s0+$0x450];
	_ =	sdelay $0x4  }
0x289: {  	v33 =	vadd.s32 v32, v33  }
0x28a: {  	[tilespmem:$0x6490] =	vst v33  }
0x28b: {  	v33 =	vld [tilespmem:s0+$0x460];
	_ =	sdelay $0x4  }
0x28c: {  	v33 =	vadd.s32 v32, v33  }
0x28d: {  	[tilespmem:$0x64A0] =	vst v33  }
0x28e: {  	v33 =	vld [tilespmem:s0+$0x470];
	_ =	sdelay $0x4  }
0x28f: {  	v32 =	vadd.s32 v32, v33  }
0x290: {  	v58 =	vld [tilespmem:$0x6410];
	[tilespmem:$0x64B0] =	vst v32  }
0x291: {  	v59 =	vld [tilespmem:s0+$0x480];
	_ =	sdelay $0x4  }
0x292: {  	v33 =	vadd.s32 v58, v59  }
0x293: {  	[tilespmem:$0x64C0] =	vst v33  }
0x294: {  	v33 =	vld [tilespmem:s0+$0x490];
	_ =	sdelay $0x4  }
0x295: {  	v33 =	vadd.s32 v58, v33  }
0x296: {  	[tilespmem:$0x64D0] =	vst v33  }
0x297: {  	v33 =	vld [tilespmem:s0+$0x4A0];
	_ =	sdelay $0x4  }
0x298: {  	v33 =	vadd.s32 v58, v33  }
0x299: {  	[tilespmem:$0x64E0] =	vst v33  }
0x29a: {  	v33 =	vld [tilespmem:s0+$0x4B0];
	_ =	sdelay $0x4  }
0x29b: {  	v33 =	vadd.s32 v58, v33  }
0x29c: {  	[tilespmem:$0x64F0] =	vst v33  }
0x29d: {  	v33 =	vld [tilespmem:s0+$0x4C0];
	_ =	sdelay $0x4  }
0x29e: {  	v33 =	vadd.s32 v58, v33  }
0x29f: {  	[tilespmem:$0x6500] =	vst v33  }
0x2a0: {  	v33 =	vld [tilespmem:s0+$0x4D0];
	_ =	sdelay $0x4  }
0x2a1: {  	v33 =	vadd.s32 v58, v33  }
0x2a2: {  	[tilespmem:$0x6510] =	vst v33  }
0x2a3: {  	v33 =	vld [tilespmem:s0+$0x4E0];
	_ =	sdelay $0x4  }
0x2a4: {  	v33 =	vadd.s32 v58, v33  }
0x2a5: {  	[tilespmem:$0x6520] =	vst v33  }
0x2a6: {  	v33 =	vld [tilespmem:s0+$0x4F0];
	_ =	sdelay $0x4  }
0x2a7: {  	v32 =	vadd.s32 v58, v33  }
0x2a8: {  	v60 =	vld [tilespmem:$0x6420];
	[tilespmem:$0x6530] =	vst v32  }
0x2a9: {  	v61 =	vld [tilespmem:s0+$0x500];
	_ =	sdelay $0x4  }
0x2aa: {  	v33 =	vadd.s32 v60, v61  }
0x2ab: {  	[tilespmem:$0x6540] =	vst v33  }
0x2ac: {  	v33 =	vld [tilespmem:s0+$0x510];
	_ =	sdelay $0x4  }
0x2ad: {  	v33 =	vadd.s32 v60, v33  }
0x2ae: {  	[tilespmem:$0x6550] =	vst v33  }
0x2af: {  	v33 =	vld [tilespmem:s0+$0x520];
	_ =	sdelay $0x4  }
0x2b0: {  	v33 =	vadd.s32 v60, v33  }
0x2b1: {  	[tilespmem:$0x6560] =	vst v33  }
0x2b2: {  	v33 =	vld [tilespmem:s0+$0x530];
	_ =	sdelay $0x4  }
0x2b3: {  	v33 =	vadd.s32 v60, v33  }
0x2b4: {  	[tilespmem:$0x6570] =	vst v33  }
0x2b5: {  	v33 =	vld [tilespmem:s0+$0x540];
	_ =	sdelay $0x4  }
0x2b6: {  	v33 =	vadd.s32 v60, v33  }
0x2b7: {  	[tilespmem:$0x6580] =	vst v33  }
0x2b8: {  	v33 =	vld [tilespmem:s0+$0x550];
	_ =	sdelay $0x4  }
0x2b9: {  	v33 =	vadd.s32 v60, v33  }
0x2ba: {  	[tilespmem:$0x6590] =	vst v33  }
0x2bb: {  	v33 =	vld [tilespmem:s0+$0x560];
	_ =	sdelay $0x4  }
0x2bc: {  	v33 =	vadd.s32 v60, v33  }
0x2bd: {  	[tilespmem:$0x65A0] =	vst v33  }
0x2be: {  	v33 =	vld [tilespmem:s0+$0x570];
	_ =	sdelay $0x4  }
0x2bf: {  	v32 =	vadd.s32 v60, v33  }
0x2c0: {  	v62 =	vld [tilespmem:$0x6430];
	[tilespmem:$0x65B0] =	vst v32  }
0x2c1: {  	v63 =	vld [tilespmem:s0+$0x580];
	_ =	sdelay $0x4  }
0x2c2: {  	v33 =	vadd.s32 v62, v63  }
0x2c3: {  	[tilespmem:$0x65C0] =	vst v33  }
0x2c4: {  	v33 =	vld [tilespmem:s0+$0x590];
	_ =	sdelay $0x4  }
0x2c5: {  	v33 =	vadd.s32 v62, v33  }
0x2c6: {  	[tilespmem:$0x65D0] =	vst v33  }
0x2c7: {  	v33 =	vld [tilespmem:s0+$0x5A0];
	_ =	sdelay $0x4  }
0x2c8: {  	v33 =	vadd.s32 v62, v33  }
0x2c9: {  	[tilespmem:$0x65E0] =	vst v33  }
0x2ca: {  	v33 =	vld [tilespmem:s0+$0x5B0];
	_ =	sdelay $0x4  }
0x2cb: {  	v33 =	vadd.s32 v62, v33  }
0x2cc: {  	[tilespmem:$0x65F0] =	vst v33  }
0x2cd: {  	v33 =	vld [tilespmem:s0+$0x5C0];
	_ =	sdelay $0x4  }
0x2ce: {  	v33 =	vadd.s32 v62, v33  }
0x2cf: {  	[tilespmem:$0x6600] =	vst v33  }
0x2d0: {  	v33 =	vld [tilespmem:s0+$0x5D0];
	_ =	sdelay $0x4  }
0x2d1: {  	v33 =	vadd.s32 v62, v33  }
0x2d2: {  	[tilespmem:$0x6610] =	vst v33  }
0x2d3: {  	v33 =	vld [tilespmem:s0+$0x5E0];
	_ =	sdelay $0x4  }
0x2d4: {  	v33 =	vadd.s32 v62, v33  }
0x2d5: {  	[tilespmem:$0x6620] =	vst v33  }
0x2d6: {  	v33 =	vld [tilespmem:s0+$0x5F0];
	_ =	sdelay $0x4  }
0x2d7: {  	v32 =	vadd.s32 v62, v33  }
.Ltmp3:
0x2d8: {  	[tilespmem:$0x6630] =	vst v32;
	(pc) =	sbr.rel @p0 .LBB2_8-.Ltmp3, $4  }
0x2d9: {  	[tilespmem:s15], [sflag:$0x2] =	stream.indirect.gather [hbm4b:s5+s11], $0x20, s14, s11, $0xb8;
	[tilespmem:$0x16840] =	vst v63  }
0x2da: {  	_ =	swait.ge [sflag:s18], $0x4000  }
0x2db: {  	[sflag:s18] =	ssyncset.done $0x0  }
0x2dc: {  	[sflag:s18] =	ssyncadd.s32 $0xFFFFC000  }
.LBB2_7:
0x2dd: {  	_ =	swait.ge [sflag:s22], $0x4000  }
0x2de: {  	[sflag:s22] =	ssyncset.done $0x0  }
0x2df: {  	[sflag:s22] =	ssyncadd.s32 $0xFFFFC000  }
.LBB2_8:
0x2e0: {  	s0 =	simm.s32 $0x2  }
0x2e1: {  	s3 =	simm.s32 $0x3;
	v32 =	vmov s0  }
0x2e2: {  	s25 =	simm.s32 $0x0;
	v35 =	vmov s3;
	v32 =	vand.u32 $0x1E, v32  }
0x2e3: {  	v54 =	vmov s25;
	v35 =	vand.u32 $0x1F, v35;
	v37 =	vbroadcast v32, $0x0  }
0x2e4: {  	s2 =	simm.s32 $0x1;
	v32 =	vand.u32 $0x1C, v54;
	v38 =	vbroadcast v35, $0x0  }
0x2e5: {  	v33 =	vmov s2;
	v39 =	vbroadcast v32, $0x0;
	v34 =	vor.u32 v0, v37  }
0x2e6: {  	v33 =	vand.u32 $0x1D, v33;
	v40 =	vor.u32 v0, v38  }
0x2e7: {  	v32 =	vbroadcast v33, $0x0;
	v55 =	vor.u32 v0, v39;
	_ =	sdelay $0x1  }
0x2e8: {  	v36 =	vor.u32 v0, v32  }
0x2e9: {  	v34 =	vld.idx.msk [tilespmem:v34+s17+$0x0], $0xffff  }
0x2ea: {  	v56 =	vor.u32 v1, v37;
	v40 =	vld.idx.msk [tilespmem:v40+s17+$0x0], $0xffff  }
0x2eb: {  	s4 =	simm.s32 $0x0;
	s6 =	simm.s32 $0x180;
	s2 =	simm.s32 $0x100;
	v58 =	vor.u32 v1, v38;
	v33 =	vld.idx.msk [tilespmem:v55+s17+$0x0], $0xffff  }
0x2ec: {  	s0 =	sand.u32 $0xC00, s4;
	s3 =	simm.s32 $0x80;
	s2 =	sand.u32 $0x300, s2;
	v41 =	vor.u32 v1, v39  }
0x2ed: {  	s6 =	sand.u32 $0x380, s6;
	s3 =	sand.u32 $0x280, s3;
	s2 =	sor.u32 s0, s2;
	v36 =	vld.idx.msk [tilespmem:v36+s17+$0x0], $0xffff  }
0x2ee: {  	s3 =	sor.u32 s0, s3;
	s0 =	sor.u32 s0, s6;
	v42 =	vor.u32 v1, v32;
	[tilespmem:s2+$0x12840] =	vst v34  }
0x2ef: {  	s4 =	simm.s32 $0x14840;
	[tilespmem:s0+$0x12840] =	vst v40;
	v34 =	vld.idx.msk [tilespmem:v56+s17+$0x0], $0xffff  }
0x2f0: {  	v57 =	vor.u32 v2, v37;
	[tilespmem:s4+$0xFFFFE000] =	vst v33;
	v33 =	vld.idx.msk [tilespmem:v58+s17+$0x0], $0xffff  }
0x2f1: {  	v63 =	vor.u32 v2, v38;
	v59 =	vld.idx.msk [tilespmem:v41+s17+$0x0], $0xffff  }
0x2f2: {  	v61 =	vor.u32 v2, v39;
	[tilespmem:s3+$0x12840] =	vst v36  }
0x2f3: {  	s29 =	sadd.s32 $0x12840, s2;
	v60 =	vld.idx.msk [tilespmem:v42+s17+$0x0], $0xffff  }
0x2f4: {  	s30 =	sadd.s32 $0x12840, s3;
	v43 =	vor.u32 v2, v32;
	s3 =	sadd.s32 $0x12840, s0;
	[tilespmem:s29+$0x10] =	vst v34  }
0x2f5: {  	[tilespmem:s3+$0x10] =	vst v33;
	v34 =	vld.idx.msk [tilespmem:v57+s17+$0x0], $0xffff  }
0x2f6: {  	v62 =	vor.u32 v3, v37;
	[tilespmem:s4+$0xFFFFE010] =	vst v59;
	v49 =	vld.idx.msk [tilespmem:v63+s17+$0x0], $0xffff  }
0x2f7: {  	v50 =	vor.u32 v3, v38;
	v45 =	vld.idx.msk [tilespmem:v61+s17+$0x0], $0xffff  }
0x2f8: {  	v46 =	vor.u32 v3, v39;
	[tilespmem:s30+$0x10] =	vst v60  }
0x2f9: {  	v41 =	vld.idx.msk [tilespmem:v43+s17+$0x0], $0xffff  }
0x2fa: {  	v47 =	vor.u32 v3, v32;
	[tilespmem:s29+$0x20] =	vst v34  }
0x2fb: {  	[tilespmem:s3+$0x20] =	vst v49;
	v34 =	vld.idx.msk [tilespmem:v62+s17+$0x0], $0xffff  }
0x2fc: {  	v48 =	vor.u32 v4, v37;
	[tilespmem:s4+$0xFFFFE020] =	vst v45;
	v35 =	vld.idx.msk [tilespmem:v50+s17+$0x0], $0xffff  }
0x2fd: {  	v54 =	vor.u32 v4, v38;
	v40 =	vld.idx.msk [tilespmem:v46+s17+$0x0], $0xffff  }
0x2fe: {  	v51 =	vor.u32 v4, v39;
	[tilespmem:s30+$0x20] =	vst v41  }
0x2ff: {  	v41 =	vld.idx.msk [tilespmem:v47+s17+$0x0], $0xffff  }
0x300: {  	v52 =	vor.u32 v4, v32;
	[tilespmem:s29+$0x30] =	vst v34  }
0x301: {  	[tilespmem:s3+$0x30] =	vst v35;
	v33 =	vld.idx.msk [tilespmem:v48+s17+$0x0], $0xffff  }
0x302: {  	v53 =	vor.u32 v5, v37;
	[tilespmem:s4+$0xFFFFE030] =	vst v40;
	v35 =	vld.idx.msk [tilespmem:v54+s17+$0x0], $0xffff  }
0x303: {  	v58 =	vor.u32 v5, v38;
	v40 =	vld.idx.msk [tilespmem:v51+s17+$0x0], $0xffff  }
0x304: {  	v55 =	vor.u32 v5, v39;
	[tilespmem:s30+$0x30] =	vst v41  }
0x305: {  	v41 =	vld.idx.msk [tilespmem:v52+s17+$0x0], $0xffff  }
0x306: {  	v56 =	vor.u32 v5, v32;
	[tilespmem:s29+$0x40] =	vst v33  }
0x307: {  	[tilespmem:s3+$0x40] =	vst v35;
	v33 =	vld.idx.msk [tilespmem:v53+s17+$0x0], $0xffff  }
0x308: {  	v57 =	vor.u32 v6, v37;
	[tilespmem:s4+$0xFFFFE040] =	vst v40;
	v35 =	vld.idx.msk [tilespmem:v58+s17+$0x0], $0xffff  }
0x309: {  	v62 =	vor.u32 v6, v38;
	v40 =	vld.idx.msk [tilespmem:v55+s17+$0x0], $0xffff  }
0x30a: {  	v59 =	vor.u32 v6, v39;
	[tilespmem:s30+$0x40] =	vst v41  }
0x30b: {  	v41 =	vld.idx.msk [tilespmem:v56+s17+$0x0], $0xffff  }
0x30c: {  	v60 =	vor.u32 v6, v32;
	[tilespmem:s29+$0x50] =	vst v33  }
0x30d: {  	[tilespmem:s3+$0x50] =	vst v35;
	v33 =	vld.idx.msk [tilespmem:v57+s17+$0x0], $0xffff  }
0x30e: {  	v61 =	vor.u32 v7, v37;
	[tilespmem:s4+$0xFFFFE050] =	vst v40;
	v35 =	vld.idx.msk [tilespmem:v62+s17+$0x0], $0xffff  }
0x30f: {  	v47 =	vor.u32 v7, v38;
	v40 =	vld.idx.msk [tilespmem:v59+s17+$0x0], $0xffff  }
0x310: {  	v63 =	vor.u32 v7, v39;
	[tilespmem:s30+$0x50] =	vst v41  }
0x311: {  	v41 =	vld.idx.msk [tilespmem:v60+s17+$0x0], $0xffff  }
0x312: {  	v45 =	vor.u32 v7, v32;
	[tilespmem:s29+$0x60] =	vst v33  }
0x313: {  	[tilespmem:s3+$0x60] =	vst v35;
	v33 =	vld.idx.msk [tilespmem:v61+s17+$0x0], $0xffff  }
0x314: {  	v46 =	vor.u32 v8, v37;
	[tilespmem:s4+$0xFFFFE060] =	vst v40;
	v35 =	vld.idx.msk [tilespmem:v47+s17+$0x0], $0xffff  }
0x315: {  	v51 =	vor.u32 v8, v38;
	v40 =	vld.idx.msk [tilespmem:v63+s17+$0x0], $0xffff  }
0x316: {  	v48 =	vor.u32 v8, v39;
	[tilespmem:s30+$0x60] =	vst v41  }
0x317: {  	v41 =	vld.idx.msk [tilespmem:v45+s17+$0x0], $0xffff  }
0x318: {  	v49 =	vor.u32 v8, v32;
	[tilespmem:s29+$0x70] =	vst v33  }
0x319: {  	[tilespmem:s3+$0x70] =	vst v35;
	v33 =	vld.idx.msk [tilespmem:v46+s17+$0x0], $0xffff  }
0x31a: {  	v50 =	vor.u32 v9, v37;
	[tilespmem:s4+$0xFFFFE070] =	vst v40;
	v35 =	vld.idx.msk [tilespmem:v51+s17+$0x0], $0xffff  }
0x31b: {  	v55 =	vor.u32 v9, v38;
	v40 =	vld.idx.msk [tilespmem:v48+s17+$0x0], $0xffff  }
0x31c: {  	v52 =	vor.u32 v9, v39;
	[tilespmem:s30+$0x70] =	vst v41  }
0x31d: {  	v41 =	vld.idx.msk [tilespmem:v49+s17+$0x0], $0xffff  }
0x31e: {  	v53 =	vor.u32 v9, v32;
	[tilespmem:s29+$0x1000] =	vst v33  }
0x31f: {  	[tilespmem:s3+$0x1000] =	vst v35;
	v33 =	vld.idx.msk [tilespmem:v50+s17+$0x0], $0xffff  }
0x320: {  	v54 =	vor.u32 v10, v37;
	[tilespmem:s4+$0xFFFFF000] =	vst v40;
	v35 =	vld.idx.msk [tilespmem:v55+s17+$0x0], $0xffff  }
0x321: {  	v59 =	vor.u32 v10, v38;
	v40 =	vld.idx.msk [tilespmem:v52+s17+$0x0], $0xffff  }
0x322: {  	v56 =	vor.u32 v10, v39;
	[tilespmem:s30+$0x1000] =	vst v41  }
0x323: {  	v41 =	vld.idx.msk [tilespmem:v53+s17+$0x0], $0xffff  }
0x324: {  	v57 =	vor.u32 v10, v32;
	[tilespmem:s29+$0x1010] =	vst v33  }
0x325: {  	[tilespmem:s3+$0x1010] =	vst v35;
	v33 =	vld.idx.msk [tilespmem:v54+s17+$0x0], $0xffff  }
0x326: {  	v58 =	vor.u32 v11, v37;
	[tilespmem:s4+$0xFFFFF010] =	vst v40;
	v35 =	vld.idx.msk [tilespmem:v59+s17+$0x0], $0xffff  }
0x327: {  	v63 =	vor.u32 v11, v38;
	v40 =	vld.idx.msk [tilespmem:v56+s17+$0x0], $0xffff  }
0x328: {  	v60 =	vor.u32 v11, v39;
	[tilespmem:s30+$0x1010] =	vst v41  }
0x329: {  	v41 =	vld.idx.msk [tilespmem:v57+s17+$0x0], $0xffff  }
0x32a: {  	v61 =	vor.u32 v11, v32;
	[tilespmem:s29+$0x1020] =	vst v33  }
0x32b: {  	[tilespmem:s3+$0x1020] =	vst v35;
	v33 =	vld.idx.msk [tilespmem:v58+s17+$0x0], $0xffff  }
0x32c: {  	v62 =	vor.u32 v12, v37;
	[tilespmem:s4+$0xFFFFF020] =	vst v40;
	v35 =	vld.idx.msk [tilespmem:v63+s17+$0x0], $0xffff  }
0x32d: {  	v48 =	vor.u32 v12, v38;
	v40 =	vld.idx.msk [tilespmem:v60+s17+$0x0], $0xffff  }
0x32e: {  	v45 =	vor.u32 v12, v39;
	[tilespmem:s30+$0x1020] =	vst v41  }
0x32f: {  	v41 =	vld.idx.msk [tilespmem:v61+s17+$0x0], $0xffff  }
0x330: {  	v46 =	vor.u32 v12, v32;
	[tilespmem:s29+$0x1030] =	vst v33  }
0x331: {  	[tilespmem:s3+$0x1030] =	vst v35;
	v33 =	vld.idx.msk [tilespmem:v62+s17+$0x0], $0xffff  }
0x332: {  	v47 =	vor.u32 v13, v37;
	[tilespmem:s4+$0xFFFFF030] =	vst v40;
	v35 =	vld.idx.msk [tilespmem:v48+s17+$0x0], $0xffff  }
0x333: {  	v52 =	vor.u32 v13, v38;
	v40 =	vld.idx.msk [tilespmem:v45+s17+$0x0], $0xffff  }
0x334: {  	v49 =	vor.u32 v13, v39;
	[tilespmem:s30+$0x1030] =	vst v41  }
0x335: {  	v41 =	vld.idx.msk [tilespmem:v46+s17+$0x0], $0xffff  }
0x336: {  	v50 =	vor.u32 v13, v32;
	[tilespmem:s29+$0x1040] =	vst v33  }
0x337: {  	[tilespmem:s3+$0x1040] =	vst v35;
	v33 =	vld.idx.msk [tilespmem:v47+s17+$0x0], $0xffff  }
0x338: {  	v51 =	vor.u32 v14, v37;
	[tilespmem:s4+$0xFFFFF040] =	vst v40;
	v35 =	vld.idx.msk [tilespmem:v52+s17+$0x0], $0xffff  }
0x339: {  	v56 =	vor.u32 v14, v38;
	v40 =	vld.idx.msk [tilespmem:v49+s17+$0x0], $0xffff  }
0x33a: {  	v53 =	vor.u32 v14, v39;
	[tilespmem:s30+$0x1040] =	vst v41  }
0x33b: {  	v41 =	vld.idx.msk [tilespmem:v50+s17+$0x0], $0xffff  }
0x33c: {  	v54 =	vor.u32 v14, v32;
	[tilespmem:s29+$0x1050] =	vst v33  }
0x33d: {  	[tilespmem:s3+$0x1050] =	vst v35;
	v33 =	vld.idx.msk [tilespmem:v51+s17+$0x0], $0xffff  }
0x33e: {  	v55 =	vor.u32 v15, v37;
	[tilespmem:s4+$0xFFFFF050] =	vst v40;
	v35 =	vld.idx.msk [tilespmem:v56+s17+$0x0], $0xffff  }
0x33f: {  	v60 =	vor.u32 v15, v38;
	v40 =	vld.idx.msk [tilespmem:v53+s17+$0x0], $0xffff  }
0x340: {  	v57 =	vor.u32 v15, v39;
	[tilespmem:s30+$0x1050] =	vst v41  }
0x341: {  	v41 =	vld.idx.msk [tilespmem:v54+s17+$0x0], $0xffff  }
0x342: {  	v58 =	vor.u32 v15, v32;
	[tilespmem:s29+$0x1060] =	vst v33  }
0x343: {  	[tilespmem:s3+$0x1060] =	vst v35;
	v33 =	vld.idx.msk [tilespmem:v55+s17+$0x0], $0xffff  }
0x344: {  	s10 =	simm.s32 $0x7;
	v59 =	vor.u32 v16, v37;
	[tilespmem:s4+$0xFFFFF060] =	vst v40;
	v36 =	vld.idx.msk [tilespmem:v60+s17+$0x0], $0xffff  }
0x345: {  	v48 =	vor.u32 v16, v38;
	v52 =	vmov s10;
	v40 =	vld.idx.msk [tilespmem:v57+s17+$0x0], $0xffff  }
0x346: {  	v61 =	vor.u32 v16, v39;
	v53 =	vand.u32 $0x1F, v52;
	[tilespmem:s30+$0x1060] =	vst v41  }
0x347: {  	v35 =	vbroadcast v53, $0x0;
	v41 =	vld.idx.msk [tilespmem:v58+s17+$0x0], $0xffff  }
0x348: {  	s8 =	simm.s32 $0x5;
	v62 =	vor.u32 v16, v32;
	[tilespmem:s29+$0x1070] =	vst v33  }
0x349: {  	v47 =	vmov s8;
	v58 =	vor.u32 v0, v35;
	[tilespmem:s3+$0x1070] =	vst v36;
	v34 =	vld.idx.msk [tilespmem:v59+s17+$0x0], $0xffff  }
0x34a: {  	s12 =	simm.s32 $0x4;
	v63 =	vor.u32 v17, v37;
	v33 =	vand.u32 $0x1D, v47;
	[tilespmem:s4+$0xFFFFF070] =	vst v40;
	v40 =	vld.idx.msk [tilespmem:v48+s17+$0x0], $0xffff  }
0x34b: {  	v55 =	vmov s12;
	v60 =	vor.u32 v17, v38;
	v33 =	vbroadcast v33, $0x0;
	v49 =	vld.idx.msk [tilespmem:v61+s17+$0x0], $0xffff  }
0x34c: {  	s9 =	simm.s32 $0x6;
	v51 =	vor.u32 v17, v39;
	v36 =	vand.u32 $0x1C, v55;
	[tilespmem:s30+$0x1070] =	vst v41  }
0x34d: {  	v44 =	vmov s9;
	v36 =	vbroadcast v36, $0x0;
	v50 =	vld.idx.msk [tilespmem:v62+s17+$0x0], $0xffff;
	v54 =	vor.u32 v0, v33  }
0x34e: {  	v44 =	vand.u32 $0x1E, v44;
	v45 =	vor.u32 v17, v32;
	v43 =	vld.idx.msk [tilespmem:v58+s17+$0x0], $0xffff;
	[tilespmem:s29+$0x2000] =	vst v34  }
0x34f: {  	v59 =	vor.u32 v0, v36;
	v34 =	vbroadcast v44, $0x0;
	[tilespmem:s3+$0x2000] =	vst v40;
	v46 =	vld.idx.msk [tilespmem:v63+s17+$0x0], $0xffff  }
0x350: {  	v47 =	vor.u32 v18, v37;
	[tilespmem:s4+$0x0] =	vst v49;
	v40 =	vld.idx.msk [tilespmem:v60+s17+$0x0], $0xffff  }
0x351: {  	v56 =	vor.u32 v0, v34;
	v57 =	vld.idx.msk [tilespmem:v51+s17+$0x0], $0xffff  }
0x352: {  	s13 =	simm.s32 $0x200;
	s9 =	simm.s32 $0x380;
	v48 =	vor.u32 v18, v39;
	[tilespmem:s30+$0x2000] =	vst v50;
	v44 =	vld.idx.msk [tilespmem:v54+s17+$0x0], $0xffff  }
0x353: {  	s0 =	sand.u32 $0xC00, s13;
	s8 =	sand.u32 $0x380, s9;
	v49 =	vor.u32 v1, v33;
	v45 =	vld.idx.msk [tilespmem:v45+s17+$0x0], $0xffff  }
0x354: {  	s24 =	simm.s32 $0x280;
	s8 =	sor.u32 s0, s8;
	v63 =	vor.u32 v1, v35;
	[tilespmem:s29+$0x2010] =	vst v46;
	v46 =	vld.idx.msk [tilespmem:v59+s17+$0x0], $0xffff  }
0x355: {  	s2 =	sand.u32 $0x280, s24;
	[tilespmem:s8+$0x12840] =	vst v43;
	v59 =	vor.u32 v18, v32;
	v47 =	vld.idx.msk [tilespmem:v47+s17+$0x0], $0xffff  }
0x356: {  	s2 =	sor.u32 s0, s2;
	v52 =	vor.u32 v1, v36;
	v41 =	vld.idx.msk [tilespmem:v56+s17+$0x0], $0xffff;
	[tilespmem:s4+$0x10] =	vst v57  }
0x357: {  	v61 =	vor.u32 v1, v34;
	[tilespmem:s2+$0x12840] =	vst v44;
	v62 =	vld.idx.msk [tilespmem:v48+s17+$0x0], $0xffff  }
0x358: {  	s25 =	simm.s32 $0x300;
	v50 =	vor.u32 v19, v37;
	[tilespmem:s3+$0x2010] =	vst v40;
	v44 =	vld.idx.msk [tilespmem:v49+s17+$0x0], $0xffff  }
0x359: {  	s6 =	sand.u32 $0x300, s25;
	s12 =	simm.s32 $0x14A40;
	v54 =	vor.u32 v18, v38;
	[tilespmem:s30+$0x2010] =	vst v45;
	v48 =	vld.idx.msk [tilespmem:v63+s17+$0x0], $0xffff  }
0x35a: {  	s6 =	sor.u32 s0, s6;
	v57 =	vor.u32 v2, v35;
	[tilespmem:s12+$0xFFFFE000] =	vst v46;
	v40 =	vld.idx.msk [tilespmem:v59+s17+$0x0], $0xffff  }
0x35b: {  	v58 =	vor.u32 v19, v39;
	[tilespmem:s6+$0x12840] =	vst v41;
	v46 =	vld.idx.msk [tilespmem:v52+s17+$0x0], $0xffff  }
0x35c: {  	v53 =	vor.u32 v2, v33;
	[tilespmem:s29+$0x2020] =	vst v47;
	v42 =	vld.idx.msk [tilespmem:v61+s17+$0x0], $0xffff  }
0x35d: {  	s31 =	sadd.s32 $0x12840, s2;
	v60 =	vor.u32 v2, v36;
	s2 =	sadd.s32 $0x12840, s8;
	[tilespmem:s4+$0x20] =	vst v62;
	v56 =	vld.idx.msk [tilespmem:v50+s17+$0x0], $0xffff  }
0x35e: {  	v55 =	vor.u32 v2, v34;
	v61 =	vld.idx.msk [tilespmem:v54+s17+$0x0], $0xffff;
	[tilespmem:s2+$0x10] =	vst v48  }
0x35f: {  	[tilespmem:s31+$0x10] =	vst v44;
	v62 =	vor.u32 v20, v37;
	v48 =	vld.idx.msk [tilespmem:v57+s17+$0x0], $0xffff  }
0x360: {  	s0 =	sadd.s32 $0x12840, s6;
	v52 =	vor.u32 v3, v35;
	v44 =	vld.idx.msk [tilespmem:v58+s17+$0x0], $0xffff;
	[tilespmem:s12+$0xFFFFE010] =	vst v46  }
0x361: {  	v41 =	vld.idx.msk [tilespmem:v53+s17+$0x0], $0xffff;
	v53 =	vor.u32 v20, v39;
	[tilespmem:s0+$0x10] =	vst v42  }
0x362: {  	v54 =	vor.u32 v3, v33;
	[tilespmem:s29+$0x2030] =	vst v56;
	v47 =	vld.idx.msk [tilespmem:v60+s17+$0x0], $0xffff  }
0x363: {  	[tilespmem:s3+$0x2020] =	vst v61;
	v56 =	vor.u32 v3, v36;
	v45 =	vld.idx.msk [tilespmem:v55+s17+$0x0], $0xffff  }
0x364: {  	v63 =	vor.u32 v3, v34;
	v55 =	vld.idx.msk [tilespmem:v62+s17+$0x0], $0xffff;
	[tilespmem:s2+$0x20] =	vst v48  }
0x365: {  	v57 =	vor.u32 v19, v38;
	[tilespmem:s4+$0x30] =	vst v44;
	v46 =	vld.idx.msk [tilespmem:v52+s17+$0x0], $0xffff  }
0x366: {  	v59 =	vor.u32 v4, v35;
	[tilespmem:s31+$0x20] =	vst v41;
	v41 =	vld.idx.msk [tilespmem:v53+s17+$0x0], $0xffff  }
0x367: {  	v61 =	vor.u32 v21, v39;
	v60 =	vld.idx.msk [tilespmem:v54+s17+$0x0], $0xffff;
	[tilespmem:s12+$0xFFFFE020] =	vst v47  }
0x368: {  	v62 =	vor.u32 v4, v33;
	[tilespmem:s0+$0x20] =	vst v45;
	v43 =	vld.idx.msk [tilespmem:v56+s17+$0x0], $0xffff  }
0x369: {  	[tilespmem:s30+$0x2020] =	vst v40;
	v52 =	vor.u32 v4, v36;
	v45 =	vld.idx.msk [tilespmem:v63+s17+$0x0], $0xffff  }
0x36a: {  	v58 =	vor.u32 v4, v34;
	v63 =	vld.idx.msk [tilespmem:v57+s17+$0x0], $0xffff;
	[tilespmem:s2+$0x30] =	vst v46  }
0x36b: {  	v53 =	vor.u32 v20, v38;
	[tilespmem:s4+$0x40] =	vst v41;
	v54 =	vld.idx.msk [tilespmem:v59+s17+$0x0], $0xffff  }
0x36c: {  	[tilespmem:s31+$0x30] =	vst v60;
	v47 =	vld.idx.msk [tilespmem:v61+s17+$0x0], $0xffff;
	v59 =	vor.u32 v19, v32  }
0x36d: {  	v56 =	vor.u32 v5, v35;
	v57 =	vld.idx.msk [tilespmem:v62+s17+$0x0], $0xffff;
	[tilespmem:s12+$0xFFFFE030] =	vst v43  }
0x36e: {  	v60 =	vor.u32 v5, v33;
	[tilespmem:s0+$0x30] =	vst v45;
	v45 =	vld.idx.msk [tilespmem:v52+s17+$0x0], $0xffff  }
0x36f: {  	[tilespmem:s3+$0x2030] =	vst v63;
	v44 =	vld.idx.msk [tilespmem:v58+s17+$0x0], $0xffff;
	v58 =	vor.u32 v22, v39  }
0x370: {  	[tilespmem:s29+$0x2040] =	vst v55;
	v62 =	vor.u32 v5, v36;
	v61 =	vld.idx.msk [tilespmem:v53+s17+$0x0], $0xffff  }
0x371: {  	v55 =	vor.u32 v5, v34;
	[tilespmem:s2+$0x40] =	vst v54;
	v53 =	vld.idx.msk [tilespmem:v59+s17+$0x0], $0xffff  }
0x372: {  	[tilespmem:s31+$0x40] =	vst v57;
	v40 =	vld.idx.msk [tilespmem:v56+s17+$0x0], $0xffff  }
0x373: {  	v63 =	vor.u32 v21, v38;
	[tilespmem:s4+$0x50] =	vst v47;
	v42 =	vld.idx.msk [tilespmem:v60+s17+$0x0], $0xffff  }
0x374: {  	v57 =	vor.u32 v20, v32;
	[tilespmem:s12+$0xFFFFE040] =	vst v45;
	v49 =	vld.idx.msk [tilespmem:v58+s17+$0x0], $0xffff  }
0x375: {  	v54 =	vor.u32 v6, v35;
	[tilespmem:s0+$0x40] =	vst v44;
	v56 =	vld.idx.msk [tilespmem:v62+s17+$0x0], $0xffff  }
0x376: {  	[tilespmem:s3+$0x2040] =	vst v61;
	v41 =	vld.idx.msk [tilespmem:v55+s17+$0x0], $0xffff;
	v55 =	vor.u32 v23, v39  }
0x377: {  	v58 =	vor.u32 v6, v33;
	[tilespmem:s30+$0x2030] =	vst v53  }
0x378: {  	v59 =	vor.u32 v6, v36;
	v47 =	vld.idx.msk [tilespmem:v63+s17+$0x0], $0xffff;
	[tilespmem:s2+$0x50] =	vst v40  }
0x379: {  	v52 =	vor.u32 v6, v34;
	[tilespmem:s31+$0x50] =	vst v42;
	v46 =	vld.idx.msk [tilespmem:v57+s17+$0x0], $0xffff  }
0x37a: {  	v60 =	vld.idx.msk [tilespmem:v54+s17+$0x0], $0xffff;
	[tilespmem:s4+$0x60] =	vst v49  }
0x37b: {  	v61 =	vor.u32 v22, v38;
	[tilespmem:s12+$0xFFFFE050] =	vst v56;
	v45 =	vld.idx.msk [tilespmem:v55+s17+$0x0], $0xffff  }
0x37c: {  	v53 =	vor.u32 v21, v32;
	[tilespmem:s0+$0x50] =	vst v41;
	v41 =	vld.idx.msk [tilespmem:v58+s17+$0x0], $0xffff  }
0x37d: {  	v63 =	vor.u32 v7, v35;
	v40 =	vld.idx.msk [tilespmem:v59+s17+$0x0], $0xffff  }
0x37e: {  	[tilespmem:s3+$0x2050] =	vst v47;
	v48 =	vld.idx.msk [tilespmem:v52+s17+$0x0], $0xffff;
	v52 =	vor.u32 v24, v39  }
0x37f: {  	v54 =	vor.u32 v7, v33;
	[tilespmem:s30+$0x2040] =	vst v46  }
0x380: {  	v55 =	vor.u32 v7, v36;
	v50 =	vld.idx.msk [tilespmem:v61+s17+$0x0], $0xffff;
	[tilespmem:s2+$0x60] =	vst v60  }
0x381: {  	v62 =	vor.u32 v7, v34;
	v47 =	vld.idx.msk [tilespmem:v53+s17+$0x0], $0xffff;
	[tilespmem:s4+$0x70] =	vst v45  }
0x382: {  	v56 =	vor.u32 v23, v38;
	v42 =	vld.idx.msk [tilespmem:v63+s17+$0x0], $0xffff;
	[tilespmem:s31+$0x60] =	vst v41  }
0x383: {  	v61 =	vor.u32 v22, v32;
	[tilespmem:s12+$0xFFFFE060] =	vst v40;
	v44 =	vld.idx.msk [tilespmem:v52+s17+$0x0], $0xffff  }
0x384: {  	v58 =	vor.u32 v8, v35;
	[tilespmem:s0+$0x60] =	vst v48;
	v59 =	vld.idx.msk [tilespmem:v54+s17+$0x0], $0xffff  }
0x385: {  	v60 =	vor.u32 v25, v39;
	[tilespmem:s3+$0x2060] =	vst v50;
	v49 =	vld.idx.msk [tilespmem:v55+s17+$0x0], $0xffff  }
0x386: {  	[tilespmem:s30+$0x2050] =	vst v47;
	v43 =	vld.idx.msk [tilespmem:v62+s17+$0x0], $0xffff;
	v62 =	vor.u32 v8, v33  }
0x387: {  	v63 =	vor.u32 v8, v36;
	v45 =	vld.idx.msk [tilespmem:v56+s17+$0x0], $0xffff;
	[tilespmem:s2+$0x70] =	vst v42  }
0x388: {  	v57 =	vor.u32 v8, v34;
	v50 =	vld.idx.msk [tilespmem:v61+s17+$0x0], $0xffff;
	[tilespmem:s4+$0x1000] =	vst v44  }
0x389: {  	v52 =	vor.u32 v24, v38;
	v41 =	vld.idx.msk [tilespmem:v58+s17+$0x0], $0xffff;
	[tilespmem:s31+$0x70] =	vst v59  }
0x38a: {  	v56 =	vor.u32 v23, v32;
	[tilespmem:s12+$0xFFFFE070] =	vst v49;
	v48 =	vld.idx.msk [tilespmem:v60+s17+$0x0], $0xffff  }
0x38b: {  	v54 =	vor.u32 v9, v35;
	[tilespmem:s0+$0x70] =	vst v43;
	v43 =	vld.idx.msk [tilespmem:v62+s17+$0x0], $0xffff  }
0x38c: {  	v55 =	vor.u32 v26, v39;
	v42 =	vld.idx.msk [tilespmem:v63+s17+$0x0], $0xffff  }
0x38d: {  	[tilespmem:s3+$0x2070] =	vst v45;
	v46 =	vld.idx.msk [tilespmem:v57+s17+$0x0], $0xffff;
	v57 =	vor.u32 v9, v33  }
0x38e: {  	v58 =	vor.u32 v9, v36;
	[tilespmem:s30+$0x2060] =	vst v50;
	v44 =	vld.idx.msk [tilespmem:v52+s17+$0x0], $0xffff  }
0x38f: {  	v53 =	vor.u32 v9, v34;
	[tilespmem:s2+$0x1000] =	vst v41;
	v45 =	vld.idx.msk [tilespmem:v56+s17+$0x0], $0xffff  }
0x390: {  	v59 =	vor.u32 v25, v38;
	v40 =	vld.idx.msk [tilespmem:v54+s17+$0x0], $0xffff;
	[tilespmem:s4+$0x1010] =	vst v48  }
0x391: {  	v52 =	vor.u32 v24, v32;
	[tilespmem:s31+$0x1000] =	vst v43;
	v49 =	vld.idx.msk [tilespmem:v55+s17+$0x0], $0xffff  }
0x392: {  	v61 =	vor.u32 v10, v35;
	[tilespmem:s12+$0xFFFFF000] =	vst v42;
	v62 =	vld.idx.msk [tilespmem:v57+s17+$0x0], $0xffff  }
0x393: {  	v63 =	vor.u32 v27, v39;
	[tilespmem:s0+$0x1000] =	vst v46;
	v41 =	vld.idx.msk [tilespmem:v58+s17+$0x0], $0xffff  }
0x394: {  	v54 =	vor.u32 v10, v36;
	[tilespmem:s3+$0x3000] =	vst v44;
	v47 =	vld.idx.msk [tilespmem:v53+s17+$0x0], $0xffff  }
0x395: {  	v60 =	vor.u32 v10, v34;
	[tilespmem:s30+$0x2070] =	vst v45;
	v48 =	vld.idx.msk [tilespmem:v59+s17+$0x0], $0xffff  }
0x396: {  	v53 =	vor.u32 v10, v33;
	[tilespmem:s2+$0x1010] =	vst v40;
	v44 =	vld.idx.msk [tilespmem:v52+s17+$0x0], $0xffff  }
0x397: {  	v55 =	vor.u32 v26, v38;
	v43 =	vld.idx.msk [tilespmem:v61+s17+$0x0], $0xffff;
	[tilespmem:s4+$0x1020] =	vst v49  }
0x398: {  	v57 =	vor.u32 v11, v35;
	[tilespmem:s12+$0xFFFFF010] =	vst v41;
	v46 =	vld.idx.msk [tilespmem:v63+s17+$0x0], $0xffff  }
0x399: {  	v59 =	vor.u32 v28, v39;
	[tilespmem:s0+$0x1010] =	vst v47;
	v40 =	vld.idx.msk [tilespmem:v54+s17+$0x0], $0xffff  }
0x39a: {  	[tilespmem:s31+$0x1010] =	vst v62;
	v50 =	vld.idx.msk [tilespmem:v60+s17+$0x0], $0xffff;
	v60 =	vor.u32 v25, v32  }
0x39b: {  	v62 =	vor.u32 v11, v36;
	v58 =	vld.idx.msk [tilespmem:v53+s17+$0x0], $0xffff;
	[tilespmem:s3+$0x3010] =	vst v48  }
0x39c: {  	v61 =	vor.u32 v11, v33;
	v49 =	vld.idx.msk [tilespmem:v55+s17+$0x0], $0xffff;
	[tilespmem:s2+$0x1020] =	vst v43  }
0x39d: {  	v56 =	vor.u32 v11, v34;
	v42 =	vld.idx.msk [tilespmem:v57+s17+$0x0], $0xffff;
	[tilespmem:s4+$0x1030] =	vst v46  }
0x39e: {  	v63 =	vor.u32 v27, v38;
	[tilespmem:s30+$0x3000] =	vst v44;
	v47 =	vld.idx.msk [tilespmem:v59+s17+$0x0], $0xffff  }
0x39f: {  	v53 =	vor.u32 v12, v35;
	[tilespmem:s12+$0xFFFFF020] =	vst v40;
	v48 =	vld.idx.msk [tilespmem:v60+s17+$0x0], $0xffff  }
0x3a0: {  	[tilespmem:s31+$0x1020] =	vst v58;
	v43 =	vld.idx.msk [tilespmem:v62+s17+$0x0], $0xffff;
	v62 =	vor.u32 v21, v37  }
0x3a1: {  	v55 =	vor.u32 v29, v39;
	[tilespmem:s0+$0x1020] =	vst v50;
	v54 =	vld.idx.msk [tilespmem:v61+s17+$0x0], $0xffff  }
0x3a2: {  	v57 =	vor.u32 v12, v33;
	[tilespmem:s3+$0x3020] =	vst v49;
	v45 =	vld.idx.msk [tilespmem:v56+s17+$0x0], $0xffff  }
0x3a3: {  	v58 =	vor.u32 v12, v36;
	v46 =	vld.idx.msk [tilespmem:v63+s17+$0x0], $0xffff;
	[tilespmem:s2+$0x1030] =	vst v42  }
0x3a4: {  	v52 =	vor.u32 v12, v34;
	v41 =	vld.idx.msk [tilespmem:v53+s17+$0x0], $0xffff;
	[tilespmem:s4+$0x1040] =	vst v47  }
0x3a5: {  	v56 =	vor.u32 v26, v32;
	[tilespmem:s12+$0xFFFFF030] =	vst v43;
	v43 =	vld.idx.msk [tilespmem:v62+s17+$0x0], $0xffff  }
0x3a6: {  	[tilespmem:s31+$0x1030] =	vst v54;
	v50 =	vld.idx.msk [tilespmem:v55+s17+$0x0], $0xffff  }
0x3a7: {  	v59 =	vor.u32 v28, v38;
	[tilespmem:s0+$0x1030] =	vst v45;
	v45 =	vld.idx.msk [tilespmem:v57+s17+$0x0], $0xffff  }
0x3a8: {  	v61 =	vor.u32 v13, v35;
	[tilespmem:s30+$0x3010] =	vst v48;
	v42 =	vld.idx.msk [tilespmem:v58+s17+$0x0], $0xffff  }
0x3a9: {  	[tilespmem:s3+$0x3030] =	vst v46;
	v57 =	vor.u32 v22, v37;
	v44 =	vld.idx.msk [tilespmem:v52+s17+$0x0], $0xffff  }
0x3aa: {  	v60 =	vor.u32 v13, v34;
	v49 =	vld.idx.msk [tilespmem:v56+s17+$0x0], $0xffff;
	[tilespmem:s2+$0x1040] =	vst v41  }
0x3ab: {  	v63 =	vor.u32 v30, v39;
	[tilespmem:s29+$0x2050] =	vst v43  }
0x3ac: {  	v53 =	vor.u32 v13, v36;
	v47 =	vld.idx.msk [tilespmem:v59+s17+$0x0], $0xffff;
	[tilespmem:s4+$0x1050] =	vst v50  }
0x3ad: {  	v52 =	vor.u32 v13, v33;
	v40 =	vld.idx.msk [tilespmem:v61+s17+$0x0], $0xffff;
	[tilespmem:s12+$0xFFFFF040] =	vst v42  }
0x3ae: {  	v54 =	vor.u32 v29, v38;
	v42 =	vld.idx.msk [tilespmem:v57+s17+$0x0], $0xffff;
	[tilespmem:s0+$0x1040] =	vst v44  }
0x3af: {  	v56 =	vor.u32 v14, v35;
	[tilespmem:s30+$0x3020] =	vst v49;
	v48 =	vld.idx.msk [tilespmem:v60+s17+$0x0], $0xffff  }
0x3b0: {  	v55 =	vor.u32 v14, v34;
	[tilespmem:s31+$0x1040] =	vst v45;
	v46 =	vld.idx.msk [tilespmem:v63+s17+$0x0], $0xffff  }
0x3b1: {  	[tilespmem:s3+$0x3040] =	vst v47;
	v41 =	vld.idx.msk [tilespmem:v53+s17+$0x0], $0xffff;
	v53 =	vor.u32 v23, v37  }
0x3b2: {  	v39 =	vor.u32 v31, v39;
	v44 =	vld.idx.msk [tilespmem:v52+s17+$0x0], $0xffff;
	[tilespmem:s2+$0x1050] =	vst v40  }
0x3b3: {  	v58 =	vor.u32 v14, v33;
	v59 =	vld.idx.msk [tilespmem:v54+s17+$0x0], $0xffff;
	[tilespmem:s29+$0x2060] =	vst v42  }
0x3b4: {  	v60 =	vor.u32 v14, v36;
	v61 =	vld.idx.msk [tilespmem:v56+s17+$0x0], $0xffff;
	[tilespmem:s0+$0x1050] =	vst v48  }
0x3b5: {  	v62 =	vor.u32 v30, v38;
	[tilespmem:s4+$0x1060] =	vst v46;
	v49 =	vld.idx.msk [tilespmem:v55+s17+$0x0], $0xffff  }
0x3b6: {  	v63 =	vor.u32 v15, v34;
	[tilespmem:s12+$0xFFFFF050] =	vst v41;
	v41 =	vld.idx.msk [tilespmem:v53+s17+$0x0], $0xffff  }
0x3b7: {  	v52 =	vor.u32 v15, v35;
	[tilespmem:s31+$0x1050] =	vst v44;
	v39 =	vld.idx.msk [tilespmem:v39+s17+$0x0], $0xffff  }
0x3b8: {  	v54 =	vor.u32 v27, v32;
	v47 =	vld.idx.msk [tilespmem:v58+s17+$0x0], $0xffff;
	[tilespmem:s3+$0x3050] =	vst v59  }
0x3b9: {  	v40 =	vld.idx.msk [tilespmem:v60+s17+$0x0], $0xffff;
	v55 =	vor.u32 v15, v33;
	[tilespmem:s2+$0x1060] =	vst v61  }
0x3ba: {  	v56 =	vor.u32 v15, v36;
	v45 =	vld.idx.msk [tilespmem:v62+s17+$0x0], $0xffff;
	[tilespmem:s0+$0x1060] =	vst v49  }
0x3bb: {  	v38 =	vor.u32 v31, v38;
	[tilespmem:s29+$0x2070] =	vst v41;
	v46 =	vld.idx.msk [tilespmem:v63+s17+$0x0], $0xffff  }
0x3bc: {  	v58 =	vor.u32 v16, v34;
	v57 =	vld.idx.msk [tilespmem:v52+s17+$0x0], $0xffff;
	[tilespmem:s4+$0x1070] =	vst v39  }
0x3bd: {  	v59 =	vor.u32 v16, v35;
	[tilespmem:s31+$0x1060] =	vst v47;
	v47 =	vld.idx.msk [tilespmem:v54+s17+$0x0], $0xffff  }
0x3be: {  	v60 =	vor.u32 v24, v37;
	[tilespmem:s12+$0xFFFFF060] =	vst v40;
	v61 =	vld.idx.msk [tilespmem:v55+s17+$0x0], $0xffff  }
0x3bf: {  	[tilespmem:s3+$0x3060] =	vst v45;
	v62 =	vld.idx.msk [tilespmem:v56+s17+$0x0], $0xffff;
	v63 =	vor.u32 v28, v32  }
0x3c0: {  	v51 =	vor.u32 v16, v33;
	v52 =	vld.idx.msk [tilespmem:v38+s17+$0x0], $0xffff;
	[tilespmem:s0+$0x1070] =	vst v46  }
0x3c1: {  	v53 =	vor.u32 v16, v36;
	[tilespmem:s2+$0x1070] =	vst v57;
	v54 =	vld.idx.msk [tilespmem:v58+s17+$0x0], $0xffff  }
0x3c2: {  	v56 =	vor.u32 v17, v34;
	v55 =	vld.idx.msk [tilespmem:v59+s17+$0x0], $0xffff;
	[tilespmem:s30+$0x3030] =	vst v47  }
0x3c3: {  	v43 =	vor.u32 v28, v37;
	v42 =	vor.u32 v29, v37;
	v39 =	vld.idx.msk [tilespmem:v60+s17+$0x0], $0xffff;
	[tilespmem:s31+$0x1070] =	vst v61  }
0x3c4: {  	v44 =	vor.u32 v27, v37;
	v41 =	vor.u32 v30, v37;
	[tilespmem:s12+$0xFFFFF070] =	vst v62;
	v38 =	vld.idx.msk [tilespmem:v63+s17+$0x0], $0xffff  }
0x3c5: {  	v40 =	vor.u32 v31, v37;
	v46 =	vor.u32 v25, v37;
	v48 =	vld.idx.msk [tilespmem:v51+s17+$0x0], $0xffff;
	[tilespmem:s3+$0x3070] =	vst v52  }
0x3c6: {  	v45 =	vor.u32 v26, v37;
	v49 =	vld.idx.msk [tilespmem:v53+s17+$0x0], $0xffff;
	v37 =	vor.u32 v29, v32;
	[tilespmem:s0+$0x2000] =	vst v54  }
0x3c7: {  	s6 =	simm.s32 $0x8;
	v50 =	vor.u32 v17, v33;
	v51 =	vor.u32 v17, v36;
	s3 =	simm.s32 $0x14A40;
	[tilespmem:s2+$0x2000] =	vst v55;
	v47 =	vld.idx.msk [tilespmem:v56+s17+$0x0], $0xffff  }
.LBB2_9:
0x3c8: {  	s8 =	sadd.s32 $0x1, s6  }
0x3c9: {  	v52 =	vmov s6;
	s10 =	sadd.s32 $0x3, s6;
	v53 =	vor.u32 v18, v34;
	v54 =	vor.u32 v17, v35;
	[tilespmem:s29+$0x3000] =	vst v39;
	s13 =	smov.u32 s6;
	s4 =	sadd.s32 $0x4, s6  }
0x3ca: {  	p0 =	slt.u32 s6, $0x1C;
	v39 =	vand.u32 $0x1C, v52;
	v52 =	vmov s8;
	s8 =	sadd.s32 $0x2, s13;
	v55 =	vmov s10;
	[tilespmem:s30+$0x3040] =	vst v38;
	v46 =	vld.idx.msk [tilespmem:v46+s17+$0x0], $0xffff  }
0x3cb: {  	v38 =	vand.u32 $0x1D, v52;
	v52 =	vmov s8;
	v55 =	vand.u32 $0x1F, v55;
	[tilespmem:s31+$0x2000] =	vst v48;
	v48 =	vld.idx.msk [tilespmem:v37+s17+$0x0], $0xffff  }
0x3cc: {  	v39 =	vbroadcast v39, $0x0;
	v56 =	vbroadcast v38, $0x0;
	v37 =	vand.u32 $0x1E, v52;
	[tilespmem:s12+$0x0] =	vst v49;
	v49 =	vld.idx.msk [tilespmem:v50+s17+$0x0], $0xffff  }
0x3cd: {  	v37 =	vbroadcast v37, $0x0;
	v50 =	vld.idx.msk [tilespmem:v51+s17+$0x0], $0xffff;
	v51 =	vor.u32 v30, v32  }
0x3ce: {  	v38 =	vbroadcast v55, $0x0;
	v52 =	vor.u32 v0, v56;
	[tilespmem:s0+$0x2010] =	vst v47  }
0x3cf: {  	v55 =	vor.u32 v18, v36;
	v47 =	vor.u32 v0, v37;
	v53 =	vld.idx.msk [tilespmem:v53+s17+$0x0], $0xffff  }
0x3d0: {  	v57 =	vor.u32 v0, v38;
	v54 =	vld.idx.msk [tilespmem:v54+s17+$0x0], $0xffff;
	[tilespmem:s29+$0x3010] =	vst v46  }
0x3d1: {  	[tilespmem:s30+$0x3050] =	vst v48;
	v45 =	vld.idx.msk [tilespmem:v45+s17+$0x0], $0xffff  }
0x3d2: {  	v46 =	vor.u32 v19, v34;
	[tilespmem:s31+$0x2010] =	vst v49;
	v48 =	vld.idx.msk [tilespmem:v51+s17+$0x0], $0xffff  }
0x3d3: {  	v49 =	vld.idx.msk [tilespmem:v52+s17+$0x0], $0xffff;
	[tilespmem:s12+$0x10] =	vst v50  }
0x3d4: {  	v50 =	vor.u32 v0, v39;
	v51 =	vld.idx.msk [tilespmem:v55+s17+$0x0], $0xffff  }
0x3d5: {  	s9 =	sadd.s32 $0x200, s9;
	v52 =	vor.u32 v1, v56;
	v47 =	vld.idx.msk [tilespmem:v47+s17+$0x0], $0xffff;
	[tilespmem:s0+$0x2020] =	vst v53  }
0x3d6: {  	s6 =	sadd.s32 $0xFFFFFE80, s9;
	s8 =	sadd.s32 $0xFFFFFF00, s9;
	s12 =	sadd.s32 $0x200, s12;
	v53 =	vor.u32 v1, v37;
	v55 =	vld.idx.msk [tilespmem:v57+s17+$0x0], $0xffff;
	v57 =	vor.u32 v31, v32;
	v32 =	vmovc v33;
	v33 =	vmov v56  }
0x3d7: {  	s10 =	sadd.s32 $0xFFFFFF80, s9;
	s6 =	sand.u32 $0xC00, s6;
	s8 =	sand.u32 $0x280, s8;
	v56 =	vor.u32 v1, v38;
	v46 =	vld.idx.msk [tilespmem:v46+s17+$0x0], $0xffff;
	[tilespmem:s29+$0x3020] =	vst v45  }
0x3d8: {  	s10 =	sand.u32 $0x300, s10;
	s8 =	sor.u32 s6, s8;
	[tilespmem:s30+$0x3060] =	vst v48;
	v44 =	vld.idx.msk [tilespmem:v44+s17+$0x0], $0xffff  }
0x3d9: {  	s13 =	sand.u32 $0x380, s9;
	s10 =	sor.u32 s6, s10;
	v48 =	vor.u32 v20, v34;
	v45 =	vld.idx.msk [tilespmem:v50+s17+$0x0], $0xffff;
	[tilespmem:s8+$0x12840] =	vst v49  }
0x3da: {  	s6 =	sor.u32 s6, s13;
	v49 =	vld.idx.msk [tilespmem:v52+s17+$0x0], $0xffff;
	[tilespmem:s3+$0x20] =	vst v51  }
0x3db: {  	v50 =	vor.u32 v1, v39;
	[tilespmem:s10+$0x12840] =	vst v47;
	v47 =	vld.idx.msk [tilespmem:v57+s17+$0x0], $0xffff  }
0x3dc: {  	v51 =	vor.u32 v2, v33;
	v52 =	vld.idx.msk [tilespmem:v53+s17+$0x0], $0xffff;
	[tilespmem:s6+$0x12840] =	vst v55  }
0x3dd: {  	v53 =	vor.u32 v2, v37;
	v55 =	vld.idx.msk [tilespmem:v56+s17+$0x0], $0xffff;
	[tilespmem:s0+$0x2030] =	vst v46;
	v46 =	vor.u32 v18, v35  }
0x3de: {  	v56 =	vor.u32 v2, v38;
	v48 =	vld.idx.msk [tilespmem:v48+s17+$0x0], $0xffff;
	[tilespmem:s29+$0x3030] =	vst v44  }
0x3df: {  	s13 =	sadd.s32 $0x12840, s8;
	[tilespmem:s12+$0xFFFFE000] =	vst v45;
	v43 =	vld.idx.msk [tilespmem:v43+s17+$0x0], $0xffff  }
0x3e0: {  	s8 =	sadd.s32 $0x12840, s10;
	v45 =	vor.u32 v19, v36;
	v44 =	vld.idx.msk [tilespmem:v50+s17+$0x0], $0xffff;
	[tilespmem:s13+$0x10] =	vst v49  }
0x3e1: {  	s6 =	sadd.s32 $0x12840, s6;
	v49 =	vld.idx.msk [tilespmem:v51+s17+$0x0], $0xffff;
	[tilespmem:s2+$0x2010] =	vst v54  }
0x3e2: {  	v50 =	vor.u32 v2, v39;
	v51 =	vor.u32 v18, v32;
	[tilespmem:s8+$0x10] =	vst v52;
	v46 =	vld.idx.msk [tilespmem:v46+s17+$0x0], $0xffff  }
0x3e3: {  	v52 =	vor.u32 v3, v33;
	v53 =	vld.idx.msk [tilespmem:v53+s17+$0x0], $0xffff;
	[tilespmem:s6+$0x10] =	vst v55  }
0x3e4: {  	v54 =	vld.idx.msk [tilespmem:v56+s17+$0x0], $0xffff;
	[tilespmem:s30+$0x3070] =	vst v47;
	s30 =	smov.u32 s31;
	s31 =	smov.u32 s13  }
0x3e5: {  	v47 =	vor.u32 v3, v37;
	v45 =	vld.idx.msk [tilespmem:v45+s17+$0x0], $0xffff;
	[tilespmem:s29+$0x3040] =	vst v43  }
0x3e6: {  	v43 =	vor.u32 v3, v38;
	[tilespmem:s12+$0xFFFFE010] =	vst v44;
	v42 =	vld.idx.msk [tilespmem:v42+s17+$0x0], $0xffff  }
0x3e7: {  	v44 =	vor.u32 v20, v36;
	[tilespmem:s31+$0x20] =	vst v49;
	v49 =	vld.idx.msk [tilespmem:v51+s17+$0x0], $0xffff  }
0x3e8: {  	v50 =	vld.idx.msk [tilespmem:v50+s17+$0x0], $0xffff;
	[tilespmem:s2+$0x2020] =	vst v46  }
0x3e9: {  	v46 =	vor.u32 v3, v39;
	v51 =	vld.idx.msk [tilespmem:v52+s17+$0x0], $0xffff;
	[tilespmem:s8+$0x20] =	vst v53;
	v52 =	vor.u32 v19, v32  }
0x3ea: {  	v53 =	vor.u32 v4, v33;
	v47 =	vld.idx.msk [tilespmem:v47+s17+$0x0], $0xffff;
	[tilespmem:s6+$0x20] =	vst v54  }
0x3eb: {  	v43 =	vld.idx.msk [tilespmem:v43+s17+$0x0], $0xffff;
	[tilespmem:s3+$0x30] =	vst v45;
	v45 =	vor.u32 v19, v35  }
0x3ec: {  	v54 =	vor.u32 v4, v37;
	v44 =	vld.idx.msk [tilespmem:v44+s17+$0x0], $0xffff;
	[tilespmem:s29+$0x3050] =	vst v42  }
0x3ed: {  	v42 =	vor.u32 v4, v38;
	[tilespmem:s30+$0x2020] =	vst v49;
	v41 =	vld.idx.msk [tilespmem:v41+s17+$0x0], $0xffff  }
0x3ee: {  	v49 =	vor.u32 v21, v36;
	[tilespmem:s12+$0xFFFFE020] =	vst v50;
	v50 =	vld.idx.msk [tilespmem:v52+s17+$0x0], $0xffff  }
0x3ef: {  	v46 =	vld.idx.msk [tilespmem:v46+s17+$0x0], $0xffff;
	[tilespmem:s0+$0x2040] =	vst v48  }
0x3f0: {  	[tilespmem:s8+$0x30] =	vst v47;
	v45 =	vld.idx.msk [tilespmem:v45+s17+$0x0], $0xffff  }
0x3f1: {  	v47 =	vor.u32 v4, v39;
	v48 =	vld.idx.msk [tilespmem:v54+s17+$0x0], $0xffff;
	[tilespmem:s6+$0x30] =	vst v43  }
0x3f2: {  	v43 =	vor.u32 v20, v35;
	v42 =	vld.idx.msk [tilespmem:v42+s17+$0x0], $0xffff;
	[tilespmem:s3+$0x40] =	vst v44  }
0x3f3: {  	v44 =	vor.u32 v5, v37;
	v49 =	vld.idx.msk [tilespmem:v49+s17+$0x0], $0xffff;
	[tilespmem:s29+$0x3060] =	vst v41  }
0x3f4: {  	v41 =	vor.u32 v5, v38;
	[tilespmem:s31+$0x30] =	vst v51;
	v40 =	vld.idx.msk [tilespmem:v40+s17+$0x0], $0xffff  }
0x3f5: {  	v51 =	vor.u32 v22, v36;
	[tilespmem:s12+$0xFFFFE030] =	vst v46;
	v46 =	vld.idx.msk [tilespmem:v53+s17+$0x0], $0xffff  }
0x3f6: {  	v47 =	vld.idx.msk [tilespmem:v47+s17+$0x0], $0xffff;
	[tilespmem:s2+$0x2030] =	vst v45  }
0x3f7: {  	v45 =	vor.u32 v5, v33;
	[tilespmem:s8+$0x40] =	vst v48;
	v43 =	vld.idx.msk [tilespmem:v43+s17+$0x0], $0xffff  }
0x3f8: {  	v48 =	vor.u32 v5, v39;
	v44 =	vld.idx.msk [tilespmem:v44+s17+$0x0], $0xffff;
	[tilespmem:s6+$0x40] =	vst v42  }
0x3f9: {  	v42 =	vor.u32 v21, v35;
	v41 =	vld.idx.msk [tilespmem:v41+s17+$0x0], $0xffff;
	[tilespmem:s3+$0x50] =	vst v49  }
0x3fa: {  	v49 =	vor.u32 v6, v37;
	v51 =	vld.idx.msk [tilespmem:v51+s17+$0x0], $0xffff;
	[tilespmem:s29+$0x3070] =	vst v40;
	s29 =	smov.u32 s0;
	s0 =	smov.u32 s8  }
0x3fb: {  	v40 =	vor.u32 v6, v38;
	[tilespmem:s31+$0x40] =	vst v46  }
0x3fc: {  	v46 =	vor.u32 v23, v36;
	[tilespmem:s12+$0xFFFFE040] =	vst v47;
	v45 =	vld.idx.msk [tilespmem:v45+s17+$0x0], $0xffff  }
0x3fd: {  	v47 =	vld.idx.msk [tilespmem:v48+s17+$0x0], $0xffff;
	v48 =	vor.u32 v20, v32;
	[tilespmem:s2+$0x2040] =	vst v43  }
0x3fe: {  	v43 =	vor.u32 v6, v33;
	[tilespmem:s0+$0x50] =	vst v44;
	v42 =	vld.idx.msk [tilespmem:v42+s17+$0x0], $0xffff  }
0x3ff: {  	v44 =	vor.u32 v6, v39;
	v49 =	vld.idx.msk [tilespmem:v49+s17+$0x0], $0xffff;
	[tilespmem:s6+$0x50] =	vst v41  }
0x400: {  	v41 =	vld.idx.msk [tilespmem:v40+s17+$0x0], $0xffff;
	[tilespmem:s3+$0x60] =	vst v51;
	v51 =	vor.u32 v22, v35  }
0x401: {  	v52 =	vor.u32 v7, v37;
	v46 =	vld.idx.msk [tilespmem:v46+s17+$0x0], $0xffff;
	[tilespmem:s30+$0x2030] =	vst v50  }
0x402: {  	[tilespmem:s31+$0x50] =	vst v45;
	v45 =	vor.u32 v7, v38;
	v48 =	vld.idx.msk [tilespmem:v48+s17+$0x0], $0xffff  }
0x403: {  	v40 =	vor.u32 v22, v34;
	[tilespmem:s12+$0xFFFFE050] =	vst v47;
	v43 =	vld.idx.msk [tilespmem:v43+s17+$0x0], $0xffff;
	v47 =	vor.u32 v24, v36  }
0x404: {  	v50 =	vor.u32 v21, v32;
	v44 =	vld.idx.msk [tilespmem:v44+s17+$0x0], $0xffff;
	[tilespmem:s2+$0x2050] =	vst v42  }
0x405: {  	v42 =	vor.u32 v7, v33;
	[tilespmem:s0+$0x60] =	vst v49;
	v49 =	vld.idx.msk [tilespmem:v51+s17+$0x0], $0xffff  }
0x406: {  	v51 =	vor.u32 v7, v39;
	v52 =	vld.idx.msk [tilespmem:v52+s17+$0x0], $0xffff;
	[tilespmem:s6+$0x60] =	vst v41  }
0x407: {  	v41 =	vld.idx.msk [tilespmem:v45+s17+$0x0], $0xffff;
	[tilespmem:s3+$0x70] =	vst v46;
	v45 =	vor.u32 v23, v35  }
0x408: {  	v46 =	vor.u32 v8, v37;
	v53 =	vld.idx.msk [tilespmem:v47+s17+$0x0], $0xffff;
	[tilespmem:s30+$0x2040] =	vst v48  }
0x409: {  	[tilespmem:s31+$0x60] =	vst v43;
	v43 =	vor.u32 v8, v38;
	v48 =	vld.idx.msk [tilespmem:v50+s17+$0x0], $0xffff  }
0x40a: {  	v47 =	vor.u32 v23, v34;
	[tilespmem:s12+$0xFFFFE060] =	vst v44;
	v42 =	vld.idx.msk [tilespmem:v42+s17+$0x0], $0xffff;
	v44 =	vor.u32 v25, v36  }
0x40b: {  	v50 =	vld.idx.msk [tilespmem:v51+s17+$0x0], $0xffff;
	v51 =	vor.u32 v22, v32;
	[tilespmem:s2+$0x2060] =	vst v49  }
0x40c: {  	v49 =	vor.u32 v8, v33;
	[tilespmem:s0+$0x70] =	vst v52;
	v45 =	vld.idx.msk [tilespmem:v45+s17+$0x0], $0xffff  }
0x40d: {  	v52 =	vor.u32 v8, v39;
	v46 =	vld.idx.msk [tilespmem:v46+s17+$0x0], $0xffff;
	[tilespmem:s6+$0x70] =	vst v41  }
0x40e: {  	v41 =	vld.idx.msk [tilespmem:v43+s17+$0x0], $0xffff;
	[tilespmem:s3+$0x1000] =	vst v53;
	v43 =	vor.u32 v24, v35  }
0x40f: {  	v53 =	vor.u32 v9, v37;
	v44 =	vld.idx.msk [tilespmem:v44+s17+$0x0], $0xffff;
	[tilespmem:s30+$0x2050] =	vst v48  }
0x410: {  	[tilespmem:s31+$0x70] =	vst v42;
	v42 =	vor.u32 v9, v38;
	v51 =	vld.idx.msk [tilespmem:v51+s17+$0x0], $0xffff  }
0x411: {  	v48 =	vor.u32 v24, v34;
	[tilespmem:s12+$0xFFFFE070] =	vst v50;
	v49 =	vld.idx.msk [tilespmem:v49+s17+$0x0], $0xffff;
	v50 =	vor.u32 v26, v36  }
0x412: {  	v54 =	vor.u32 v23, v32;
	v52 =	vld.idx.msk [tilespmem:v52+s17+$0x0], $0xffff;
	[tilespmem:s2+$0x2070] =	vst v45  }
0x413: {  	v45 =	vor.u32 v9, v33;
	[tilespmem:s0+$0x1000] =	vst v46;
	v43 =	vld.idx.msk [tilespmem:v43+s17+$0x0], $0xffff  }
0x414: {  	v55 =	vor.u32 v9, v39;
	v53 =	vld.idx.msk [tilespmem:v53+s17+$0x0], $0xffff;
	[tilespmem:s6+$0x1000] =	vst v41  }
0x415: {  	v41 =	vld.idx.msk [tilespmem:v42+s17+$0x0], $0xffff;
	[tilespmem:s3+$0x1010] =	vst v44;
	v42 =	vor.u32 v25, v35  }
0x416: {  	v44 =	vor.u32 v10, v37;
	v50 =	vld.idx.msk [tilespmem:v50+s17+$0x0], $0xffff;
	[tilespmem:s30+$0x2060] =	vst v51  }
0x417: {  	[tilespmem:s31+$0x1000] =	vst v49;
	v49 =	vor.u32 v10, v38;
	v51 =	vld.idx.msk [tilespmem:v54+s17+$0x0], $0xffff  }
0x418: {  	v46 =	vor.u32 v25, v34;
	[tilespmem:s12+$0xFFFFF000] =	vst v52;
	v45 =	vld.idx.msk [tilespmem:v45+s17+$0x0], $0xffff;
	v52 =	vor.u32 v27, v36  }
0x419: {  	v54 =	vld.idx.msk [tilespmem:v55+s17+$0x0], $0xffff;
	v55 =	vor.u32 v24, v32;
	[tilespmem:s2+$0x3000] =	vst v43  }
0x41a: {  	v43 =	vor.u32 v10, v33;
	[tilespmem:s0+$0x1010] =	vst v53;
	v42 =	vld.idx.msk [tilespmem:v42+s17+$0x0], $0xffff  }
0x41b: {  	v53 =	vor.u32 v10, v39;
	v44 =	vld.idx.msk [tilespmem:v44+s17+$0x0], $0xffff;
	[tilespmem:s6+$0x1010] =	vst v41  }
0x41c: {  	v41 =	vld.idx.msk [tilespmem:v49+s17+$0x0], $0xffff;
	[tilespmem:s3+$0x1020] =	vst v50;
	v49 =	vor.u32 v26, v35  }
0x41d: {  	v50 =	vor.u32 v11, v37;
	v52 =	vld.idx.msk [tilespmem:v52+s17+$0x0], $0xffff;
	[tilespmem:s30+$0x2070] =	vst v51  }
0x41e: {  	v51 =	vor.u32 v11, v38;
	[tilespmem:s31+$0x1010] =	vst v45;
	v55 =	vld.idx.msk [tilespmem:v55+s17+$0x0], $0xffff  }
0x41f: {  	v45 =	vor.u32 v26, v34;
	[tilespmem:s12+$0xFFFFF010] =	vst v54;
	v43 =	vld.idx.msk [tilespmem:v43+s17+$0x0], $0xffff;
	v54 =	vor.u32 v28, v36  }
0x420: {  	v56 =	vor.u32 v25, v32;
	v53 =	vld.idx.msk [tilespmem:v53+s17+$0x0], $0xffff;
	[tilespmem:s2+$0x3010] =	vst v42  }
0x421: {  	v42 =	vor.u32 v11, v33;
	[tilespmem:s0+$0x1020] =	vst v44;
	v49 =	vld.idx.msk [tilespmem:v49+s17+$0x0], $0xffff  }
0x422: {  	v57 =	vor.u32 v11, v39;
	v50 =	vld.idx.msk [tilespmem:v50+s17+$0x0], $0xffff;
	[tilespmem:s6+$0x1020] =	vst v41  }
0x423: {  	v41 =	vld.idx.msk [tilespmem:v51+s17+$0x0], $0xffff;
	[tilespmem:s3+$0x1030] =	vst v52;
	v51 =	vor.u32 v27, v35  }
0x424: {  	v52 =	vor.u32 v12, v37;
	v54 =	vld.idx.msk [tilespmem:v54+s17+$0x0], $0xffff;
	[tilespmem:s30+$0x3000] =	vst v55  }
0x425: {  	[tilespmem:s31+$0x1020] =	vst v43;
	v43 =	vor.u32 v12, v38;
	v55 =	vld.idx.msk [tilespmem:v56+s17+$0x0], $0xffff  }
0x426: {  	v44 =	vor.u32 v27, v34;
	[tilespmem:s12+$0xFFFFF020] =	vst v53;
	v42 =	vld.idx.msk [tilespmem:v42+s17+$0x0], $0xffff;
	v53 =	vor.u32 v29, v36  }
0x427: {  	v56 =	vld.idx.msk [tilespmem:v57+s17+$0x0], $0xffff;
	v57 =	vor.u32 v26, v32;
	[tilespmem:s2+$0x3020] =	vst v49  }
0x428: {  	v49 =	vor.u32 v12, v33;
	[tilespmem:s0+$0x1030] =	vst v50;
	v50 =	vld.idx.msk [tilespmem:v51+s17+$0x0], $0xffff  }
0x429: {  	v51 =	vor.u32 v12, v39;
	v52 =	vld.idx.msk [tilespmem:v52+s17+$0x0], $0xffff;
	[tilespmem:s6+$0x1030] =	vst v41  }
0x42a: {  	v41 =	vld.idx.msk [tilespmem:v43+s17+$0x0], $0xffff;
	[tilespmem:s3+$0x1040] =	vst v54;
	v54 =	vor.u32 v28, v35  }
0x42b: {  	v58 =	vor.u32 v13, v37;
	v53 =	vld.idx.msk [tilespmem:v53+s17+$0x0], $0xffff;
	[tilespmem:s30+$0x3010] =	vst v55  }
0x42c: {  	[tilespmem:s31+$0x1030] =	vst v42;
	v42 =	vor.u32 v13, v38;
	v55 =	vld.idx.msk [tilespmem:v57+s17+$0x0], $0xffff;
	v57 =	vor.u32 v21, v34  }
0x42d: {  	v43 =	vor.u32 v28, v34;
	[tilespmem:s12+$0xFFFFF030] =	vst v56;
	v49 =	vld.idx.msk [tilespmem:v49+s17+$0x0], $0xffff  }
0x42e: {  	v56 =	vor.u32 v30, v36;
	v51 =	vld.idx.msk [tilespmem:v51+s17+$0x0], $0xffff;
	[tilespmem:s2+$0x3030] =	vst v50  }
0x42f: {  	v50 =	vor.u32 v13, v33;
	[tilespmem:s0+$0x1040] =	vst v52;
	v52 =	vld.idx.msk [tilespmem:v54+s17+$0x0], $0xffff  }
0x430: {  	v54 =	vor.u32 v13, v39;
	v58 =	vld.idx.msk [tilespmem:v58+s17+$0x0], $0xffff;
	[tilespmem:s6+$0x1040] =	vst v41  }
0x431: {  	v41 =	vld.idx.msk [tilespmem:v42+s17+$0x0], $0xffff;
	[tilespmem:s3+$0x1050] =	vst v53;
	v53 =	vor.u32 v29, v35  }
0x432: {  	v59 =	vor.u32 v14, v37;
	[tilespmem:s30+$0x3020] =	vst v55;
	v55 =	vld.idx.msk [tilespmem:v57+s17+$0x0], $0xffff  }
0x433: {  	[tilespmem:s31+$0x1040] =	vst v49;
	v49 =	vor.u32 v14, v38;
	v56 =	vld.idx.msk [tilespmem:v56+s17+$0x0], $0xffff  }
0x434: {  	v42 =	vor.u32 v29, v34;
	[tilespmem:s12+$0xFFFFF040] =	vst v51;
	v50 =	vld.idx.msk [tilespmem:v50+s17+$0x0], $0xffff  }
0x435: {  	v51 =	vld.idx.msk [tilespmem:v54+s17+$0x0], $0xffff;
	v54 =	vor.u32 v31, v36;
	[tilespmem:s2+$0x3040] =	vst v52;
	v36 =	vmov v39  }
0x436: {  	v39 =	vor.u32 v14, v33;
	[tilespmem:s0+$0x1050] =	vst v58;
	v52 =	vld.idx.msk [tilespmem:v53+s17+$0x0], $0xffff  }
0x437: {  	v53 =	vor.u32 v14, v36;
	v57 =	vld.idx.msk [tilespmem:v59+s17+$0x0], $0xffff;
	[tilespmem:s6+$0x1050] =	vst v41  }
0x438: {  	v49 =	vld.idx.msk [tilespmem:v49+s17+$0x0], $0xffff;
	[tilespmem:s29+$0x2050] =	vst v55;
	v55 =	vor.u32 v30, v35  }
0x439: {  	v58 =	vor.u32 v15, v37;
	[tilespmem:s3+$0x1060] =	vst v56;
	v40 =	vld.idx.msk [tilespmem:v40+s17+$0x0], $0xffff  }
0x43a: {  	[tilespmem:s31+$0x1050] =	vst v50;
	v50 =	vor.u32 v15, v38;
	v54 =	vld.idx.msk [tilespmem:v54+s17+$0x0], $0xffff  }
0x43b: {  	v41 =	vor.u32 v30, v34;
	[tilespmem:s12+$0xFFFFF050] =	vst v51;
	v39 =	vld.idx.msk [tilespmem:v39+s17+$0x0], $0xffff  }
0x43c: {  	v51 =	vld.idx.msk [tilespmem:v53+s17+$0x0], $0xffff;
	v53 =	vor.u32 v27, v32;
	[tilespmem:s2+$0x3050] =	vst v52  }
0x43d: {  	v52 =	vor.u32 v15, v33;
	[tilespmem:s0+$0x1060] =	vst v57;
	v55 =	vld.idx.msk [tilespmem:v55+s17+$0x0], $0xffff  }
0x43e: {  	v56 =	vor.u32 v15, v36;
	v57 =	vld.idx.msk [tilespmem:v58+s17+$0x0], $0xffff;
	[tilespmem:s6+$0x1060] =	vst v49  }
0x43f: {  	v49 =	vld.idx.msk [tilespmem:v50+s17+$0x0], $0xffff;
	[tilespmem:s29+$0x2060] =	vst v40;
	v50 =	vor.u32 v31, v35;
	v35 =	vmov v38  }
0x440: {  	v38 =	vor.u32 v16, v37;
	[tilespmem:s3+$0x1070] =	vst v54;
	v47 =	vld.idx.msk [tilespmem:v47+s17+$0x0], $0xffff;
	s3 =	smov.u32 s12  }
0x441: {  	[tilespmem:s31+$0x1060] =	vst v39;
	v39 =	vor.u32 v16, v35;
	v53 =	vld.idx.msk [tilespmem:v53+s17+$0x0], $0xffff  }
0x442: {  	v40 =	vor.u32 v31, v34;
	v34 =	vmov v37;
	[tilespmem:s12+$0xFFFFF060] =	vst v51;
	v51 =	vld.idx.msk [tilespmem:v52+s17+$0x0], $0xffff  }
0x443: {  	v52 =	vor.u32 v28, v32;
	v37 =	vld.idx.msk [tilespmem:v56+s17+$0x0], $0xffff;
	[tilespmem:s2+$0x3060] =	vst v55  }
0x444: {  	v54 =	vor.u32 v16, v33;
	[tilespmem:s0+$0x1070] =	vst v57;
	v50 =	vld.idx.msk [tilespmem:v50+s17+$0x0], $0xffff  }
0x445: {  	v55 =	vor.u32 v16, v36;
	v56 =	vld.idx.msk [tilespmem:v38+s17+$0x0], $0xffff;
	[tilespmem:s6+$0x1070] =	vst v49  }
0x446: {  	v57 =	vld.idx.msk [tilespmem:v39+s17+$0x0], $0xffff;
	[tilespmem:s29+$0x2070] =	vst v47  }
0x447: {  	v47 =	vor.u32 v17, v34;
	[tilespmem:s30+$0x3030] =	vst v53;
	v39 =	vld.idx.msk [tilespmem:v48+s17+$0x0], $0xffff  }
.Ltmp4:
0x448: {  	[tilespmem:s31+$0x1070] =	vst v51;
	v38 =	vld.idx.msk [tilespmem:v52+s17+$0x0], $0xffff;
	(pc) =	sbr.rel @p0 .LBB2_9-.Ltmp4, $4  }
0x449: {  	[tilespmem:s12+$0xFFFFF070] =	vst v37;
	v48 =	vld.idx.msk [tilespmem:v54+s17+$0x0], $0xffff  }
0x44a: {  	v37 =	vor.u32 v29, v32;
	v49 =	vld.idx.msk [tilespmem:v55+s17+$0x0], $0xffff;
	[tilespmem:s2+$0x3070] =	vst v50;
	s2 =	smov.u32 s6  }
0x44b: {  	v50 =	vor.u32 v17, v33;
	[tilespmem:s0+$0x2000] =	vst v56  }
0x44c: {  	v51 =	vor.u32 v17, v36;
	s6 =	smov.u32 s4;
	v47 =	vld.idx.msk [tilespmem:v47+s17+$0x0], $0xffff;
	[tilespmem:s2+$0x2000] =	vst v57  }
0x44d: {  	_ = 	snop  }
0x44e: {  	v52 =	vor.u32 v17, v35;
	_ =	sdelay $0x1  }
0x44f: {  	[tilespmem:s12+$0x0] =	vst v49  }
0x450: {  	[tilespmem:s31+$0x2000] =	vst v48;
	v49 =	vld.idx.msk [tilespmem:v51+s17+$0x0], $0xffff  }
0x451: {  	v62 =	vor.u32 v18, v36;
	v50 =	vld.idx.msk [tilespmem:v50+s17+$0x0], $0xffff  }
0x452: {  	v53 =	vor.u32 v18, v33;
	v63 =	vld.idx.msk [tilespmem:v52+s17+$0x0], $0xffff  }
0x453: {  	v57 =	vor.u32 v18, v35  }
0x454: {  	v54 =	vor.u32 v18, v34  }
0x455: {  	[tilespmem:s12+$0x10] =	vst v49  }
0x456: {  	[tilespmem:s31+$0x2010] =	vst v50;
	v48 =	vld.idx.msk [tilespmem:v62+s17+$0x0], $0xffff  }
0x457: {  	v58 =	vor.u32 v19, v36;
	v60 =	vld.idx.msk [tilespmem:v53+s17+$0x0], $0xffff;
	[tilespmem:s2+$0x2010] =	vst v63  }
0x458: {  	[tilespmem:s0+$0x2010] =	vst v47;
	v63 =	vor.u32 v19, v33;
	v59 =	vld.idx.msk [tilespmem:v57+s17+$0x0], $0xffff  }
0x459: {  	v61 =	vor.u32 v19, v35;
	v62 =	vld.idx.msk [tilespmem:v54+s17+$0x0], $0xffff  }
0x45a: {  	v57 =	vor.u32 v19, v34  }
0x45b: {  	[tilespmem:s3+$0x20] =	vst v48  }
0x45c: {  	[tilespmem:s31+$0x2020] =	vst v60;
	v48 =	vld.idx.msk [tilespmem:v58+s17+$0x0], $0xffff  }
0x45d: {  	v58 =	vor.u32 v20, v36;
	v60 =	vld.idx.msk [tilespmem:v63+s17+$0x0], $0xffff;
	[tilespmem:s2+$0x2020] =	vst v59  }
0x45e: {  	[tilespmem:s0+$0x2020] =	vst v62;
	v62 =	vor.u32 v20, v33;
	v59 =	vld.idx.msk [tilespmem:v61+s17+$0x0], $0xffff  }
0x45f: {  	v52 =	vld.idx.msk [tilespmem:v57+s17+$0x0], $0xffff;
	v61 =	vor.u32 v20, v35  }
0x460: {  	v63 =	vor.u32 v20, v34  }
0x461: {  	[tilespmem:s3+$0x30] =	vst v48  }
0x462: {  	[tilespmem:s31+$0x2030] =	vst v60;
	v48 =	vld.idx.msk [tilespmem:v58+s17+$0x0], $0xffff  }
0x463: {  	v57 =	vor.u32 v21, v36;
	v60 =	vld.idx.msk [tilespmem:v62+s17+$0x0], $0xffff;
	[tilespmem:s2+$0x2030] =	vst v59  }
0x464: {  	[tilespmem:s0+$0x2030] =	vst v52;
	v58 =	vld.idx.msk [tilespmem:v61+s17+$0x0], $0xffff;
	v61 =	vor.u32 v21, v33  }
0x465: {  	v59 =	vor.u32 v21, v35;
	v52 =	vld.idx.msk [tilespmem:v63+s17+$0x0], $0xffff  }
0x466: {  	v62 =	vor.u32 v21, v34  }
0x467: {  	[tilespmem:s3+$0x40] =	vst v48  }
0x468: {  	[tilespmem:s31+$0x2040] =	vst v60;
	v47 =	vld.idx.msk [tilespmem:v57+s17+$0x0], $0xffff  }
0x469: {  	v63 =	vor.u32 v22, v36;
	[tilespmem:s2+$0x2040] =	vst v58;
	v51 =	vld.idx.msk [tilespmem:v61+s17+$0x0], $0xffff  }
0x46a: {  	[tilespmem:s0+$0x2040] =	vst v52;
	v58 =	vor.u32 v22, v33;
	v49 =	vld.idx.msk [tilespmem:v59+s17+$0x0], $0xffff  }
0x46b: {  	v57 =	vor.u32 v22, v35;
	v59 =	vld.idx.msk [tilespmem:v62+s17+$0x0], $0xffff  }
0x46c: {  	v60 =	vor.u32 v22, v34  }
0x46d: {  	[tilespmem:s3+$0x50] =	vst v47  }
0x46e: {  	v47 =	vld.idx.msk [tilespmem:v63+s17+$0x0], $0xffff;
	[tilespmem:s31+$0x2050] =	vst v51  }
0x46f: {  	v61 =	vor.u32 v23, v36;
	[tilespmem:s2+$0x2050] =	vst v49;
	v51 =	vld.idx.msk [tilespmem:v58+s17+$0x0], $0xffff  }
0x470: {  	v63 =	vor.u32 v23, v33;
	[tilespmem:s0+$0x2050] =	vst v59;
	v49 =	vld.idx.msk [tilespmem:v57+s17+$0x0], $0xffff  }
0x471: {  	v62 =	vor.u32 v23, v35;
	v53 =	vld.idx.msk [tilespmem:v60+s17+$0x0], $0xffff  }
0x472: {  	v57 =	vor.u32 v23, v34  }
0x473: {  	[tilespmem:s3+$0x60] =	vst v47  }
0x474: {  	v47 =	vld.idx.msk [tilespmem:v61+s17+$0x0], $0xffff;
	[tilespmem:s31+$0x2060] =	vst v51  }
0x475: {  	v58 =	vor.u32 v24, v36;
	[tilespmem:s2+$0x2060] =	vst v49;
	v51 =	vld.idx.msk [tilespmem:v63+s17+$0x0], $0xffff  }
0x476: {  	v60 =	vor.u32 v24, v33;
	[tilespmem:s0+$0x2060] =	vst v53;
	v49 =	vld.idx.msk [tilespmem:v62+s17+$0x0], $0xffff  }
0x477: {  	v59 =	vor.u32 v24, v35;
	v53 =	vld.idx.msk [tilespmem:v57+s17+$0x0], $0xffff  }
0x478: {  	v61 =	vor.u32 v24, v34  }
0x479: {  	[tilespmem:s3+$0x70] =	vst v47  }
0x47a: {  	v47 =	vld.idx.msk [tilespmem:v58+s17+$0x0], $0xffff;
	[tilespmem:s31+$0x2070] =	vst v51  }
0x47b: {  	v62 =	vor.u32 v25, v36;
	[tilespmem:s2+$0x2070] =	vst v49;
	v51 =	vld.idx.msk [tilespmem:v60+s17+$0x0], $0xffff  }
0x47c: {  	v56 =	vor.u32 v25, v33;
	[tilespmem:s0+$0x2070] =	vst v53;
	v49 =	vld.idx.msk [tilespmem:v59+s17+$0x0], $0xffff  }
0x47d: {  	[tilespmem:s29+$0x3000] =	vst v39;
	v63 =	vor.u32 v25, v35;
	v53 =	vld.idx.msk [tilespmem:v61+s17+$0x0], $0xffff  }
0x47e: {  	v46 =	vld.idx.msk [tilespmem:v46+s17+$0x0], $0xffff;
	v57 =	vor.u32 v25, v34  }
0x47f: {  	[tilespmem:s3+$0x1000] =	vst v47  }
0x480: {  	v47 =	vld.idx.msk [tilespmem:v62+s17+$0x0], $0xffff;
	[tilespmem:s31+$0x3000] =	vst v51  }
0x481: {  	v58 =	vor.u32 v26, v36;
	[tilespmem:s2+$0x3000] =	vst v49;
	v51 =	vld.idx.msk [tilespmem:v56+s17+$0x0], $0xffff  }
0x482: {  	v60 =	vor.u32 v26, v33;
	[tilespmem:s0+$0x3000] =	vst v53;
	v49 =	vld.idx.msk [tilespmem:v63+s17+$0x0], $0xffff  }
0x483: {  	[tilespmem:s29+$0x3010] =	vst v46;
	v59 =	vor.u32 v26, v35;
	v39 =	vld.idx.msk [tilespmem:v57+s17+$0x0], $0xffff  }
0x484: {  	v45 =	vld.idx.msk [tilespmem:v45+s17+$0x0], $0xffff;
	v61 =	vor.u32 v26, v34  }
0x485: {  	[tilespmem:s3+$0x1010] =	vst v47  }
0x486: {  	v47 =	vld.idx.msk [tilespmem:v58+s17+$0x0], $0xffff;
	[tilespmem:s31+$0x3010] =	vst v51  }
0x487: {  	v62 =	vor.u32 v27, v36;
	[tilespmem:s2+$0x3010] =	vst v49;
	v51 =	vld.idx.msk [tilespmem:v60+s17+$0x0], $0xffff  }
0x488: {  	v52 =	vor.u32 v27, v33;
	[tilespmem:s0+$0x3010] =	vst v39;
	v49 =	vld.idx.msk [tilespmem:v59+s17+$0x0], $0xffff  }
0x489: {  	[tilespmem:s29+$0x3020] =	vst v45;
	v63 =	vor.u32 v27, v35;
	v46 =	vld.idx.msk [tilespmem:v61+s17+$0x0], $0xffff  }
0x48a: {  	v44 =	vld.idx.msk [tilespmem:v44+s17+$0x0], $0xffff;
	v53 =	vor.u32 v27, v34  }
0x48b: {  	[tilespmem:s3+$0x1020] =	vst v47  }
0x48c: {  	v47 =	vld.idx.msk [tilespmem:v62+s17+$0x0], $0xffff;
	[tilespmem:s31+$0x3020] =	vst v51  }
0x48d: {  	v54 =	vor.u32 v28, v36;
	[tilespmem:s2+$0x3020] =	vst v49;
	v39 =	vld.idx.msk [tilespmem:v52+s17+$0x0], $0xffff  }
0x48e: {  	v56 =	vor.u32 v28, v33;
	[tilespmem:s0+$0x3020] =	vst v46;
	v49 =	vld.idx.msk [tilespmem:v63+s17+$0x0], $0xffff  }
0x48f: {  	v55 =	vor.u32 v28, v35;
	[tilespmem:s29+$0x3030] =	vst v44;
	v45 =	vld.idx.msk [tilespmem:v53+s17+$0x0], $0xffff  }
0x490: {  	v43 =	vld.idx.msk [tilespmem:v43+s17+$0x0], $0xffff;
	v57 =	vor.u32 v28, v34  }
0x491: {  	[tilespmem:s3+$0x1030] =	vst v47  }
0x492: {  	v47 =	vld.idx.msk [tilespmem:v54+s17+$0x0], $0xffff;
	[tilespmem:s31+$0x3030] =	vst v39  }
0x493: {  	v58 =	vor.u32 v29, v36;
	[tilespmem:s2+$0x3030] =	vst v49;
	v46 =	vld.idx.msk [tilespmem:v56+s17+$0x0], $0xffff  }
0x494: {  	v60 =	vor.u32 v29, v33;
	[tilespmem:s0+$0x3030] =	vst v45;
	v49 =	vld.idx.msk [tilespmem:v55+s17+$0x0], $0xffff  }
0x495: {  	[tilespmem:s29+$0x3040] =	vst v43;
	v59 =	vor.u32 v29, v35;
	v44 =	vld.idx.msk [tilespmem:v57+s17+$0x0], $0xffff  }
0x496: {  	[tilespmem:s30+$0x3040] =	vst v38;
	v42 =	vld.idx.msk [tilespmem:v42+s17+$0x0], $0xffff;
	v61 =	vor.u32 v29, v34  }
0x497: {  	v37 =	vld.idx.msk [tilespmem:v37+s17+$0x0], $0xffff;
	[tilespmem:s3+$0x1040] =	vst v47  }
0x498: {  	v62 =	vor.u32 v30, v32;
	v47 =	vld.idx.msk [tilespmem:v58+s17+$0x0], $0xffff;
	[tilespmem:s31+$0x3040] =	vst v46  }
0x499: {  	v63 =	vor.u32 v30, v36;
	[tilespmem:s2+$0x3040] =	vst v49;
	v38 =	vld.idx.msk [tilespmem:v60+s17+$0x0], $0xffff  }
0x49a: {  	v53 =	vor.u32 v30, v33;
	[tilespmem:s0+$0x3040] =	vst v44;
	v39 =	vld.idx.msk [tilespmem:v59+s17+$0x0], $0xffff  }
0x49b: {  	[tilespmem:s29+$0x3050] =	vst v42;
	v52 =	vor.u32 v30, v35;
	v43 =	vld.idx.msk [tilespmem:v61+s17+$0x0], $0xffff  }
0x49c: {  	[tilespmem:s30+$0x3050] =	vst v37;
	v41 =	vld.idx.msk [tilespmem:v41+s17+$0x0], $0xffff;
	v55 =	vor.u32 v30, v34  }
0x49d: {  	v54 =	vld.idx.msk [tilespmem:v62+s17+$0x0], $0xffff;
	[tilespmem:s3+$0x1050] =	vst v47  }
0x49e: {  	v56 =	vor.u32 v31, v32;
	v57 =	vld.idx.msk [tilespmem:v63+s17+$0x0], $0xffff;
	[tilespmem:s31+$0x3050] =	vst v38  }
0x49f: {  	v58 =	vor.u32 v31, v36;
	[tilespmem:s2+$0x3050] =	vst v39;
	v37 =	vld.idx.msk [tilespmem:v53+s17+$0x0], $0xffff  }
0x4a0: {  	v60 =	vor.u32 v31, v33;
	[tilespmem:s0+$0x3050] =	vst v43;
	v39 =	vld.idx.msk [tilespmem:v52+s17+$0x0], $0xffff  }
0x4a1: {  	[tilespmem:s29+$0x3060] =	vst v41;
	v59 =	vor.u32 v31, v35;
	v61 =	vld.idx.msk [tilespmem:v55+s17+$0x0], $0xffff  }
0x4a2: {  	v40 =	vld.idx.msk [tilespmem:v40+s17+$0x0], $0xffff;
	v62 =	vor.u32 v31, v34;
	[tilespmem:s30+$0x3060] =	vst v54  }
0x4a3: {  	v32 =	vld.idx.msk [tilespmem:v56+s17+$0x0], $0xffff;
	[tilespmem:s3+$0x1060] =	vst v57  }
0x4a4: {  	v36 =	vld.idx.msk [tilespmem:v58+s17+$0x0], $0xffff;
	[tilespmem:s31+$0x3060] =	vst v37  }
0x4a5: {  	[tilespmem:s2+$0x3060] =	vst v39;
	v33 =	vld.idx.msk [tilespmem:v60+s17+$0x0], $0xffff  }
0x4a6: {  	[tilespmem:s0+$0x3060] =	vst v61;
	v35 =	vld.idx.msk [tilespmem:v59+s17+$0x0], $0xffff  }
0x4a7: {  	s26 =	sadd.s32 $0x1, s26;
	[tilespmem:s29+$0x3070] =	vst v40;
	v63 =	vld.idx.msk [tilespmem:v62+s17+$0x0], $0xffff  }
0x4a8: {  	p0 =	sne.s32 s26, $0x19;
	[tilespmem:s30+$0x3070] =	vst v32  }
.Ltmp5:
0x4a9: {  	s29 =	sshll.u32 s28, $0x13;
	[tilespmem:s3+$0x1070] =	vst v36;
	(pc) =	sbr.rel @p0 .LBB2_2-.Ltmp5, $4  }
0x4aa: {  	s30 =	sor.u32 s7, s29;
	[tilespmem:s31+$0x3070] =	vst v33  }
0x4ab: {  	[tilespmem:s2+$0x3070] =	vst v35;
	s2 =	sshrl.u32 s30, $0x3  }
0x4ac: {  	[tilespmem:s0+$0x3070] =	vst v63;
	s31 =	sadd.s32 s1, s2  }
0x4ad: {  	[hbm4b:s31+s19] =	stream.strided.scatter [tilespmem:s23], [sflag:$0x4], $0x4000, s20, s19, $0x38;
	[tilespmem:$0x16840] =	vst v63  }
0x4ae: {  	s0 =	simm.s32 $0x3  }
0x4af: {  	_ =	swait.ge [sflag:s0], $0x4000  }
0x4b0: {  	[sflag:s0] =	ssyncset.done $0x0  }
0x4b1: {  	[sflag:s0] =	ssyncadd.s32 $0xFFFFC000  }
0x4b2: {  	_ =	swait.ge [sflag:s22], $0x4000  }
0x4b3: {  	s2 =	rddreg [dreg:$0x7]  }
0x4b4: {  	s31 =	rddreg [dreg:$0x6];
	s2 =	sadd.s32 $0x1, s2  }
0x4b5: {  	p0 =	sne.s32 s2, s31  }
.Ltmp6:
0x4b6: {  	_ = 	snop;
	(pc) =	sbr.rel @p0 .LBB2_1-.Ltmp6, $3  }
0x4b7: {  	_ =	sdelay $0x1  }
0x4b8: {  	[sflag:s22] =	ssyncset.done $0x0  }
0x4b9: {  	[sflag:s22] =	ssyncadd.s32 $0xFFFFC000  }
0x4ba: {  	_ =	sfence.sel $0x180000  }
0x4bb: {  	[bflag:$0x0] =	sbarrier.arrive $0xFFFF  }
0x4bc: {  	_ =	strace $0x90000047  }
0x4bd: {  	s0 =	stileid.u32;
	[bflag:$0x2] =	sbarrier.arrive $0xFFFF  }
0x4be: {  	p0 =	sne.s32 s0, $0x0;
	s0 =	rddreg [dreg:$0x3]  }
0x4bf: {  	s0 =	sadd.s32 @!p0 $0x100000, s0  }
0x4c0: {  	[sflag:s0] =	ssyncadd.tile.s32 @!p0 $0x1;
	_ =	shalt  }
.Lfunc_end2:
_tile_overlayer_lowered:
.L_overlay_start_2:
0x4c1: {  	(tag) =	ssettag $0x2  }
0x4c2: {  	s0 =	rddreg [dreg:$0x0];
	s2 =	stileid.u32  }
0x4c3: {  	s1 =	rddreg [dreg:$0x1];
	p0 =	sne.s32 s2, $0x0  }
0x4c4: {  	s3 =	rddreg [dreg:$0x2];
	[bflag:$0x3] =	sbarrier.arrive $0xFFFF;
	s2 =	simm.s32 @!p0 $0x1C05  }
0x4c5: {  	[timem:s3], [sflag:s2] =	dma.local @!p0 [hbm:s0], s1  }
0x4c6: {  	s0 =	simm.s32 @!p0 $0x5  }
0x4c7: {  	_ =	swait.ge @!p0 [sflag:s0], s1  }
0x4c8: {  	s1 =	ssub.s32 @!p0 $0x0, s1;
	[sflag:s0] =	ssyncset.done @!p0 $0x0  }
0x4c9: {  	[sflag:s0] =	ssyncadd.s32 @!p0 s1  }
0x4ca: {  	[bflag:$0x3] =	sbarrier.arrive $0xFFFF  }
0x4cb: {  	_ =	shalt  }

</sc_bundles>
